<compile_context>
chip_gen: v7x
topology: tpu7x:2x2x1
jax: 0.10.2.dev20260603
libtpu: 0.0.44.dev20260713+nightly
codegen_flags: <defaults>
</compile_context>

<pallas_src>
import functools

import jax
import jax.numpy as jnp
from jax import lax
from jax.experimental import pallas as pl
from jax.experimental.pallas import tpu as pltpu
from jax.experimental.pallas import tpu_sc as plsc

D_MODEL = 768
LANES = 16
VPR = D_MODEL // LANES
NC = 2
NS = 16
NW = NC * NS
POS_PER_CHUNK = 8
REG_BLOCK = 4
NRING = 4
GAHEAD = NRING - 1
PRING = 2


@functools.partial(jax.jit, static_argnums=(3, 4))
def _embed(xr, token_emb, pos_emb, batch, seq_len):
    s_per_w = seq_len // NW
    n_chunks = s_per_w // POS_PER_CHUNK
    chunk_rows = POS_PER_CHUNK * batch
    mesh = plsc.VectorSubcoreMesh(core_axis_name="c", subcore_axis_name="s")

    @functools.partial(
        pl.kernel,
        out_type=jax.ShapeDtypeStruct((batch, seq_len, D_MODEL), jnp.float32),
        mesh=mesh,
        scratch_types=[
            pltpu.VMEM((n_chunks, chunk_rows), jnp.int32),
            pltpu.VMEM((PRING, POS_PER_CHUNK, D_MODEL), jnp.float32),
            *[pltpu.VMEM((chunk_rows, D_MODEL), jnp.float32)
              for _ in range(NRING)],
            *[pltpu.SemaphoreType.DMA for _ in range(2 * NRING + PRING)],
        ],
    )
    def body(xr_hbm, tok_hbm, pos_hbm, out_hbm, idx_v, pos_ring, *rest):
        bufs = rest[:NRING]
        gsems = rest[NRING:2 * NRING]
        ssems = rest[2 * NRING:3 * NRING]
        psems = rest[3 * NRING:]
        wid = lax.axis_index("s") * NC + lax.axis_index("c")
        s_base = wid * s_per_w

        pltpu.sync_copy(xr_hbm.at[wid], idx_v)

        def start_prefill(c):
            j2 = c % PRING
            return pltpu.async_copy(
                pos_hbm.at[pl.ds(s_base + c * POS_PER_CHUNK, POS_PER_CHUNK)],
                pos_ring.at[j2], psems[j2])

        def start_gather(c):
            j = c % NRING
            return pltpu.async_copy(
                tok_hbm.at[idx_v.at[c]], bufs[j], gsems[j])

        def start_stores(c):
            j = c % NRING
            return [
                pltpu.async_copy(
                    bufs[j].at[pl.ds(b * POS_PER_CHUNK, POS_PER_CHUNK)],
                    out_hbm.at[b, pl.ds(s_base + c * POS_PER_CHUNK,
                                        POS_PER_CHUNK)],
                    ssems[j],
                )
                for b in range(batch)
            ]

        gathers = [None] * NRING
        stores = [None] * NRING
        prefills = [None] * PRING
        for c in range(PRING):
            prefills[c] = start_prefill(c)
        for c in range(GAHEAD):
            gathers[c] = start_gather(c)
        for c in range(n_chunks):
            j = c % NRING
            j2 = c % PRING
            gathers[j].wait()
            prefills[j2].wait()

            buf = bufs[j]

            def add_pos(p, _):
                def t_body(t, _):
                    base = t * (REG_BLOCK * LANES)
                    regs = [
                        pos_ring[j2, p, pl.ds(base + v * LANES, LANES)]
                        for v in range(REG_BLOCK)
                    ]
                    for b in range(batch):
                        r = b * POS_PER_CHUNK + p
                        for v in range(REG_BLOCK):
                            sl = pl.ds(base + v * LANES, LANES)
                            plsc.addupdate(buf.at[r, sl], regs[v])
                    return ()

                return lax.fori_loop(0, VPR // REG_BLOCK, t_body, (),
                                     unroll=False)

            lax.fori_loop(0, POS_PER_CHUNK, add_pos, (), unroll=False)
            stores[j] = start_stores(c)
            if c + PRING < n_chunks:
                prefills[j2] = start_prefill(c + PRING)
            if c + GAHEAD < n_chunks:
                k = (c + GAHEAD) % NRING
                if stores[k] is not None:
                    for hnd in stores[k]:
                        hnd.wait()
                gathers[k] = start_gather(c + GAHEAD)
        for sset in stores:
            if sset is not None:
                for hnd in sset:
                    hnd.wait()

    return body(xr, token_emb, pos_emb)


def kernel(x, token_emb, pos_emb):
    batch, seq = x.shape
    s_per_w = seq // NW
    n_chunks = s_per_w // POS_PER_CHUNK
    xr = (x.astype(jnp.int32)
          .reshape(batch, NW, n_chunks, POS_PER_CHUNK)
          .transpose(1, 2, 0, 3)
          .reshape(NW, n_chunks, batch * POS_PER_CHUNK))
    return _embed(xr, token_emb, pos_emb, batch, seq)

# --- scband reference (transcript-rebuilt; emitter-appended) ---
"""Pipeline reference for scband-decoder-88072599372020 (READ-ONLY COPY).

The authoritative reference and input builder live on the scoring server;
editing this copy changes nothing except your own understanding.
"""

import jax, jax.numpy as jnp
import numpy as np

VOCAB_LEN = 100000
MAX_SEQ_LEN = 2048
D_MODEL = 768
BATCH = 4
SEQ = 2048


def setup_inputs(seed: int = 0) -> dict:
    key = jax.random.key(seed)
    k1, k2, k3 = jax.random.split(key, 3)
    x = jax.random.randint(k1, (BATCH, SEQ), 0, VOCAB_LEN)
    token_emb = jax.random.normal(k2, (VOCAB_LEN, D_MODEL), dtype=jnp.float32) * 0.02
    pos_emb = jax.random.normal(k3, (MAX_SEQ_LEN, D_MODEL), dtype=jnp.float32) * 0.02
    return {"x": x, "token_emb": token_emb, "pos_emb": pos_emb}


def reference(x, token_emb, pos_emb):
    # EmbeddingLayer.forward: position ids 0..S-1 expanded to x's shape
    seq_len = x.shape[1]
    position = jnp.arange(0, seq_len)[None, :]
    position = jnp.broadcast_to(position, x.shape)
    tok = jnp.take(token_emb, x, axis=0)
    pos = jnp.take(pos_emb, position, axis=0)
    return tok + pos

if __name__ == "__main__":
    import jax
    _d = setup_inputs()
    print(jax.jit(kernel)(*tuple(_d.values())))

</pallas_src>

<mosaic_0001>
#map = affine_map<(d0, d1) -> (0, 0, 0)>
#map1 = affine_map<(d0, d1) -> (0, 0)>
module attributes {stable_mosaic.version = 14 : i64} {
  func.func @body(%arg0: i32, %arg1: i32, %arg2: memref<32x8x32xi32, #tpu.memory_space<hbm>>, %arg3: memref<100000x768xf32, #tpu.memory_space<hbm>>, %arg4: memref<2048x768xf32, #tpu.memory_space<hbm>>, %arg5: memref<4x2048x768xf32, #tpu.memory_space<hbm>>, %arg6: memref<8x32xi32, #tpu.memory_space<vmem>>, %arg7: memref<2x8x768xf32, #tpu.memory_space<vmem>>, %arg8: memref<32x768xf32, #tpu.memory_space<vmem>>, %arg9: memref<32x768xf32, #tpu.memory_space<vmem>>, %arg10: memref<32x768xf32, #tpu.memory_space<vmem>>, %arg11: memref<32x768xf32, #tpu.memory_space<vmem>>, %arg12: memref<!tpu.dma_semaphore, #tpu.memory_space<semaphore_mem>>, %arg13: memref<!tpu.dma_semaphore, #tpu.memory_space<semaphore_mem>>, %arg14: memref<!tpu.dma_semaphore, #tpu.memory_space<semaphore_mem>>, %arg15: memref<!tpu.dma_semaphore, #tpu.memory_space<semaphore_mem>>, %arg16: memref<!tpu.dma_semaphore, #tpu.memory_space<semaphore_mem>>, %arg17: memref<!tpu.dma_semaphore, #tpu.memory_space<semaphore_mem>>, %arg18: memref<!tpu.dma_semaphore, #tpu.memory_space<semaphore_mem>>, %arg19: memref<!tpu.dma_semaphore, #tpu.memory_space<semaphore_mem>>, %arg20: memref<!tpu.dma_semaphore, #tpu.memory_space<semaphore_mem>>, %arg21: memref<!tpu.dma_semaphore, #tpu.memory_space<semaphore_mem>>) attributes {dimension_semantics = [#tpu.dimension_semantics<core_parallel>, #tpu.dimension_semantics<subcore_parallel>], iteration_bounds = array<i64: 2, 16>, scalar_prefetch = 0 : i64, scratch_operands = 16 : i64, tpu.core_type = #tpu.core_type<sc_vector_subcore>, window_params = [{transform_indices = #map}, {transform_indices = #map1}, {transform_indices = #map1}, {transform_indices = #map}]} {
    %mul3A = arith.constant 2 : i32
    %mul3A_0 = arith.muli %arg1, %mul3A : i32
    %add3A = arith.addi %mul3A_0, %arg0 : i32
    %mul3A_1 = arith.constant 64 : i32
    %mul3A_2 = arith.muli %add3A, %mul3A_1 : i32
    "tpu.region"() ({
      %run_scoped3A = tpu.sem_alloc : memref<!tpu.dma_semaphore, #tpu.memory_space<semaphore_mem>>
      %dma_start3A_1272 = arith.constant 0 : i32
      %dma_start3A_1273 = arith.constant 0 : i32
      %dma_start3A_1274 = tpu.memref_slice %arg2[%add3A, %dma_start3A_1272, %dma_start3A_1273] : memref<32x8x32xi32, #tpu.memory_space<hbm>> -> memref<1x8x32xi32, #tpu.memory_space<hbm>>
      %dma_start3A_1275 = tpu.memref_squeeze %dma_start3A_1274 : memref<1x8x32xi32, #tpu.memory_space<hbm>> -> memref<8x32xi32, #tpu.memory_space<hbm>>
      %dma_start3A_1276 = arith.constant 0 : i32
      %dma_start3A_1277 = arith.constant 0 : i32
      %dma_start3A_1278 = tpu.memref_slice %arg2[%add3A, %dma_start3A_1276, %dma_start3A_1277] : memref<32x8x32xi32, #tpu.memory_space<hbm>> -> memref<1x8x32xi32, #tpu.memory_space<hbm>>
      %dma_start3A_1279 = tpu.memref_squeeze %dma_start3A_1278 : memref<1x8x32xi32, #tpu.memory_space<hbm>> -> memref<8x32xi32, #tpu.memory_space<hbm>>
      tpu.enqueue_dma source(%dma_start3A_1279 : memref<8x32xi32, #tpu.memory_space<hbm>>) target(%arg6 : memref<8x32xi32, #tpu.memory_space<vmem>>) target_semaphore(%run_scoped3A : memref<!tpu.dma_semaphore, #tpu.memory_space<semaphore_mem>>)
      %dma_wait3A_1280 = arith.constant 0 : i32
      %dma_wait3A_1281 = arith.constant 0 : i32
      %dma_wait3A_1282 = tpu.memref_slice %arg2[%add3A, %dma_wait3A_1280, %dma_wait3A_1281] : memref<32x8x32xi32, #tpu.memory_space<hbm>> -> memref<1x8x32xi32, #tpu.memory_space<hbm>>
      %dma_wait3A_1283 = tpu.memref_squeeze %dma_wait3A_1282 : memref<1x8x32xi32, #tpu.memory_space<hbm>> -> memref<8x32xi32, #tpu.memory_space<hbm>>
      %dma_wait3A_1284 = arith.constant 0 : i32
      %dma_wait3A_1285 = arith.constant 0 : i32
      %dma_wait3A_1286 = tpu.memref_slice %arg2[%add3A, %dma_wait3A_1284, %dma_wait3A_1285] : memref<32x8x32xi32, #tpu.memory_space<hbm>> -> memref<1x8x32xi32, #tpu.memory_space<hbm>>
      %dma_wait3A_1287 = tpu.memref_squeeze %dma_wait3A_1286 : memref<1x8x32xi32, #tpu.memory_space<hbm>> -> memref<8x32xi32, #tpu.memory_space<hbm>>
      tpu.wait_dma2 semaphore(%run_scoped3A : memref<!tpu.dma_semaphore, #tpu.memory_space<semaphore_mem>>) src(%dma_wait3A_1287 : memref<8x32xi32, #tpu.memory_space<hbm>>) dst(%arg6 : memref<8x32xi32, #tpu.memory_space<vmem>>)
      tpu.yield
    }) : () -> ()
    %add3A_3 = arith.constant 0 : i32
    %add3A_4 = arith.addi %mul3A_2, %add3A_3 : i32
    %dma_start3A = arith.constant 0 : i32
    %dma_start3A_5 = arith.constant 0 : i32
    %dma_start3A_6 = arith.constant 0 : i32
    %dma_start3A_7 = tpu.memref_slice %arg7[%dma_start3A, %dma_start3A_5, %dma_start3A_6] : memref<2x8x768xf32, #tpu.memory_space<vmem>> -> memref<1x8x768xf32, #tpu.memory_space<vmem>>
    %dma_start3A_8 = tpu.memref_squeeze %dma_start3A_7 : memref<1x8x768xf32, #tpu.memory_space<vmem>> -> memref<8x768xf32, #tpu.memory_space<vmem>>
    %dma_start3A_9 = arith.constant 0 : i32
    %dma_start3A_10 = tpu.memref_slice %arg4[%add3A_4, %dma_start3A_9] : memref<2048x768xf32, #tpu.memory_space<hbm>> -> memref<8x768xf32, #tpu.memory_space<hbm>>
    %dma_start3A_11 = arith.constant 0 : i32
    %dma_start3A_12 = arith.constant 0 : i32
    %dma_start3A_13 = tpu.memref_slice %arg7[%dma_start3A, %dma_start3A_11, %dma_start3A_12] : memref<2x8x768xf32, #tpu.memory_space<vmem>> -> memref<1x8x768xf32, #tpu.memory_space<vmem>>
    %dma_start3A_14 = tpu.memref_squeeze %dma_start3A_13 : memref<1x8x768xf32, #tpu.memory_space<vmem>> -> memref<8x768xf32, #tpu.memory_space<vmem>>
    %dma_start3A_15 = arith.constant 0 : i32
    %dma_start3A_16 = tpu.memref_slice %arg4[%add3A_4, %dma_start3A_15] : memref<2048x768xf32, #tpu.memory_space<hbm>> -> memref<8x768xf32, #tpu.memory_space<hbm>>
    tpu.enqueue_dma source(%dma_start3A_16 : memref<8x768xf32, #tpu.memory_space<hbm>>) target(%dma_start3A_14 : memref<8x768xf32, #tpu.memory_space<vmem>>) target_semaphore(%arg20 : memref<!tpu.dma_semaphore, #tpu.memory_space<semaphore_mem>>)
    %add3A_17 = arith.constant 8 : i32
    %add3A_18 = arith.addi %mul3A_2, %add3A_17 : i32
    %dma_start3A_19 = arith.constant 1 : i32
    %dma_start3A_20 = arith.constant 0 : i32
    %dma_start3A_21 = arith.constant 0 : i32
    %dma_start3A_22 = tpu.memref_slice %arg7[%dma_start3A_19, %dma_start3A_20, %dma_start3A_21] : memref<2x8x768xf32, #tpu.memory_space<vmem>> -> memref<1x8x768xf32, #tpu.memory_space<vmem>>
    %dma_start3A_23 = tpu.memref_squeeze %dma_start3A_22 : memref<1x8x768xf32, #tpu.memory_space<vmem>> -> memref<8x768xf32, #tpu.memory_space<vmem>>
    %dma_start3A_24 = arith.constant 0 : i32
    %dma_start3A_25 = tpu.memref_slice %arg4[%add3A_18, %dma_start3A_24] : memref<2048x768xf32, #tpu.memory_space<hbm>> -> memref<8x768xf32, #tpu.memory_space<hbm>>
    %dma_start3A_26 = arith.constant 0 : i32
    %dma_start3A_27 = arith.constant 0 : i32
    %dma_start3A_28 = tpu.memref_slice %arg7[%dma_start3A_19, %dma_start3A_26, %dma_start3A_27] : memref<2x8x768xf32, #tpu.memory_space<vmem>> -> memref<1x8x768xf32, #tpu.memory_space<vmem>>
    %dma_start3A_29 = tpu.memref_squeeze %dma_start3A_28 : memref<1x8x768xf32, #tpu.memory_space<vmem>> -> memref<8x768xf32, #tpu.memory_space<vmem>>
    %dma_start3A_30 = arith.constant 0 : i32
    %dma_start3A_31 = tpu.memref_slice %arg4[%add3A_18, %dma_start3A_30] : memref<2048x768xf32, #tpu.memory_space<hbm>> -> memref<8x768xf32, #tpu.memory_space<hbm>>
    tpu.enqueue_dma source(%dma_start3A_31 : memref<8x768xf32, #tpu.memory_space<hbm>>) target(%dma_start3A_29 : memref<8x768xf32, #tpu.memory_space<vmem>>) target_semaphore(%arg21 : memref<!tpu.dma_semaphore, #tpu.memory_space<semaphore_mem>>)
    %dma_start3A_32 = arith.constant 0 : i32
    %dma_start3A_33 = arith.constant 0 : i32
    %dma_start3A_34 = tpu.memref_slice %arg6[%dma_start3A_32, %dma_start3A_33] : memref<8x32xi32, #tpu.memory_space<vmem>> -> memref<1x32xi32, #tpu.memory_space<vmem>>
    %dma_start3A_35 = tpu.memref_squeeze %dma_start3A_34 : memref<1x32xi32, #tpu.memory_space<vmem>> -> memref<32xi32, #tpu.memory_space<vmem>>
    %dma_start3A_36 = arith.constant 0 : i32
    %dma_start3A_37 = arith.constant 0 : i32
    %dma_start3A_38 = tpu.memref_slice %arg3[%dma_start3A_36, %dma_start3A_37] : memref<100000x768xf32, #tpu.memory_space<hbm>> -> memref<100000x768xf32, #tpu.memory_space<hbm>>
    tpu.enqueue_indirect_dma source(%dma_start3A_38 : memref<100000x768xf32, #tpu.memory_space<hbm>>) target(%arg8 : memref<32x768xf32, #tpu.memory_space<vmem>>) offsets(%dma_start3A_35 : memref<32xi32, #tpu.memory_space<vmem>>) semaphore(%arg12 : memref<!tpu.dma_semaphore, #tpu.memory_space<semaphore_mem>>)
    %dma_start3A_39 = arith.constant 1 : i32
    %dma_start3A_40 = arith.constant 0 : i32
    %dma_start3A_41 = tpu.memref_slice %arg6[%dma_start3A_39, %dma_start3A_40] : memref<8x32xi32, #tpu.memory_space<vmem>> -> memref<1x32xi32, #tpu.memory_space<vmem>>
    %dma_start3A_42 = tpu.memref_squeeze %dma_start3A_41 : memref<1x32xi32, #tpu.memory_space<vmem>> -> memref<32xi32, #tpu.memory_space<vmem>>
    %dma_start3A_43 = arith.constant 0 : i32
    %dma_start3A_44 = arith.constant 0 : i32
    %dma_start3A_45 = tpu.memref_slice %arg3[%dma_start3A_43, %dma_start3A_44] : memref<100000x768xf32, #tpu.memory_space<hbm>> -> memref<100000x768xf32, #tpu.memory_space<hbm>>
    tpu.enqueue_indirect_dma source(%dma_start3A_45 : memref<100000x768xf32, #tpu.memory_space<hbm>>) target(%arg9 : memref<32x768xf32, #tpu.memory_space<vmem>>) offsets(%dma_start3A_42 : memref<32xi32, #tpu.memory_space<vmem>>) semaphore(%arg13 : memref<!tpu.dma_semaphore, #tpu.memory_space<semaphore_mem>>)
    %dma_start3A_46 = arith.constant 2 : i32
    %dma_start3A_47 = arith.constant 0 : i32
    %dma_start3A_48 = tpu.memref_slice %arg6[%dma_start3A_46, %dma_start3A_47] : memref<8x32xi32, #tpu.memory_space<vmem>> -> memref<1x32xi32, #tpu.memory_space<vmem>>
    %dma_start3A_49 = tpu.memref_squeeze %dma_start3A_48 : memref<1x32xi32, #tpu.memory_space<vmem>> -> memref<32xi32, #tpu.memory_space<vmem>>
    %dma_start3A_50 = arith.constant 0 : i32
    %dma_start3A_51 = arith.constant 0 : i32
    %dma_start3A_52 = tpu.memref_slice %arg3[%dma_start3A_50, %dma_start3A_51] : memref<100000x768xf32, #tpu.memory_space<hbm>> -> memref<100000x768xf32, #tpu.memory_space<hbm>>
    tpu.enqueue_indirect_dma source(%dma_start3A_52 : memref<100000x768xf32, #tpu.memory_space<hbm>>) target(%arg10 : memref<32x768xf32, #tpu.memory_space<vmem>>) offsets(%dma_start3A_49 : memref<32xi32, #tpu.memory_space<vmem>>) semaphore(%arg14 : memref<!tpu.dma_semaphore, #tpu.memory_space<semaphore_mem>>)
    %dma_wait3A = arith.constant 0 : i32
    %dma_wait3A_53 = arith.constant 0 : i32
    %dma_wait3A_54 = tpu.memref_slice %arg6[%dma_wait3A, %dma_wait3A_53] : memref<8x32xi32, #tpu.memory_space<vmem>> -> memref<1x32xi32, #tpu.memory_space<vmem>>
    %dma_wait3A_55 = tpu.memref_squeeze %dma_wait3A_54 : memref<1x32xi32, #tpu.memory_space<vmem>> -> memref<32xi32, #tpu.memory_space<vmem>>
    %dma_wait3A_56 = arith.constant 0 : i32
    %dma_wait3A_57 = arith.constant 0 : i32
    %dma_wait3A_58 = tpu.memref_slice %arg3[%dma_wait3A_56, %dma_wait3A_57] : memref<100000x768xf32, #tpu.memory_space<hbm>> -> memref<100000x768xf32, #tpu.memory_space<hbm>>
    tpu.wait_indirect_dma semaphore(%arg12 : memref<!tpu.dma_semaphore, #tpu.memory_space<semaphore_mem>>) src(%dma_wait3A_58 : memref<100000x768xf32, #tpu.memory_space<hbm>>) dst(%arg8 : memref<32x768xf32, #tpu.memory_space<vmem>>)
    %dma_wait3A_59 = arith.constant 0 : i32
    %dma_wait3A_60 = arith.constant 0 : i32
    %dma_wait3A_61 = arith.constant 0 : i32
    %dma_wait3A_62 = tpu.memref_slice %arg7[%dma_wait3A_59, %dma_wait3A_60, %dma_wait3A_61] : memref<2x8x768xf32, #tpu.memory_space<vmem>> -> memref<1x8x768xf32, #tpu.memory_space<vmem>>
    %dma_wait3A_63 = tpu.memref_squeeze %dma_wait3A_62 : memref<1x8x768xf32, #tpu.memory_space<vmem>> -> memref<8x768xf32, #tpu.memory_space<vmem>>
    %dma_wait3A_64 = arith.constant 0 : i32
    %dma_wait3A_65 = tpu.memref_slice %arg4[%add3A_4, %dma_wait3A_64] : memref<2048x768xf32, #tpu.memory_space<hbm>> -> memref<8x768xf32, #tpu.memory_space<hbm>>
    %dma_wait3A_66 = arith.constant 0 : i32
    %dma_wait3A_67 = arith.constant 0 : i32
    %dma_wait3A_68 = tpu.memref_slice %arg7[%dma_wait3A_59, %dma_wait3A_66, %dma_wait3A_67] : memref<2x8x768xf32, #tpu.memory_space<vmem>> -> memref<1x8x768xf32, #tpu.memory_space<vmem>>
    %dma_wait3A_69 = tpu.memref_squeeze %dma_wait3A_68 : memref<1x8x768xf32, #tpu.memory_space<vmem>> -> memref<8x768xf32, #tpu.memory_space<vmem>>
    %dma_wait3A_70 = arith.constant 0 : i32
    %dma_wait3A_71 = tpu.memref_slice %arg4[%add3A_4, %dma_wait3A_70] : memref<2048x768xf32, #tpu.memory_space<hbm>> -> memref<8x768xf32, #tpu.memory_space<hbm>>
    tpu.wait_dma2 semaphore(%arg20 : memref<!tpu.dma_semaphore, #tpu.memory_space<semaphore_mem>>) src(%dma_wait3A_71 : memref<8x768xf32, #tpu.memory_space<hbm>>) dst(%dma_wait3A_69 : memref<8x768xf32, #tpu.memory_space<vmem>>)
    %scan3A = arith.constant 0 : i32
    %scan3A_72 = arith.constant 8 : i32
    %scan3A_73 = arith.addi %scan3A, %scan3A_72 : i32
    %scan3A_74 = arith.constant 1 : i32
    scf.for %scan3A_1272 = %scan3A to %scan3A_73 step %scan3A_74  : i32 {
      %scan3A_1273 = arith.constant 0 : i32
      %scan3A_1274 = arith.constant 12 : i32
      %scan3A_1275 = arith.addi %scan3A_1273, %scan3A_1274 : i32
      %scan3A_1276 = arith.constant 1 : i32
      scf.for %scan3A_1278 = %scan3A_1273 to %scan3A_1275 step %scan3A_1276  : i32 {
        %mul3A_1279 = arith.constant 64 : i32
        %mul3A_1280 = arith.muli %scan3A_1278, %mul3A_1279 : i32
        %add3A_1281 = arith.constant 0 : i32
        %add3A_1282 = arith.addi %mul3A_1280, %add3A_1281 : i32
        %get3A = arith.constant 0 : i32
        %get3A_1283 = arith.index_cast %get3A : i32 to index
        %get3A_1284 = arith.index_cast %scan3A_1272 : i32 to index
        %get3A_1285 = arith.index_cast %add3A_1282 : i32 to index
        %get3A_1286 = tpu.vector_load %arg7[%get3A_1283, %get3A_1284, %get3A_1285] {strides = array<i32>} : memref<2x8x768xf32, #tpu.memory_space<vmem>>, vector<1x1x16xf32>,
        %get3A_1287 = vector.shape_cast %get3A_1286 : vector<1x1x16xf32> to vector<16xf32>
        %add3A_1288 = arith.constant 16 : i32
        %add3A_1289 = arith.addi %mul3A_1280, %add3A_1288 : i32
        %get3A_1290 = arith.constant 0 : i32
        %get3A_1291 = arith.index_cast %get3A_1290 : i32 to index
        %get3A_1292 = arith.index_cast %scan3A_1272 : i32 to index
        %get3A_1293 = arith.index_cast %add3A_1289 : i32 to index
        %get3A_1294 = tpu.vector_load %arg7[%get3A_1291, %get3A_1292, %get3A_1293] {strides = array<i32>} : memref<2x8x768xf32, #tpu.memory_space<vmem>>, vector<1x1x16xf32>,
        %get3A_1295 = vector.shape_cast %get3A_1294 : vector<1x1x16xf32> to vector<16xf32>
        %add3A_1296 = arith.constant 32 : i32
        %add3A_1297 = arith.addi %mul3A_1280, %add3A_1296 : i32
        %get3A_1298 = arith.constant 0 : i32
        %get3A_1299 = arith.index_cast %get3A_1298 : i32 to index
        %get3A_1300 = arith.index_cast %scan3A_1272 : i32 to index
        %get3A_1301 = arith.index_cast %add3A_1297 : i32 to index
        %get3A_1302 = tpu.vector_load %arg7[%get3A_1299, %get3A_1300, %get3A_1301] {strides = array<i32>} : memref<2x8x768xf32, #tpu.memory_space<vmem>>, vector<1x1x16xf32>,
        %get3A_1303 = vector.shape_cast %get3A_1302 : vector<1x1x16xf32> to vector<16xf32>
        %add3A_1304 = arith.constant 48 : i32
        %add3A_1305 = arith.addi %mul3A_1280, %add3A_1304 : i32
        %get3A_1306 = arith.constant 0 : i32
        %get3A_1307 = arith.index_cast %get3A_1306 : i32 to index
        %get3A_1308 = arith.index_cast %scan3A_1272 : i32 to index
        %get3A_1309 = arith.index_cast %add3A_1305 : i32 to index
        %get3A_1310 = tpu.vector_load %arg7[%get3A_1307, %get3A_1308, %get3A_1309] {strides = array<i32>} : memref<2x8x768xf32, #tpu.memory_space<vmem>>, vector<1x1x16xf32>,
        %get3A_1311 = vector.shape_cast %get3A_1310 : vector<1x1x16xf32> to vector<16xf32>
        %add3A_1312 = arith.constant 0 : i32
        %add3A_1313 = arith.addi %add3A_1312, %scan3A_1272 : i32
        %add3A_1314 = arith.constant 0 : i32
        %add3A_1315 = arith.addi %mul3A_1280, %add3A_1314 : i32
        %swap3A = arith.index_cast %add3A_1313 : i32 to index
        %swap3A_1316 = arith.index_cast %add3A_1315 : i32 to index
        %swap3A_1317 = tpu.vector_load %arg8[%swap3A, %swap3A_1316] {strides = array<i32>} : memref<32x768xf32, #tpu.memory_space<vmem>>, vector<1x16xf32>,
        %swap3A_1318 = vector.shape_cast %swap3A_1317 : vector<1x16xf32> to vector<16xf32>
        %swap3A_1319 = vector.shape_cast %get3A_1287 : vector<16xf32> to vector<1x16xf32>
        tpu.vector_store %arg8[%swap3A, %swap3A_1316], %swap3A_1319 {add = true, strides = array<i32>} : memref<32x768xf32, #tpu.memory_space<vmem>>, vector<1x16xf32>,
        %add3A_1320 = arith.constant 16 : i32
        %add3A_1321 = arith.addi %mul3A_1280, %add3A_1320 : i32
        %swap3A_1322 = arith.index_cast %add3A_1313 : i32 to index
        %swap3A_1323 = arith.index_cast %add3A_1321 : i32 to index
        %swap3A_1324 = tpu.vector_load %arg8[%swap3A_1322, %swap3A_1323] {strides = array<i32>} : memref<32x768xf32, #tpu.memory_space<vmem>>, vector<1x16xf32>,
        %swap3A_1325 = vector.shape_cast %swap3A_1324 : vector<1x16xf32> to vector<16xf32>
        %swap3A_1326 = vector.shape_cast %get3A_1295 : vector<16xf32> to vector<1x16xf32>
        tpu.vector_store %arg8[%swap3A_1322, %swap3A_1323], %swap3A_1326 {add = true, strides = array<i32>} : memref<32x768xf32, #tpu.memory_space<vmem>>, vector<1x16xf32>,
        %add3A_1327 = arith.constant 32 : i32
        %add3A_1328 = arith.addi %mul3A_1280, %add3A_1327 : i32
        %swap3A_1329 = arith.index_cast %add3A_1313 : i32 to index
        %swap3A_1330 = arith.index_cast %add3A_1328 : i32 to index
        %swap3A_1331 = tpu.vector_load %arg8[%swap3A_1329, %swap3A_1330] {strides = array<i32>} : memref<32x768xf32, #tpu.memory_space<vmem>>, vector<1x16xf32>,
        %swap3A_1332 = vector.shape_cast %swap3A_1331 : vector<1x16xf32> to vector<16xf32>
        %swap3A_1333 = vector.shape_cast %get3A_1303 : vector<16xf32> to vector<1x16xf32>
        tpu.vector_store %arg8[%swap3A_1329, %swap3A_1330], %swap3A_1333 {add = true, strides = array<i32>} : memref<32x768xf32, #tpu.memory_space<vmem>>, vector<1x16xf32>,
        %add3A_1334 = arith.constant 48 : i32
        %add3A_1335 = arith.addi %mul3A_1280, %add3A_1334 : i32
        %swap3A_1336 = arith.index_cast %add3A_1313 : i32 to index
        %swap3A_1337 = arith.index_cast %add3A_1335 : i32 to index
        %swap3A_1338 = tpu.vector_load %arg8[%swap3A_1336, %swap3A_1337] {strides = array<i32>} : memref<32x768xf32, #tpu.memory_space<vmem>>, vector<1x16xf32>,
        %swap3A_1339 = vector.shape_cast %swap3A_1338 : vector<1x16xf32> to vector<16xf32>
        %swap3A_1340 = vector.shape_cast %get3A_1311 : vector<16xf32> to vector<1x16xf32>
        tpu.vector_store %arg8[%swap3A_1336, %swap3A_1337], %swap3A_1340 {add = true, strides = array<i32>} : memref<32x768xf32, #tpu.memory_space<vmem>>, vector<1x16xf32>,
        %add3A_1341 = arith.constant 8 : i32
        %add3A_1342 = arith.addi %add3A_1341, %scan3A_1272 : i32
        %add3A_1343 = arith.constant 0 : i32
        %add3A_1344 = arith.addi %mul3A_1280, %add3A_1343 : i32
        %swap3A_1345 = arith.index_cast %add3A_1342 : i32 to index
        %swap3A_1346 = arith.index_cast %add3A_1344 : i32 to index
        %swap3A_1347 = tpu.vector_load %arg8[%swap3A_1345, %swap3A_1346] {strides = array<i32>} : memref<32x768xf32, #tpu.memory_space<vmem>>, vector<1x16xf32>,
        %swap3A_1348 = vector.shape_cast %swap3A_1347 : vector<1x16xf32> to vector<16xf32>
        %swap3A_1349 = vector.shape_cast %get3A_1287 : vector<16xf32> to vector<1x16xf32>
        tpu.vector_store %arg8[%swap3A_1345, %swap3A_1346], %swap3A_1349 {add = true, strides = array<i32>} : memref<32x768xf32, #tpu.memory_space<vmem>>, vector<1x16xf32>,
        %add3A_1350 = arith.constant 16 : i32
        %add3A_1351 = arith.addi %mul3A_1280, %add3A_1350 : i32
        %swap3A_1352 = arith.index_cast %add3A_1342 : i32 to index
        %swap3A_1353 = arith.index_cast %add3A_1351 : i32 to index
        %swap3A_1354 = tpu.vector_load %arg8[%swap3A_1352, %swap3A_1353] {strides = array<i32>} : memref<32x768xf32, #tpu.memory_space<vmem>>, vector<1x16xf32>,
        %swap3A_1355 = vector.shape_cast %swap3A_1354 : vector<1x16xf32> to vector<16xf32>
        %swap3A_1356 = vector.shape_cast %get3A_1295 : vector<16xf32> to vector<1x16xf32>
        tpu.vector_store %arg8[%swap3A_1352, %swap3A_1353], %swap3A_1356 {add = true, strides = array<i32>} : memref<32x768xf32, #tpu.memory_space<vmem>>, vector<1x16xf32>,
        %add3A_1357 = arith.constant 32 : i32
        %add3A_1358 = arith.addi %mul3A_1280, %add3A_1357 : i32
        %swap3A_1359 = arith.index_cast %add3A_1342 : i32 to index
        %swap3A_1360 = arith.index_cast %add3A_1358 : i32 to index
        %swap3A_1361 = tpu.vector_load %arg8[%swap3A_1359, %swap3A_1360] {strides = array<i32>} : memref<32x768xf32, #tpu.memory_space<vmem>>, vector<1x16xf32>,
        %swap3A_1362 = vector.shape_cast %swap3A_1361 : vector<1x16xf32> to vector<16xf32>
        %swap3A_1363 = vector.shape_cast %get3A_1303 : vector<16xf32> to vector<1x16xf32>
        tpu.vector_store %arg8[%swap3A_1359, %swap3A_1360], %swap3A_1363 {add = true, strides = array<i32>} : memref<32x768xf32, #tpu.memory_space<vmem>>, vector<1x16xf32>,
        %add3A_1364 = arith.constant 48 : i32
        %add3A_1365 = arith.addi %mul3A_1280, %add3A_1364 : i32
        %swap3A_1366 = arith.index_cast %add3A_1342 : i32 to index
        %swap3A_1367 = arith.index_cast %add3A_1365 : i32 to index
        %swap3A_1368 = tpu.vector_load %arg8[%swap3A_1366, %swap3A_1367] {strides = array<i32>} : memref<32x768xf32, #tpu.memory_space<vmem>>, vector<1x16xf32>,
        %swap3A_1369 = vector.shape_cast %swap3A_1368 : vector<1x16xf32> to vector<16xf32>
        %swap3A_1370 = vector.shape_cast %get3A_1311 : vector<16xf32> to vector<1x16xf32>
        tpu.vector_store %arg8[%swap3A_1366, %swap3A_1367], %swap3A_1370 {add = true, strides = array<i32>} : memref<32x768xf32, #tpu.memory_space<vmem>>, vector<1x16xf32>,
        %add3A_1371 = arith.constant 16 : i32
        %add3A_1372 = arith.addi %add3A_1371, %scan3A_1272 : i32
        %add3A_1373 = arith.constant 0 : i32
        %add3A_1374 = arith.addi %mul3A_1280, %add3A_1373 : i32
        %swap3A_1375 = arith.index_cast %add3A_1372 : i32 to index
        %swap3A_1376 = arith.index_cast %add3A_1374 : i32 to index
        %swap3A_1377 = tpu.vector_load %arg8[%swap3A_1375, %swap3A_1376] {strides = array<i32>} : memref<32x768xf32, #tpu.memory_space<vmem>>, vector<1x16xf32>,
        %swap3A_1378 = vector.shape_cast %swap3A_1377 : vector<1x16xf32> to vector<16xf32>
        %swap3A_1379 = vector.shape_cast %get3A_1287 : vector<16xf32> to vector<1x16xf32>
        tpu.vector_store %arg8[%swap3A_1375, %swap3A_1376], %swap3A_1379 {add = true, strides = array<i32>} : memref<32x768xf32, #tpu.memory_space<vmem>>, vector<1x16xf32>,
        %add3A_1380 = arith.constant 16 : i32
        %add3A_1381 = arith.addi %mul3A_1280, %add3A_1380 : i32
        %swap3A_1382 = arith.index_cast %add3A_1372 : i32 to index
        %swap3A_1383 = arith.index_cast %add3A_1381 : i32 to index
        %swap3A_1384 = tpu.vector_load %arg8[%swap3A_1382, %swap3A_1383] {strides = array<i32>} : memref<32x768xf32, #tpu.memory_space<vmem>>, vector<1x16xf32>,
        %swap3A_1385 = vector.shape_cast %swap3A_1384 : vector<1x16xf32> to vector<16xf32>
        %swap3A_1386 = vector.shape_cast %get3A_1295 : vector<16xf32> to vector<1x16xf32>
        tpu.vector_store %arg8[%swap3A_1382, %swap3A_1383], %swap3A_1386 {add = true, strides = array<i32>} : memref<32x768xf32, #tpu.memory_space<vmem>>, vector<1x16xf32>,
        %add3A_1387 = arith.constant 32 : i32
        %add3A_1388 = arith.addi %mul3A_1280, %add3A_1387 : i32
        %swap3A_1389 = arith.index_cast %add3A_1372 : i32 to index
        %swap3A_1390 = arith.index_cast %add3A_1388 : i32 to index
        %swap3A_1391 = tpu.vector_load %arg8[%swap3A_1389, %swap3A_1390] {strides = array<i32>} : memref<32x768xf32, #tpu.memory_space<vmem>>, vector<1x16xf32>,
        %swap3A_1392 = vector.shape_cast %swap3A_1391 : vector<1x16xf32> to vector<16xf32>
        %swap3A_1393 = vector.shape_cast %get3A_1303 : vector<16xf32> to vector<1x16xf32>
        tpu.vector_store %arg8[%swap3A_1389, %swap3A_1390], %swap3A_1393 {add = true, strides = array<i32>} : memref<32x768xf32, #tpu.memory_space<vmem>>, vector<1x16xf32>,
        %add3A_1394 = arith.constant 48 : i32
        %add3A_1395 = arith.addi %mul3A_1280, %add3A_1394 : i32
        %swap3A_1396 = arith.index_cast %add3A_1372 : i32 to index
        %swap3A_1397 = arith.index_cast %add3A_1395 : i32 to index
        %swap3A_1398 = tpu.vector_load %arg8[%swap3A_1396, %swap3A_1397] {strides = array<i32>} : memref<32x768xf32, #tpu.memory_space<vmem>>, vector<1x16xf32>,
        %swap3A_1399 = vector.shape_cast %swap3A_1398 : vector<1x16xf32> to vector<16xf32>
        %swap3A_1400 = vector.shape_cast %get3A_1311 : vector<16xf32> to vector<1x16xf32>
        tpu.vector_store %arg8[%swap3A_1396, %swap3A_1397], %swap3A_1400 {add = true, strides = array<i32>} : memref<32x768xf32, #tpu.memory_space<vmem>>, vector<1x16xf32>,
        %add3A_1401 = arith.constant 24 : i32
        %add3A_1402 = arith.addi %add3A_1401, %scan3A_1272 : i32
        %add3A_1403 = arith.constant 0 : i32
        %add3A_1404 = arith.addi %mul3A_1280, %add3A_1403 : i32
        %swap3A_1405 = arith.index_cast %add3A_1402 : i32 to index
        %swap3A_1406 = arith.index_cast %add3A_1404 : i32 to index
        %swap3A_1407 = tpu.vector_load %arg8[%swap3A_1405, %swap3A_1406] {strides = array<i32>} : memref<32x768xf32, #tpu.memory_space<vmem>>, vector<1x16xf32>,
        %swap3A_1408 = vector.shape_cast %swap3A_1407 : vector<1x16xf32> to vector<16xf32>
        %swap3A_1409 = vector.shape_cast %get3A_1287 : vector<16xf32> to vector<1x16xf32>
        tpu.vector_store %arg8[%swap3A_1405, %swap3A_1406], %swap3A_1409 {add = true, strides = array<i32>} : memref<32x768xf32, #tpu.memory_space<vmem>>, vector<1x16xf32>,
        %add3A_1410 = arith.constant 16 : i32
        %add3A_1411 = arith.addi %mul3A_1280, %add3A_1410 : i32
        %swap3A_1412 = arith.index_cast %add3A_1402 : i32 to index
        %swap3A_1413 = arith.index_cast %add3A_1411 : i32 to index
        %swap3A_1414 = tpu.vector_load %arg8[%swap3A_1412, %swap3A_1413] {strides = array<i32>} : memref<32x768xf32, #tpu.memory_space<vmem>>, vector<1x16xf32>,
        %swap3A_1415 = vector.shape_cast %swap3A_1414 : vector<1x16xf32> to vector<16xf32>
        %swap3A_1416 = vector.shape_cast %get3A_1295 : vector<16xf32> to vector<1x16xf32>
        tpu.vector_store %arg8[%swap3A_1412, %swap3A_1413], %swap3A_1416 {add = true, strides = array<i32>} : memref<32x768xf32, #tpu.memory_space<vmem>>, vector<1x16xf32>,
        %add3A_1417 = arith.constant 32 : i32
        %add3A_1418 = arith.addi %mul3A_1280, %add3A_1417 : i32
        %swap3A_1419 = arith.index_cast %add3A_1402 : i32 to index
        %swap3A_1420 = arith.index_cast %add3A_1418 : i32 to index
        %swap3A_1421 = tpu.vector_load %arg8[%swap3A_1419, %swap3A_1420] {strides = array<i32>} : memref<32x768xf32, #tpu.memory_space<vmem>>, vector<1x16xf32>,
        %swap3A_1422 = vector.shape_cast %swap3A_1421 : vector<1x16xf32> to vector<16xf32>
        %swap3A_1423 = vector.shape_cast %get3A_1303 : vector<16xf32> to vector<1x16xf32>
        tpu.vector_store %arg8[%swap3A_1419, %swap3A_1420], %swap3A_1423 {add = true, strides = array<i32>} : memref<32x768xf32, #tpu.memory_space<vmem>>, vector<1x16xf32>,
        %add3A_1424 = arith.constant 48 : i32
        %add3A_1425 = arith.addi %mul3A_1280, %add3A_1424 : i32
        %swap3A_1426 = arith.index_cast %add3A_1402 : i32 to index
        %swap3A_1427 = arith.index_cast %add3A_1425 : i32 to index
        %swap3A_1428 = tpu.vector_load %arg8[%swap3A_1426, %swap3A_1427] {strides = array<i32>} : memref<32x768xf32, #tpu.memory_space<vmem>>, vector<1x16xf32>,
        %swap3A_1429 = vector.shape_cast %swap3A_1428 : vector<1x16xf32> to vector<16xf32>
        %swap3A_1430 = vector.shape_cast %get3A_1311 : vector<16xf32> to vector<1x16xf32>
        tpu.vector_store %arg8[%swap3A_1426, %swap3A_1427], %swap3A_1430 {add = true, strides = array<i32>} : memref<32x768xf32, #tpu.memory_space<vmem>>, vector<1x16xf32>,
      }
      %scan3A_1277 = arith.constant 12 : i32
    }
    %scan3A_75 = arith.constant 8 : i32
    %add3A_76 = arith.constant 0 : i32
    %add3A_77 = arith.addi %mul3A_2, %add3A_76 : i32
    %dma_start3A_78 = arith.constant 0 : i32
    %dma_start3A_79 = arith.constant 0 : i32
    %dma_start3A_80 = arith.constant 0 : i32
    %dma_start3A_81 = tpu.memref_slice %arg8[%dma_start3A_79, %dma_start3A_80] : memref<32x768xf32, #tpu.memory_space<vmem>> -> memref<8x768xf32, #tpu.memory_space<vmem>>
    %dma_start3A_82 = arith.constant 0 : i32
    %dma_start3A_83 = tpu.memref_slice %arg5[%dma_start3A_78, %add3A_77, %dma_start3A_82] : memref<4x2048x768xf32, #tpu.memory_space<hbm>> -> memref<1x8x768xf32, #tpu.memory_space<hbm>>
    %dma_start3A_84 = tpu.memref_squeeze %dma_start3A_83 : memref<1x8x768xf32, #tpu.memory_space<hbm>> -> memref<8x768xf32, #tpu.memory_space<hbm>>
    %dma_start3A_85 = arith.constant 0 : i32
    %dma_start3A_86 = tpu.memref_slice %arg5[%dma_start3A_78, %add3A_77, %dma_start3A_85] : memref<4x2048x768xf32, #tpu.memory_space<hbm>> -> memref<1x8x768xf32, #tpu.memory_space<hbm>>
    %dma_start3A_87 = tpu.memref_squeeze %dma_start3A_86 : memref<1x8x768xf32, #tpu.memory_space<hbm>> -> memref<8x768xf32, #tpu.memory_space<hbm>>
    %dma_start3A_88 = arith.constant 0 : i32
    %dma_start3A_89 = arith.constant 0 : i32
    %dma_start3A_90 = tpu.memref_slice %arg8[%dma_start3A_88, %dma_start3A_89] : memref<32x768xf32, #tpu.memory_space<vmem>> -> memref<8x768xf32, #tpu.memory_space<vmem>>
    tpu.enqueue_dma source(%dma_start3A_90 : memref<8x768xf32, #tpu.memory_space<vmem>>) target(%dma_start3A_87 : memref<8x768xf32, #tpu.memory_space<hbm>>) target_semaphore(%arg16 : memref<!tpu.dma_semaphore, #tpu.memory_space<semaphore_mem>>)
    %add3A_91 = arith.constant 0 : i32
    %add3A_92 = arith.addi %mul3A_2, %add3A_91 : i32
    %dma_start3A_93 = arith.constant 1 : i32
    %dma_start3A_94 = arith.constant 8 : i32
    %dma_start3A_95 = arith.constant 0 : i32
    %dma_start3A_96 = tpu.memref_slice %arg8[%dma_start3A_94, %dma_start3A_95] : memref<32x768xf32, #tpu.memory_space<vmem>> -> memref<8x768xf32, #tpu.memory_space<vmem>>
    %dma_start3A_97 = arith.constant 0 : i32
    %dma_start3A_98 = tpu.memref_slice %arg5[%dma_start3A_93, %add3A_92, %dma_start3A_97] : memref<4x2048x768xf32, #tpu.memory_space<hbm>> -> memref<1x8x768xf32, #tpu.memory_space<hbm>>
    %dma_start3A_99 = tpu.memref_squeeze %dma_start3A_98 : memref<1x8x768xf32, #tpu.memory_space<hbm>> -> memref<8x768xf32, #tpu.memory_space<hbm>>
    %dma_start3A_100 = arith.constant 0 : i32
    %dma_start3A_101 = tpu.memref_slice %arg5[%dma_start3A_93, %add3A_92, %dma_start3A_100] : memref<4x2048x768xf32, #tpu.memory_space<hbm>> -> memref<1x8x768xf32, #tpu.memory_space<hbm>>
    %dma_start3A_102 = tpu.memref_squeeze %dma_start3A_101 : memref<1x8x768xf32, #tpu.memory_space<hbm>> -> memref<8x768xf32, #tpu.memory_space<hbm>>
    %dma_start3A_103 = arith.constant 8 : i32
    %dma_start3A_104 = arith.constant 0 : i32
    %dma_start3A_105 = tpu.memref_slice %arg8[%dma_start3A_103, %dma_start3A_104] : memref<32x768xf32, #tpu.memory_space<vmem>> -> memref<8x768xf32, #tpu.memory_space<vmem>>
    tpu.enqueue_dma source(%dma_start3A_105 : memref<8x768xf32, #tpu.memory_space<vmem>>) target(%dma_start3A_102 : memref<8x768xf32, #tpu.memory_space<hbm>>) target_semaphore(%arg16 : memref<!tpu.dma_semaphore, #tpu.memory_space<semaphore_mem>>)
    %add3A_106 = arith.constant 0 : i32
    %add3A_107 = arith.addi %mul3A_2, %add3A_106 : i32
    %dma_start3A_108 = arith.constant 2 : i32
    %dma_start3A_109 = arith.constant 16 : i32
    %dma_start3A_110 = arith.constant 0 : i32
    %dma_start3A_111 = tpu.memref_slice %arg8[%dma_start3A_109, %dma_start3A_110] : memref<32x768xf32, #tpu.memory_space<vmem>> -> memref<8x768xf32, #tpu.memory_space<vmem>>
    %dma_start3A_112 = arith.constant 0 : i32
    %dma_start3A_113 = tpu.memref_slice %arg5[%dma_start3A_108, %add3A_107, %dma_start3A_112] : memref<4x2048x768xf32, #tpu.memory_space<hbm>> -> memref<1x8x768xf32, #tpu.memory_space<hbm>>
    %dma_start3A_114 = tpu.memref_squeeze %dma_start3A_113 : memref<1x8x768xf32, #tpu.memory_space<hbm>> -> memref<8x768xf32, #tpu.memory_space<hbm>>
    %dma_start3A_115 = arith.constant 0 : i32
    %dma_start3A_116 = tpu.memref_slice %arg5[%dma_start3A_108, %add3A_107, %dma_start3A_115] : memref<4x2048x768xf32, #tpu.memory_space<hbm>> -> memref<1x8x768xf32, #tpu.memory_space<hbm>>
    %dma_start3A_117 = tpu.memref_squeeze %dma_start3A_116 : memref<1x8x768xf32, #tpu.memory_space<hbm>> -> memref<8x768xf32, #tpu.memory_space<hbm>>
    %dma_start3A_118 = arith.constant 16 : i32
    %dma_start3A_119 = arith.constant 0 : i32
    %dma_start3A_120 = tpu.memref_slice %arg8[%dma_start3A_118, %dma_start3A_119] : memref<32x768xf32, #tpu.memory_space<vmem>> -> memref<8x768xf32, #tpu.memory_space<vmem>>
    tpu.enqueue_dma source(%dma_start3A_120 : memref<8x768xf32, #tpu.memory_space<vmem>>) target(%dma_start3A_117 : memref<8x768xf32, #tpu.memory_space<hbm>>) target_semaphore(%arg16 : memref<!tpu.dma_semaphore, #tpu.memory_space<semaphore_mem>>)
    %add3A_121 = arith.constant 0 : i32
    %add3A_122 = arith.addi %mul3A_2, %add3A_121 : i32
    %dma_start3A_123 = arith.constant 3 : i32
    %dma_start3A_124 = arith.constant 24 : i32
    %dma_start3A_125 = arith.constant 0 : i32
    %dma_start3A_126 = tpu.memref_slice %arg8[%dma_start3A_124, %dma_start3A_125] : memref<32x768xf32, #tpu.memory_space<vmem>> -> memref<8x768xf32, #tpu.memory_space<vmem>>
    %dma_start3A_127 = arith.constant 0 : i32
    %dma_start3A_128 = tpu.memref_slice %arg5[%dma_start3A_123, %add3A_122, %dma_start3A_127] : memref<4x2048x768xf32, #tpu.memory_space<hbm>> -> memref<1x8x768xf32, #tpu.memory_space<hbm>>
    %dma_start3A_129 = tpu.memref_squeeze %dma_start3A_128 : memref<1x8x768xf32, #tpu.memory_space<hbm>> -> memref<8x768xf32, #tpu.memory_space<hbm>>
    %dma_start3A_130 = arith.constant 0 : i32
    %dma_start3A_131 = tpu.memref_slice %arg5[%dma_start3A_123, %add3A_122, %dma_start3A_130] : memref<4x2048x768xf32, #tpu.memory_space<hbm>> -> memref<1x8x768xf32, #tpu.memory_space<hbm>>
    %dma_start3A_132 = tpu.memref_squeeze %dma_start3A_131 : memref<1x8x768xf32, #tpu.memory_space<hbm>> -> memref<8x768xf32, #tpu.memory_space<hbm>>
    %dma_start3A_133 = arith.constant 24 : i32
    %dma_start3A_134 = arith.constant 0 : i32
    %dma_start3A_135 = tpu.memref_slice %arg8[%dma_start3A_133, %dma_start3A_134] : memref<32x768xf32, #tpu.memory_space<vmem>> -> memref<8x768xf32, #tpu.memory_space<vmem>>
    tpu.enqueue_dma source(%dma_start3A_135 : memref<8x768xf32, #tpu.memory_space<vmem>>) target(%dma_start3A_132 : memref<8x768xf32, #tpu.memory_space<hbm>>) target_semaphore(%arg16 : memref<!tpu.dma_semaphore, #tpu.memory_space<semaphore_mem>>)
    %add3A_136 = arith.constant 16 : i32
    %add3A_137 = arith.addi %mul3A_2, %add3A_136 : i32
    %dma_start3A_138 = arith.constant 0 : i32
    %dma_start3A_139 = arith.constant 0 : i32
    %dma_start3A_140 = arith.constant 0 : i32
    %dma_start3A_141 = tpu.memref_slice %arg7[%dma_start3A_138, %dma_start3A_139, %dma_start3A_140] : memref<2x8x768xf32, #tpu.memory_space<vmem>> -> memref<1x8x768xf32, #tpu.memory_space<vmem>>
    %dma_start3A_142 = tpu.memref_squeeze %dma_start3A_141 : memref<1x8x768xf32, #tpu.memory_space<vmem>> -> memref<8x768xf32, #tpu.memory_space<vmem>>
    %dma_start3A_143 = arith.constant 0 : i32
    %dma_start3A_144 = tpu.memref_slice %arg4[%add3A_137, %dma_start3A_143] : memref<2048x768xf32, #tpu.memory_space<hbm>> -> memref<8x768xf32, #tpu.memory_space<hbm>>
    %dma_start3A_145 = arith.constant 0 : i32
    %dma_start3A_146 = arith.constant 0 : i32
    %dma_start3A_147 = tpu.memref_slice %arg7[%dma_start3A_138, %dma_start3A_145, %dma_start3A_146] : memref<2x8x768xf32, #tpu.memory_space<vmem>> -> memref<1x8x768xf32, #tpu.memory_space<vmem>>
    %dma_start3A_148 = tpu.memref_squeeze %dma_start3A_147 : memref<1x8x768xf32, #tpu.memory_space<vmem>> -> memref<8x768xf32, #tpu.memory_space<vmem>>
    %dma_start3A_149 = arith.constant 0 : i32
    %dma_start3A_150 = tpu.memref_slice %arg4[%add3A_137, %dma_start3A_149] : memref<2048x768xf32, #tpu.memory_space<hbm>> -> memref<8x768xf32, #tpu.memory_space<hbm>>
    tpu.enqueue_dma source(%dma_start3A_150 : memref<8x768xf32, #tpu.memory_space<hbm>>) target(%dma_start3A_148 : memref<8x768xf32, #tpu.memory_space<vmem>>) target_semaphore(%arg20 : memref<!tpu.dma_semaphore, #tpu.memory_space<semaphore_mem>>)
    %dma_start3A_151 = arith.constant 3 : i32
    %dma_start3A_152 = arith.constant 0 : i32
    %dma_start3A_153 = tpu.memref_slice %arg6[%dma_start3A_151, %dma_start3A_152] : memref<8x32xi32, #tpu.memory_space<vmem>> -> memref<1x32xi32, #tpu.memory_space<vmem>>
    %dma_start3A_154 = tpu.memref_squeeze %dma_start3A_153 : memref<1x32xi32, #tpu.memory_space<vmem>> -> memref<32xi32, #tpu.memory_space<vmem>>
    %dma_start3A_155 = arith.constant 0 : i32
    %dma_start3A_156 = arith.constant 0 : i32
    %dma_start3A_157 = tpu.memref_slice %arg3[%dma_start3A_155, %dma_start3A_156] : memref<100000x768xf32, #tpu.memory_space<hbm>> -> memref<100000x768xf32, #tpu.memory_space<hbm>>
    tpu.enqueue_indirect_dma source(%dma_start3A_157 : memref<100000x768xf32, #tpu.memory_space<hbm>>) target(%arg11 : memref<32x768xf32, #tpu.memory_space<vmem>>) offsets(%dma_start3A_154 : memref<32xi32, #tpu.memory_space<vmem>>) semaphore(%arg15 : memref<!tpu.dma_semaphore, #tpu.memory_space<semaphore_mem>>)
    %dma_wait3A_158 = arith.constant 1 : i32
    %dma_wait3A_159 = arith.constant 0 : i32
    %dma_wait3A_160 = tpu.memref_slice %arg6[%dma_wait3A_158, %dma_wait3A_159] : memref<8x32xi32, #tpu.memory_space<vmem>> -> memref<1x32xi32, #tpu.memory_space<vmem>>
    %dma_wait3A_161 = tpu.memref_squeeze %dma_wait3A_160 : memref<1x32xi32, #tpu.memory_space<vmem>> -> memref<32xi32, #tpu.memory_space<vmem>>
    %dma_wait3A_162 = arith.constant 0 : i32
    %dma_wait3A_163 = arith.constant 0 : i32
    %dma_wait3A_164 = tpu.memref_slice %arg3[%dma_wait3A_162, %dma_wait3A_163] : memref<100000x768xf32, #tpu.memory_space<hbm>> -> memref<100000x768xf32, #tpu.memory_space<hbm>>
    tpu.wait_indirect_dma semaphore(%arg13 : memref<!tpu.dma_semaphore, #tpu.memory_space<semaphore_mem>>) src(%dma_wait3A_164 : memref<100000x768xf32, #tpu.memory_space<hbm>>) dst(%arg9 : memref<32x768xf32, #tpu.memory_space<vmem>>)
    %dma_wait3A_165 = arith.constant 1 : i32
    %dma_wait3A_166 = arith.constant 0 : i32
    %dma_wait3A_167 = arith.constant 0 : i32
    %dma_wait3A_168 = tpu.memref_slice %arg7[%dma_wait3A_165, %dma_wait3A_166, %dma_wait3A_167] : memref<2x8x768xf32, #tpu.memory_space<vmem>> -> memref<1x8x768xf32, #tpu.memory_space<vmem>>
    %dma_wait3A_169 = tpu.memref_squeeze %dma_wait3A_168 : memref<1x8x768xf32, #tpu.memory_space<vmem>> -> memref<8x768xf32, #tpu.memory_space<vmem>>
    %dma_wait3A_170 = arith.constant 0 : i32
    %dma_wait3A_171 = tpu.memref_slice %arg4[%add3A_18, %dma_wait3A_170] : memref<2048x768xf32, #tpu.memory_space<hbm>> -> memref<8x768xf32, #tpu.memory_space<hbm>>
    %dma_wait3A_172 = arith.constant 0 : i32
    %dma_wait3A_173 = arith.constant 0 : i32
    %dma_wait3A_174 = tpu.memref_slice %arg7[%dma_wait3A_165, %dma_wait3A_172, %dma_wait3A_173] : memref<2x8x768xf32, #tpu.memory_space<vmem>> -> memref<1x8x768xf32, #tpu.memory_space<vmem>>
    %dma_wait3A_175 = tpu.memref_squeeze %dma_wait3A_174 : memref<1x8x768xf32, #tpu.memory_space<vmem>> -> memref<8x768xf32, #tpu.memory_space<vmem>>
    %dma_wait3A_176 = arith.constant 0 : i32
    %dma_wait3A_177 = tpu.memref_slice %arg4[%add3A_18, %dma_wait3A_176] : memref<2048x768xf32, #tpu.memory_space<hbm>> -> memref<8x768xf32, #tpu.memory_space<hbm>>
    tpu.wait_dma2 semaphore(%arg21 : memref<!tpu.dma_semaphore, #tpu.memory_space<semaphore_mem>>) src(%dma_wait3A_177 : memref<8x768xf32, #tpu.memory_space<hbm>>) dst(%dma_wait3A_175 : memref<8x768xf32, #tpu.memory_space<vmem>>)
    %scan3A_178 = arith.constant 0 : i32
    %scan3A_179 = arith.constant 8 : i32
    %scan3A_180 = arith.addi %scan3A_178, %scan3A_179 : i32
    %scan3A_181 = arith.constant 1 : i32
    scf.for %scan3A_1272 = %scan3A_178 to %scan3A_180 step %scan3A_181  : i32 {
      %scan3A_1273 = arith.constant 0 : i32
      %scan3A_1274 = arith.constant 12 : i32
      %scan3A_1275 = arith.addi %scan3A_1273, %scan3A_1274 : i32
      %scan3A_1276 = arith.constant 1 : i32
      scf.for %scan3A_1278 = %scan3A_1273 to %scan3A_1275 step %scan3A_1276  : i32 {
        %mul3A_1279 = arith.constant 64 : i32
        %mul3A_1280 = arith.muli %scan3A_1278, %mul3A_1279 : i32
        %add3A_1281 = arith.constant 0 : i32
        %add3A_1282 = arith.addi %mul3A_1280, %add3A_1281 : i32
        %get3A = arith.constant 1 : i32
        %get3A_1283 = arith.index_cast %get3A : i32 to index
        %get3A_1284 = arith.index_cast %scan3A_1272 : i32 to index
        %get3A_1285 = arith.index_cast %add3A_1282 : i32 to index
        %get3A_1286 = tpu.vector_load %arg7[%get3A_1283, %get3A_1284, %get3A_1285] {strides = array<i32>} : memref<2x8x768xf32, #tpu.memory_space<vmem>>, vector<1x1x16xf32>,
        %get3A_1287 = vector.shape_cast %get3A_1286 : vector<1x1x16xf32> to vector<16xf32>
        %add3A_1288 = arith.constant 16 : i32
        %add3A_1289 = arith.addi %mul3A_1280, %add3A_1288 : i32
        %get3A_1290 = arith.constant 1 : i32
        %get3A_1291 = arith.index_cast %get3A_1290 : i32 to index
        %get3A_1292 = arith.index_cast %scan3A_1272 : i32 to index
        %get3A_1293 = arith.index_cast %add3A_1289 : i32 to index
        %get3A_1294 = tpu.vector_load %arg7[%get3A_1291, %get3A_1292, %get3A_1293] {strides = array<i32>} : memref<2x8x768xf32, #tpu.memory_space<vmem>>, vector<1x1x16xf32>,
        %get3A_1295 = vector.shape_cast %get3A_1294 : vector<1x1x16xf32> to vector<16xf32>
        %add3A_1296 = arith.constant 32 : i32
        %add3A_1297 = arith.addi %mul3A_1280, %add3A_1296 : i32
        %get3A_1298 = arith.constant 1 : i32
        %get3A_1299 = arith.index_cast %get3A_1298 : i32 to index
        %get3A_1300 = arith.index_cast %scan3A_1272 : i32 to index
        %get3A_1301 = arith.index_cast %add3A_1297 : i32 to index
        %get3A_1302 = tpu.vector_load %arg7[%get3A_1299, %get3A_1300, %get3A_1301] {strides = array<i32>} : memref<2x8x768xf32, #tpu.memory_space<vmem>>, vector<1x1x16xf32>,
        %get3A_1303 = vector.shape_cast %get3A_1302 : vector<1x1x16xf32> to vector<16xf32>
        %add3A_1304 = arith.constant 48 : i32
        %add3A_1305 = arith.addi %mul3A_1280, %add3A_1304 : i32
        %get3A_1306 = arith.constant 1 : i32
        %get3A_1307 = arith.index_cast %get3A_1306 : i32 to index
        %get3A_1308 = arith.index_cast %scan3A_1272 : i32 to index
        %get3A_1309 = arith.index_cast %add3A_1305 : i32 to index
        %get3A_1310 = tpu.vector_load %arg7[%get3A_1307, %get3A_1308, %get3A_1309] {strides = array<i32>} : memref<2x8x768xf32, #tpu.memory_space<vmem>>, vector<1x1x16xf32>,
        %get3A_1311 = vector.shape_cast %get3A_1310 : vector<1x1x16xf32> to vector<16xf32>
        %add3A_1312 = arith.constant 0 : i32
        %add3A_1313 = arith.addi %add3A_1312, %scan3A_1272 : i32
        %add3A_1314 = arith.constant 0 : i32
        %add3A_1315 = arith.addi %mul3A_1280, %add3A_1314 : i32
        %swap3A = arith.index_cast %add3A_1313 : i32 to index
        %swap3A_1316 = arith.index_cast %add3A_1315 : i32 to index
        %swap3A_1317 = tpu.vector_load %arg9[%swap3A, %swap3A_1316] {strides = array<i32>} : memref<32x768xf32, #tpu.memory_space<vmem>>, vector<1x16xf32>,
        %swap3A_1318 = vector.shape_cast %swap3A_1317 : vector<1x16xf32> to vector<16xf32>
        %swap3A_1319 = vector.shape_cast %get3A_1287 : vector<16xf32> to vector<1x16xf32>
        tpu.vector_store %arg9[%swap3A, %swap3A_1316], %swap3A_1319 {add = true, strides = array<i32>} : memref<32x768xf32, #tpu.memory_space<vmem>>, vector<1x16xf32>,
        %add3A_1320 = arith.constant 16 : i32
        %add3A_1321 = arith.addi %mul3A_1280, %add3A_1320 : i32
        %swap3A_1322 = arith.index_cast %add3A_1313 : i32 to index
        %swap3A_1323 = arith.index_cast %add3A_1321 : i32 to index
        %swap3A_1324 = tpu.vector_load %arg9[%swap3A_1322, %swap3A_1323] {strides = array<i32>} : memref<32x768xf32, #tpu.memory_space<vmem>>, vector<1x16xf32>,
        %swap3A_1325 = vector.shape_cast %swap3A_1324 : vector<1x16xf32> to vector<16xf32>
        %swap3A_1326 = vector.shape_cast %get3A_1295 : vector<16xf32> to vector<1x16xf32>
        tpu.vector_store %arg9[%swap3A_1322, %swap3A_1323], %swap3A_1326 {add = true, strides = array<i32>} : memref<32x768xf32, #tpu.memory_space<vmem>>, vector<1x16xf32>,
        %add3A_1327 = arith.constant 32 : i32
        %add3A_1328 = arith.addi %mul3A_1280, %add3A_1327 : i32
        %swap3A_1329 = arith.index_cast %add3A_1313 : i32 to index
        %swap3A_1330 = arith.index_cast %add3A_1328 : i32 to index
        %swap3A_1331 = tpu.vector_load %arg9[%swap3A_1329, %swap3A_1330] {strides = array<i32>} : memref<32x768xf32, #tpu.memory_space<vmem>>, vector<1x16xf32>,
        %swap3A_1332 = vector.shape_cast %swap3A_1331 : vector<1x16xf32> to vector<16xf32>
        %swap3A_1333 = vector.shape_cast %get3A_1303 : vector<16xf32> to vector<1x16xf32>
        tpu.vector_store %arg9[%swap3A_1329, %swap3A_1330], %swap3A_1333 {add = true, strides = array<i32>} : memref<32x768xf32, #tpu.memory_space<vmem>>, vector<1x16xf32>,
        %add3A_1334 = arith.constant 48 : i32
        %add3A_1335 = arith.addi %mul3A_1280, %add3A_1334 : i32
        %swap3A_1336 = arith.index_cast %add3A_1313 : i32 to index
        %swap3A_1337 = arith.index_cast %add3A_1335 : i32 to index
        %swap3A_1338 = tpu.vector_load %arg9[%swap3A_1336, %swap3A_1337] {strides = array<i32>} : memref<32x768xf32, #tpu.memory_space<vmem>>, vector<1x16xf32>,
        %swap3A_1339 = vector.shape_cast %swap3A_1338 : vector<1x16xf32> to vector<16xf32>
        %swap3A_1340 = vector.shape_cast %get3A_1311 : vector<16xf32> to vector<1x16xf32>
        tpu.vector_store %arg9[%swap3A_1336, %swap3A_1337], %swap3A_1340 {add = true, strides = array<i32>} : memref<32x768xf32, #tpu.memory_space<vmem>>, vector<1x16xf32>,
        %add3A_1341 = arith.constant 8 : i32
        %add3A_1342 = arith.addi %add3A_1341, %scan3A_1272 : i32
        %add3A_1343 = arith.constant 0 : i32
        %add3A_1344 = arith.addi %mul3A_1280, %add3A_1343 : i32
        %swap3A_1345 = arith.index_cast %add3A_1342 : i32 to index
        %swap3A_1346 = arith.index_cast %add3A_1344 : i32 to index
        %swap3A_1347 = tpu.vector_load %arg9[%swap3A_1345, %swap3A_1346] {strides = array<i32>} : memref<32x768xf32, #tpu.memory_space<vmem>>, vector<1x16xf32>,
        %swap3A_1348 = vector.shape_cast %swap3A_1347 : vector<1x16xf32> to vector<16xf32>
        %swap3A_1349 = vector.shape_cast %get3A_1287 : vector<16xf32> to vector<1x16xf32>
        tpu.vector_store %arg9[%swap3A_1345, %swap3A_1346], %swap3A_1349 {add = true, strides = array<i32>} : memref<32x768xf32, #tpu.memory_space<vmem>>, vector<1x16xf32>,
        %add3A_1350 = arith.constant 16 : i32
        %add3A_1351 = arith.addi %mul3A_1280, %add3A_1350 : i32
        %swap3A_1352 = arith.index_cast %add3A_1342 : i32 to index
        %swap3A_1353 = arith.index_cast %add3A_1351 : i32 to index
        %swap3A_1354 = tpu.vector_load %arg9[%swap3A_1352, %swap3A_1353] {strides = array<i32>} : memref<32x768xf32, #tpu.memory_space<vmem>>, vector<1x16xf32>,
        %swap3A_1355 = vector.shape_cast %swap3A_1354 : vector<1x16xf32> to vector<16xf32>
        %swap3A_1356 = vector.shape_cast %get3A_1295 : vector<16xf32> to vector<1x16xf32>
        tpu.vector_store %arg9[%swap3A_1352, %swap3A_1353], %swap3A_1356 {add = true, strides = array<i32>} : memref<32x768xf32, #tpu.memory_space<vmem>>, vector<1x16xf32>,
        %add3A_1357 = arith.constant 32 : i32
        %add3A_1358 = arith.addi %mul3A_1280, %add3A_1357 : i32
        %swap3A_1359 = arith.index_cast %add3A_1342 : i32 to index
        %swap3A_1360 = arith.index_cast %add3A_1358 : i32 to index
        %swap3A_1361 = tpu.vector_load %arg9[%swap3A_1359, %swap3A_1360] {strides = array<i32>} : memref<32x768xf32, #tpu.memory_space<vmem>>, vector<1x16xf32>,
        %swap3A_1362 = vector.shape_cast %swap3A_1361 : vector<1x16xf32> to vector<16xf32>
        %swap3A_1363 = vector.shape_cast %get3A_1303 : vector<16xf32> to vector<1x16xf32>
        tpu.vector_store %arg9[%swap3A_1359, %swap3A_1360], %swap3A_1363 {add = true, strides = array<i32>} : memref<32x768xf32, #tpu.memory_space<vmem>>, vector<1x16xf32>,
        %add3A_1364 = arith.constant 48 : i32
        %add3A_1365 = arith.addi %mul3A_1280, %add3A_1364 : i32
        %swap3A_1366 = arith.index_cast %add3A_1342 : i32 to index
        %swap3A_1367 = arith.index_cast %add3A_1365 : i32 to index
        %swap3A_1368 = tpu.vector_load %arg9[%swap3A_1366, %swap3A_1367] {strides = array<i32>} : memref<32x768xf32, #tpu.memory_space<vmem>>, vector<1x16xf32>,
        %swap3A_1369 = vector.shape_cast %swap3A_1368 : vector<1x16xf32> to vector<16xf32>
        %swap3A_1370 = vector.shape_cast %get3A_1311 : vector<16xf32> to vector<1x16xf32>
        tpu.vector_store %arg9[%swap3A_1366, %swap3A_1367], %swap3A_1370 {add = true, strides = array<i32>} : memref<32x768xf32, #tpu.memory_space<vmem>>, vector<1x16xf32>,
        %add3A_1371 = arith.constant 16 : i32
        %add3A_1372 = arith.addi %add3A_1371, %scan3A_1272 : i32
        %add3A_1373 = arith.constant 0 : i32
        %add3A_1374 = arith.addi %mul3A_1280, %add3A_1373 : i32
        %swap3A_1375 = arith.index_cast %add3A_1372 : i32 to index
        %swap3A_1376 = arith.index_cast %add3A_1374 : i32 to index
        %swap3A_1377 = tpu.vector_load %arg9[%swap3A_1375, %swap3A_1376] {strides = array<i32>} : memref<32x768xf32, #tpu.memory_space<vmem>>, vector<1x16xf32>,
        %swap3A_1378 = vector.shape_cast %swap3A_1377 : vector<1x16xf32> to vector<16xf32>
        %swap3A_1379 = vector.shape_cast %get3A_1287 : vector<16xf32> to vector<1x16xf32>
        tpu.vector_store %arg9[%swap3A_1375, %swap3A_1376], %swap3A_1379 {add = true, strides = array<i32>} : memref<32x768xf32, #tpu.memory_space<vmem>>, vector<1x16xf32>,
        %add3A_1380 = arith.constant 16 : i32
        %add3A_1381 = arith.addi %mul3A_1280, %add3A_1380 : i32
        %swap3A_1382 = arith.index_cast %add3A_1372 : i32 to index
        %swap3A_1383 = arith.index_cast %add3A_1381 : i32 to index
        %swap3A_1384 = tpu.vector_load %arg9[%swap3A_1382, %swap3A_1383] {strides = array<i32>} : memref<32x768xf32, #tpu.memory_space<vmem>>, vector<1x16xf32>,
        %swap3A_1385 = vector.shape_cast %swap3A_1384 : vector<1x16xf32> to vector<16xf32>
        %swap3A_1386 = vector.shape_cast %get3A_1295 : vector<16xf32> to vector<1x16xf32>
        tpu.vector_store %arg9[%swap3A_1382, %swap3A_1383], %swap3A_1386 {add = true, strides = array<i32>} : memref<32x768xf32, #tpu.memory_space<vmem>>, vector<1x16xf32>,
        %add3A_1387 = arith.constant 32 : i32
        %add3A_1388 = arith.addi %mul3A_1280, %add3A_1387 : i32
        %swap3A_1389 = arith.index_cast %add3A_1372 : i32 to index
        %swap3A_1390 = arith.index_cast %add3A_1388 : i32 to index
        %swap3A_1391 = tpu.vector_load %arg9[%swap3A_1389, %swap3A_1390] {strides = array<i32>} : memref<32x768xf32, #tpu.memory_space<vmem>>, vector<1x16xf32>,
        %swap3A_1392 = vector.shape_cast %swap3A_1391 : vector<1x16xf32> to vector<16xf32>
        %swap3A_1393 = vector.shape_cast %get3A_1303 : vector<16xf32> to vector<1x16xf32>
        tpu.vector_store %arg9[%swap3A_1389, %swap3A_1390], %swap3A_1393 {add = true, strides = array<i32>} : memref<32x768xf32, #tpu.memory_space<vmem>>, vector<1x16xf32>,
        %add3A_1394 = arith.constant 48 : i32
        %add3A_1395 = arith.addi %mul3A_1280, %add3A_1394 : i32
        %swap3A_1396 = arith.index_cast %add3A_1372 : i32 to index
        %swap3A_1397 = arith.index_cast %add3A_1395 : i32 to index
        %swap3A_1398 = tpu.vector_load %arg9[%swap3A_1396, %swap3A_1397] {strides = array<i32>} : memref<32x768xf32, #tpu.memory_space<vmem>>, vector<1x16xf32>,
        %swap3A_1399 = vector.shape_cast %swap3A_1398 : vector<1x16xf32> to vector<16xf32>
        %swap3A_1400 = vector.shape_cast %get3A_1311 : vector<16xf32> to vector<1x16xf32>
        tpu.vector_store %arg9[%swap3A_1396, %swap3A_1397], %swap3A_1400 {add = true, strides = array<i32>} : memref<32x768xf32, #tpu.memory_space<vmem>>, vector<1x16xf32>,
        %add3A_1401 = arith.constant 24 : i32
        %add3A_1402 = arith.addi %add3A_1401, %scan3A_1272 : i32
        %add3A_1403 = arith.constant 0 : i32
        %add3A_1404 = arith.addi %mul3A_1280, %add3A_1403 : i32
        %swap3A_1405 = arith.index_cast %add3A_1402 : i32 to index
        %swap3A_1406 = arith.index_cast %add3A_1404 : i32 to index
        %swap3A_1407 = tpu.vector_load %arg9[%swap3A_1405, %swap3A_1406] {strides = array<i32>} : memref<32x768xf32, #tpu.memory_space<vmem>>, vector<1x16xf32>,
        %swap3A_1408 = vector.shape_cast %swap3A_1407 : vector<1x16xf32> to vector<16xf32>
        %swap3A_1409 = vector.shape_cast %get3A_1287 : vector<16xf32> to vector<1x16xf32>
        tpu.vector_store %arg9[%swap3A_1405, %swap3A_1406], %swap3A_1409 {add = true, strides = array<i32>} : memref<32x768xf32, #tpu.memory_space<vmem>>, vector<1x16xf32>,
        %add3A_1410 = arith.constant 16 : i32
        %add3A_1411 = arith.addi %mul3A_1280, %add3A_1410 : i32
        %swap3A_1412 = arith.index_cast %add3A_1402 : i32 to index
        %swap3A_1413 = arith.index_cast %add3A_1411 : i32 to index
        %swap3A_1414 = tpu.vector_load %arg9[%swap3A_1412, %swap3A_1413] {strides = array<i32>} : memref<32x768xf32, #tpu.memory_space<vmem>>, vector<1x16xf32>,
        %swap3A_1415 = vector.shape_cast %swap3A_1414 : vector<1x16xf32> to vector<16xf32>
        %swap3A_1416 = vector.shape_cast %get3A_1295 : vector<16xf32> to vector<1x16xf32>
        tpu.vector_store %arg9[%swap3A_1412, %swap3A_1413], %swap3A_1416 {add = true, strides = array<i32>} : memref<32x768xf32, #tpu.memory_space<vmem>>, vector<1x16xf32>,
        %add3A_1417 = arith.constant 32 : i32
        %add3A_1418 = arith.addi %mul3A_1280, %add3A_1417 : i32
        %swap3A_1419 = arith.index_cast %add3A_1402 : i32 to index
        %swap3A_1420 = arith.index_cast %add3A_1418 : i32 to index
        %swap3A_1421 = tpu.vector_load %arg9[%swap3A_1419, %swap3A_1420] {strides = array<i32>} : memref<32x768xf32, #tpu.memory_space<vmem>>, vector<1x16xf32>,
        %swap3A_1422 = vector.shape_cast %swap3A_1421 : vector<1x16xf32> to vector<16xf32>
        %swap3A_1423 = vector.shape_cast %get3A_1303 : vector<16xf32> to vector<1x16xf32>
        tpu.vector_store %arg9[%swap3A_1419, %swap3A_1420], %swap3A_1423 {add = true, strides = array<i32>} : memref<32x768xf32, #tpu.memory_space<vmem>>, vector<1x16xf32>,
        %add3A_1424 = arith.constant 48 : i32
        %add3A_1425 = arith.addi %mul3A_1280, %add3A_1424 : i32
        %swap3A_1426 = arith.index_cast %add3A_1402 : i32 to index
        %swap3A_1427 = arith.index_cast %add3A_1425 : i32 to index
        %swap3A_1428 = tpu.vector_load %arg9[%swap3A_1426, %swap3A_1427] {strides = array<i32>} : memref<32x768xf32, #tpu.memory_space<vmem>>, vector<1x16xf32>,
        %swap3A_1429 = vector.shape_cast %swap3A_1428 : vector<1x16xf32> to vector<16xf32>
        %swap3A_1430 = vector.shape_cast %get3A_1311 : vector<16xf32> to vector<1x16xf32>
        tpu.vector_store %arg9[%swap3A_1426, %swap3A_1427], %swap3A_1430 {add = true, strides = array<i32>} : memref<32x768xf32, #tpu.memory_space<vmem>>, vector<1x16xf32>,
      }
      %scan3A_1277 = arith.constant 12 : i32
    }
    %scan3A_182 = arith.constant 8 : i32
    %add3A_183 = arith.constant 8 : i32
    %add3A_184 = arith.addi %mul3A_2, %add3A_183 : i32
    %dma_start3A_185 = arith.constant 0 : i32
    %dma_start3A_186 = arith.constant 0 : i32
    %dma_start3A_187 = arith.constant 0 : i32
    %dma_start3A_188 = tpu.memref_slice %arg9[%dma_start3A_186, %dma_start3A_187] : memref<32x768xf32, #tpu.memory_space<vmem>> -> memref<8x768xf32, #tpu.memory_space<vmem>>
    %dma_start3A_189 = arith.constant 0 : i32
    %dma_start3A_190 = tpu.memref_slice %arg5[%dma_start3A_185, %add3A_184, %dma_start3A_189] : memref<4x2048x768xf32, #tpu.memory_space<hbm>> -> memref<1x8x768xf32, #tpu.memory_space<hbm>>
    %dma_start3A_191 = tpu.memref_squeeze %dma_start3A_190 : memref<1x8x768xf32, #tpu.memory_space<hbm>> -> memref<8x768xf32, #tpu.memory_space<hbm>>
    %dma_start3A_192 = arith.constant 0 : i32
    %dma_start3A_193 = tpu.memref_slice %arg5[%dma_start3A_185, %add3A_184, %dma_start3A_192] : memref<4x2048x768xf32, #tpu.memory_space<hbm>> -> memref<1x8x768xf32, #tpu.memory_space<hbm>>
    %dma_start3A_194 = tpu.memref_squeeze %dma_start3A_193 : memref<1x8x768xf32, #tpu.memory_space<hbm>> -> memref<8x768xf32, #tpu.memory_space<hbm>>
    %dma_start3A_195 = arith.constant 0 : i32
    %dma_start3A_196 = arith.constant 0 : i32
    %dma_start3A_197 = tpu.memref_slice %arg9[%dma_start3A_195, %dma_start3A_196] : memref<32x768xf32, #tpu.memory_space<vmem>> -> memref<8x768xf32, #tpu.memory_space<vmem>>
    tpu.enqueue_dma source(%dma_start3A_197 : memref<8x768xf32, #tpu.memory_space<vmem>>) target(%dma_start3A_194 : memref<8x768xf32, #tpu.memory_space<hbm>>) target_semaphore(%arg17 : memref<!tpu.dma_semaphore, #tpu.memory_space<semaphore_mem>>)
    %add3A_198 = arith.constant 8 : i32
    %add3A_199 = arith.addi %mul3A_2, %add3A_198 : i32
    %dma_start3A_200 = arith.constant 1 : i32
    %dma_start3A_201 = arith.constant 8 : i32
    %dma_start3A_202 = arith.constant 0 : i32
    %dma_start3A_203 = tpu.memref_slice %arg9[%dma_start3A_201, %dma_start3A_202] : memref<32x768xf32, #tpu.memory_space<vmem>> -> memref<8x768xf32, #tpu.memory_space<vmem>>
    %dma_start3A_204 = arith.constant 0 : i32
    %dma_start3A_205 = tpu.memref_slice %arg5[%dma_start3A_200, %add3A_199, %dma_start3A_204] : memref<4x2048x768xf32, #tpu.memory_space<hbm>> -> memref<1x8x768xf32, #tpu.memory_space<hbm>>
    %dma_start3A_206 = tpu.memref_squeeze %dma_start3A_205 : memref<1x8x768xf32, #tpu.memory_space<hbm>> -> memref<8x768xf32, #tpu.memory_space<hbm>>
    %dma_start3A_207 = arith.constant 0 : i32
    %dma_start3A_208 = tpu.memref_slice %arg5[%dma_start3A_200, %add3A_199, %dma_start3A_207] : memref<4x2048x768xf32, #tpu.memory_space<hbm>> -> memref<1x8x768xf32, #tpu.memory_space<hbm>>
    %dma_start3A_209 = tpu.memref_squeeze %dma_start3A_208 : memref<1x8x768xf32, #tpu.memory_space<hbm>> -> memref<8x768xf32, #tpu.memory_space<hbm>>
    %dma_start3A_210 = arith.constant 8 : i32
    %dma_start3A_211 = arith.constant 0 : i32
    %dma_start3A_212 = tpu.memref_slice %arg9[%dma_start3A_210, %dma_start3A_211] : memref<32x768xf32, #tpu.memory_space<vmem>> -> memref<8x768xf32, #tpu.memory_space<vmem>>
    tpu.enqueue_dma source(%dma_start3A_212 : memref<8x768xf32, #tpu.memory_space<vmem>>) target(%dma_start3A_209 : memref<8x768xf32, #tpu.memory_space<hbm>>) target_semaphore(%arg17 : memref<!tpu.dma_semaphore, #tpu.memory_space<semaphore_mem>>)
    %add3A_213 = arith.constant 8 : i32
    %add3A_214 = arith.addi %mul3A_2, %add3A_213 : i32
    %dma_start3A_215 = arith.constant 2 : i32
    %dma_start3A_216 = arith.constant 16 : i32
    %dma_start3A_217 = arith.constant 0 : i32
    %dma_start3A_218 = tpu.memref_slice %arg9[%dma_start3A_216, %dma_start3A_217] : memref<32x768xf32, #tpu.memory_space<vmem>> -> memref<8x768xf32, #tpu.memory_space<vmem>>
    %dma_start3A_219 = arith.constant 0 : i32
    %dma_start3A_220 = tpu.memref_slice %arg5[%dma_start3A_215, %add3A_214, %dma_start3A_219] : memref<4x2048x768xf32, #tpu.memory_space<hbm>> -> memref<1x8x768xf32, #tpu.memory_space<hbm>>
    %dma_start3A_221 = tpu.memref_squeeze %dma_start3A_220 : memref<1x8x768xf32, #tpu.memory_space<hbm>> -> memref<8x768xf32, #tpu.memory_space<hbm>>
    %dma_start3A_222 = arith.constant 0 : i32
    %dma_start3A_223 = tpu.memref_slice %arg5[%dma_start3A_215, %add3A_214, %dma_start3A_222] : memref<4x2048x768xf32, #tpu.memory_space<hbm>> -> memref<1x8x768xf32, #tpu.memory_space<hbm>>
    %dma_start3A_224 = tpu.memref_squeeze %dma_start3A_223 : memref<1x8x768xf32, #tpu.memory_space<hbm>> -> memref<8x768xf32, #tpu.memory_space<hbm>>
    %dma_start3A_225 = arith.constant 16 : i32
    %dma_start3A_226 = arith.constant 0 : i32
    %dma_start3A_227 = tpu.memref_slice %arg9[%dma_start3A_225, %dma_start3A_226] : memref<32x768xf32, #tpu.memory_space<vmem>> -> memref<8x768xf32, #tpu.memory_space<vmem>>
    tpu.enqueue_dma source(%dma_start3A_227 : memref<8x768xf32, #tpu.memory_space<vmem>>) target(%dma_start3A_224 : memref<8x768xf32, #tpu.memory_space<hbm>>) target_semaphore(%arg17 : memref<!tpu.dma_semaphore, #tpu.memory_space<semaphore_mem>>)
    %add3A_228 = arith.constant 8 : i32
    %add3A_229 = arith.addi %mul3A_2, %add3A_228 : i32
    %dma_start3A_230 = arith.constant 3 : i32
    %dma_start3A_231 = arith.constant 24 : i32
    %dma_start3A_232 = arith.constant 0 : i32
    %dma_start3A_233 = tpu.memref_slice %arg9[%dma_start3A_231, %dma_start3A_232] : memref<32x768xf32, #tpu.memory_space<vmem>> -> memref<8x768xf32, #tpu.memory_space<vmem>>
    %dma_start3A_234 = arith.constant 0 : i32
    %dma_start3A_235 = tpu.memref_slice %arg5[%dma_start3A_230, %add3A_229, %dma_start3A_234] : memref<4x2048x768xf32, #tpu.memory_space<hbm>> -> memref<1x8x768xf32, #tpu.memory_space<hbm>>
    %dma_start3A_236 = tpu.memref_squeeze %dma_start3A_235 : memref<1x8x768xf32, #tpu.memory_space<hbm>> -> memref<8x768xf32, #tpu.memory_space<hbm>>
    %dma_start3A_237 = arith.constant 0 : i32
    %dma_start3A_238 = tpu.memref_slice %arg5[%dma_start3A_230, %add3A_229, %dma_start3A_237] : memref<4x2048x768xf32, #tpu.memory_space<hbm>> -> memref<1x8x768xf32, #tpu.memory_space<hbm>>
    %dma_start3A_239 = tpu.memref_squeeze %dma_start3A_238 : memref<1x8x768xf32, #tpu.memory_space<hbm>> -> memref<8x768xf32, #tpu.memory_space<hbm>>
    %dma_start3A_240 = arith.constant 24 : i32
    %dma_start3A_241 = arith.constant 0 : i32
    %dma_start3A_242 = tpu.memref_slice %arg9[%dma_start3A_240, %dma_start3A_241] : memref<32x768xf32, #tpu.memory_space<vmem>> -> memref<8x768xf32, #tpu.memory_space<vmem>>
    tpu.enqueue_dma source(%dma_start3A_242 : memref<8x768xf32, #tpu.memory_space<vmem>>) target(%dma_start3A_239 : memref<8x768xf32, #tpu.memory_space<hbm>>) target_semaphore(%arg17 : memref<!tpu.dma_semaphore, #tpu.memory_space<semaphore_mem>>)
    %add3A_243 = arith.constant 24 : i32
    %add3A_244 = arith.addi %mul3A_2, %add3A_243 : i32
    %dma_start3A_245 = arith.constant 1 : i32
    %dma_start3A_246 = arith.constant 0 : i32
    %dma_start3A_247 = arith.constant 0 : i32
    %dma_start3A_248 = tpu.memref_slice %arg7[%dma_start3A_245, %dma_start3A_246, %dma_start3A_247] : memref<2x8x768xf32, #tpu.memory_space<vmem>> -> memref<1x8x768xf32, #tpu.memory_space<vmem>>
    %dma_start3A_249 = tpu.memref_squeeze %dma_start3A_248 : memref<1x8x768xf32, #tpu.memory_space<vmem>> -> memref<8x768xf32, #tpu.memory_space<vmem>>
    %dma_start3A_250 = arith.constant 0 : i32
    %dma_start3A_251 = tpu.memref_slice %arg4[%add3A_244, %dma_start3A_250] : memref<2048x768xf32, #tpu.memory_space<hbm>> -> memref<8x768xf32, #tpu.memory_space<hbm>>
    %dma_start3A_252 = arith.constant 0 : i32
    %dma_start3A_253 = arith.constant 0 : i32
    %dma_start3A_254 = tpu.memref_slice %arg7[%dma_start3A_245, %dma_start3A_252, %dma_start3A_253] : memref<2x8x768xf32, #tpu.memory_space<vmem>> -> memref<1x8x768xf32, #tpu.memory_space<vmem>>
    %dma_start3A_255 = tpu.memref_squeeze %dma_start3A_254 : memref<1x8x768xf32, #tpu.memory_space<vmem>> -> memref<8x768xf32, #tpu.memory_space<vmem>>
    %dma_start3A_256 = arith.constant 0 : i32
    %dma_start3A_257 = tpu.memref_slice %arg4[%add3A_244, %dma_start3A_256] : memref<2048x768xf32, #tpu.memory_space<hbm>> -> memref<8x768xf32, #tpu.memory_space<hbm>>
    tpu.enqueue_dma source(%dma_start3A_257 : memref<8x768xf32, #tpu.memory_space<hbm>>) target(%dma_start3A_255 : memref<8x768xf32, #tpu.memory_space<vmem>>) target_semaphore(%arg21 : memref<!tpu.dma_semaphore, #tpu.memory_space<semaphore_mem>>)
    %dma_wait3A_258 = arith.constant 0 : i32
    %dma_wait3A_259 = arith.constant 0 : i32
    %dma_wait3A_260 = arith.constant 0 : i32
    %dma_wait3A_261 = tpu.memref_slice %arg8[%dma_wait3A_259, %dma_wait3A_260] : memref<32x768xf32, #tpu.memory_space<vmem>> -> memref<8x768xf32, #tpu.memory_space<vmem>>
    %dma_wait3A_262 = arith.constant 0 : i32
    %dma_wait3A_263 = tpu.memref_slice %arg5[%dma_wait3A_258, %add3A_77, %dma_wait3A_262] : memref<4x2048x768xf32, #tpu.memory_space<hbm>> -> memref<1x8x768xf32, #tpu.memory_space<hbm>>
    %dma_wait3A_264 = tpu.memref_squeeze %dma_wait3A_263 : memref<1x8x768xf32, #tpu.memory_space<hbm>> -> memref<8x768xf32, #tpu.memory_space<hbm>>
    %dma_wait3A_265 = arith.constant 0 : i32
    %dma_wait3A_266 = tpu.memref_slice %arg5[%dma_wait3A_258, %add3A_77, %dma_wait3A_265] : memref<4x2048x768xf32, #tpu.memory_space<hbm>> -> memref<1x8x768xf32, #tpu.memory_space<hbm>>
    %dma_wait3A_267 = tpu.memref_squeeze %dma_wait3A_266 : memref<1x8x768xf32, #tpu.memory_space<hbm>> -> memref<8x768xf32, #tpu.memory_space<hbm>>
    %dma_wait3A_268 = arith.constant 0 : i32
    %dma_wait3A_269 = arith.constant 0 : i32
    %dma_wait3A_270 = tpu.memref_slice %arg8[%dma_wait3A_268, %dma_wait3A_269] : memref<32x768xf32, #tpu.memory_space<vmem>> -> memref<8x768xf32, #tpu.memory_space<vmem>>
    tpu.wait_dma2 semaphore(%arg16 : memref<!tpu.dma_semaphore, #tpu.memory_space<semaphore_mem>>) src(%dma_wait3A_270 : memref<8x768xf32, #tpu.memory_space<vmem>>) dst(%dma_wait3A_267 : memref<8x768xf32, #tpu.memory_space<hbm>>)
    %dma_wait3A_271 = arith.constant 1 : i32
    %dma_wait3A_272 = arith.constant 8 : i32
    %dma_wait3A_273 = arith.constant 0 : i32
    %dma_wait3A_274 = tpu.memref_slice %arg8[%dma_wait3A_272, %dma_wait3A_273] : memref<32x768xf32, #tpu.memory_space<vmem>> -> memref<8x768xf32, #tpu.memory_space<vmem>>
    %dma_wait3A_275 = arith.constant 0 : i32
    %dma_wait3A_276 = tpu.memref_slice %arg5[%dma_wait3A_271, %add3A_92, %dma_wait3A_275] : memref<4x2048x768xf32, #tpu.memory_space<hbm>> -> memref<1x8x768xf32, #tpu.memory_space<hbm>>
    %dma_wait3A_277 = tpu.memref_squeeze %dma_wait3A_276 : memref<1x8x768xf32, #tpu.memory_space<hbm>> -> memref<8x768xf32, #tpu.memory_space<hbm>>
    %dma_wait3A_278 = arith.constant 0 : i32
    %dma_wait3A_279 = tpu.memref_slice %arg5[%dma_wait3A_271, %add3A_92, %dma_wait3A_278] : memref<4x2048x768xf32, #tpu.memory_space<hbm>> -> memref<1x8x768xf32, #tpu.memory_space<hbm>>
    %dma_wait3A_280 = tpu.memref_squeeze %dma_wait3A_279 : memref<1x8x768xf32, #tpu.memory_space<hbm>> -> memref<8x768xf32, #tpu.memory_space<hbm>>
    %dma_wait3A_281 = arith.constant 8 : i32
    %dma_wait3A_282 = arith.constant 0 : i32
    %dma_wait3A_283 = tpu.memref_slice %arg8[%dma_wait3A_281, %dma_wait3A_282] : memref<32x768xf32, #tpu.memory_space<vmem>> -> memref<8x768xf32, #tpu.memory_space<vmem>>
    tpu.wait_dma2 semaphore(%arg16 : memref<!tpu.dma_semaphore, #tpu.memory_space<semaphore_mem>>) src(%dma_wait3A_283 : memref<8x768xf32, #tpu.memory_space<vmem>>) dst(%dma_wait3A_280 : memref<8x768xf32, #tpu.memory_space<hbm>>)
    %dma_wait3A_284 = arith.constant 2 : i32
    %dma_wait3A_285 = arith.constant 16 : i32
    %dma_wait3A_286 = arith.constant 0 : i32
    %dma_wait3A_287 = tpu.memref_slice %arg8[%dma_wait3A_285, %dma_wait3A_286] : memref<32x768xf32, #tpu.memory_space<vmem>> -> memref<8x768xf32, #tpu.memory_space<vmem>>
    %dma_wait3A_288 = arith.constant 0 : i32
    %dma_wait3A_289 = tpu.memref_slice %arg5[%dma_wait3A_284, %add3A_107, %dma_wait3A_288] : memref<4x2048x768xf32, #tpu.memory_space<hbm>> -> memref<1x8x768xf32, #tpu.memory_space<hbm>>
    %dma_wait3A_290 = tpu.memref_squeeze %dma_wait3A_289 : memref<1x8x768xf32, #tpu.memory_space<hbm>> -> memref<8x768xf32, #tpu.memory_space<hbm>>
    %dma_wait3A_291 = arith.constant 0 : i32
    %dma_wait3A_292 = tpu.memref_slice %arg5[%dma_wait3A_284, %add3A_107, %dma_wait3A_291] : memref<4x2048x768xf32, #tpu.memory_space<hbm>> -> memref<1x8x768xf32, #tpu.memory_space<hbm>>
    %dma_wait3A_293 = tpu.memref_squeeze %dma_wait3A_292 : memref<1x8x768xf32, #tpu.memory_space<hbm>> -> memref<8x768xf32, #tpu.memory_space<hbm>>
    %dma_wait3A_294 = arith.constant 16 : i32
    %dma_wait3A_295 = arith.constant 0 : i32
    %dma_wait3A_296 = tpu.memref_slice %arg8[%dma_wait3A_294, %dma_wait3A_295] : memref<32x768xf32, #tpu.memory_space<vmem>> -> memref<8x768xf32, #tpu.memory_space<vmem>>
    tpu.wait_dma2 semaphore(%arg16 : memref<!tpu.dma_semaphore, #tpu.memory_space<semaphore_mem>>) src(%dma_wait3A_296 : memref<8x768xf32, #tpu.memory_space<vmem>>) dst(%dma_wait3A_293 : memref<8x768xf32, #tpu.memory_space<hbm>>)
    %dma_wait3A_297 = arith.constant 3 : i32
    %dma_wait3A_298 = arith.constant 24 : i32
    %dma_wait3A_299 = arith.constant 0 : i32
    %dma_wait3A_300 = tpu.memref_slice %arg8[%dma_wait3A_298, %dma_wait3A_299] : memref<32x768xf32, #tpu.memory_space<vmem>> -> memref<8x768xf32, #tpu.memory_space<vmem>>
    %dma_wait3A_301 = arith.constant 0 : i32
    %dma_wait3A_302 = tpu.memref_slice %arg5[%dma_wait3A_297, %add3A_122, %dma_wait3A_301] : memref<4x2048x768xf32, #tpu.memory_space<hbm>> -> memref<1x8x768xf32, #tpu.memory_space<hbm>>
    %dma_wait3A_303 = tpu.memref_squeeze %dma_wait3A_302 : memref<1x8x768xf32, #tpu.memory_space<hbm>> -> memref<8x768xf32, #tpu.memory_space<hbm>>
    %dma_wait3A_304 = arith.constant 0 : i32
    %dma_wait3A_305 = tpu.memref_slice %arg5[%dma_wait3A_297, %add3A_122, %dma_wait3A_304] : memref<4x2048x768xf32, #tpu.memory_space<hbm>> -> memref<1x8x768xf32, #tpu.memory_space<hbm>>
    %dma_wait3A_306 = tpu.memref_squeeze %dma_wait3A_305 : memref<1x8x768xf32, #tpu.memory_space<hbm>> -> memref<8x768xf32, #tpu.memory_space<hbm>>
    %dma_wait3A_307 = arith.constant 24 : i32
    %dma_wait3A_308 = arith.constant 0 : i32
    %dma_wait3A_309 = tpu.memref_slice %arg8[%dma_wait3A_307, %dma_wait3A_308] : memref<32x768xf32, #tpu.memory_space<vmem>> -> memref<8x768xf32, #tpu.memory_space<vmem>>
    tpu.wait_dma2 semaphore(%arg16 : memref<!tpu.dma_semaphore, #tpu.memory_space<semaphore_mem>>) src(%dma_wait3A_309 : memref<8x768xf32, #tpu.memory_space<vmem>>) dst(%dma_wait3A_306 : memref<8x768xf32, #tpu.memory_space<hbm>>)
    %dma_start3A_310 = arith.constant 4 : i32
    %dma_start3A_311 = arith.constant 0 : i32
    %dma_start3A_312 = tpu.memref_slice %arg6[%dma_start3A_310, %dma_start3A_311] : memref<8x32xi32, #tpu.memory_space<vmem>> -> memref<1x32xi32, #tpu.memory_space<vmem>>
    %dma_start3A_313 = tpu.memref_squeeze %dma_start3A_312 : memref<1x32xi32, #tpu.memory_space<vmem>> -> memref<32xi32, #tpu.memory_space<vmem>>
    %dma_start3A_314 = arith.constant 0 : i32
    %dma_start3A_315 = arith.constant 0 : i32
    %dma_start3A_316 = tpu.memref_slice %arg3[%dma_start3A_314, %dma_start3A_315] : memref<100000x768xf32, #tpu.memory_space<hbm>> -> memref<100000x768xf32, #tpu.memory_space<hbm>>
    tpu.enqueue_indirect_dma source(%dma_start3A_316 : memref<100000x768xf32, #tpu.memory_space<hbm>>) target(%arg8 : memref<32x768xf32, #tpu.memory_space<vmem>>) offsets(%dma_start3A_313 : memref<32xi32, #tpu.memory_space<vmem>>) semaphore(%arg12 : memref<!tpu.dma_semaphore, #tpu.memory_space<semaphore_mem>>)
    %dma_wait3A_317 = arith.constant 2 : i32
    %dma_wait3A_318 = arith.constant 0 : i32
    %dma_wait3A_319 = tpu.memref_slice %arg6[%dma_wait3A_317, %dma_wait3A_318] : memref<8x32xi32, #tpu.memory_space<vmem>> -> memref<1x32xi32, #tpu.memory_space<vmem>>
    %dma_wait3A_320 = tpu.memref_squeeze %dma_wait3A_319 : memref<1x32xi32, #tpu.memory_space<vmem>> -> memref<32xi32, #tpu.memory_space<vmem>>
    %dma_wait3A_321 = arith.constant 0 : i32
    %dma_wait3A_322 = arith.constant 0 : i32
    %dma_wait3A_323 = tpu.memref_slice %arg3[%dma_wait3A_321, %dma_wait3A_322] : memref<100000x768xf32, #tpu.memory_space<hbm>> -> memref<100000x768xf32, #tpu.memory_space<hbm>>
    tpu.wait_indirect_dma semaphore(%arg14 : memref<!tpu.dma_semaphore, #tpu.memory_space<semaphore_mem>>) src(%dma_wait3A_323 : memref<100000x768xf32, #tpu.memory_space<hbm>>) dst(%arg10 : memref<32x768xf32, #tpu.memory_space<vmem>>)
    %dma_wait3A_324 = arith.constant 0 : i32
    %dma_wait3A_325 = arith.constant 0 : i32
    %dma_wait3A_326 = arith.constant 0 : i32
    %dma_wait3A_327 = tpu.memref_slice %arg7[%dma_wait3A_324, %dma_wait3A_325, %dma_wait3A_326] : memref<2x8x768xf32, #tpu.memory_space<vmem>> -> memref<1x8x768xf32, #tpu.memory_space<vmem>>
    %dma_wait3A_328 = tpu.memref_squeeze %dma_wait3A_327 : memref<1x8x768xf32, #tpu.memory_space<vmem>> -> memref<8x768xf32, #tpu.memory_space<vmem>>
    %dma_wait3A_329 = arith.constant 0 : i32
    %dma_wait3A_330 = tpu.memref_slice %arg4[%add3A_137, %dma_wait3A_329] : memref<2048x768xf32, #tpu.memory_space<hbm>> -> memref<8x768xf32, #tpu.memory_space<hbm>>
    %dma_wait3A_331 = arith.constant 0 : i32
    %dma_wait3A_332 = arith.constant 0 : i32
    %dma_wait3A_333 = tpu.memref_slice %arg7[%dma_wait3A_324, %dma_wait3A_331, %dma_wait3A_332] : memref<2x8x768xf32, #tpu.memory_space<vmem>> -> memref<1x8x768xf32, #tpu.memory_space<vmem>>
    %dma_wait3A_334 = tpu.memref_squeeze %dma_wait3A_333 : memref<1x8x768xf32, #tpu.memory_space<vmem>> -> memref<8x768xf32, #tpu.memory_space<vmem>>
    %dma_wait3A_335 = arith.constant 0 : i32
    %dma_wait3A_336 = tpu.memref_slice %arg4[%add3A_137, %dma_wait3A_335] : memref<2048x768xf32, #tpu.memory_space<hbm>> -> memref<8x768xf32, #tpu.memory_space<hbm>>
    tpu.wait_dma2 semaphore(%arg20 : memref<!tpu.dma_semaphore, #tpu.memory_space<semaphore_mem>>) src(%dma_wait3A_336 : memref<8x768xf32, #tpu.memory_space<hbm>>) dst(%dma_wait3A_334 : memref<8x768xf32, #tpu.memory_space<vmem>>)
    %scan3A_337 = arith.constant 0 : i32
    %scan3A_338 = arith.constant 8 : i32
    %scan3A_339 = arith.addi %scan3A_337, %scan3A_338 : i32
    %scan3A_340 = arith.constant 1 : i32
    scf.for %scan3A_1272 = %scan3A_337 to %scan3A_339 step %scan3A_340  : i32 {
      %scan3A_1273 = arith.constant 0 : i32
      %scan3A_1274 = arith.constant 12 : i32
      %scan3A_1275 = arith.addi %scan3A_1273, %scan3A_1274 : i32
      %scan3A_1276 = arith.constant 1 : i32
      scf.for %scan3A_1278 = %scan3A_1273 to %scan3A_1275 step %scan3A_1276  : i32 {
        %mul3A_1279 = arith.constant 64 : i32
        %mul3A_1280 = arith.muli %scan3A_1278, %mul3A_1279 : i32
        %add3A_1281 = arith.constant 0 : i32
        %add3A_1282 = arith.addi %mul3A_1280, %add3A_1281 : i32
        %get3A = arith.constant 0 : i32
        %get3A_1283 = arith.index_cast %get3A : i32 to index
        %get3A_1284 = arith.index_cast %scan3A_1272 : i32 to index
        %get3A_1285 = arith.index_cast %add3A_1282 : i32 to index
        %get3A_1286 = tpu.vector_load %arg7[%get3A_1283, %get3A_1284, %get3A_1285] {strides = array<i32>} : memref<2x8x768xf32, #tpu.memory_space<vmem>>, vector<1x1x16xf32>,
        %get3A_1287 = vector.shape_cast %get3A_1286 : vector<1x1x16xf32> to vector<16xf32>
        %add3A_1288 = arith.constant 16 : i32
        %add3A_1289 = arith.addi %mul3A_1280, %add3A_1288 : i32
        %get3A_1290 = arith.constant 0 : i32
        %get3A_1291 = arith.index_cast %get3A_1290 : i32 to index
        %get3A_1292 = arith.index_cast %scan3A_1272 : i32 to index
        %get3A_1293 = arith.index_cast %add3A_1289 : i32 to index
        %get3A_1294 = tpu.vector_load %arg7[%get3A_1291, %get3A_1292, %get3A_1293] {strides = array<i32>} : memref<2x8x768xf32, #tpu.memory_space<vmem>>, vector<1x1x16xf32>,
        %get3A_1295 = vector.shape_cast %get3A_1294 : vector<1x1x16xf32> to vector<16xf32>
        %add3A_1296 = arith.constant 32 : i32
        %add3A_1297 = arith.addi %mul3A_1280, %add3A_1296 : i32
        %get3A_1298 = arith.constant 0 : i32
        %get3A_1299 = arith.index_cast %get3A_1298 : i32 to index
        %get3A_1300 = arith.index_cast %scan3A_1272 : i32 to index
        %get3A_1301 = arith.index_cast %add3A_1297 : i32 to index
        %get3A_1302 = tpu.vector_load %arg7[%get3A_1299, %get3A_1300, %get3A_1301] {strides = array<i32>} : memref<2x8x768xf32, #tpu.memory_space<vmem>>, vector<1x1x16xf32>,
        %get3A_1303 = vector.shape_cast %get3A_1302 : vector<1x1x16xf32> to vector<16xf32>
        %add3A_1304 = arith.constant 48 : i32
        %add3A_1305 = arith.addi %mul3A_1280, %add3A_1304 : i32
        %get3A_1306 = arith.constant 0 : i32
        %get3A_1307 = arith.index_cast %get3A_1306 : i32 to index
        %get3A_1308 = arith.index_cast %scan3A_1272 : i32 to index
        %get3A_1309 = arith.index_cast %add3A_1305 : i32 to index
        %get3A_1310 = tpu.vector_load %arg7[%get3A_1307, %get3A_1308, %get3A_1309] {strides = array<i32>} : memref<2x8x768xf32, #tpu.memory_space<vmem>>, vector<1x1x16xf32>,
        %get3A_1311 = vector.shape_cast %get3A_1310 : vector<1x1x16xf32> to vector<16xf32>
        %add3A_1312 = arith.constant 0 : i32
        %add3A_1313 = arith.addi %add3A_1312, %scan3A_1272 : i32
        %add3A_1314 = arith.constant 0 : i32
        %add3A_1315 = arith.addi %mul3A_1280, %add3A_1314 : i32
        %swap3A = arith.index_cast %add3A_1313 : i32 to index
        %swap3A_1316 = arith.index_cast %add3A_1315 : i32 to index
        %swap3A_1317 = tpu.vector_load %arg10[%swap3A, %swap3A_1316] {strides = array<i32>} : memref<32x768xf32, #tpu.memory_space<vmem>>, vector<1x16xf32>,
        %swap3A_1318 = vector.shape_cast %swap3A_1317 : vector<1x16xf32> to vector<16xf32>
        %swap3A_1319 = vector.shape_cast %get3A_1287 : vector<16xf32> to vector<1x16xf32>
        tpu.vector_store %arg10[%swap3A, %swap3A_1316], %swap3A_1319 {add = true, strides = array<i32>} : memref<32x768xf32, #tpu.memory_space<vmem>>, vector<1x16xf32>,
        %add3A_1320 = arith.constant 16 : i32
        %add3A_1321 = arith.addi %mul3A_1280, %add3A_1320 : i32
        %swap3A_1322 = arith.index_cast %add3A_1313 : i32 to index
        %swap3A_1323 = arith.index_cast %add3A_1321 : i32 to index
        %swap3A_1324 = tpu.vector_load %arg10[%swap3A_1322, %swap3A_1323] {strides = array<i32>} : memref<32x768xf32, #tpu.memory_space<vmem>>, vector<1x16xf32>,
        %swap3A_1325 = vector.shape_cast %swap3A_1324 : vector<1x16xf32> to vector<16xf32>
        %swap3A_1326 = vector.shape_cast %get3A_1295 : vector<16xf32> to vector<1x16xf32>
        tpu.vector_store %arg10[%swap3A_1322, %swap3A_1323], %swap3A_1326 {add = true, strides = array<i32>} : memref<32x768xf32, #tpu.memory_space<vmem>>, vector<1x16xf32>,
        %add3A_1327 = arith.constant 32 : i32
        %add3A_1328 = arith.addi %mul3A_1280, %add3A_1327 : i32
        %swap3A_1329 = arith.index_cast %add3A_1313 : i32 to index
        %swap3A_1330 = arith.index_cast %add3A_1328 : i32 to index
        %swap3A_1331 = tpu.vector_load %arg10[%swap3A_1329, %swap3A_1330] {strides = array<i32>} : memref<32x768xf32, #tpu.memory_space<vmem>>, vector<1x16xf32>,
        %swap3A_1332 = vector.shape_cast %swap3A_1331 : vector<1x16xf32> to vector<16xf32>
        %swap3A_1333 = vector.shape_cast %get3A_1303 : vector<16xf32> to vector<1x16xf32>
        tpu.vector_store %arg10[%swap3A_1329, %swap3A_1330], %swap3A_1333 {add = true, strides = array<i32>} : memref<32x768xf32, #tpu.memory_space<vmem>>, vector<1x16xf32>,
        %add3A_1334 = arith.constant 48 : i32
        %add3A_1335 = arith.addi %mul3A_1280, %add3A_1334 : i32
        %swap3A_1336 = arith.index_cast %add3A_1313 : i32 to index
        %swap3A_1337 = arith.index_cast %add3A_1335 : i32 to index
        %swap3A_1338 = tpu.vector_load %arg10[%swap3A_1336, %swap3A_1337] {strides = array<i32>} : memref<32x768xf32, #tpu.memory_space<vmem>>, vector<1x16xf32>,
        %swap3A_1339 = vector.shape_cast %swap3A_1338 : vector<1x16xf32> to vector<16xf32>
        %swap3A_1340 = vector.shape_cast %get3A_1311 : vector<16xf32> to vector<1x16xf32>
        tpu.vector_store %arg10[%swap3A_1336, %swap3A_1337], %swap3A_1340 {add = true, strides = array<i32>} : memref<32x768xf32, #tpu.memory_space<vmem>>, vector<1x16xf32>,
        %add3A_1341 = arith.constant 8 : i32
        %add3A_1342 = arith.addi %add3A_1341, %scan3A_1272 : i32
        %add3A_1343 = arith.constant 0 : i32
        %add3A_1344 = arith.addi %mul3A_1280, %add3A_1343 : i32
        %swap3A_1345 = arith.index_cast %add3A_1342 : i32 to index
        %swap3A_1346 = arith.index_cast %add3A_1344 : i32 to index
        %swap3A_1347 = tpu.vector_load %arg10[%swap3A_1345, %swap3A_1346] {strides = array<i32>} : memref<32x768xf32, #tpu.memory_space<vmem>>, vector<1x16xf32>,
        %swap3A_1348 = vector.shape_cast %swap3A_1347 : vector<1x16xf32> to vector<16xf32>
        %swap3A_1349 = vector.shape_cast %get3A_1287 : vector<16xf32> to vector<1x16xf32>
        tpu.vector_store %arg10[%swap3A_1345, %swap3A_1346], %swap3A_1349 {add = true, strides = array<i32>} : memref<32x768xf32, #tpu.memory_space<vmem>>, vector<1x16xf32>,
        %add3A_1350 = arith.constant 16 : i32
        %add3A_1351 = arith.addi %mul3A_1280, %add3A_1350 : i32
        %swap3A_1352 = arith.index_cast %add3A_1342 : i32 to index
        %swap3A_1353 = arith.index_cast %add3A_1351 : i32 to index
        %swap3A_1354 = tpu.vector_load %arg10[%swap3A_1352, %swap3A_1353] {strides = array<i32>} : memref<32x768xf32, #tpu.memory_space<vmem>>, vector<1x16xf32>,
        %swap3A_1355 = vector.shape_cast %swap3A_1354 : vector<1x16xf32> to vector<16xf32>
        %swap3A_1356 = vector.shape_cast %get3A_1295 : vector<16xf32> to vector<1x16xf32>
        tpu.vector_store %arg10[%swap3A_1352, %swap3A_1353], %swap3A_1356 {add = true, strides = array<i32>} : memref<32x768xf32, #tpu.memory_space<vmem>>, vector<1x16xf32>,
        %add3A_1357 = arith.constant 32 : i32
        %add3A_1358 = arith.addi %mul3A_1280, %add3A_1357 : i32
        %swap3A_1359 = arith.index_cast %add3A_1342 : i32 to index
        %swap3A_1360 = arith.index_cast %add3A_1358 : i32 to index
        %swap3A_1361 = tpu.vector_load %arg10[%swap3A_1359, %swap3A_1360] {strides = array<i32>} : memref<32x768xf32, #tpu.memory_space<vmem>>, vector<1x16xf32>,
        %swap3A_1362 = vector.shape_cast %swap3A_1361 : vector<1x16xf32> to vector<16xf32>
        %swap3A_1363 = vector.shape_cast %get3A_1303 : vector<16xf32> to vector<1x16xf32>
        tpu.vector_store %arg10[%swap3A_1359, %swap3A_1360], %swap3A_1363 {add = true, strides = array<i32>} : memref<32x768xf32, #tpu.memory_space<vmem>>, vector<1x16xf32>,
        %add3A_1364 = arith.constant 48 : i32
        %add3A_1365 = arith.addi %mul3A_1280, %add3A_1364 : i32
        %swap3A_1366 = arith.index_cast %add3A_1342 : i32 to index
        %swap3A_1367 = arith.index_cast %add3A_1365 : i32 to index
        %swap3A_1368 = tpu.vector_load %arg10[%swap3A_1366, %swap3A_1367] {strides = array<i32>} : memref<32x768xf32, #tpu.memory_space<vmem>>, vector<1x16xf32>,
        %swap3A_1369 = vector.shape_cast %swap3A_1368 : vector<1x16xf32> to vector<16xf32>
        %swap3A_1370 = vector.shape_cast %get3A_1311 : vector<16xf32> to vector<1x16xf32>
        tpu.vector_store %arg10[%swap3A_1366, %swap3A_1367], %swap3A_1370 {add = true, strides = array<i32>} : memref<32x768xf32, #tpu.memory_space<vmem>>, vector<1x16xf32>,
        %add3A_1371 = arith.constant 16 : i32
        %add3A_1372 = arith.addi %add3A_1371, %scan3A_1272 : i32
        %add3A_1373 = arith.constant 0 : i32
        %add3A_1374 = arith.addi %mul3A_1280, %add3A_1373 : i32
        %swap3A_1375 = arith.index_cast %add3A_1372 : i32 to index
        %swap3A_1376 = arith.index_cast %add3A_1374 : i32 to index
        %swap3A_1377 = tpu.vector_load %arg10[%swap3A_1375, %swap3A_1376] {strides = array<i32>} : memref<32x768xf32, #tpu.memory_space<vmem>>, vector<1x16xf32>,
        %swap3A_1378 = vector.shape_cast %swap3A_1377 : vector<1x16xf32> to vector<16xf32>
        %swap3A_1379 = vector.shape_cast %get3A_1287 : vector<16xf32> to vector<1x16xf32>
        tpu.vector_store %arg10[%swap3A_1375, %swap3A_1376], %swap3A_1379 {add = true, strides = array<i32>} : memref<32x768xf32, #tpu.memory_space<vmem>>, vector<1x16xf32>,
        %add3A_1380 = arith.constant 16 : i32
        %add3A_1381 = arith.addi %mul3A_1280, %add3A_1380 : i32
        %swap3A_1382 = arith.index_cast %add3A_1372 : i32 to index
        %swap3A_1383 = arith.index_cast %add3A_1381 : i32 to index
        %swap3A_1384 = tpu.vector_load %arg10[%swap3A_1382, %swap3A_1383] {strides = array<i32>} : memref<32x768xf32, #tpu.memory_space<vmem>>, vector<1x16xf32>,
        %swap3A_1385 = vector.shape_cast %swap3A_1384 : vector<1x16xf32> to vector<16xf32>
        %swap3A_1386 = vector.shape_cast %get3A_1295 : vector<16xf32> to vector<1x16xf32>
        tpu.vector_store %arg10[%swap3A_1382, %swap3A_1383], %swap3A_1386 {add = true, strides = array<i32>} : memref<32x768xf32, #tpu.memory_space<vmem>>, vector<1x16xf32>,
        %add3A_1387 = arith.constant 32 : i32
        %add3A_1388 = arith.addi %mul3A_1280, %add3A_1387 : i32
        %swap3A_1389 = arith.index_cast %add3A_1372 : i32 to index
        %swap3A_1390 = arith.index_cast %add3A_1388 : i32 to index
        %swap3A_1391 = tpu.vector_load %arg10[%swap3A_1389, %swap3A_1390] {strides = array<i32>} : memref<32x768xf32, #tpu.memory_space<vmem>>, vector<1x16xf32>,
        %swap3A_1392 = vector.shape_cast %swap3A_1391 : vector<1x16xf32> to vector<16xf32>
        %swap3A_1393 = vector.shape_cast %get3A_1303 : vector<16xf32> to vector<1x16xf32>
        tpu.vector_store %arg10[%swap3A_1389, %swap3A_1390], %swap3A_1393 {add = true, strides = array<i32>} : memref<32x768xf32, #tpu.memory_space<vmem>>, vector<1x16xf32>,
        %add3A_1394 = arith.constant 48 : i32
        %add3A_1395 = arith.addi %mul3A_1280, %add3A_1394 : i32
        %swap3A_1396 = arith.index_cast %add3A_1372 : i32 to index
        %swap3A_1397 = arith.index_cast %add3A_1395 : i32 to index
        %swap3A_1398 = tpu.vector_load %arg10[%swap3A_1396, %swap3A_1397] {strides = array<i32>} : memref<32x768xf32, #tpu.memory_space<vmem>>, vector<1x16xf32>,
        %swap3A_1399 = vector.shape_cast %swap3A_1398 : vector<1x16xf32> to vector<16xf32>
        %swap3A_1400 = vector.shape_cast %get3A_1311 : vector<16xf32> to vector<1x16xf32>
        tpu.vector_store %arg10[%swap3A_1396, %swap3A_1397], %swap3A_1400 {add = true, strides = array<i32>} : memref<32x768xf32, #tpu.memory_space<vmem>>, vector<1x16xf32>,
        %add3A_1401 = arith.constant 24 : i32
        %add3A_1402 = arith.addi %add3A_1401, %scan3A_1272 : i32
        %add3A_1403 = arith.constant 0 : i32
        %add3A_1404 = arith.addi %mul3A_1280, %add3A_1403 : i32
        %swap3A_1405 = arith.index_cast %add3A_1402 : i32 to index
        %swap3A_1406 = arith.index_cast %add3A_1404 : i32 to index
        %swap3A_1407 = tpu.vector_load %arg10[%swap3A_1405, %swap3A_1406] {strides = array<i32>} : memref<32x768xf32, #tpu.memory_space<vmem>>, vector<1x16xf32>,
        %swap3A_1408 = vector.shape_cast %swap3A_1407 : vector<1x16xf32> to vector<16xf32>
        %swap3A_1409 = vector.shape_cast %get3A_1287 : vector<16xf32> to vector<1x16xf32>
        tpu.vector_store %arg10[%swap3A_1405, %swap3A_1406], %swap3A_1409 {add = true, strides = array<i32>} : memref<32x768xf32, #tpu.memory_space<vmem>>, vector<1x16xf32>,
        %add3A_1410 = arith.constant 16 : i32
        %add3A_1411 = arith.addi %mul3A_1280, %add3A_1410 : i32
        %swap3A_1412 = arith.index_cast %add3A_1402 : i32 to index
        %swap3A_1413 = arith.index_cast %add3A_1411 : i32 to index
        %swap3A_1414 = tpu.vector_load %arg10[%swap3A_1412, %swap3A_1413] {strides = array<i32>} : memref<32x768xf32, #tpu.memory_space<vmem>>, vector<1x16xf32>,
        %swap3A_1415 = vector.shape_cast %swap3A_1414 : vector<1x16xf32> to vector<16xf32>
        %swap3A_1416 = vector.shape_cast %get3A_1295 : vector<16xf32> to vector<1x16xf32>
        tpu.vector_store %arg10[%swap3A_1412, %swap3A_1413], %swap3A_1416 {add = true, strides = array<i32>} : memref<32x768xf32, #tpu.memory_space<vmem>>, vector<1x16xf32>,
        %add3A_1417 = arith.constant 32 : i32
        %add3A_1418 = arith.addi %mul3A_1280, %add3A_1417 : i32
        %swap3A_1419 = arith.index_cast %add3A_1402 : i32 to index
        %swap3A_1420 = arith.index_cast %add3A_1418 : i32 to index
        %swap3A_1421 = tpu.vector_load %arg10[%swap3A_1419, %swap3A_1420] {strides = array<i32>} : memref<32x768xf32, #tpu.memory_space<vmem>>, vector<1x16xf32>,
        %swap3A_1422 = vector.shape_cast %swap3A_1421 : vector<1x16xf32> to vector<16xf32>
        %swap3A_1423 = vector.shape_cast %get3A_1303 : vector<16xf32> to vector<1x16xf32>
        tpu.vector_store %arg10[%swap3A_1419, %swap3A_1420], %swap3A_1423 {add = true, strides = array<i32>} : memref<32x768xf32, #tpu.memory_space<vmem>>, vector<1x16xf32>,
        %add3A_1424 = arith.constant 48 : i32
        %add3A_1425 = arith.addi %mul3A_1280, %add3A_1424 : i32
        %swap3A_1426 = arith.index_cast %add3A_1402 : i32 to index
        %swap3A_1427 = arith.index_cast %add3A_1425 : i32 to index
        %swap3A_1428 = tpu.vector_load %arg10[%swap3A_1426, %swap3A_1427] {strides = array<i32>} : memref<32x768xf32, #tpu.memory_space<vmem>>, vector<1x16xf32>,
        %swap3A_1429 = vector.shape_cast %swap3A_1428 : vector<1x16xf32> to vector<16xf32>
        %swap3A_1430 = vector.shape_cast %get3A_1311 : vector<16xf32> to vector<1x16xf32>
        tpu.vector_store %arg10[%swap3A_1426, %swap3A_1427], %swap3A_1430 {add = true, strides = array<i32>} : memref<32x768xf32, #tpu.memory_space<vmem>>, vector<1x16xf32>,
      }
      %scan3A_1277 = arith.constant 12 : i32
    }
    %scan3A_341 = arith.constant 8 : i32
    %add3A_342 = arith.constant 16 : i32
    %add3A_343 = arith.addi %mul3A_2, %add3A_342 : i32
    %dma_start3A_344 = arith.constant 0 : i32
    %dma_start3A_345 = arith.constant 0 : i32
    %dma_start3A_346 = arith.constant 0 : i32
    %dma_start3A_347 = tpu.memref_slice %arg10[%dma_start3A_345, %dma_start3A_346] : memref<32x768xf32, #tpu.memory_space<vmem>> -> memref<8x768xf32, #tpu.memory_space<vmem>>
    %dma_start3A_348 = arith.constant 0 : i32
    %dma_start3A_349 = tpu.memref_slice %arg5[%dma_start3A_344, %add3A_343, %dma_start3A_348] : memref<4x2048x768xf32, #tpu.memory_space<hbm>> -> memref<1x8x768xf32, #tpu.memory_space<hbm>>
    %dma_start3A_350 = tpu.memref_squeeze %dma_start3A_349 : memref<1x8x768xf32, #tpu.memory_space<hbm>> -> memref<8x768xf32, #tpu.memory_space<hbm>>
    %dma_start3A_351 = arith.constant 0 : i32
    %dma_start3A_352 = tpu.memref_slice %arg5[%dma_start3A_344, %add3A_343, %dma_start3A_351] : memref<4x2048x768xf32, #tpu.memory_space<hbm>> -> memref<1x8x768xf32, #tpu.memory_space<hbm>>
    %dma_start3A_353 = tpu.memref_squeeze %dma_start3A_352 : memref<1x8x768xf32, #tpu.memory_space<hbm>> -> memref<8x768xf32, #tpu.memory_space<hbm>>
    %dma_start3A_354 = arith.constant 0 : i32
    %dma_start3A_355 = arith.constant 0 : i32
    %dma_start3A_356 = tpu.memref_slice %arg10[%dma_start3A_354, %dma_start3A_355] : memref<32x768xf32, #tpu.memory_space<vmem>> -> memref<8x768xf32, #tpu.memory_space<vmem>>
    tpu.enqueue_dma source(%dma_start3A_356 : memref<8x768xf32, #tpu.memory_space<vmem>>) target(%dma_start3A_353 : memref<8x768xf32, #tpu.memory_space<hbm>>) target_semaphore(%arg18 : memref<!tpu.dma_semaphore, #tpu.memory_space<semaphore_mem>>)
    %add3A_357 = arith.constant 16 : i32
    %add3A_358 = arith.addi %mul3A_2, %add3A_357 : i32
    %dma_start3A_359 = arith.constant 1 : i32
    %dma_start3A_360 = arith.constant 8 : i32
    %dma_start3A_361 = arith.constant 0 : i32
    %dma_start3A_362 = tpu.memref_slice %arg10[%dma_start3A_360, %dma_start3A_361] : memref<32x768xf32, #tpu.memory_space<vmem>> -> memref<8x768xf32, #tpu.memory_space<vmem>>
    %dma_start3A_363 = arith.constant 0 : i32
    %dma_start3A_364 = tpu.memref_slice %arg5[%dma_start3A_359, %add3A_358, %dma_start3A_363] : memref<4x2048x768xf32, #tpu.memory_space<hbm>> -> memref<1x8x768xf32, #tpu.memory_space<hbm>>
    %dma_start3A_365 = tpu.memref_squeeze %dma_start3A_364 : memref<1x8x768xf32, #tpu.memory_space<hbm>> -> memref<8x768xf32, #tpu.memory_space<hbm>>
    %dma_start3A_366 = arith.constant 0 : i32
    %dma_start3A_367 = tpu.memref_slice %arg5[%dma_start3A_359, %add3A_358, %dma_start3A_366] : memref<4x2048x768xf32, #tpu.memory_space<hbm>> -> memref<1x8x768xf32, #tpu.memory_space<hbm>>
    %dma_start3A_368 = tpu.memref_squeeze %dma_start3A_367 : memref<1x8x768xf32, #tpu.memory_space<hbm>> -> memref<8x768xf32, #tpu.memory_space<hbm>>
    %dma_start3A_369 = arith.constant 8 : i32
    %dma_start3A_370 = arith.constant 0 : i32
    %dma_start3A_371 = tpu.memref_slice %arg10[%dma_start3A_369, %dma_start3A_370] : memref<32x768xf32, #tpu.memory_space<vmem>> -> memref<8x768xf32, #tpu.memory_space<vmem>>
    tpu.enqueue_dma source(%dma_start3A_371 : memref<8x768xf32, #tpu.memory_space<vmem>>) target(%dma_start3A_368 : memref<8x768xf32, #tpu.memory_space<hbm>>) target_semaphore(%arg18 : memref<!tpu.dma_semaphore, #tpu.memory_space<semaphore_mem>>)
    %add3A_372 = arith.constant 16 : i32
    %add3A_373 = arith.addi %mul3A_2, %add3A_372 : i32
    %dma_start3A_374 = arith.constant 2 : i32
    %dma_start3A_375 = arith.constant 16 : i32
    %dma_start3A_376 = arith.constant 0 : i32
    %dma_start3A_377 = tpu.memref_slice %arg10[%dma_start3A_375, %dma_start3A_376] : memref<32x768xf32, #tpu.memory_space<vmem>> -> memref<8x768xf32, #tpu.memory_space<vmem>>
    %dma_start3A_378 = arith.constant 0 : i32
    %dma_start3A_379 = tpu.memref_slice %arg5[%dma_start3A_374, %add3A_373, %dma_start3A_378] : memref<4x2048x768xf32, #tpu.memory_space<hbm>> -> memref<1x8x768xf32, #tpu.memory_space<hbm>>
    %dma_start3A_380 = tpu.memref_squeeze %dma_start3A_379 : memref<1x8x768xf32, #tpu.memory_space<hbm>> -> memref<8x768xf32, #tpu.memory_space<hbm>>
    %dma_start3A_381 = arith.constant 0 : i32
    %dma_start3A_382 = tpu.memref_slice %arg5[%dma_start3A_374, %add3A_373, %dma_start3A_381] : memref<4x2048x768xf32, #tpu.memory_space<hbm>> -> memref<1x8x768xf32, #tpu.memory_space<hbm>>
    %dma_start3A_383 = tpu.memref_squeeze %dma_start3A_382 : memref<1x8x768xf32, #tpu.memory_space<hbm>> -> memref<8x768xf32, #tpu.memory_space<hbm>>
    %dma_start3A_384 = arith.constant 16 : i32
    %dma_start3A_385 = arith.constant 0 : i32
    %dma_start3A_386 = tpu.memref_slice %arg10[%dma_start3A_384, %dma_start3A_385] : memref<32x768xf32, #tpu.memory_space<vmem>> -> memref<8x768xf32, #tpu.memory_space<vmem>>
    tpu.enqueue_dma source(%dma_start3A_386 : memref<8x768xf32, #tpu.memory_space<vmem>>) target(%dma_start3A_383 : memref<8x768xf32, #tpu.memory_space<hbm>>) target_semaphore(%arg18 : memref<!tpu.dma_semaphore, #tpu.memory_space<semaphore_mem>>)
    %add3A_387 = arith.constant 16 : i32
    %add3A_388 = arith.addi %mul3A_2, %add3A_387 : i32
    %dma_start3A_389 = arith.constant 3 : i32
    %dma_start3A_390 = arith.constant 24 : i32
    %dma_start3A_391 = arith.constant 0 : i32
    %dma_start3A_392 = tpu.memref_slice %arg10[%dma_start3A_390, %dma_start3A_391] : memref<32x768xf32, #tpu.memory_space<vmem>> -> memref<8x768xf32, #tpu.memory_space<vmem>>
    %dma_start3A_393 = arith.constant 0 : i32
    %dma_start3A_394 = tpu.memref_slice %arg5[%dma_start3A_389, %add3A_388, %dma_start3A_393] : memref<4x2048x768xf32, #tpu.memory_space<hbm>> -> memref<1x8x768xf32, #tpu.memory_space<hbm>>
    %dma_start3A_395 = tpu.memref_squeeze %dma_start3A_394 : memref<1x8x768xf32, #tpu.memory_space<hbm>> -> memref<8x768xf32, #tpu.memory_space<hbm>>
    %dma_start3A_396 = arith.constant 0 : i32
    %dma_start3A_397 = tpu.memref_slice %arg5[%dma_start3A_389, %add3A_388, %dma_start3A_396] : memref<4x2048x768xf32, #tpu.memory_space<hbm>> -> memref<1x8x768xf32, #tpu.memory_space<hbm>>
    %dma_start3A_398 = tpu.memref_squeeze %dma_start3A_397 : memref<1x8x768xf32, #tpu.memory_space<hbm>> -> memref<8x768xf32, #tpu.memory_space<hbm>>
    %dma_start3A_399 = arith.constant 24 : i32
    %dma_start3A_400 = arith.constant 0 : i32
    %dma_start3A_401 = tpu.memref_slice %arg10[%dma_start3A_399, %dma_start3A_400] : memref<32x768xf32, #tpu.memory_space<vmem>> -> memref<8x768xf32, #tpu.memory_space<vmem>>
    tpu.enqueue_dma source(%dma_start3A_401 : memref<8x768xf32, #tpu.memory_space<vmem>>) target(%dma_start3A_398 : memref<8x768xf32, #tpu.memory_space<hbm>>) target_semaphore(%arg18 : memref<!tpu.dma_semaphore, #tpu.memory_space<semaphore_mem>>)
    %add3A_402 = arith.constant 32 : i32
    %add3A_403 = arith.addi %mul3A_2, %add3A_402 : i32
    %dma_start3A_404 = arith.constant 0 : i32
    %dma_start3A_405 = arith.constant 0 : i32
    %dma_start3A_406 = arith.constant 0 : i32
    %dma_start3A_407 = tpu.memref_slice %arg7[%dma_start3A_404, %dma_start3A_405, %dma_start3A_406] : memref<2x8x768xf32, #tpu.memory_space<vmem>> -> memref<1x8x768xf32, #tpu.memory_space<vmem>>
    %dma_start3A_408 = tpu.memref_squeeze %dma_start3A_407 : memref<1x8x768xf32, #tpu.memory_space<vmem>> -> memref<8x768xf32, #tpu.memory_space<vmem>>
    %dma_start3A_409 = arith.constant 0 : i32
    %dma_start3A_410 = tpu.memref_slice %arg4[%add3A_403, %dma_start3A_409] : memref<2048x768xf32, #tpu.memory_space<hbm>> -> memref<8x768xf32, #tpu.memory_space<hbm>>
    %dma_start3A_411 = arith.constant 0 : i32
    %dma_start3A_412 = arith.constant 0 : i32
    %dma_start3A_413 = tpu.memref_slice %arg7[%dma_start3A_404, %dma_start3A_411, %dma_start3A_412] : memref<2x8x768xf32, #tpu.memory_space<vmem>> -> memref<1x8x768xf32, #tpu.memory_space<vmem>>
    %dma_start3A_414 = tpu.memref_squeeze %dma_start3A_413 : memref<1x8x768xf32, #tpu.memory_space<vmem>> -> memref<8x768xf32, #tpu.memory_space<vmem>>
    %dma_start3A_415 = arith.constant 0 : i32
    %dma_start3A_416 = tpu.memref_slice %arg4[%add3A_403, %dma_start3A_415] : memref<2048x768xf32, #tpu.memory_space<hbm>> -> memref<8x768xf32, #tpu.memory_space<hbm>>
    tpu.enqueue_dma source(%dma_start3A_416 : memref<8x768xf32, #tpu.memory_space<hbm>>) target(%dma_start3A_414 : memref<8x768xf32, #tpu.memory_space<vmem>>) target_semaphore(%arg20 : memref<!tpu.dma_semaphore, #tpu.memory_space<semaphore_mem>>)
    %dma_wait3A_417 = arith.constant 0 : i32
    %dma_wait3A_418 = arith.constant 0 : i32
    %dma_wait3A_419 = arith.constant 0 : i32
    %dma_wait3A_420 = tpu.memref_slice %arg9[%dma_wait3A_418, %dma_wait3A_419] : memref<32x768xf32, #tpu.memory_space<vmem>> -> memref<8x768xf32, #tpu.memory_space<vmem>>
    %dma_wait3A_421 = arith.constant 0 : i32
    %dma_wait3A_422 = tpu.memref_slice %arg5[%dma_wait3A_417, %add3A_184, %dma_wait3A_421] : memref<4x2048x768xf32, #tpu.memory_space<hbm>> -> memref<1x8x768xf32, #tpu.memory_space<hbm>>
    %dma_wait3A_423 = tpu.memref_squeeze %dma_wait3A_422 : memref<1x8x768xf32, #tpu.memory_space<hbm>> -> memref<8x768xf32, #tpu.memory_space<hbm>>
    %dma_wait3A_424 = arith.constant 0 : i32
    %dma_wait3A_425 = tpu.memref_slice %arg5[%dma_wait3A_417, %add3A_184, %dma_wait3A_424] : memref<4x2048x768xf32, #tpu.memory_space<hbm>> -> memref<1x8x768xf32, #tpu.memory_space<hbm>>
    %dma_wait3A_426 = tpu.memref_squeeze %dma_wait3A_425 : memref<1x8x768xf32, #tpu.memory_space<hbm>> -> memref<8x768xf32, #tpu.memory_space<hbm>>
    %dma_wait3A_427 = arith.constant 0 : i32
    %dma_wait3A_428 = arith.constant 0 : i32
    %dma_wait3A_429 = tpu.memref_slice %arg9[%dma_wait3A_427, %dma_wait3A_428] : memref<32x768xf32, #tpu.memory_space<vmem>> -> memref<8x768xf32, #tpu.memory_space<vmem>>
    tpu.wait_dma2 semaphore(%arg17 : memref<!tpu.dma_semaphore, #tpu.memory_space<semaphore_mem>>) src(%dma_wait3A_429 : memref<8x768xf32, #tpu.memory_space<vmem>>) dst(%dma_wait3A_426 : memref<8x768xf32, #tpu.memory_space<hbm>>)
    %dma_wait3A_430 = arith.constant 1 : i32
    %dma_wait3A_431 = arith.constant 8 : i32
    %dma_wait3A_432 = arith.constant 0 : i32
    %dma_wait3A_433 = tpu.memref_slice %arg9[%dma_wait3A_431, %dma_wait3A_432] : memref<32x768xf32, #tpu.memory_space<vmem>> -> memref<8x768xf32, #tpu.memory_space<vmem>>
    %dma_wait3A_434 = arith.constant 0 : i32
    %dma_wait3A_435 = tpu.memref_slice %arg5[%dma_wait3A_430, %add3A_199, %dma_wait3A_434] : memref<4x2048x768xf32, #tpu.memory_space<hbm>> -> memref<1x8x768xf32, #tpu.memory_space<hbm>>
    %dma_wait3A_436 = tpu.memref_squeeze %dma_wait3A_435 : memref<1x8x768xf32, #tpu.memory_space<hbm>> -> memref<8x768xf32, #tpu.memory_space<hbm>>
    %dma_wait3A_437 = arith.constant 0 : i32
    %dma_wait3A_438 = tpu.memref_slice %arg5[%dma_wait3A_430, %add3A_199, %dma_wait3A_437] : memref<4x2048x768xf32, #tpu.memory_space<hbm>> -> memref<1x8x768xf32, #tpu.memory_space<hbm>>
    %dma_wait3A_439 = tpu.memref_squeeze %dma_wait3A_438 : memref<1x8x768xf32, #tpu.memory_space<hbm>> -> memref<8x768xf32, #tpu.memory_space<hbm>>
    %dma_wait3A_440 = arith.constant 8 : i32
    %dma_wait3A_441 = arith.constant 0 : i32
    %dma_wait3A_442 = tpu.memref_slice %arg9[%dma_wait3A_440, %dma_wait3A_441] : memref<32x768xf32, #tpu.memory_space<vmem>> -> memref<8x768xf32, #tpu.memory_space<vmem>>
    tpu.wait_dma2 semaphore(%arg17 : memref<!tpu.dma_semaphore, #tpu.memory_space<semaphore_mem>>) src(%dma_wait3A_442 : memref<8x768xf32, #tpu.memory_space<vmem>>) dst(%dma_wait3A_439 : memref<8x768xf32, #tpu.memory_space<hbm>>)
    %dma_wait3A_443 = arith.constant 2 : i32
    %dma_wait3A_444 = arith.constant 16 : i32
    %dma_wait3A_445 = arith.constant 0 : i32
    %dma_wait3A_446 = tpu.memref_slice %arg9[%dma_wait3A_444, %dma_wait3A_445] : memref<32x768xf32, #tpu.memory_space<vmem>> -> memref<8x768xf32, #tpu.memory_space<vmem>>
    %dma_wait3A_447 = arith.constant 0 : i32
    %dma_wait3A_448 = tpu.memref_slice %arg5[%dma_wait3A_443, %add3A_214, %dma_wait3A_447] : memref<4x2048x768xf32, #tpu.memory_space<hbm>> -> memref<1x8x768xf32, #tpu.memory_space<hbm>>
    %dma_wait3A_449 = tpu.memref_squeeze %dma_wait3A_448 : memref<1x8x768xf32, #tpu.memory_space<hbm>> -> memref<8x768xf32, #tpu.memory_space<hbm>>
    %dma_wait3A_450 = arith.constant 0 : i32
    %dma_wait3A_451 = tpu.memref_slice %arg5[%dma_wait3A_443, %add3A_214, %dma_wait3A_450] : memref<4x2048x768xf32, #tpu.memory_space<hbm>> -> memref<1x8x768xf32, #tpu.memory_space<hbm>>
    %dma_wait3A_452 = tpu.memref_squeeze %dma_wait3A_451 : memref<1x8x768xf32, #tpu.memory_space<hbm>> -> memref<8x768xf32, #tpu.memory_space<hbm>>
    %dma_wait3A_453 = arith.constant 16 : i32
    %dma_wait3A_454 = arith.constant 0 : i32
    %dma_wait3A_455 = tpu.memref_slice %arg9[%dma_wait3A_453, %dma_wait3A_454] : memref<32x768xf32, #tpu.memory_space<vmem>> -> memref<8x768xf32, #tpu.memory_space<vmem>>
    tpu.wait_dma2 semaphore(%arg17 : memref<!tpu.dma_semaphore, #tpu.memory_space<semaphore_mem>>) src(%dma_wait3A_455 : memref<8x768xf32, #tpu.memory_space<vmem>>) dst(%dma_wait3A_452 : memref<8x768xf32, #tpu.memory_space<hbm>>)
    %dma_wait3A_456 = arith.constant 3 : i32
    %dma_wait3A_457 = arith.constant 24 : i32
    %dma_wait3A_458 = arith.constant 0 : i32
    %dma_wait3A_459 = tpu.memref_slice %arg9[%dma_wait3A_457, %dma_wait3A_458] : memref<32x768xf32, #tpu.memory_space<vmem>> -> memref<8x768xf32, #tpu.memory_space<vmem>>
    %dma_wait3A_460 = arith.constant 0 : i32
    %dma_wait3A_461 = tpu.memref_slice %arg5[%dma_wait3A_456, %add3A_229, %dma_wait3A_460] : memref<4x2048x768xf32, #tpu.memory_space<hbm>> -> memref<1x8x768xf32, #tpu.memory_space<hbm>>
    %dma_wait3A_462 = tpu.memref_squeeze %dma_wait3A_461 : memref<1x8x768xf32, #tpu.memory_space<hbm>> -> memref<8x768xf32, #tpu.memory_space<hbm>>
    %dma_wait3A_463 = arith.constant 0 : i32
    %dma_wait3A_464 = tpu.memref_slice %arg5[%dma_wait3A_456, %add3A_229, %dma_wait3A_463] : memref<4x2048x768xf32, #tpu.memory_space<hbm>> -> memref<1x8x768xf32, #tpu.memory_space<hbm>>
    %dma_wait3A_465 = tpu.memref_squeeze %dma_wait3A_464 : memref<1x8x768xf32, #tpu.memory_space<hbm>> -> memref<8x768xf32, #tpu.memory_space<hbm>>
    %dma_wait3A_466 = arith.constant 24 : i32
    %dma_wait3A_467 = arith.constant 0 : i32
    %dma_wait3A_468 = tpu.memref_slice %arg9[%dma_wait3A_466, %dma_wait3A_467] : memref<32x768xf32, #tpu.memory_space<vmem>> -> memref<8x768xf32, #tpu.memory_space<vmem>>
    tpu.wait_dma2 semaphore(%arg17 : memref<!tpu.dma_semaphore, #tpu.memory_space<semaphore_mem>>) src(%dma_wait3A_468 : memref<8x768xf32, #tpu.memory_space<vmem>>) dst(%dma_wait3A_465 : memref<8x768xf32, #tpu.memory_space<hbm>>)
    %dma_start3A_469 = arith.constant 5 : i32
    %dma_start3A_470 = arith.constant 0 : i32
    %dma_start3A_471 = tpu.memref_slice %arg6[%dma_start3A_469, %dma_start3A_470] : memref<8x32xi32, #tpu.memory_space<vmem>> -> memref<1x32xi32, #tpu.memory_space<vmem>>
    %dma_start3A_472 = tpu.memref_squeeze %dma_start3A_471 : memref<1x32xi32, #tpu.memory_space<vmem>> -> memref<32xi32, #tpu.memory_space<vmem>>
    %dma_start3A_473 = arith.constant 0 : i32
    %dma_start3A_474 = arith.constant 0 : i32
    %dma_start3A_475 = tpu.memref_slice %arg3[%dma_start3A_473, %dma_start3A_474] : memref<100000x768xf32, #tpu.memory_space<hbm>> -> memref<100000x768xf32, #tpu.memory_space<hbm>>
    tpu.enqueue_indirect_dma source(%dma_start3A_475 : memref<100000x768xf32, #tpu.memory_space<hbm>>) target(%arg9 : memref<32x768xf32, #tpu.memory_space<vmem>>) offsets(%dma_start3A_472 : memref<32xi32, #tpu.memory_space<vmem>>) semaphore(%arg13 : memref<!tpu.dma_semaphore, #tpu.memory_space<semaphore_mem>>)
    %dma_wait3A_476 = arith.constant 3 : i32
    %dma_wait3A_477 = arith.constant 0 : i32
    %dma_wait3A_478 = tpu.memref_slice %arg6[%dma_wait3A_476, %dma_wait3A_477] : memref<8x32xi32, #tpu.memory_space<vmem>> -> memref<1x32xi32, #tpu.memory_space<vmem>>
    %dma_wait3A_479 = tpu.memref_squeeze %dma_wait3A_478 : memref<1x32xi32, #tpu.memory_space<vmem>> -> memref<32xi32, #tpu.memory_space<vmem>>
    %dma_wait3A_480 = arith.constant 0 : i32
    %dma_wait3A_481 = arith.constant 0 : i32
    %dma_wait3A_482 = tpu.memref_slice %arg3[%dma_wait3A_480, %dma_wait3A_481] : memref<100000x768xf32, #tpu.memory_space<hbm>> -> memref<100000x768xf32, #tpu.memory_space<hbm>>
    tpu.wait_indirect_dma semaphore(%arg15 : memref<!tpu.dma_semaphore, #tpu.memory_space<semaphore_mem>>) src(%dma_wait3A_482 : memref<100000x768xf32, #tpu.memory_space<hbm>>) dst(%arg11 : memref<32x768xf32, #tpu.memory_space<vmem>>)
    %dma_wait3A_483 = arith.constant 1 : i32
    %dma_wait3A_484 = arith.constant 0 : i32
    %dma_wait3A_485 = arith.constant 0 : i32
    %dma_wait3A_486 = tpu.memref_slice %arg7[%dma_wait3A_483, %dma_wait3A_484, %dma_wait3A_485] : memref<2x8x768xf32, #tpu.memory_space<vmem>> -> memref<1x8x768xf32, #tpu.memory_space<vmem>>
    %dma_wait3A_487 = tpu.memref_squeeze %dma_wait3A_486 : memref<1x8x768xf32, #tpu.memory_space<vmem>> -> memref<8x768xf32, #tpu.memory_space<vmem>>
    %dma_wait3A_488 = arith.constant 0 : i32
    %dma_wait3A_489 = tpu.memref_slice %arg4[%add3A_244, %dma_wait3A_488] : memref<2048x768xf32, #tpu.memory_space<hbm>> -> memref<8x768xf32, #tpu.memory_space<hbm>>
    %dma_wait3A_490 = arith.constant 0 : i32
    %dma_wait3A_491 = arith.constant 0 : i32
    %dma_wait3A_492 = tpu.memref_slice %arg7[%dma_wait3A_483, %dma_wait3A_490, %dma_wait3A_491] : memref<2x8x768xf32, #tpu.memory_space<vmem>> -> memref<1x8x768xf32, #tpu.memory_space<vmem>>
    %dma_wait3A_493 = tpu.memref_squeeze %dma_wait3A_492 : memref<1x8x768xf32, #tpu.memory_space<vmem>> -> memref<8x768xf32, #tpu.memory_space<vmem>>
    %dma_wait3A_494 = arith.constant 0 : i32
    %dma_wait3A_495 = tpu.memref_slice %arg4[%add3A_244, %dma_wait3A_494] : memref<2048x768xf32, #tpu.memory_space<hbm>> -> memref<8x768xf32, #tpu.memory_space<hbm>>
    tpu.wait_dma2 semaphore(%arg21 : memref<!tpu.dma_semaphore, #tpu.memory_space<semaphore_mem>>) src(%dma_wait3A_495 : memref<8x768xf32, #tpu.memory_space<hbm>>) dst(%dma_wait3A_493 : memref<8x768xf32, #tpu.memory_space<vmem>>)
    %scan3A_496 = arith.constant 0 : i32
    %scan3A_497 = arith.constant 8 : i32
    %scan3A_498 = arith.addi %scan3A_496, %scan3A_497 : i32
    %scan3A_499 = arith.constant 1 : i32
    scf.for %scan3A_1272 = %scan3A_496 to %scan3A_498 step %scan3A_499  : i32 {
      %scan3A_1273 = arith.constant 0 : i32
      %scan3A_1274 = arith.constant 12 : i32
      %scan3A_1275 = arith.addi %scan3A_1273, %scan3A_1274 : i32
      %scan3A_1276 = arith.constant 1 : i32
      scf.for %scan3A_1278 = %scan3A_1273 to %scan3A_1275 step %scan3A_1276  : i32 {
        %mul3A_1279 = arith.constant 64 : i32
        %mul3A_1280 = arith.muli %scan3A_1278, %mul3A_1279 : i32
        %add3A_1281 = arith.constant 0 : i32
        %add3A_1282 = arith.addi %mul3A_1280, %add3A_1281 : i32
        %get3A = arith.constant 1 : i32
        %get3A_1283 = arith.index_cast %get3A : i32 to index
        %get3A_1284 = arith.index_cast %scan3A_1272 : i32 to index
        %get3A_1285 = arith.index_cast %add3A_1282 : i32 to index
        %get3A_1286 = tpu.vector_load %arg7[%get3A_1283, %get3A_1284, %get3A_1285] {strides = array<i32>} : memref<2x8x768xf32, #tpu.memory_space<vmem>>, vector<1x1x16xf32>,
        %get3A_1287 = vector.shape_cast %get3A_1286 : vector<1x1x16xf32> to vector<16xf32>
        %add3A_1288 = arith.constant 16 : i32
        %add3A_1289 = arith.addi %mul3A_1280, %add3A_1288 : i32
        %get3A_1290 = arith.constant 1 : i32
        %get3A_1291 = arith.index_cast %get3A_1290 : i32 to index
        %get3A_1292 = arith.index_cast %scan3A_1272 : i32 to index
        %get3A_1293 = arith.index_cast %add3A_1289 : i32 to index
        %get3A_1294 = tpu.vector_load %arg7[%get3A_1291, %get3A_1292, %get3A_1293] {strides = array<i32>} : memref<2x8x768xf32, #tpu.memory_space<vmem>>, vector<1x1x16xf32>,
        %get3A_1295 = vector.shape_cast %get3A_1294 : vector<1x1x16xf32> to vector<16xf32>
        %add3A_1296 = arith.constant 32 : i32
        %add3A_1297 = arith.addi %mul3A_1280, %add3A_1296 : i32
        %get3A_1298 = arith.constant 1 : i32
        %get3A_1299 = arith.index_cast %get3A_1298 : i32 to index
        %get3A_1300 = arith.index_cast %scan3A_1272 : i32 to index
        %get3A_1301 = arith.index_cast %add3A_1297 : i32 to index
        %get3A_1302 = tpu.vector_load %arg7[%get3A_1299, %get3A_1300, %get3A_1301] {strides = array<i32>} : memref<2x8x768xf32, #tpu.memory_space<vmem>>, vector<1x1x16xf32>,
        %get3A_1303 = vector.shape_cast %get3A_1302 : vector<1x1x16xf32> to vector<16xf32>
        %add3A_1304 = arith.constant 48 : i32
        %add3A_1305 = arith.addi %mul3A_1280, %add3A_1304 : i32
        %get3A_1306 = arith.constant 1 : i32
        %get3A_1307 = arith.index_cast %get3A_1306 : i32 to index
        %get3A_1308 = arith.index_cast %scan3A_1272 : i32 to index
        %get3A_1309 = arith.index_cast %add3A_1305 : i32 to index
        %get3A_1310 = tpu.vector_load %arg7[%get3A_1307, %get3A_1308, %get3A_1309] {strides = array<i32>} : memref<2x8x768xf32, #tpu.memory_space<vmem>>, vector<1x1x16xf32>,
        %get3A_1311 = vector.shape_cast %get3A_1310 : vector<1x1x16xf32> to vector<16xf32>
        %add3A_1312 = arith.constant 0 : i32
        %add3A_1313 = arith.addi %add3A_1312, %scan3A_1272 : i32
        %add3A_1314 = arith.constant 0 : i32
        %add3A_1315 = arith.addi %mul3A_1280, %add3A_1314 : i32
        %swap3A = arith.index_cast %add3A_1313 : i32 to index
        %swap3A_1316 = arith.index_cast %add3A_1315 : i32 to index
        %swap3A_1317 = tpu.vector_load %arg11[%swap3A, %swap3A_1316] {strides = array<i32>} : memref<32x768xf32, #tpu.memory_space<vmem>>, vector<1x16xf32>,
        %swap3A_1318 = vector.shape_cast %swap3A_1317 : vector<1x16xf32> to vector<16xf32>
        %swap3A_1319 = vector.shape_cast %get3A_1287 : vector<16xf32> to vector<1x16xf32>
        tpu.vector_store %arg11[%swap3A, %swap3A_1316], %swap3A_1319 {add = true, strides = array<i32>} : memref<32x768xf32, #tpu.memory_space<vmem>>, vector<1x16xf32>,
        %add3A_1320 = arith.constant 16 : i32
        %add3A_1321 = arith.addi %mul3A_1280, %add3A_1320 : i32
        %swap3A_1322 = arith.index_cast %add3A_1313 : i32 to index
        %swap3A_1323 = arith.index_cast %add3A_1321 : i32 to index
        %swap3A_1324 = tpu.vector_load %arg11[%swap3A_1322, %swap3A_1323] {strides = array<i32>} : memref<32x768xf32, #tpu.memory_space<vmem>>, vector<1x16xf32>,
        %swap3A_1325 = vector.shape_cast %swap3A_1324 : vector<1x16xf32> to vector<16xf32>
        %swap3A_1326 = vector.shape_cast %get3A_1295 : vector<16xf32> to vector<1x16xf32>
        tpu.vector_store %arg11[%swap3A_1322, %swap3A_1323], %swap3A_1326 {add = true, strides = array<i32>} : memref<32x768xf32, #tpu.memory_space<vmem>>, vector<1x16xf32>,
        %add3A_1327 = arith.constant 32 : i32
        %add3A_1328 = arith.addi %mul3A_1280, %add3A_1327 : i32
        %swap3A_1329 = arith.index_cast %add3A_1313 : i32 to index
        %swap3A_1330 = arith.index_cast %add3A_1328 : i32 to index
        %swap3A_1331 = tpu.vector_load %arg11[%swap3A_1329, %swap3A_1330] {strides = array<i32>} : memref<32x768xf32, #tpu.memory_space<vmem>>, vector<1x16xf32>,
        %swap3A_1332 = vector.shape_cast %swap3A_1331 : vector<1x16xf32> to vector<16xf32>
        %swap3A_1333 = vector.shape_cast %get3A_1303 : vector<16xf32> to vector<1x16xf32>
        tpu.vector_store %arg11[%swap3A_1329, %swap3A_1330], %swap3A_1333 {add = true, strides = array<i32>} : memref<32x768xf32, #tpu.memory_space<vmem>>, vector<1x16xf32>,
        %add3A_1334 = arith.constant 48 : i32
        %add3A_1335 = arith.addi %mul3A_1280, %add3A_1334 : i32
        %swap3A_1336 = arith.index_cast %add3A_1313 : i32 to index
        %swap3A_1337 = arith.index_cast %add3A_1335 : i32 to index
        %swap3A_1338 = tpu.vector_load %arg11[%swap3A_1336, %swap3A_1337] {strides = array<i32>} : memref<32x768xf32, #tpu.memory_space<vmem>>, vector<1x16xf32>,
        %swap3A_1339 = vector.shape_cast %swap3A_1338 : vector<1x16xf32> to vector<16xf32>
        %swap3A_1340 = vector.shape_cast %get3A_1311 : vector<16xf32> to vector<1x16xf32>
        tpu.vector_store %arg11[%swap3A_1336, %swap3A_1337], %swap3A_1340 {add = true, strides = array<i32>} : memref<32x768xf32, #tpu.memory_space<vmem>>, vector<1x16xf32>,
        %add3A_1341 = arith.constant 8 : i32
        %add3A_1342 = arith.addi %add3A_1341, %scan3A_1272 : i32
        %add3A_1343 = arith.constant 0 : i32
        %add3A_1344 = arith.addi %mul3A_1280, %add3A_1343 : i32
        %swap3A_1345 = arith.index_cast %add3A_1342 : i32 to index
        %swap3A_1346 = arith.index_cast %add3A_1344 : i32 to index
        %swap3A_1347 = tpu.vector_load %arg11[%swap3A_1345, %swap3A_1346] {strides = array<i32>} : memref<32x768xf32, #tpu.memory_space<vmem>>, vector<1x16xf32>,
        %swap3A_1348 = vector.shape_cast %swap3A_1347 : vector<1x16xf32> to vector<16xf32>
        %swap3A_1349 = vector.shape_cast %get3A_1287 : vector<16xf32> to vector<1x16xf32>
        tpu.vector_store %arg11[%swap3A_1345, %swap3A_1346], %swap3A_1349 {add = true, strides = array<i32>} : memref<32x768xf32, #tpu.memory_space<vmem>>, vector<1x16xf32>,
        %add3A_1350 = arith.constant 16 : i32
        %add3A_1351 = arith.addi %mul3A_1280, %add3A_1350 : i32
        %swap3A_1352 = arith.index_cast %add3A_1342 : i32 to index
        %swap3A_1353 = arith.index_cast %add3A_1351 : i32 to index
        %swap3A_1354 = tpu.vector_load %arg11[%swap3A_1352, %swap3A_1353] {strides = array<i32>} : memref<32x768xf32, #tpu.memory_space<vmem>>, vector<1x16xf32>,
        %swap3A_1355 = vector.shape_cast %swap3A_1354 : vector<1x16xf32> to vector<16xf32>
        %swap3A_1356 = vector.shape_cast %get3A_1295 : vector<16xf32> to vector<1x16xf32>
        tpu.vector_store %arg11[%swap3A_1352, %swap3A_1353], %swap3A_1356 {add = true, strides = array<i32>} : memref<32x768xf32, #tpu.memory_space<vmem>>, vector<1x16xf32>,
        %add3A_1357 = arith.constant 32 : i32
        %add3A_1358 = arith.addi %mul3A_1280, %add3A_1357 : i32
        %swap3A_1359 = arith.index_cast %add3A_1342 : i32 to index
        %swap3A_1360 = arith.index_cast %add3A_1358 : i32 to index
        %swap3A_1361 = tpu.vector_load %arg11[%swap3A_1359, %swap3A_1360] {strides = array<i32>} : memref<32x768xf32, #tpu.memory_space<vmem>>, vector<1x16xf32>,
        %swap3A_1362 = vector.shape_cast %swap3A_1361 : vector<1x16xf32> to vector<16xf32>
        %swap3A_1363 = vector.shape_cast %get3A_1303 : vector<16xf32> to vector<1x16xf32>
        tpu.vector_store %arg11[%swap3A_1359, %swap3A_1360], %swap3A_1363 {add = true, strides = array<i32>} : memref<32x768xf32, #tpu.memory_space<vmem>>, vector<1x16xf32>,
        %add3A_1364 = arith.constant 48 : i32
        %add3A_1365 = arith.addi %mul3A_1280, %add3A_1364 : i32
        %swap3A_1366 = arith.index_cast %add3A_1342 : i32 to index
        %swap3A_1367 = arith.index_cast %add3A_1365 : i32 to index
        %swap3A_1368 = tpu.vector_load %arg11[%swap3A_1366, %swap3A_1367] {strides = array<i32>} : memref<32x768xf32, #tpu.memory_space<vmem>>, vector<1x16xf32>,
        %swap3A_1369 = vector.shape_cast %swap3A_1368 : vector<1x16xf32> to vector<16xf32>
        %swap3A_1370 = vector.shape_cast %get3A_1311 : vector<16xf32> to vector<1x16xf32>
        tpu.vector_store %arg11[%swap3A_1366, %swap3A_1367], %swap3A_1370 {add = true, strides = array<i32>} : memref<32x768xf32, #tpu.memory_space<vmem>>, vector<1x16xf32>,
        %add3A_1371 = arith.constant 16 : i32
        %add3A_1372 = arith.addi %add3A_1371, %scan3A_1272 : i32
        %add3A_1373 = arith.constant 0 : i32
        %add3A_1374 = arith.addi %mul3A_1280, %add3A_1373 : i32
        %swap3A_1375 = arith.index_cast %add3A_1372 : i32 to index
        %swap3A_1376 = arith.index_cast %add3A_1374 : i32 to index
        %swap3A_1377 = tpu.vector_load %arg11[%swap3A_1375, %swap3A_1376] {strides = array<i32>} : memref<32x768xf32, #tpu.memory_space<vmem>>, vector<1x16xf32>,
        %swap3A_1378 = vector.shape_cast %swap3A_1377 : vector<1x16xf32> to vector<16xf32>
        %swap3A_1379 = vector.shape_cast %get3A_1287 : vector<16xf32> to vector<1x16xf32>
        tpu.vector_store %arg11[%swap3A_1375, %swap3A_1376], %swap3A_1379 {add = true, strides = array<i32>} : memref<32x768xf32, #tpu.memory_space<vmem>>, vector<1x16xf32>,
        %add3A_1380 = arith.constant 16 : i32
        %add3A_1381 = arith.addi %mul3A_1280, %add3A_1380 : i32
        %swap3A_1382 = arith.index_cast %add3A_1372 : i32 to index
        %swap3A_1383 = arith.index_cast %add3A_1381 : i32 to index
        %swap3A_1384 = tpu.vector_load %arg11[%swap3A_1382, %swap3A_1383] {strides = array<i32>} : memref<32x768xf32, #tpu.memory_space<vmem>>, vector<1x16xf32>,
        %swap3A_1385 = vector.shape_cast %swap3A_1384 : vector<1x16xf32> to vector<16xf32>
        %swap3A_1386 = vector.shape_cast %get3A_1295 : vector<16xf32> to vector<1x16xf32>
        tpu.vector_store %arg11[%swap3A_1382, %swap3A_1383], %swap3A_1386 {add = true, strides = array<i32>} : memref<32x768xf32, #tpu.memory_space<vmem>>, vector<1x16xf32>,
        %add3A_1387 = arith.constant 32 : i32
        %add3A_1388 = arith.addi %mul3A_1280, %add3A_1387 : i32
        %swap3A_1389 = arith.index_cast %add3A_1372 : i32 to index
        %swap3A_1390 = arith.index_cast %add3A_1388 : i32 to index
        %swap3A_1391 = tpu.vector_load %arg11[%swap3A_1389, %swap3A_1390] {strides = array<i32>} : memref<32x768xf32, #tpu.memory_space<vmem>>, vector<1x16xf32>,
        %swap3A_1392 = vector.shape_cast %swap3A_1391 : vector<1x16xf32> to vector<16xf32>
        %swap3A_1393 = vector.shape_cast %get3A_1303 : vector<16xf32> to vector<1x16xf32>
        tpu.vector_store %arg11[%swap3A_1389, %swap3A_1390], %swap3A_1393 {add = true, strides = array<i32>} : memref<32x768xf32, #tpu.memory_space<vmem>>, vector<1x16xf32>,
        %add3A_1394 = arith.constant 48 : i32
        %add3A_1395 = arith.addi %mul3A_1280, %add3A_1394 : i32
        %swap3A_1396 = arith.index_cast %add3A_1372 : i32 to index
        %swap3A_1397 = arith.index_cast %add3A_1395 : i32 to index
        %swap3A_1398 = tpu.vector_load %arg11[%swap3A_1396, %swap3A_1397] {strides = array<i32>} : memref<32x768xf32, #tpu.memory_space<vmem>>, vector<1x16xf32>,
        %swap3A_1399 = vector.shape_cast %swap3A_1398 : vector<1x16xf32> to vector<16xf32>
        %swap3A_1400 = vector.shape_cast %get3A_1311 : vector<16xf32> to vector<1x16xf32>
        tpu.vector_store %arg11[%swap3A_1396, %swap3A_1397], %swap3A_1400 {add = true, strides = array<i32>} : memref<32x768xf32, #tpu.memory_space<vmem>>, vector<1x16xf32>,
        %add3A_1401 = arith.constant 24 : i32
        %add3A_1402 = arith.addi %add3A_1401, %scan3A_1272 : i32
        %add3A_1403 = arith.constant 0 : i32
        %add3A_1404 = arith.addi %mul3A_1280, %add3A_1403 : i32
        %swap3A_1405 = arith.index_cast %add3A_1402 : i32 to index
        %swap3A_1406 = arith.index_cast %add3A_1404 : i32 to index
        %swap3A_1407 = tpu.vector_load %arg11[%swap3A_1405, %swap3A_1406] {strides = array<i32>} : memref<32x768xf32, #tpu.memory_space<vmem>>, vector<1x16xf32>,
        %swap3A_1408 = vector.shape_cast %swap3A_1407 : vector<1x16xf32> to vector<16xf32>
        %swap3A_1409 = vector.shape_cast %get3A_1287 : vector<16xf32> to vector<1x16xf32>
        tpu.vector_store %arg11[%swap3A_1405, %swap3A_1406], %swap3A_1409 {add = true, strides = array<i32>} : memref<32x768xf32, #tpu.memory_space<vmem>>, vector<1x16xf32>,
        %add3A_1410 = arith.constant 16 : i32
        %add3A_1411 = arith.addi %mul3A_1280, %add3A_1410 : i32
        %swap3A_1412 = arith.index_cast %add3A_1402 : i32 to index
        %swap3A_1413 = arith.index_cast %add3A_1411 : i32 to index
        %swap3A_1414 = tpu.vector_load %arg11[%swap3A_1412, %swap3A_1413] {strides = array<i32>} : memref<32x768xf32, #tpu.memory_space<vmem>>, vector<1x16xf32>,
        %swap3A_1415 = vector.shape_cast %swap3A_1414 : vector<1x16xf32> to vector<16xf32>
        %swap3A_1416 = vector.shape_cast %get3A_1295 : vector<16xf32> to vector<1x16xf32>
        tpu.vector_store %arg11[%swap3A_1412, %swap3A_1413], %swap3A_1416 {add = true, strides = array<i32>} : memref<32x768xf32, #tpu.memory_space<vmem>>, vector<1x16xf32>,
        %add3A_1417 = arith.constant 32 : i32
        %add3A_1418 = arith.addi %mul3A_1280, %add3A_1417 : i32
        %swap3A_1419 = arith.index_cast %add3A_1402 : i32 to index
        %swap3A_1420 = arith.index_cast %add3A_1418 : i32 to index
        %swap3A_1421 = tpu.vector_load %arg11[%swap3A_1419, %swap3A_1420] {strides = array<i32>} : memref<32x768xf32, #tpu.memory_space<vmem>>, vector<1x16xf32>,
        %swap3A_1422 = vector.shape_cast %swap3A_1421 : vector<1x16xf32> to vector<16xf32>
        %swap3A_1423 = vector.shape_cast %get3A_1303 : vector<16xf32> to vector<1x16xf32>
        tpu.vector_store %arg11[%swap3A_1419, %swap3A_1420], %swap3A_1423 {add = true, strides = array<i32>} : memref<32x768xf32, #tpu.memory_space<vmem>>, vector<1x16xf32>,
        %add3A_1424 = arith.constant 48 : i32
        %add3A_1425 = arith.addi %mul3A_1280, %add3A_1424 : i32
        %swap3A_1426 = arith.index_cast %add3A_1402 : i32 to index
        %swap3A_1427 = arith.index_cast %add3A_1425 : i32 to index
        %swap3A_1428 = tpu.vector_load %arg11[%swap3A_1426, %swap3A_1427] {strides = array<i32>} : memref<32x768xf32, #tpu.memory_space<vmem>>, vector<1x16xf32>,
        %swap3A_1429 = vector.shape_cast %swap3A_1428 : vector<1x16xf32> to vector<16xf32>
        %swap3A_1430 = vector.shape_cast %get3A_1311 : vector<16xf32> to vector<1x16xf32>
        tpu.vector_store %arg11[%swap3A_1426, %swap3A_1427], %swap3A_1430 {add = true, strides = array<i32>} : memref<32x768xf32, #tpu.memory_space<vmem>>, vector<1x16xf32>,
      }
      %scan3A_1277 = arith.constant 12 : i32
    }
    %scan3A_500 = arith.constant 8 : i32
    %add3A_501 = arith.constant 24 : i32
    %add3A_502 = arith.addi %mul3A_2, %add3A_501 : i32
    %dma_start3A_503 = arith.constant 0 : i32
    %dma_start3A_504 = arith.constant 0 : i32
    %dma_start3A_505 = arith.constant 0 : i32
    %dma_start3A_506 = tpu.memref_slice %arg11[%dma_start3A_504, %dma_start3A_505] : memref<32x768xf32, #tpu.memory_space<vmem>> -> memref<8x768xf32, #tpu.memory_space<vmem>>
    %dma_start3A_507 = arith.constant 0 : i32
    %dma_start3A_508 = tpu.memref_slice %arg5[%dma_start3A_503, %add3A_502, %dma_start3A_507] : memref<4x2048x768xf32, #tpu.memory_space<hbm>> -> memref<1x8x768xf32, #tpu.memory_space<hbm>>
    %dma_start3A_509 = tpu.memref_squeeze %dma_start3A_508 : memref<1x8x768xf32, #tpu.memory_space<hbm>> -> memref<8x768xf32, #tpu.memory_space<hbm>>
    %dma_start3A_510 = arith.constant 0 : i32
    %dma_start3A_511 = tpu.memref_slice %arg5[%dma_start3A_503, %add3A_502, %dma_start3A_510] : memref<4x2048x768xf32, #tpu.memory_space<hbm>> -> memref<1x8x768xf32, #tpu.memory_space<hbm>>
    %dma_start3A_512 = tpu.memref_squeeze %dma_start3A_511 : memref<1x8x768xf32, #tpu.memory_space<hbm>> -> memref<8x768xf32, #tpu.memory_space<hbm>>
    %dma_start3A_513 = arith.constant 0 : i32
    %dma_start3A_514 = arith.constant 0 : i32
    %dma_start3A_515 = tpu.memref_slice %arg11[%dma_start3A_513, %dma_start3A_514] : memref<32x768xf32, #tpu.memory_space<vmem>> -> memref<8x768xf32, #tpu.memory_space<vmem>>
    tpu.enqueue_dma source(%dma_start3A_515 : memref<8x768xf32, #tpu.memory_space<vmem>>) target(%dma_start3A_512 : memref<8x768xf32, #tpu.memory_space<hbm>>) target_semaphore(%arg19 : memref<!tpu.dma_semaphore, #tpu.memory_space<semaphore_mem>>)
    %add3A_516 = arith.constant 24 : i32
    %add3A_517 = arith.addi %mul3A_2, %add3A_516 : i32
    %dma_start3A_518 = arith.constant 1 : i32
    %dma_start3A_519 = arith.constant 8 : i32
    %dma_start3A_520 = arith.constant 0 : i32
    %dma_start3A_521 = tpu.memref_slice %arg11[%dma_start3A_519, %dma_start3A_520] : memref<32x768xf32, #tpu.memory_space<vmem>> -> memref<8x768xf32, #tpu.memory_space<vmem>>
    %dma_start3A_522 = arith.constant 0 : i32
    %dma_start3A_523 = tpu.memref_slice %arg5[%dma_start3A_518, %add3A_517, %dma_start3A_522] : memref<4x2048x768xf32, #tpu.memory_space<hbm>> -> memref<1x8x768xf32, #tpu.memory_space<hbm>>
    %dma_start3A_524 = tpu.memref_squeeze %dma_start3A_523 : memref<1x8x768xf32, #tpu.memory_space<hbm>> -> memref<8x768xf32, #tpu.memory_space<hbm>>
    %dma_start3A_525 = arith.constant 0 : i32
    %dma_start3A_526 = tpu.memref_slice %arg5[%dma_start3A_518, %add3A_517, %dma_start3A_525] : memref<4x2048x768xf32, #tpu.memory_space<hbm>> -> memref<1x8x768xf32, #tpu.memory_space<hbm>>
    %dma_start3A_527 = tpu.memref_squeeze %dma_start3A_526 : memref<1x8x768xf32, #tpu.memory_space<hbm>> -> memref<8x768xf32, #tpu.memory_space<hbm>>
    %dma_start3A_528 = arith.constant 8 : i32
    %dma_start3A_529 = arith.constant 0 : i32
    %dma_start3A_530 = tpu.memref_slice %arg11[%dma_start3A_528, %dma_start3A_529] : memref<32x768xf32, #tpu.memory_space<vmem>> -> memref<8x768xf32, #tpu.memory_space<vmem>>
    tpu.enqueue_dma source(%dma_start3A_530 : memref<8x768xf32, #tpu.memory_space<vmem>>) target(%dma_start3A_527 : memref<8x768xf32, #tpu.memory_space<hbm>>) target_semaphore(%arg19 : memref<!tpu.dma_semaphore, #tpu.memory_space<semaphore_mem>>)
    %add3A_531 = arith.constant 24 : i32
    %add3A_532 = arith.addi %mul3A_2, %add3A_531 : i32
    %dma_start3A_533 = arith.constant 2 : i32
    %dma_start3A_534 = arith.constant 16 : i32
    %dma_start3A_535 = arith.constant 0 : i32
    %dma_start3A_536 = tpu.memref_slice %arg11[%dma_start3A_534, %dma_start3A_535] : memref<32x768xf32, #tpu.memory_space<vmem>> -> memref<8x768xf32, #tpu.memory_space<vmem>>
    %dma_start3A_537 = arith.constant 0 : i32
    %dma_start3A_538 = tpu.memref_slice %arg5[%dma_start3A_533, %add3A_532, %dma_start3A_537] : memref<4x2048x768xf32, #tpu.memory_space<hbm>> -> memref<1x8x768xf32, #tpu.memory_space<hbm>>
    %dma_start3A_539 = tpu.memref_squeeze %dma_start3A_538 : memref<1x8x768xf32, #tpu.memory_space<hbm>> -> memref<8x768xf32, #tpu.memory_space<hbm>>
    %dma_start3A_540 = arith.constant 0 : i32
    %dma_start3A_541 = tpu.memref_slice %arg5[%dma_start3A_533, %add3A_532, %dma_start3A_540] : memref<4x2048x768xf32, #tpu.memory_space<hbm>> -> memref<1x8x768xf32, #tpu.memory_space<hbm>>
    %dma_start3A_542 = tpu.memref_squeeze %dma_start3A_541 : memref<1x8x768xf32, #tpu.memory_space<hbm>> -> memref<8x768xf32, #tpu.memory_space<hbm>>
    %dma_start3A_543 = arith.constant 16 : i32
    %dma_start3A_544 = arith.constant 0 : i32
    %dma_start3A_545 = tpu.memref_slice %arg11[%dma_start3A_543, %dma_start3A_544] : memref<32x768xf32, #tpu.memory_space<vmem>> -> memref<8x768xf32, #tpu.memory_space<vmem>>
    tpu.enqueue_dma source(%dma_start3A_545 : memref<8x768xf32, #tpu.memory_space<vmem>>) target(%dma_start3A_542 : memref<8x768xf32, #tpu.memory_space<hbm>>) target_semaphore(%arg19 : memref<!tpu.dma_semaphore, #tpu.memory_space<semaphore_mem>>)
    %add3A_546 = arith.constant 24 : i32
    %add3A_547 = arith.addi %mul3A_2, %add3A_546 : i32
    %dma_start3A_548 = arith.constant 3 : i32
    %dma_start3A_549 = arith.constant 24 : i32
    %dma_start3A_550 = arith.constant 0 : i32
    %dma_start3A_551 = tpu.memref_slice %arg11[%dma_start3A_549, %dma_start3A_550] : memref<32x768xf32, #tpu.memory_space<vmem>> -> memref<8x768xf32, #tpu.memory_space<vmem>>
    %dma_start3A_552 = arith.constant 0 : i32
    %dma_start3A_553 = tpu.memref_slice %arg5[%dma_start3A_548, %add3A_547, %dma_start3A_552] : memref<4x2048x768xf32, #tpu.memory_space<hbm>> -> memref<1x8x768xf32, #tpu.memory_space<hbm>>
    %dma_start3A_554 = tpu.memref_squeeze %dma_start3A_553 : memref<1x8x768xf32, #tpu.memory_space<hbm>> -> memref<8x768xf32, #tpu.memory_space<hbm>>
    %dma_start3A_555 = arith.constant 0 : i32
    %dma_start3A_556 = tpu.memref_slice %arg5[%dma_start3A_548, %add3A_547, %dma_start3A_555] : memref<4x2048x768xf32, #tpu.memory_space<hbm>> -> memref<1x8x768xf32, #tpu.memory_space<hbm>>
    %dma_start3A_557 = tpu.memref_squeeze %dma_start3A_556 : memref<1x8x768xf32, #tpu.memory_space<hbm>> -> memref<8x768xf32, #tpu.memory_space<hbm>>
    %dma_start3A_558 = arith.constant 24 : i32
    %dma_start3A_559 = arith.constant 0 : i32
    %dma_start3A_560 = tpu.memref_slice %arg11[%dma_start3A_558, %dma_start3A_559] : memref<32x768xf32, #tpu.memory_space<vmem>> -> memref<8x768xf32, #tpu.memory_space<vmem>>
    tpu.enqueue_dma source(%dma_start3A_560 : memref<8x768xf32, #tpu.memory_space<vmem>>) target(%dma_start3A_557 : memref<8x768xf32, #tpu.memory_space<hbm>>) target_semaphore(%arg19 : memref<!tpu.dma_semaphore, #tpu.memory_space<semaphore_mem>>)
    %add3A_561 = arith.constant 40 : i32
    %add3A_562 = arith.addi %mul3A_2, %add3A_561 : i32
    %dma_start3A_563 = arith.constant 1 : i32
    %dma_start3A_564 = arith.constant 0 : i32
    %dma_start3A_565 = arith.constant 0 : i32
    %dma_start3A_566 = tpu.memref_slice %arg7[%dma_start3A_563, %dma_start3A_564, %dma_start3A_565] : memref<2x8x768xf32, #tpu.memory_space<vmem>> -> memref<1x8x768xf32, #tpu.memory_space<vmem>>
    %dma_start3A_567 = tpu.memref_squeeze %dma_start3A_566 : memref<1x8x768xf32, #tpu.memory_space<vmem>> -> memref<8x768xf32, #tpu.memory_space<vmem>>
    %dma_start3A_568 = arith.constant 0 : i32
    %dma_start3A_569 = tpu.memref_slice %arg4[%add3A_562, %dma_start3A_568] : memref<2048x768xf32, #tpu.memory_space<hbm>> -> memref<8x768xf32, #tpu.memory_space<hbm>>
    %dma_start3A_570 = arith.constant 0 : i32
    %dma_start3A_571 = arith.constant 0 : i32
    %dma_start3A_572 = tpu.memref_slice %arg7[%dma_start3A_563, %dma_start3A_570, %dma_start3A_571] : memref<2x8x768xf32, #tpu.memory_space<vmem>> -> memref<1x8x768xf32, #tpu.memory_space<vmem>>
    %dma_start3A_573 = tpu.memref_squeeze %dma_start3A_572 : memref<1x8x768xf32, #tpu.memory_space<vmem>> -> memref<8x768xf32, #tpu.memory_space<vmem>>
    %dma_start3A_574 = arith.constant 0 : i32
    %dma_start3A_575 = tpu.memref_slice %arg4[%add3A_562, %dma_start3A_574] : memref<2048x768xf32, #tpu.memory_space<hbm>> -> memref<8x768xf32, #tpu.memory_space<hbm>>
    tpu.enqueue_dma source(%dma_start3A_575 : memref<8x768xf32, #tpu.memory_space<hbm>>) target(%dma_start3A_573 : memref<8x768xf32, #tpu.memory_space<vmem>>) target_semaphore(%arg21 : memref<!tpu.dma_semaphore, #tpu.memory_space<semaphore_mem>>)
    %dma_wait3A_576 = arith.constant 0 : i32
    %dma_wait3A_577 = arith.constant 0 : i32
    %dma_wait3A_578 = arith.constant 0 : i32
    %dma_wait3A_579 = tpu.memref_slice %arg10[%dma_wait3A_577, %dma_wait3A_578] : memref<32x768xf32, #tpu.memory_space<vmem>> -> memref<8x768xf32, #tpu.memory_space<vmem>>
    %dma_wait3A_580 = arith.constant 0 : i32
    %dma_wait3A_581 = tpu.memref_slice %arg5[%dma_wait3A_576, %add3A_343, %dma_wait3A_580] : memref<4x2048x768xf32, #tpu.memory_space<hbm>> -> memref<1x8x768xf32, #tpu.memory_space<hbm>>
    %dma_wait3A_582 = tpu.memref_squeeze %dma_wait3A_581 : memref<1x8x768xf32, #tpu.memory_space<hbm>> -> memref<8x768xf32, #tpu.memory_space<hbm>>
    %dma_wait3A_583 = arith.constant 0 : i32
    %dma_wait3A_584 = tpu.memref_slice %arg5[%dma_wait3A_576, %add3A_343, %dma_wait3A_583] : memref<4x2048x768xf32, #tpu.memory_space<hbm>> -> memref<1x8x768xf32, #tpu.memory_space<hbm>>
    %dma_wait3A_585 = tpu.memref_squeeze %dma_wait3A_584 : memref<1x8x768xf32, #tpu.memory_space<hbm>> -> memref<8x768xf32, #tpu.memory_space<hbm>>
    %dma_wait3A_586 = arith.constant 0 : i32
    %dma_wait3A_587 = arith.constant 0 : i32
    %dma_wait3A_588 = tpu.memref_slice %arg10[%dma_wait3A_586, %dma_wait3A_587] : memref<32x768xf32, #tpu.memory_space<vmem>> -> memref<8x768xf32, #tpu.memory_space<vmem>>
    tpu.wait_dma2 semaphore(%arg18 : memref<!tpu.dma_semaphore, #tpu.memory_space<semaphore_mem>>) src(%dma_wait3A_588 : memref<8x768xf32, #tpu.memory_space<vmem>>) dst(%dma_wait3A_585 : memref<8x768xf32, #tpu.memory_space<hbm>>)
    %dma_wait3A_589 = arith.constant 1 : i32
    %dma_wait3A_590 = arith.constant 8 : i32
    %dma_wait3A_591 = arith.constant 0 : i32
    %dma_wait3A_592 = tpu.memref_slice %arg10[%dma_wait3A_590, %dma_wait3A_591] : memref<32x768xf32, #tpu.memory_space<vmem>> -> memref<8x768xf32, #tpu.memory_space<vmem>>
    %dma_wait3A_593 = arith.constant 0 : i32
    %dma_wait3A_594 = tpu.memref_slice %arg5[%dma_wait3A_589, %add3A_358, %dma_wait3A_593] : memref<4x2048x768xf32, #tpu.memory_space<hbm>> -> memref<1x8x768xf32, #tpu.memory_space<hbm>>
    %dma_wait3A_595 = tpu.memref_squeeze %dma_wait3A_594 : memref<1x8x768xf32, #tpu.memory_space<hbm>> -> memref<8x768xf32, #tpu.memory_space<hbm>>
    %dma_wait3A_596 = arith.constant 0 : i32
    %dma_wait3A_597 = tpu.memref_slice %arg5[%dma_wait3A_589, %add3A_358, %dma_wait3A_596] : memref<4x2048x768xf32, #tpu.memory_space<hbm>> -> memref<1x8x768xf32, #tpu.memory_space<hbm>>
    %dma_wait3A_598 = tpu.memref_squeeze %dma_wait3A_597 : memref<1x8x768xf32, #tpu.memory_space<hbm>> -> memref<8x768xf32, #tpu.memory_space<hbm>>
    %dma_wait3A_599 = arith.constant 8 : i32
    %dma_wait3A_600 = arith.constant 0 : i32
    %dma_wait3A_601 = tpu.memref_slice %arg10[%dma_wait3A_599, %dma_wait3A_600] : memref<32x768xf32, #tpu.memory_space<vmem>> -> memref<8x768xf32, #tpu.memory_space<vmem>>
    tpu.wait_dma2 semaphore(%arg18 : memref<!tpu.dma_semaphore, #tpu.memory_space<semaphore_mem>>) src(%dma_wait3A_601 : memref<8x768xf32, #tpu.memory_space<vmem>>) dst(%dma_wait3A_598 : memref<8x768xf32, #tpu.memory_space<hbm>>)
    %dma_wait3A_602 = arith.constant 2 : i32
    %dma_wait3A_603 = arith.constant 16 : i32
    %dma_wait3A_604 = arith.constant 0 : i32
    %dma_wait3A_605 = tpu.memref_slice %arg10[%dma_wait3A_603, %dma_wait3A_604] : memref<32x768xf32, #tpu.memory_space<vmem>> -> memref<8x768xf32, #tpu.memory_space<vmem>>
    %dma_wait3A_606 = arith.constant 0 : i32
    %dma_wait3A_607 = tpu.memref_slice %arg5[%dma_wait3A_602, %add3A_373, %dma_wait3A_606] : memref<4x2048x768xf32, #tpu.memory_space<hbm>> -> memref<1x8x768xf32, #tpu.memory_space<hbm>>
    %dma_wait3A_608 = tpu.memref_squeeze %dma_wait3A_607 : memref<1x8x768xf32, #tpu.memory_space<hbm>> -> memref<8x768xf32, #tpu.memory_space<hbm>>
    %dma_wait3A_609 = arith.constant 0 : i32
    %dma_wait3A_610 = tpu.memref_slice %arg5[%dma_wait3A_602, %add3A_373, %dma_wait3A_609] : memref<4x2048x768xf32, #tpu.memory_space<hbm>> -> memref<1x8x768xf32, #tpu.memory_space<hbm>>
    %dma_wait3A_611 = tpu.memref_squeeze %dma_wait3A_610 : memref<1x8x768xf32, #tpu.memory_space<hbm>> -> memref<8x768xf32, #tpu.memory_space<hbm>>
    %dma_wait3A_612 = arith.constant 16 : i32
    %dma_wait3A_613 = arith.constant 0 : i32
    %dma_wait3A_614 = tpu.memref_slice %arg10[%dma_wait3A_612, %dma_wait3A_613] : memref<32x768xf32, #tpu.memory_space<vmem>> -> memref<8x768xf32, #tpu.memory_space<vmem>>
    tpu.wait_dma2 semaphore(%arg18 : memref<!tpu.dma_semaphore, #tpu.memory_space<semaphore_mem>>) src(%dma_wait3A_614 : memref<8x768xf32, #tpu.memory_space<vmem>>) dst(%dma_wait3A_611 : memref<8x768xf32, #tpu.memory_space<hbm>>)
    %dma_wait3A_615 = arith.constant 3 : i32
    %dma_wait3A_616 = arith.constant 24 : i32
    %dma_wait3A_617 = arith.constant 0 : i32
    %dma_wait3A_618 = tpu.memref_slice %arg10[%dma_wait3A_616, %dma_wait3A_617] : memref<32x768xf32, #tpu.memory_space<vmem>> -> memref<8x768xf32, #tpu.memory_space<vmem>>
    %dma_wait3A_619 = arith.constant 0 : i32
    %dma_wait3A_620 = tpu.memref_slice %arg5[%dma_wait3A_615, %add3A_388, %dma_wait3A_619] : memref<4x2048x768xf32, #tpu.memory_space<hbm>> -> memref<1x8x768xf32, #tpu.memory_space<hbm>>
    %dma_wait3A_621 = tpu.memref_squeeze %dma_wait3A_620 : memref<1x8x768xf32, #tpu.memory_space<hbm>> -> memref<8x768xf32, #tpu.memory_space<hbm>>
    %dma_wait3A_622 = arith.constant 0 : i32
    %dma_wait3A_623 = tpu.memref_slice %arg5[%dma_wait3A_615, %add3A_388, %dma_wait3A_622] : memref<4x2048x768xf32, #tpu.memory_space<hbm>> -> memref<1x8x768xf32, #tpu.memory_space<hbm>>
    %dma_wait3A_624 = tpu.memref_squeeze %dma_wait3A_623 : memref<1x8x768xf32, #tpu.memory_space<hbm>> -> memref<8x768xf32, #tpu.memory_space<hbm>>
    %dma_wait3A_625 = arith.constant 24 : i32
    %dma_wait3A_626 = arith.constant 0 : i32
    %dma_wait3A_627 = tpu.memref_slice %arg10[%dma_wait3A_625, %dma_wait3A_626] : memref<32x768xf32, #tpu.memory_space<vmem>> -> memref<8x768xf32, #tpu.memory_space<vmem>>
    tpu.wait_dma2 semaphore(%arg18 : memref<!tpu.dma_semaphore, #tpu.memory_space<semaphore_mem>>) src(%dma_wait3A_627 : memref<8x768xf32, #tpu.memory_space<vmem>>) dst(%dma_wait3A_624 : memref<8x768xf32, #tpu.memory_space<hbm>>)
    %dma_start3A_628 = arith.constant 6 : i32
    %dma_start3A_629 = arith.constant 0 : i32
    %dma_start3A_630 = tpu.memref_slice %arg6[%dma_start3A_628, %dma_start3A_629] : memref<8x32xi32, #tpu.memory_space<vmem>> -> memref<1x32xi32, #tpu.memory_space<vmem>>
    %dma_start3A_631 = tpu.memref_squeeze %dma_start3A_630 : memref<1x32xi32, #tpu.memory_space<vmem>> -> memref<32xi32, #tpu.memory_space<vmem>>
    %dma_start3A_632 = arith.constant 0 : i32
    %dma_start3A_633 = arith.constant 0 : i32
    %dma_start3A_634 = tpu.memref_slice %arg3[%dma_start3A_632, %dma_start3A_633] : memref<100000x768xf32, #tpu.memory_space<hbm>> -> memref<100000x768xf32, #tpu.memory_space<hbm>>
    tpu.enqueue_indirect_dma source(%dma_start3A_634 : memref<100000x768xf32, #tpu.memory_space<hbm>>) target(%arg10 : memref<32x768xf32, #tpu.memory_space<vmem>>) offsets(%dma_start3A_631 : memref<32xi32, #tpu.memory_space<vmem>>) semaphore(%arg14 : memref<!tpu.dma_semaphore, #tpu.memory_space<semaphore_mem>>)
    %dma_wait3A_635 = arith.constant 4 : i32
    %dma_wait3A_636 = arith.constant 0 : i32
    %dma_wait3A_637 = tpu.memref_slice %arg6[%dma_wait3A_635, %dma_wait3A_636] : memref<8x32xi32, #tpu.memory_space<vmem>> -> memref<1x32xi32, #tpu.memory_space<vmem>>
    %dma_wait3A_638 = tpu.memref_squeeze %dma_wait3A_637 : memref<1x32xi32, #tpu.memory_space<vmem>> -> memref<32xi32, #tpu.memory_space<vmem>>
    %dma_wait3A_639 = arith.constant 0 : i32
    %dma_wait3A_640 = arith.constant 0 : i32
    %dma_wait3A_641 = tpu.memref_slice %arg3[%dma_wait3A_639, %dma_wait3A_640] : memref<100000x768xf32, #tpu.memory_space<hbm>> -> memref<100000x768xf32, #tpu.memory_space<hbm>>
    tpu.wait_indirect_dma semaphore(%arg12 : memref<!tpu.dma_semaphore, #tpu.memory_space<semaphore_mem>>) src(%dma_wait3A_641 : memref<100000x768xf32, #tpu.memory_space<hbm>>) dst(%arg8 : memref<32x768xf32, #tpu.memory_space<vmem>>)
    %dma_wait3A_642 = arith.constant 0 : i32
    %dma_wait3A_643 = arith.constant 0 : i32
    %dma_wait3A_644 = arith.constant 0 : i32
    %dma_wait3A_645 = tpu.memref_slice %arg7[%dma_wait3A_642, %dma_wait3A_643, %dma_wait3A_644] : memref<2x8x768xf32, #tpu.memory_space<vmem>> -> memref<1x8x768xf32, #tpu.memory_space<vmem>>
    %dma_wait3A_646 = tpu.memref_squeeze %dma_wait3A_645 : memref<1x8x768xf32, #tpu.memory_space<vmem>> -> memref<8x768xf32, #tpu.memory_space<vmem>>
    %dma_wait3A_647 = arith.constant 0 : i32
    %dma_wait3A_648 = tpu.memref_slice %arg4[%add3A_403, %dma_wait3A_647] : memref<2048x768xf32, #tpu.memory_space<hbm>> -> memref<8x768xf32, #tpu.memory_space<hbm>>
    %dma_wait3A_649 = arith.constant 0 : i32
    %dma_wait3A_650 = arith.constant 0 : i32
    %dma_wait3A_651 = tpu.memref_slice %arg7[%dma_wait3A_642, %dma_wait3A_649, %dma_wait3A_650] : memref<2x8x768xf32, #tpu.memory_space<vmem>> -> memref<1x8x768xf32, #tpu.memory_space<vmem>>
    %dma_wait3A_652 = tpu.memref_squeeze %dma_wait3A_651 : memref<1x8x768xf32, #tpu.memory_space<vmem>> -> memref<8x768xf32, #tpu.memory_space<vmem>>
    %dma_wait3A_653 = arith.constant 0 : i32
    %dma_wait3A_654 = tpu.memref_slice %arg4[%add3A_403, %dma_wait3A_653] : memref<2048x768xf32, #tpu.memory_space<hbm>> -> memref<8x768xf32, #tpu.memory_space<hbm>>
    tpu.wait_dma2 semaphore(%arg20 : memref<!tpu.dma_semaphore, #tpu.memory_space<semaphore_mem>>) src(%dma_wait3A_654 : memref<8x768xf32, #tpu.memory_space<hbm>>) dst(%dma_wait3A_652 : memref<8x768xf32, #tpu.memory_space<vmem>>)
    %scan3A_655 = arith.constant 0 : i32
    %scan3A_656 = arith.constant 8 : i32
    %scan3A_657 = arith.addi %scan3A_655, %scan3A_656 : i32
    %scan3A_658 = arith.constant 1 : i32
    scf.for %scan3A_1272 = %scan3A_655 to %scan3A_657 step %scan3A_658  : i32 {
      %scan3A_1273 = arith.constant 0 : i32
      %scan3A_1274 = arith.constant 12 : i32
      %scan3A_1275 = arith.addi %scan3A_1273, %scan3A_1274 : i32
      %scan3A_1276 = arith.constant 1 : i32
      scf.for %scan3A_1278 = %scan3A_1273 to %scan3A_1275 step %scan3A_1276  : i32 {
        %mul3A_1279 = arith.constant 64 : i32
        %mul3A_1280 = arith.muli %scan3A_1278, %mul3A_1279 : i32
        %add3A_1281 = arith.constant 0 : i32
        %add3A_1282 = arith.addi %mul3A_1280, %add3A_1281 : i32
        %get3A = arith.constant 0 : i32
        %get3A_1283 = arith.index_cast %get3A : i32 to index
        %get3A_1284 = arith.index_cast %scan3A_1272 : i32 to index
        %get3A_1285 = arith.index_cast %add3A_1282 : i32 to index
        %get3A_1286 = tpu.vector_load %arg7[%get3A_1283, %get3A_1284, %get3A_1285] {strides = array<i32>} : memref<2x8x768xf32, #tpu.memory_space<vmem>>, vector<1x1x16xf32>,
        %get3A_1287 = vector.shape_cast %get3A_1286 : vector<1x1x16xf32> to vector<16xf32>
        %add3A_1288 = arith.constant 16 : i32
        %add3A_1289 = arith.addi %mul3A_1280, %add3A_1288 : i32
        %get3A_1290 = arith.constant 0 : i32
        %get3A_1291 = arith.index_cast %get3A_1290 : i32 to index
        %get3A_1292 = arith.index_cast %scan3A_1272 : i32 to index
        %get3A_1293 = arith.index_cast %add3A_1289 : i32 to index
        %get3A_1294 = tpu.vector_load %arg7[%get3A_1291, %get3A_1292, %get3A_1293] {strides = array<i32>} : memref<2x8x768xf32, #tpu.memory_space<vmem>>, vector<1x1x16xf32>,
        %get3A_1295 = vector.shape_cast %get3A_1294 : vector<1x1x16xf32> to vector<16xf32>
        %add3A_1296 = arith.constant 32 : i32
        %add3A_1297 = arith.addi %mul3A_1280, %add3A_1296 : i32
        %get3A_1298 = arith.constant 0 : i32
        %get3A_1299 = arith.index_cast %get3A_1298 : i32 to index
        %get3A_1300 = arith.index_cast %scan3A_1272 : i32 to index
        %get3A_1301 = arith.index_cast %add3A_1297 : i32 to index
        %get3A_1302 = tpu.vector_load %arg7[%get3A_1299, %get3A_1300, %get3A_1301] {strides = array<i32>} : memref<2x8x768xf32, #tpu.memory_space<vmem>>, vector<1x1x16xf32>,
        %get3A_1303 = vector.shape_cast %get3A_1302 : vector<1x1x16xf32> to vector<16xf32>
        %add3A_1304 = arith.constant 48 : i32
        %add3A_1305 = arith.addi %mul3A_1280, %add3A_1304 : i32
        %get3A_1306 = arith.constant 0 : i32
        %get3A_1307 = arith.index_cast %get3A_1306 : i32 to index
        %get3A_1308 = arith.index_cast %scan3A_1272 : i32 to index
        %get3A_1309 = arith.index_cast %add3A_1305 : i32 to index
        %get3A_1310 = tpu.vector_load %arg7[%get3A_1307, %get3A_1308, %get3A_1309] {strides = array<i32>} : memref<2x8x768xf32, #tpu.memory_space<vmem>>, vector<1x1x16xf32>,
        %get3A_1311 = vector.shape_cast %get3A_1310 : vector<1x1x16xf32> to vector<16xf32>
        %add3A_1312 = arith.constant 0 : i32
        %add3A_1313 = arith.addi %add3A_1312, %scan3A_1272 : i32
        %add3A_1314 = arith.constant 0 : i32
        %add3A_1315 = arith.addi %mul3A_1280, %add3A_1314 : i32
        %swap3A = arith.index_cast %add3A_1313 : i32 to index
        %swap3A_1316 = arith.index_cast %add3A_1315 : i32 to index
        %swap3A_1317 = tpu.vector_load %arg8[%swap3A, %swap3A_1316] {strides = array<i32>} : memref<32x768xf32, #tpu.memory_space<vmem>>, vector<1x16xf32>,
        %swap3A_1318 = vector.shape_cast %swap3A_1317 : vector<1x16xf32> to vector<16xf32>
        %swap3A_1319 = vector.shape_cast %get3A_1287 : vector<16xf32> to vector<1x16xf32>
        tpu.vector_store %arg8[%swap3A, %swap3A_1316], %swap3A_1319 {add = true, strides = array<i32>} : memref<32x768xf32, #tpu.memory_space<vmem>>, vector<1x16xf32>,
        %add3A_1320 = arith.constant 16 : i32
        %add3A_1321 = arith.addi %mul3A_1280, %add3A_1320 : i32
        %swap3A_1322 = arith.index_cast %add3A_1313 : i32 to index
        %swap3A_1323 = arith.index_cast %add3A_1321 : i32 to index
        %swap3A_1324 = tpu.vector_load %arg8[%swap3A_1322, %swap3A_1323] {strides = array<i32>} : memref<32x768xf32, #tpu.memory_space<vmem>>, vector<1x16xf32>,
        %swap3A_1325 = vector.shape_cast %swap3A_1324 : vector<1x16xf32> to vector<16xf32>
        %swap3A_1326 = vector.shape_cast %get3A_1295 : vector<16xf32> to vector<1x16xf32>
        tpu.vector_store %arg8[%swap3A_1322, %swap3A_1323], %swap3A_1326 {add = true, strides = array<i32>} : memref<32x768xf32, #tpu.memory_space<vmem>>, vector<1x16xf32>,
        %add3A_1327 = arith.constant 32 : i32
        %add3A_1328 = arith.addi %mul3A_1280, %add3A_1327 : i32
        %swap3A_1329 = arith.index_cast %add3A_1313 : i32 to index
        %swap3A_1330 = arith.index_cast %add3A_1328 : i32 to index
        %swap3A_1331 = tpu.vector_load %arg8[%swap3A_1329, %swap3A_1330] {strides = array<i32>} : memref<32x768xf32, #tpu.memory_space<vmem>>, vector<1x16xf32>,
        %swap3A_1332 = vector.shape_cast %swap3A_1331 : vector<1x16xf32> to vector<16xf32>
        %swap3A_1333 = vector.shape_cast %get3A_1303 : vector<16xf32> to vector<1x16xf32>
        tpu.vector_store %arg8[%swap3A_1329, %swap3A_1330], %swap3A_1333 {add = true, strides = array<i32>} : memref<32x768xf32, #tpu.memory_space<vmem>>, vector<1x16xf32>,
        %add3A_1334 = arith.constant 48 : i32
        %add3A_1335 = arith.addi %mul3A_1280, %add3A_1334 : i32
        %swap3A_1336 = arith.index_cast %add3A_1313 : i32 to index
        %swap3A_1337 = arith.index_cast %add3A_1335 : i32 to index
        %swap3A_1338 = tpu.vector_load %arg8[%swap3A_1336, %swap3A_1337] {strides = array<i32>} : memref<32x768xf32, #tpu.memory_space<vmem>>, vector<1x16xf32>,
        %swap3A_1339 = vector.shape_cast %swap3A_1338 : vector<1x16xf32> to vector<16xf32>
        %swap3A_1340 = vector.shape_cast %get3A_1311 : vector<16xf32> to vector<1x16xf32>
        tpu.vector_store %arg8[%swap3A_1336, %swap3A_1337], %swap3A_1340 {add = true, strides = array<i32>} : memref<32x768xf32, #tpu.memory_space<vmem>>, vector<1x16xf32>,
        %add3A_1341 = arith.constant 8 : i32
        %add3A_1342 = arith.addi %add3A_1341, %scan3A_1272 : i32
        %add3A_1343 = arith.constant 0 : i32
        %add3A_1344 = arith.addi %mul3A_1280, %add3A_1343 : i32
        %swap3A_1345 = arith.index_cast %add3A_1342 : i32 to index
        %swap3A_1346 = arith.index_cast %add3A_1344 : i32 to index
        %swap3A_1347 = tpu.vector_load %arg8[%swap3A_1345, %swap3A_1346] {strides = array<i32>} : memref<32x768xf32, #tpu.memory_space<vmem>>, vector<1x16xf32>,
        %swap3A_1348 = vector.shape_cast %swap3A_1347 : vector<1x16xf32> to vector<16xf32>
        %swap3A_1349 = vector.shape_cast %get3A_1287 : vector<16xf32> to vector<1x16xf32>
        tpu.vector_store %arg8[%swap3A_1345, %swap3A_1346], %swap3A_1349 {add = true, strides = array<i32>} : memref<32x768xf32, #tpu.memory_space<vmem>>, vector<1x16xf32>,
        %add3A_1350 = arith.constant 16 : i32
        %add3A_1351 = arith.addi %mul3A_1280, %add3A_1350 : i32
        %swap3A_1352 = arith.index_cast %add3A_1342 : i32 to index
        %swap3A_1353 = arith.index_cast %add3A_1351 : i32 to index
        %swap3A_1354 = tpu.vector_load %arg8[%swap3A_1352, %swap3A_1353] {strides = array<i32>} : memref<32x768xf32, #tpu.memory_space<vmem>>, vector<1x16xf32>,
        %swap3A_1355 = vector.shape_cast %swap3A_1354 : vector<1x16xf32> to vector<16xf32>
        %swap3A_1356 = vector.shape_cast %get3A_1295 : vector<16xf32> to vector<1x16xf32>
        tpu.vector_store %arg8[%swap3A_1352, %swap3A_1353], %swap3A_1356 {add = true, strides = array<i32>} : memref<32x768xf32, #tpu.memory_space<vmem>>, vector<1x16xf32>,
        %add3A_1357 = arith.constant 32 : i32
        %add3A_1358 = arith.addi %mul3A_1280, %add3A_1357 : i32
        %swap3A_1359 = arith.index_cast %add3A_1342 : i32 to index
        %swap3A_1360 = arith.index_cast %add3A_1358 : i32 to index
        %swap3A_1361 = tpu.vector_load %arg8[%swap3A_1359, %swap3A_1360] {strides = array<i32>} : memref<32x768xf32, #tpu.memory_space<vmem>>, vector<1x16xf32>,
        %swap3A_1362 = vector.shape_cast %swap3A_1361 : vector<1x16xf32> to vector<16xf32>
        %swap3A_1363 = vector.shape_cast %get3A_1303 : vector<16xf32> to vector<1x16xf32>
        tpu.vector_store %arg8[%swap3A_1359, %swap3A_1360], %swap3A_1363 {add = true, strides = array<i32>} : memref<32x768xf32, #tpu.memory_space<vmem>>, vector<1x16xf32>,
        %add3A_1364 = arith.constant 48 : i32
        %add3A_1365 = arith.addi %mul3A_1280, %add3A_1364 : i32
        %swap3A_1366 = arith.index_cast %add3A_1342 : i32 to index
        %swap3A_1367 = arith.index_cast %add3A_1365 : i32 to index
        %swap3A_1368 = tpu.vector_load %arg8[%swap3A_1366, %swap3A_1367] {strides = array<i32>} : memref<32x768xf32, #tpu.memory_space<vmem>>, vector<1x16xf32>,
        %swap3A_1369 = vector.shape_cast %swap3A_1368 : vector<1x16xf32> to vector<16xf32>
        %swap3A_1370 = vector.shape_cast %get3A_1311 : vector<16xf32> to vector<1x16xf32>
        tpu.vector_store %arg8[%swap3A_1366, %swap3A_1367], %swap3A_1370 {add = true, strides = array<i32>} : memref<32x768xf32, #tpu.memory_space<vmem>>, vector<1x16xf32>,
        %add3A_1371 = arith.constant 16 : i32
        %add3A_1372 = arith.addi %add3A_1371, %scan3A_1272 : i32
        %add3A_1373 = arith.constant 0 : i32
        %add3A_1374 = arith.addi %mul3A_1280, %add3A_1373 : i32
        %swap3A_1375 = arith.index_cast %add3A_1372 : i32 to index
        %swap3A_1376 = arith.index_cast %add3A_1374 : i32 to index
        %swap3A_1377 = tpu.vector_load %arg8[%swap3A_1375, %swap3A_1376] {strides = array<i32>} : memref<32x768xf32, #tpu.memory_space<vmem>>, vector<1x16xf32>,
        %swap3A_1378 = vector.shape_cast %swap3A_1377 : vector<1x16xf32> to vector<16xf32>
        %swap3A_1379 = vector.shape_cast %get3A_1287 : vector<16xf32> to vector<1x16xf32>
        tpu.vector_store %arg8[%swap3A_1375, %swap3A_1376], %swap3A_1379 {add = true, strides = array<i32>} : memref<32x768xf32, #tpu.memory_space<vmem>>, vector<1x16xf32>,
        %add3A_1380 = arith.constant 16 : i32
        %add3A_1381 = arith.addi %mul3A_1280, %add3A_1380 : i32
        %swap3A_1382 = arith.index_cast %add3A_1372 : i32 to index
        %swap3A_1383 = arith.index_cast %add3A_1381 : i32 to index
        %swap3A_1384 = tpu.vector_load %arg8[%swap3A_1382, %swap3A_1383] {strides = array<i32>} : memref<32x768xf32, #tpu.memory_space<vmem>>, vector<1x16xf32>,
        %swap3A_1385 = vector.shape_cast %swap3A_1384 : vector<1x16xf32> to vector<16xf32>
        %swap3A_1386 = vector.shape_cast %get3A_1295 : vector<16xf32> to vector<1x16xf32>
        tpu.vector_store %arg8[%swap3A_1382, %swap3A_1383], %swap3A_1386 {add = true, strides = array<i32>} : memref<32x768xf32, #tpu.memory_space<vmem>>, vector<1x16xf32>,
        %add3A_1387 = arith.constant 32 : i32
        %add3A_1388 = arith.addi %mul3A_1280, %add3A_1387 : i32
        %swap3A_1389 = arith.index_cast %add3A_1372 : i32 to index
        %swap3A_1390 = arith.index_cast %add3A_1388 : i32 to index
        %swap3A_1391 = tpu.vector_load %arg8[%swap3A_1389, %swap3A_1390] {strides = array<i32>} : memref<32x768xf32, #tpu.memory_space<vmem>>, vector<1x16xf32>,
        %swap3A_1392 = vector.shape_cast %swap3A_1391 : vector<1x16xf32> to vector<16xf32>
        %swap3A_1393 = vector.shape_cast %get3A_1303 : vector<16xf32> to vector<1x16xf32>
        tpu.vector_store %arg8[%swap3A_1389, %swap3A_1390], %swap3A_1393 {add = true, strides = array<i32>} : memref<32x768xf32, #tpu.memory_space<vmem>>, vector<1x16xf32>,
        %add3A_1394 = arith.constant 48 : i32
        %add3A_1395 = arith.addi %mul3A_1280, %add3A_1394 : i32
        %swap3A_1396 = arith.index_cast %add3A_1372 : i32 to index
        %swap3A_1397 = arith.index_cast %add3A_1395 : i32 to index
        %swap3A_1398 = tpu.vector_load %arg8[%swap3A_1396, %swap3A_1397] {strides = array<i32>} : memref<32x768xf32, #tpu.memory_space<vmem>>, vector<1x16xf32>,
        %swap3A_1399 = vector.shape_cast %swap3A_1398 : vector<1x16xf32> to vector<16xf32>
        %swap3A_1400 = vector.shape_cast %get3A_1311 : vector<16xf32> to vector<1x16xf32>
        tpu.vector_store %arg8[%swap3A_1396, %swap3A_1397], %swap3A_1400 {add = true, strides = array<i32>} : memref<32x768xf32, #tpu.memory_space<vmem>>, vector<1x16xf32>,
        %add3A_1401 = arith.constant 24 : i32
        %add3A_1402 = arith.addi %add3A_1401, %scan3A_1272 : i32
        %add3A_1403 = arith.constant 0 : i32
        %add3A_1404 = arith.addi %mul3A_1280, %add3A_1403 : i32
        %swap3A_1405 = arith.index_cast %add3A_1402 : i32 to index
        %swap3A_1406 = arith.index_cast %add3A_1404 : i32 to index
        %swap3A_1407 = tpu.vector_load %arg8[%swap3A_1405, %swap3A_1406] {strides = array<i32>} : memref<32x768xf32, #tpu.memory_space<vmem>>, vector<1x16xf32>,
        %swap3A_1408 = vector.shape_cast %swap3A_1407 : vector<1x16xf32> to vector<16xf32>
        %swap3A_1409 = vector.shape_cast %get3A_1287 : vector<16xf32> to vector<1x16xf32>
        tpu.vector_store %arg8[%swap3A_1405, %swap3A_1406], %swap3A_1409 {add = true, strides = array<i32>} : memref<32x768xf32, #tpu.memory_space<vmem>>, vector<1x16xf32>,
        %add3A_1410 = arith.constant 16 : i32
        %add3A_1411 = arith.addi %mul3A_1280, %add3A_1410 : i32
        %swap3A_1412 = arith.index_cast %add3A_1402 : i32 to index
        %swap3A_1413 = arith.index_cast %add3A_1411 : i32 to index
        %swap3A_1414 = tpu.vector_load %arg8[%swap3A_1412, %swap3A_1413] {strides = array<i32>} : memref<32x768xf32, #tpu.memory_space<vmem>>, vector<1x16xf32>,
        %swap3A_1415 = vector.shape_cast %swap3A_1414 : vector<1x16xf32> to vector<16xf32>
        %swap3A_1416 = vector.shape_cast %get3A_1295 : vector<16xf32> to vector<1x16xf32>
        tpu.vector_store %arg8[%swap3A_1412, %swap3A_1413], %swap3A_1416 {add = true, strides = array<i32>} : memref<32x768xf32, #tpu.memory_space<vmem>>, vector<1x16xf32>,
        %add3A_1417 = arith.constant 32 : i32
        %add3A_1418 = arith.addi %mul3A_1280, %add3A_1417 : i32
        %swap3A_1419 = arith.index_cast %add3A_1402 : i32 to index
        %swap3A_1420 = arith.index_cast %add3A_1418 : i32 to index
        %swap3A_1421 = tpu.vector_load %arg8[%swap3A_1419, %swap3A_1420] {strides = array<i32>} : memref<32x768xf32, #tpu.memory_space<vmem>>, vector<1x16xf32>,
        %swap3A_1422 = vector.shape_cast %swap3A_1421 : vector<1x16xf32> to vector<16xf32>
        %swap3A_1423 = vector.shape_cast %get3A_1303 : vector<16xf32> to vector<1x16xf32>
        tpu.vector_store %arg8[%swap3A_1419, %swap3A_1420], %swap3A_1423 {add = true, strides = array<i32>} : memref<32x768xf32, #tpu.memory_space<vmem>>, vector<1x16xf32>,
        %add3A_1424 = arith.constant 48 : i32
        %add3A_1425 = arith.addi %mul3A_1280, %add3A_1424 : i32
        %swap3A_1426 = arith.index_cast %add3A_1402 : i32 to index
        %swap3A_1427 = arith.index_cast %add3A_1425 : i32 to index
        %swap3A_1428 = tpu.vector_load %arg8[%swap3A_1426, %swap3A_1427] {strides = array<i32>} : memref<32x768xf32, #tpu.memory_space<vmem>>, vector<1x16xf32>,
        %swap3A_1429 = vector.shape_cast %swap3A_1428 : vector<1x16xf32> to vector<16xf32>
        %swap3A_1430 = vector.shape_cast %get3A_1311 : vector<16xf32> to vector<1x16xf32>
        tpu.vector_store %arg8[%swap3A_1426, %swap3A_1427], %swap3A_1430 {add = true, strides = array<i32>} : memref<32x768xf32, #tpu.memory_space<vmem>>, vector<1x16xf32>,
      }
      %scan3A_1277 = arith.constant 12 : i32
    }
    %scan3A_659 = arith.constant 8 : i32
    %add3A_660 = arith.constant 32 : i32
    %add3A_661 = arith.addi %mul3A_2, %add3A_660 : i32
    %dma_start3A_662 = arith.constant 0 : i32
    %dma_start3A_663 = arith.constant 0 : i32
    %dma_start3A_664 = arith.constant 0 : i32
    %dma_start3A_665 = tpu.memref_slice %arg8[%dma_start3A_663, %dma_start3A_664] : memref<32x768xf32, #tpu.memory_space<vmem>> -> memref<8x768xf32, #tpu.memory_space<vmem>>
    %dma_start3A_666 = arith.constant 0 : i32
    %dma_start3A_667 = tpu.memref_slice %arg5[%dma_start3A_662, %add3A_661, %dma_start3A_666] : memref<4x2048x768xf32, #tpu.memory_space<hbm>> -> memref<1x8x768xf32, #tpu.memory_space<hbm>>
    %dma_start3A_668 = tpu.memref_squeeze %dma_start3A_667 : memref<1x8x768xf32, #tpu.memory_space<hbm>> -> memref<8x768xf32, #tpu.memory_space<hbm>>
    %dma_start3A_669 = arith.constant 0 : i32
    %dma_start3A_670 = tpu.memref_slice %arg5[%dma_start3A_662, %add3A_661, %dma_start3A_669] : memref<4x2048x768xf32, #tpu.memory_space<hbm>> -> memref<1x8x768xf32, #tpu.memory_space<hbm>>
    %dma_start3A_671 = tpu.memref_squeeze %dma_start3A_670 : memref<1x8x768xf32, #tpu.memory_space<hbm>> -> memref<8x768xf32, #tpu.memory_space<hbm>>
    %dma_start3A_672 = arith.constant 0 : i32
    %dma_start3A_673 = arith.constant 0 : i32
    %dma_start3A_674 = tpu.memref_slice %arg8[%dma_start3A_672, %dma_start3A_673] : memref<32x768xf32, #tpu.memory_space<vmem>> -> memref<8x768xf32, #tpu.memory_space<vmem>>
    tpu.enqueue_dma source(%dma_start3A_674 : memref<8x768xf32, #tpu.memory_space<vmem>>) target(%dma_start3A_671 : memref<8x768xf32, #tpu.memory_space<hbm>>) target_semaphore(%arg16 : memref<!tpu.dma_semaphore, #tpu.memory_space<semaphore_mem>>)
    %add3A_675 = arith.constant 32 : i32
    %add3A_676 = arith.addi %mul3A_2, %add3A_675 : i32
    %dma_start3A_677 = arith.constant 1 : i32
    %dma_start3A_678 = arith.constant 8 : i32
    %dma_start3A_679 = arith.constant 0 : i32
    %dma_start3A_680 = tpu.memref_slice %arg8[%dma_start3A_678, %dma_start3A_679] : memref<32x768xf32, #tpu.memory_space<vmem>> -> memref<8x768xf32, #tpu.memory_space<vmem>>
    %dma_start3A_681 = arith.constant 0 : i32
    %dma_start3A_682 = tpu.memref_slice %arg5[%dma_start3A_677, %add3A_676, %dma_start3A_681] : memref<4x2048x768xf32, #tpu.memory_space<hbm>> -> memref<1x8x768xf32, #tpu.memory_space<hbm>>
    %dma_start3A_683 = tpu.memref_squeeze %dma_start3A_682 : memref<1x8x768xf32, #tpu.memory_space<hbm>> -> memref<8x768xf32, #tpu.memory_space<hbm>>
    %dma_start3A_684 = arith.constant 0 : i32
    %dma_start3A_685 = tpu.memref_slice %arg5[%dma_start3A_677, %add3A_676, %dma_start3A_684] : memref<4x2048x768xf32, #tpu.memory_space<hbm>> -> memref<1x8x768xf32, #tpu.memory_space<hbm>>
    %dma_start3A_686 = tpu.memref_squeeze %dma_start3A_685 : memref<1x8x768xf32, #tpu.memory_space<hbm>> -> memref<8x768xf32, #tpu.memory_space<hbm>>
    %dma_start3A_687 = arith.constant 8 : i32
    %dma_start3A_688 = arith.constant 0 : i32
    %dma_start3A_689 = tpu.memref_slice %arg8[%dma_start3A_687, %dma_start3A_688] : memref<32x768xf32, #tpu.memory_space<vmem>> -> memref<8x768xf32, #tpu.memory_space<vmem>>
    tpu.enqueue_dma source(%dma_start3A_689 : memref<8x768xf32, #tpu.memory_space<vmem>>) target(%dma_start3A_686 : memref<8x768xf32, #tpu.memory_space<hbm>>) target_semaphore(%arg16 : memref<!tpu.dma_semaphore, #tpu.memory_space<semaphore_mem>>)
    %add3A_690 = arith.constant 32 : i32
    %add3A_691 = arith.addi %mul3A_2, %add3A_690 : i32
    %dma_start3A_692 = arith.constant 2 : i32
    %dma_start3A_693 = arith.constant 16 : i32
    %dma_start3A_694 = arith.constant 0 : i32
    %dma_start3A_695 = tpu.memref_slice %arg8[%dma_start3A_693, %dma_start3A_694] : memref<32x768xf32, #tpu.memory_space<vmem>> -> memref<8x768xf32, #tpu.memory_space<vmem>>
    %dma_start3A_696 = arith.constant 0 : i32
    %dma_start3A_697 = tpu.memref_slice %arg5[%dma_start3A_692, %add3A_691, %dma_start3A_696] : memref<4x2048x768xf32, #tpu.memory_space<hbm>> -> memref<1x8x768xf32, #tpu.memory_space<hbm>>
    %dma_start3A_698 = tpu.memref_squeeze %dma_start3A_697 : memref<1x8x768xf32, #tpu.memory_space<hbm>> -> memref<8x768xf32, #tpu.memory_space<hbm>>
    %dma_start3A_699 = arith.constant 0 : i32
    %dma_start3A_700 = tpu.memref_slice %arg5[%dma_start3A_692, %add3A_691, %dma_start3A_699] : memref<4x2048x768xf32, #tpu.memory_space<hbm>> -> memref<1x8x768xf32, #tpu.memory_space<hbm>>
    %dma_start3A_701 = tpu.memref_squeeze %dma_start3A_700 : memref<1x8x768xf32, #tpu.memory_space<hbm>> -> memref<8x768xf32, #tpu.memory_space<hbm>>
    %dma_start3A_702 = arith.constant 16 : i32
    %dma_start3A_703 = arith.constant 0 : i32
    %dma_start3A_704 = tpu.memref_slice %arg8[%dma_start3A_702, %dma_start3A_703] : memref<32x768xf32, #tpu.memory_space<vmem>> -> memref<8x768xf32, #tpu.memory_space<vmem>>
    tpu.enqueue_dma source(%dma_start3A_704 : memref<8x768xf32, #tpu.memory_space<vmem>>) target(%dma_start3A_701 : memref<8x768xf32, #tpu.memory_space<hbm>>) target_semaphore(%arg16 : memref<!tpu.dma_semaphore, #tpu.memory_space<semaphore_mem>>)
    %add3A_705 = arith.constant 32 : i32
    %add3A_706 = arith.addi %mul3A_2, %add3A_705 : i32
    %dma_start3A_707 = arith.constant 3 : i32
    %dma_start3A_708 = arith.constant 24 : i32
    %dma_start3A_709 = arith.constant 0 : i32
    %dma_start3A_710 = tpu.memref_slice %arg8[%dma_start3A_708, %dma_start3A_709] : memref<32x768xf32, #tpu.memory_space<vmem>> -> memref<8x768xf32, #tpu.memory_space<vmem>>
    %dma_start3A_711 = arith.constant 0 : i32
    %dma_start3A_712 = tpu.memref_slice %arg5[%dma_start3A_707, %add3A_706, %dma_start3A_711] : memref<4x2048x768xf32, #tpu.memory_space<hbm>> -> memref<1x8x768xf32, #tpu.memory_space<hbm>>
    %dma_start3A_713 = tpu.memref_squeeze %dma_start3A_712 : memref<1x8x768xf32, #tpu.memory_space<hbm>> -> memref<8x768xf32, #tpu.memory_space<hbm>>
    %dma_start3A_714 = arith.constant 0 : i32
    %dma_start3A_715 = tpu.memref_slice %arg5[%dma_start3A_707, %add3A_706, %dma_start3A_714] : memref<4x2048x768xf32, #tpu.memory_space<hbm>> -> memref<1x8x768xf32, #tpu.memory_space<hbm>>
    %dma_start3A_716 = tpu.memref_squeeze %dma_start3A_715 : memref<1x8x768xf32, #tpu.memory_space<hbm>> -> memref<8x768xf32, #tpu.memory_space<hbm>>
    %dma_start3A_717 = arith.constant 24 : i32
    %dma_start3A_718 = arith.constant 0 : i32
    %dma_start3A_719 = tpu.memref_slice %arg8[%dma_start3A_717, %dma_start3A_718] : memref<32x768xf32, #tpu.memory_space<vmem>> -> memref<8x768xf32, #tpu.memory_space<vmem>>
    tpu.enqueue_dma source(%dma_start3A_719 : memref<8x768xf32, #tpu.memory_space<vmem>>) target(%dma_start3A_716 : memref<8x768xf32, #tpu.memory_space<hbm>>) target_semaphore(%arg16 : memref<!tpu.dma_semaphore, #tpu.memory_space<semaphore_mem>>)
    %add3A_720 = arith.constant 48 : i32
    %add3A_721 = arith.addi %mul3A_2, %add3A_720 : i32
    %dma_start3A_722 = arith.constant 0 : i32
    %dma_start3A_723 = arith.constant 0 : i32
    %dma_start3A_724 = arith.constant 0 : i32
    %dma_start3A_725 = tpu.memref_slice %arg7[%dma_start3A_722, %dma_start3A_723, %dma_start3A_724] : memref<2x8x768xf32, #tpu.memory_space<vmem>> -> memref<1x8x768xf32, #tpu.memory_space<vmem>>
    %dma_start3A_726 = tpu.memref_squeeze %dma_start3A_725 : memref<1x8x768xf32, #tpu.memory_space<vmem>> -> memref<8x768xf32, #tpu.memory_space<vmem>>
    %dma_start3A_727 = arith.constant 0 : i32
    %dma_start3A_728 = tpu.memref_slice %arg4[%add3A_721, %dma_start3A_727] : memref<2048x768xf32, #tpu.memory_space<hbm>> -> memref<8x768xf32, #tpu.memory_space<hbm>>
    %dma_start3A_729 = arith.constant 0 : i32
    %dma_start3A_730 = arith.constant 0 : i32
    %dma_start3A_731 = tpu.memref_slice %arg7[%dma_start3A_722, %dma_start3A_729, %dma_start3A_730] : memref<2x8x768xf32, #tpu.memory_space<vmem>> -> memref<1x8x768xf32, #tpu.memory_space<vmem>>
    %dma_start3A_732 = tpu.memref_squeeze %dma_start3A_731 : memref<1x8x768xf32, #tpu.memory_space<vmem>> -> memref<8x768xf32, #tpu.memory_space<vmem>>
    %dma_start3A_733 = arith.constant 0 : i32
    %dma_start3A_734 = tpu.memref_slice %arg4[%add3A_721, %dma_start3A_733] : memref<2048x768xf32, #tpu.memory_space<hbm>> -> memref<8x768xf32, #tpu.memory_space<hbm>>
    tpu.enqueue_dma source(%dma_start3A_734 : memref<8x768xf32, #tpu.memory_space<hbm>>) target(%dma_start3A_732 : memref<8x768xf32, #tpu.memory_space<vmem>>) target_semaphore(%arg20 : memref<!tpu.dma_semaphore, #tpu.memory_space<semaphore_mem>>)
    %dma_wait3A_735 = arith.constant 0 : i32
    %dma_wait3A_736 = arith.constant 0 : i32
    %dma_wait3A_737 = arith.constant 0 : i32
    %dma_wait3A_738 = tpu.memref_slice %arg11[%dma_wait3A_736, %dma_wait3A_737] : memref<32x768xf32, #tpu.memory_space<vmem>> -> memref<8x768xf32, #tpu.memory_space<vmem>>
    %dma_wait3A_739 = arith.constant 0 : i32
    %dma_wait3A_740 = tpu.memref_slice %arg5[%dma_wait3A_735, %add3A_502, %dma_wait3A_739] : memref<4x2048x768xf32, #tpu.memory_space<hbm>> -> memref<1x8x768xf32, #tpu.memory_space<hbm>>
    %dma_wait3A_741 = tpu.memref_squeeze %dma_wait3A_740 : memref<1x8x768xf32, #tpu.memory_space<hbm>> -> memref<8x768xf32, #tpu.memory_space<hbm>>
    %dma_wait3A_742 = arith.constant 0 : i32
    %dma_wait3A_743 = tpu.memref_slice %arg5[%dma_wait3A_735, %add3A_502, %dma_wait3A_742] : memref<4x2048x768xf32, #tpu.memory_space<hbm>> -> memref<1x8x768xf32, #tpu.memory_space<hbm>>
    %dma_wait3A_744 = tpu.memref_squeeze %dma_wait3A_743 : memref<1x8x768xf32, #tpu.memory_space<hbm>> -> memref<8x768xf32, #tpu.memory_space<hbm>>
    %dma_wait3A_745 = arith.constant 0 : i32
    %dma_wait3A_746 = arith.constant 0 : i32
    %dma_wait3A_747 = tpu.memref_slice %arg11[%dma_wait3A_745, %dma_wait3A_746] : memref<32x768xf32, #tpu.memory_space<vmem>> -> memref<8x768xf32, #tpu.memory_space<vmem>>
    tpu.wait_dma2 semaphore(%arg19 : memref<!tpu.dma_semaphore, #tpu.memory_space<semaphore_mem>>) src(%dma_wait3A_747 : memref<8x768xf32, #tpu.memory_space<vmem>>) dst(%dma_wait3A_744 : memref<8x768xf32, #tpu.memory_space<hbm>>)
    %dma_wait3A_748 = arith.constant 1 : i32
    %dma_wait3A_749 = arith.constant 8 : i32
    %dma_wait3A_750 = arith.constant 0 : i32
    %dma_wait3A_751 = tpu.memref_slice %arg11[%dma_wait3A_749, %dma_wait3A_750] : memref<32x768xf32, #tpu.memory_space<vmem>> -> memref<8x768xf32, #tpu.memory_space<vmem>>
    %dma_wait3A_752 = arith.constant 0 : i32
    %dma_wait3A_753 = tpu.memref_slice %arg5[%dma_wait3A_748, %add3A_517, %dma_wait3A_752] : memref<4x2048x768xf32, #tpu.memory_space<hbm>> -> memref<1x8x768xf32, #tpu.memory_space<hbm>>
    %dma_wait3A_754 = tpu.memref_squeeze %dma_wait3A_753 : memref<1x8x768xf32, #tpu.memory_space<hbm>> -> memref<8x768xf32, #tpu.memory_space<hbm>>
    %dma_wait3A_755 = arith.constant 0 : i32
    %dma_wait3A_756 = tpu.memref_slice %arg5[%dma_wait3A_748, %add3A_517, %dma_wait3A_755] : memref<4x2048x768xf32, #tpu.memory_space<hbm>> -> memref<1x8x768xf32, #tpu.memory_space<hbm>>
    %dma_wait3A_757 = tpu.memref_squeeze %dma_wait3A_756 : memref<1x8x768xf32, #tpu.memory_space<hbm>> -> memref<8x768xf32, #tpu.memory_space<hbm>>
    %dma_wait3A_758 = arith.constant 8 : i32
    %dma_wait3A_759 = arith.constant 0 : i32
    %dma_wait3A_760 = tpu.memref_slice %arg11[%dma_wait3A_758, %dma_wait3A_759] : memref<32x768xf32, #tpu.memory_space<vmem>> -> memref<8x768xf32, #tpu.memory_space<vmem>>
    tpu.wait_dma2 semaphore(%arg19 : memref<!tpu.dma_semaphore, #tpu.memory_space<semaphore_mem>>) src(%dma_wait3A_760 : memref<8x768xf32, #tpu.memory_space<vmem>>) dst(%dma_wait3A_757 : memref<8x768xf32, #tpu.memory_space<hbm>>)
    %dma_wait3A_761 = arith.constant 2 : i32
    %dma_wait3A_762 = arith.constant 16 : i32
    %dma_wait3A_763 = arith.constant 0 : i32
    %dma_wait3A_764 = tpu.memref_slice %arg11[%dma_wait3A_762, %dma_wait3A_763] : memref<32x768xf32, #tpu.memory_space<vmem>> -> memref<8x768xf32, #tpu.memory_space<vmem>>
    %dma_wait3A_765 = arith.constant 0 : i32
    %dma_wait3A_766 = tpu.memref_slice %arg5[%dma_wait3A_761, %add3A_532, %dma_wait3A_765] : memref<4x2048x768xf32, #tpu.memory_space<hbm>> -> memref<1x8x768xf32, #tpu.memory_space<hbm>>
    %dma_wait3A_767 = tpu.memref_squeeze %dma_wait3A_766 : memref<1x8x768xf32, #tpu.memory_space<hbm>> -> memref<8x768xf32, #tpu.memory_space<hbm>>
    %dma_wait3A_768 = arith.constant 0 : i32
    %dma_wait3A_769 = tpu.memref_slice %arg5[%dma_wait3A_761, %add3A_532, %dma_wait3A_768] : memref<4x2048x768xf32, #tpu.memory_space<hbm>> -> memref<1x8x768xf32, #tpu.memory_space<hbm>>
    %dma_wait3A_770 = tpu.memref_squeeze %dma_wait3A_769 : memref<1x8x768xf32, #tpu.memory_space<hbm>> -> memref<8x768xf32, #tpu.memory_space<hbm>>
    %dma_wait3A_771 = arith.constant 16 : i32
    %dma_wait3A_772 = arith.constant 0 : i32
    %dma_wait3A_773 = tpu.memref_slice %arg11[%dma_wait3A_771, %dma_wait3A_772] : memref<32x768xf32, #tpu.memory_space<vmem>> -> memref<8x768xf32, #tpu.memory_space<vmem>>
    tpu.wait_dma2 semaphore(%arg19 : memref<!tpu.dma_semaphore, #tpu.memory_space<semaphore_mem>>) src(%dma_wait3A_773 : memref<8x768xf32, #tpu.memory_space<vmem>>) dst(%dma_wait3A_770 : memref<8x768xf32, #tpu.memory_space<hbm>>)
    %dma_wait3A_774 = arith.constant 3 : i32
    %dma_wait3A_775 = arith.constant 24 : i32
    %dma_wait3A_776 = arith.constant 0 : i32
    %dma_wait3A_777 = tpu.memref_slice %arg11[%dma_wait3A_775, %dma_wait3A_776] : memref<32x768xf32, #tpu.memory_space<vmem>> -> memref<8x768xf32, #tpu.memory_space<vmem>>
    %dma_wait3A_778 = arith.constant 0 : i32
    %dma_wait3A_779 = tpu.memref_slice %arg5[%dma_wait3A_774, %add3A_547, %dma_wait3A_778] : memref<4x2048x768xf32, #tpu.memory_space<hbm>> -> memref<1x8x768xf32, #tpu.memory_space<hbm>>
    %dma_wait3A_780 = tpu.memref_squeeze %dma_wait3A_779 : memref<1x8x768xf32, #tpu.memory_space<hbm>> -> memref<8x768xf32, #tpu.memory_space<hbm>>
    %dma_wait3A_781 = arith.constant 0 : i32
    %dma_wait3A_782 = tpu.memref_slice %arg5[%dma_wait3A_774, %add3A_547, %dma_wait3A_781] : memref<4x2048x768xf32, #tpu.memory_space<hbm>> -> memref<1x8x768xf32, #tpu.memory_space<hbm>>
    %dma_wait3A_783 = tpu.memref_squeeze %dma_wait3A_782 : memref<1x8x768xf32, #tpu.memory_space<hbm>> -> memref<8x768xf32, #tpu.memory_space<hbm>>
    %dma_wait3A_784 = arith.constant 24 : i32
    %dma_wait3A_785 = arith.constant 0 : i32
    %dma_wait3A_786 = tpu.memref_slice %arg11[%dma_wait3A_784, %dma_wait3A_785] : memref<32x768xf32, #tpu.memory_space<vmem>> -> memref<8x768xf32, #tpu.memory_space<vmem>>
    tpu.wait_dma2 semaphore(%arg19 : memref<!tpu.dma_semaphore, #tpu.memory_space<semaphore_mem>>) src(%dma_wait3A_786 : memref<8x768xf32, #tpu.memory_space<vmem>>) dst(%dma_wait3A_783 : memref<8x768xf32, #tpu.memory_space<hbm>>)
    %dma_start3A_787 = arith.constant 7 : i32
    %dma_start3A_788 = arith.constant 0 : i32
    %dma_start3A_789 = tpu.memref_slice %arg6[%dma_start3A_787, %dma_start3A_788] : memref<8x32xi32, #tpu.memory_space<vmem>> -> memref<1x32xi32, #tpu.memory_space<vmem>>
    %dma_start3A_790 = tpu.memref_squeeze %dma_start3A_789 : memref<1x32xi32, #tpu.memory_space<vmem>> -> memref<32xi32, #tpu.memory_space<vmem>>
    %dma_start3A_791 = arith.constant 0 : i32
    %dma_start3A_792 = arith.constant 0 : i32
    %dma_start3A_793 = tpu.memref_slice %arg3[%dma_start3A_791, %dma_start3A_792] : memref<100000x768xf32, #tpu.memory_space<hbm>> -> memref<100000x768xf32, #tpu.memory_space<hbm>>
    tpu.enqueue_indirect_dma source(%dma_start3A_793 : memref<100000x768xf32, #tpu.memory_space<hbm>>) target(%arg11 : memref<32x768xf32, #tpu.memory_space<vmem>>) offsets(%dma_start3A_790 : memref<32xi32, #tpu.memory_space<vmem>>) semaphore(%arg15 : memref<!tpu.dma_semaphore, #tpu.memory_space<semaphore_mem>>)
    %dma_wait3A_794 = arith.constant 5 : i32
    %dma_wait3A_795 = arith.constant 0 : i32
    %dma_wait3A_796 = tpu.memref_slice %arg6[%dma_wait3A_794, %dma_wait3A_795] : memref<8x32xi32, #tpu.memory_space<vmem>> -> memref<1x32xi32, #tpu.memory_space<vmem>>
    %dma_wait3A_797 = tpu.memref_squeeze %dma_wait3A_796 : memref<1x32xi32, #tpu.memory_space<vmem>> -> memref<32xi32, #tpu.memory_space<vmem>>
    %dma_wait3A_798 = arith.constant 0 : i32
    %dma_wait3A_799 = arith.constant 0 : i32
    %dma_wait3A_800 = tpu.memref_slice %arg3[%dma_wait3A_798, %dma_wait3A_799] : memref<100000x768xf32, #tpu.memory_space<hbm>> -> memref<100000x768xf32, #tpu.memory_space<hbm>>
    tpu.wait_indirect_dma semaphore(%arg13 : memref<!tpu.dma_semaphore, #tpu.memory_space<semaphore_mem>>) src(%dma_wait3A_800 : memref<100000x768xf32, #tpu.memory_space<hbm>>) dst(%arg9 : memref<32x768xf32, #tpu.memory_space<vmem>>)
    %dma_wait3A_801 = arith.constant 1 : i32
    %dma_wait3A_802 = arith.constant 0 : i32
    %dma_wait3A_803 = arith.constant 0 : i32
    %dma_wait3A_804 = tpu.memref_slice %arg7[%dma_wait3A_801, %dma_wait3A_802, %dma_wait3A_803] : memref<2x8x768xf32, #tpu.memory_space<vmem>> -> memref<1x8x768xf32, #tpu.memory_space<vmem>>
    %dma_wait3A_805 = tpu.memref_squeeze %dma_wait3A_804 : memref<1x8x768xf32, #tpu.memory_space<vmem>> -> memref<8x768xf32, #tpu.memory_space<vmem>>
    %dma_wait3A_806 = arith.constant 0 : i32
    %dma_wait3A_807 = tpu.memref_slice %arg4[%add3A_562, %dma_wait3A_806] : memref<2048x768xf32, #tpu.memory_space<hbm>> -> memref<8x768xf32, #tpu.memory_space<hbm>>
    %dma_wait3A_808 = arith.constant 0 : i32
    %dma_wait3A_809 = arith.constant 0 : i32
    %dma_wait3A_810 = tpu.memref_slice %arg7[%dma_wait3A_801, %dma_wait3A_808, %dma_wait3A_809] : memref<2x8x768xf32, #tpu.memory_space<vmem>> -> memref<1x8x768xf32, #tpu.memory_space<vmem>>
    %dma_wait3A_811 = tpu.memref_squeeze %dma_wait3A_810 : memref<1x8x768xf32, #tpu.memory_space<vmem>> -> memref<8x768xf32, #tpu.memory_space<vmem>>
    %dma_wait3A_812 = arith.constant 0 : i32
    %dma_wait3A_813 = tpu.memref_slice %arg4[%add3A_562, %dma_wait3A_812] : memref<2048x768xf32, #tpu.memory_space<hbm>> -> memref<8x768xf32, #tpu.memory_space<hbm>>
    tpu.wait_dma2 semaphore(%arg21 : memref<!tpu.dma_semaphore, #tpu.memory_space<semaphore_mem>>) src(%dma_wait3A_813 : memref<8x768xf32, #tpu.memory_space<hbm>>) dst(%dma_wait3A_811 : memref<8x768xf32, #tpu.memory_space<vmem>>)
    %scan3A_814 = arith.constant 0 : i32
    %scan3A_815 = arith.constant 8 : i32
    %scan3A_816 = arith.addi %scan3A_814, %scan3A_815 : i32
    %scan3A_817 = arith.constant 1 : i32
    scf.for %scan3A_1272 = %scan3A_814 to %scan3A_816 step %scan3A_817  : i32 {
      %scan3A_1273 = arith.constant 0 : i32
      %scan3A_1274 = arith.constant 12 : i32
      %scan3A_1275 = arith.addi %scan3A_1273, %scan3A_1274 : i32
      %scan3A_1276 = arith.constant 1 : i32
      scf.for %scan3A_1278 = %scan3A_1273 to %scan3A_1275 step %scan3A_1276  : i32 {
        %mul3A_1279 = arith.constant 64 : i32
        %mul3A_1280 = arith.muli %scan3A_1278, %mul3A_1279 : i32
        %add3A_1281 = arith.constant 0 : i32
        %add3A_1282 = arith.addi %mul3A_1280, %add3A_1281 : i32
        %get3A = arith.constant 1 : i32
        %get3A_1283 = arith.index_cast %get3A : i32 to index
        %get3A_1284 = arith.index_cast %scan3A_1272 : i32 to index
        %get3A_1285 = arith.index_cast %add3A_1282 : i32 to index
        %get3A_1286 = tpu.vector_load %arg7[%get3A_1283, %get3A_1284, %get3A_1285] {strides = array<i32>} : memref<2x8x768xf32, #tpu.memory_space<vmem>>, vector<1x1x16xf32>,
        %get3A_1287 = vector.shape_cast %get3A_1286 : vector<1x1x16xf32> to vector<16xf32>
        %add3A_1288 = arith.constant 16 : i32
        %add3A_1289 = arith.addi %mul3A_1280, %add3A_1288 : i32
        %get3A_1290 = arith.constant 1 : i32
        %get3A_1291 = arith.index_cast %get3A_1290 : i32 to index
        %get3A_1292 = arith.index_cast %scan3A_1272 : i32 to index
        %get3A_1293 = arith.index_cast %add3A_1289 : i32 to index
        %get3A_1294 = tpu.vector_load %arg7[%get3A_1291, %get3A_1292, %get3A_1293] {strides = array<i32>} : memref<2x8x768xf32, #tpu.memory_space<vmem>>, vector<1x1x16xf32>,
        %get3A_1295 = vector.shape_cast %get3A_1294 : vector<1x1x16xf32> to vector<16xf32>
        %add3A_1296 = arith.constant 32 : i32
        %add3A_1297 = arith.addi %mul3A_1280, %add3A_1296 : i32
        %get3A_1298 = arith.constant 1 : i32
        %get3A_1299 = arith.index_cast %get3A_1298 : i32 to index
        %get3A_1300 = arith.index_cast %scan3A_1272 : i32 to index
        %get3A_1301 = arith.index_cast %add3A_1297 : i32 to index
        %get3A_1302 = tpu.vector_load %arg7[%get3A_1299, %get3A_1300, %get3A_1301] {strides = array<i32>} : memref<2x8x768xf32, #tpu.memory_space<vmem>>, vector<1x1x16xf32>,
        %get3A_1303 = vector.shape_cast %get3A_1302 : vector<1x1x16xf32> to vector<16xf32>
        %add3A_1304 = arith.constant 48 : i32
        %add3A_1305 = arith.addi %mul3A_1280, %add3A_1304 : i32
        %get3A_1306 = arith.constant 1 : i32
        %get3A_1307 = arith.index_cast %get3A_1306 : i32 to index
        %get3A_1308 = arith.index_cast %scan3A_1272 : i32 to index
        %get3A_1309 = arith.index_cast %add3A_1305 : i32 to index
        %get3A_1310 = tpu.vector_load %arg7[%get3A_1307, %get3A_1308, %get3A_1309] {strides = array<i32>} : memref<2x8x768xf32, #tpu.memory_space<vmem>>, vector<1x1x16xf32>,
        %get3A_1311 = vector.shape_cast %get3A_1310 : vector<1x1x16xf32> to vector<16xf32>
        %add3A_1312 = arith.constant 0 : i32
        %add3A_1313 = arith.addi %add3A_1312, %scan3A_1272 : i32
        %add3A_1314 = arith.constant 0 : i32
        %add3A_1315 = arith.addi %mul3A_1280, %add3A_1314 : i32
        %swap3A = arith.index_cast %add3A_1313 : i32 to index
        %swap3A_1316 = arith.index_cast %add3A_1315 : i32 to index
        %swap3A_1317 = tpu.vector_load %arg9[%swap3A, %swap3A_1316] {strides = array<i32>} : memref<32x768xf32, #tpu.memory_space<vmem>>, vector<1x16xf32>,
        %swap3A_1318 = vector.shape_cast %swap3A_1317 : vector<1x16xf32> to vector<16xf32>
        %swap3A_1319 = vector.shape_cast %get3A_1287 : vector<16xf32> to vector<1x16xf32>
        tpu.vector_store %arg9[%swap3A, %swap3A_1316], %swap3A_1319 {add = true, strides = array<i32>} : memref<32x768xf32, #tpu.memory_space<vmem>>, vector<1x16xf32>,
        %add3A_1320 = arith.constant 16 : i32
        %add3A_1321 = arith.addi %mul3A_1280, %add3A_1320 : i32
        %swap3A_1322 = arith.index_cast %add3A_1313 : i32 to index
        %swap3A_1323 = arith.index_cast %add3A_1321 : i32 to index
        %swap3A_1324 = tpu.vector_load %arg9[%swap3A_1322, %swap3A_1323] {strides = array<i32>} : memref<32x768xf32, #tpu.memory_space<vmem>>, vector<1x16xf32>,
        %swap3A_1325 = vector.shape_cast %swap3A_1324 : vector<1x16xf32> to vector<16xf32>
        %swap3A_1326 = vector.shape_cast %get3A_1295 : vector<16xf32> to vector<1x16xf32>
        tpu.vector_store %arg9[%swap3A_1322, %swap3A_1323], %swap3A_1326 {add = true, strides = array<i32>} : memref<32x768xf32, #tpu.memory_space<vmem>>, vector<1x16xf32>,
        %add3A_1327 = arith.constant 32 : i32
        %add3A_1328 = arith.addi %mul3A_1280, %add3A_1327 : i32
        %swap3A_1329 = arith.index_cast %add3A_1313 : i32 to index
        %swap3A_1330 = arith.index_cast %add3A_1328 : i32 to index
        %swap3A_1331 = tpu.vector_load %arg9[%swap3A_1329, %swap3A_1330] {strides = array<i32>} : memref<32x768xf32, #tpu.memory_space<vmem>>, vector<1x16xf32>,
        %swap3A_1332 = vector.shape_cast %swap3A_1331 : vector<1x16xf32> to vector<16xf32>
        %swap3A_1333 = vector.shape_cast %get3A_1303 : vector<16xf32> to vector<1x16xf32>
        tpu.vector_store %arg9[%swap3A_1329, %swap3A_1330], %swap3A_1333 {add = true, strides = array<i32>} : memref<32x768xf32, #tpu.memory_space<vmem>>, vector<1x16xf32>,
        %add3A_1334 = arith.constant 48 : i32
        %add3A_1335 = arith.addi %mul3A_1280, %add3A_1334 : i32
        %swap3A_1336 = arith.index_cast %add3A_1313 : i32 to index
        %swap3A_1337 = arith.index_cast %add3A_1335 : i32 to index
        %swap3A_1338 = tpu.vector_load %arg9[%swap3A_1336, %swap3A_1337] {strides = array<i32>} : memref<32x768xf32, #tpu.memory_space<vmem>>, vector<1x16xf32>,
        %swap3A_1339 = vector.shape_cast %swap3A_1338 : vector<1x16xf32> to vector<16xf32>
        %swap3A_1340 = vector.shape_cast %get3A_1311 : vector<16xf32> to vector<1x16xf32>
        tpu.vector_store %arg9[%swap3A_1336, %swap3A_1337], %swap3A_1340 {add = true, strides = array<i32>} : memref<32x768xf32, #tpu.memory_space<vmem>>, vector<1x16xf32>,
        %add3A_1341 = arith.constant 8 : i32
        %add3A_1342 = arith.addi %add3A_1341, %scan3A_1272 : i32
        %add3A_1343 = arith.constant 0 : i32
        %add3A_1344 = arith.addi %mul3A_1280, %add3A_1343 : i32
        %swap3A_1345 = arith.index_cast %add3A_1342 : i32 to index
        %swap3A_1346 = arith.index_cast %add3A_1344 : i32 to index
        %swap3A_1347 = tpu.vector_load %arg9[%swap3A_1345, %swap3A_1346] {strides = array<i32>} : memref<32x768xf32, #tpu.memory_space<vmem>>, vector<1x16xf32>,
        %swap3A_1348 = vector.shape_cast %swap3A_1347 : vector<1x16xf32> to vector<16xf32>
        %swap3A_1349 = vector.shape_cast %get3A_1287 : vector<16xf32> to vector<1x16xf32>
        tpu.vector_store %arg9[%swap3A_1345, %swap3A_1346], %swap3A_1349 {add = true, strides = array<i32>} : memref<32x768xf32, #tpu.memory_space<vmem>>, vector<1x16xf32>,
        %add3A_1350 = arith.constant 16 : i32
        %add3A_1351 = arith.addi %mul3A_1280, %add3A_1350 : i32
        %swap3A_1352 = arith.index_cast %add3A_1342 : i32 to index
        %swap3A_1353 = arith.index_cast %add3A_1351 : i32 to index
        %swap3A_1354 = tpu.vector_load %arg9[%swap3A_1352, %swap3A_1353] {strides = array<i32>} : memref<32x768xf32, #tpu.memory_space<vmem>>, vector<1x16xf32>,
        %swap3A_1355 = vector.shape_cast %swap3A_1354 : vector<1x16xf32> to vector<16xf32>
        %swap3A_1356 = vector.shape_cast %get3A_1295 : vector<16xf32> to vector<1x16xf32>
        tpu.vector_store %arg9[%swap3A_1352, %swap3A_1353], %swap3A_1356 {add = true, strides = array<i32>} : memref<32x768xf32, #tpu.memory_space<vmem>>, vector<1x16xf32>,
        %add3A_1357 = arith.constant 32 : i32
        %add3A_1358 = arith.addi %mul3A_1280, %add3A_1357 : i32
        %swap3A_1359 = arith.index_cast %add3A_1342 : i32 to index
        %swap3A_1360 = arith.index_cast %add3A_1358 : i32 to index
        %swap3A_1361 = tpu.vector_load %arg9[%swap3A_1359, %swap3A_1360] {strides = array<i32>} : memref<32x768xf32, #tpu.memory_space<vmem>>, vector<1x16xf32>,
        %swap3A_1362 = vector.shape_cast %swap3A_1361 : vector<1x16xf32> to vector<16xf32>
        %swap3A_1363 = vector.shape_cast %get3A_1303 : vector<16xf32> to vector<1x16xf32>
        tpu.vector_store %arg9[%swap3A_1359, %swap3A_1360], %swap3A_1363 {add = true, strides = array<i32>} : memref<32x768xf32, #tpu.memory_space<vmem>>, vector<1x16xf32>,
        %add3A_1364 = arith.constant 48 : i32
        %add3A_1365 = arith.addi %mul3A_1280, %add3A_1364 : i32
        %swap3A_1366 = arith.index_cast %add3A_1342 : i32 to index
        %swap3A_1367 = arith.index_cast %add3A_1365 : i32 to index
        %swap3A_1368 = tpu.vector_load %arg9[%swap3A_1366, %swap3A_1367] {strides = array<i32>} : memref<32x768xf32, #tpu.memory_space<vmem>>, vector<1x16xf32>,
        %swap3A_1369 = vector.shape_cast %swap3A_1368 : vector<1x16xf32> to vector<16xf32>
        %swap3A_1370 = vector.shape_cast %get3A_1311 : vector<16xf32> to vector<1x16xf32>
        tpu.vector_store %arg9[%swap3A_1366, %swap3A_1367], %swap3A_1370 {add = true, strides = array<i32>} : memref<32x768xf32, #tpu.memory_space<vmem>>, vector<1x16xf32>,
        %add3A_1371 = arith.constant 16 : i32
        %add3A_1372 = arith.addi %add3A_1371, %scan3A_1272 : i32
        %add3A_1373 = arith.constant 0 : i32
        %add3A_1374 = arith.addi %mul3A_1280, %add3A_1373 : i32
        %swap3A_1375 = arith.index_cast %add3A_1372 : i32 to index
        %swap3A_1376 = arith.index_cast %add3A_1374 : i32 to index
        %swap3A_1377 = tpu.vector_load %arg9[%swap3A_1375, %swap3A_1376] {strides = array<i32>} : memref<32x768xf32, #tpu.memory_space<vmem>>, vector<1x16xf32>,
        %swap3A_1378 = vector.shape_cast %swap3A_1377 : vector<1x16xf32> to vector<16xf32>
        %swap3A_1379 = vector.shape_cast %get3A_1287 : vector<16xf32> to vector<1x16xf32>
        tpu.vector_store %arg9[%swap3A_1375, %swap3A_1376], %swap3A_1379 {add = true, strides = array<i32>} : memref<32x768xf32, #tpu.memory_space<vmem>>, vector<1x16xf32>,
        %add3A_1380 = arith.constant 16 : i32
        %add3A_1381 = arith.addi %mul3A_1280, %add3A_1380 : i32
        %swap3A_1382 = arith.index_cast %add3A_1372 : i32 to index
        %swap3A_1383 = arith.index_cast %add3A_1381 : i32 to index
        %swap3A_1384 = tpu.vector_load %arg9[%swap3A_1382, %swap3A_1383] {strides = array<i32>} : memref<32x768xf32, #tpu.memory_space<vmem>>, vector<1x16xf32>,
        %swap3A_1385 = vector.shape_cast %swap3A_1384 : vector<1x16xf32> to vector<16xf32>
        %swap3A_1386 = vector.shape_cast %get3A_1295 : vector<16xf32> to vector<1x16xf32>
        tpu.vector_store %arg9[%swap3A_1382, %swap3A_1383], %swap3A_1386 {add = true, strides = array<i32>} : memref<32x768xf32, #tpu.memory_space<vmem>>, vector<1x16xf32>,
        %add3A_1387 = arith.constant 32 : i32
        %add3A_1388 = arith.addi %mul3A_1280, %add3A_1387 : i32
        %swap3A_1389 = arith.index_cast %add3A_1372 : i32 to index
        %swap3A_1390 = arith.index_cast %add3A_1388 : i32 to index
        %swap3A_1391 = tpu.vector_load %arg9[%swap3A_1389, %swap3A_1390] {strides = array<i32>} : memref<32x768xf32, #tpu.memory_space<vmem>>, vector<1x16xf32>,
        %swap3A_1392 = vector.shape_cast %swap3A_1391 : vector<1x16xf32> to vector<16xf32>
        %swap3A_1393 = vector.shape_cast %get3A_1303 : vector<16xf32> to vector<1x16xf32>
        tpu.vector_store %arg9[%swap3A_1389, %swap3A_1390], %swap3A_1393 {add = true, strides = array<i32>} : memref<32x768xf32, #tpu.memory_space<vmem>>, vector<1x16xf32>,
        %add3A_1394 = arith.constant 48 : i32
        %add3A_1395 = arith.addi %mul3A_1280, %add3A_1394 : i32
        %swap3A_1396 = arith.index_cast %add3A_1372 : i32 to index
        %swap3A_1397 = arith.index_cast %add3A_1395 : i32 to index
        %swap3A_1398 = tpu.vector_load %arg9[%swap3A_1396, %swap3A_1397] {strides = array<i32>} : memref<32x768xf32, #tpu.memory_space<vmem>>, vector<1x16xf32>,
        %swap3A_1399 = vector.shape_cast %swap3A_1398 : vector<1x16xf32> to vector<16xf32>
        %swap3A_1400 = vector.shape_cast %get3A_1311 : vector<16xf32> to vector<1x16xf32>
        tpu.vector_store %arg9[%swap3A_1396, %swap3A_1397], %swap3A_1400 {add = true, strides = array<i32>} : memref<32x768xf32, #tpu.memory_space<vmem>>, vector<1x16xf32>,
        %add3A_1401 = arith.constant 24 : i32
        %add3A_1402 = arith.addi %add3A_1401, %scan3A_1272 : i32
        %add3A_1403 = arith.constant 0 : i32
        %add3A_1404 = arith.addi %mul3A_1280, %add3A_1403 : i32
        %swap3A_1405 = arith.index_cast %add3A_1402 : i32 to index
        %swap3A_1406 = arith.index_cast %add3A_1404 : i32 to index
        %swap3A_1407 = tpu.vector_load %arg9[%swap3A_1405, %swap3A_1406] {strides = array<i32>} : memref<32x768xf32, #tpu.memory_space<vmem>>, vector<1x16xf32>,
        %swap3A_1408 = vector.shape_cast %swap3A_1407 : vector<1x16xf32> to vector<16xf32>
        %swap3A_1409 = vector.shape_cast %get3A_1287 : vector<16xf32> to vector<1x16xf32>
        tpu.vector_store %arg9[%swap3A_1405, %swap3A_1406], %swap3A_1409 {add = true, strides = array<i32>} : memref<32x768xf32, #tpu.memory_space<vmem>>, vector<1x16xf32>,
        %add3A_1410 = arith.constant 16 : i32
        %add3A_1411 = arith.addi %mul3A_1280, %add3A_1410 : i32
        %swap3A_1412 = arith.index_cast %add3A_1402 : i32 to index
        %swap3A_1413 = arith.index_cast %add3A_1411 : i32 to index
        %swap3A_1414 = tpu.vector_load %arg9[%swap3A_1412, %swap3A_1413] {strides = array<i32>} : memref<32x768xf32, #tpu.memory_space<vmem>>, vector<1x16xf32>,
        %swap3A_1415 = vector.shape_cast %swap3A_1414 : vector<1x16xf32> to vector<16xf32>
        %swap3A_1416 = vector.shape_cast %get3A_1295 : vector<16xf32> to vector<1x16xf32>
        tpu.vector_store %arg9[%swap3A_1412, %swap3A_1413], %swap3A_1416 {add = true, strides = array<i32>} : memref<32x768xf32, #tpu.memory_space<vmem>>, vector<1x16xf32>,
        %add3A_1417 = arith.constant 32 : i32
        %add3A_1418 = arith.addi %mul3A_1280, %add3A_1417 : i32
        %swap3A_1419 = arith.index_cast %add3A_1402 : i32 to index
        %swap3A_1420 = arith.index_cast %add3A_1418 : i32 to index
        %swap3A_1421 = tpu.vector_load %arg9[%swap3A_1419, %swap3A_1420] {strides = array<i32>} : memref<32x768xf32, #tpu.memory_space<vmem>>, vector<1x16xf32>,
        %swap3A_1422 = vector.shape_cast %swap3A_1421 : vector<1x16xf32> to vector<16xf32>
        %swap3A_1423 = vector.shape_cast %get3A_1303 : vector<16xf32> to vector<1x16xf32>
        tpu.vector_store %arg9[%swap3A_1419, %swap3A_1420], %swap3A_1423 {add = true, strides = array<i32>} : memref<32x768xf32, #tpu.memory_space<vmem>>, vector<1x16xf32>,
        %add3A_1424 = arith.constant 48 : i32
        %add3A_1425 = arith.addi %mul3A_1280, %add3A_1424 : i32
        %swap3A_1426 = arith.index_cast %add3A_1402 : i32 to index
        %swap3A_1427 = arith.index_cast %add3A_1425 : i32 to index
        %swap3A_1428 = tpu.vector_load %arg9[%swap3A_1426, %swap3A_1427] {strides = array<i32>} : memref<32x768xf32, #tpu.memory_space<vmem>>, vector<1x16xf32>,
        %swap3A_1429 = vector.shape_cast %swap3A_1428 : vector<1x16xf32> to vector<16xf32>
        %swap3A_1430 = vector.shape_cast %get3A_1311 : vector<16xf32> to vector<1x16xf32>
        tpu.vector_store %arg9[%swap3A_1426, %swap3A_1427], %swap3A_1430 {add = true, strides = array<i32>} : memref<32x768xf32, #tpu.memory_space<vmem>>, vector<1x16xf32>,
      }
      %scan3A_1277 = arith.constant 12 : i32
    }
    %scan3A_818 = arith.constant 8 : i32
    %add3A_819 = arith.constant 40 : i32
    %add3A_820 = arith.addi %mul3A_2, %add3A_819 : i32
    %dma_start3A_821 = arith.constant 0 : i32
    %dma_start3A_822 = arith.constant 0 : i32
    %dma_start3A_823 = arith.constant 0 : i32
    %dma_start3A_824 = tpu.memref_slice %arg9[%dma_start3A_822, %dma_start3A_823] : memref<32x768xf32, #tpu.memory_space<vmem>> -> memref<8x768xf32, #tpu.memory_space<vmem>>
    %dma_start3A_825 = arith.constant 0 : i32
    %dma_start3A_826 = tpu.memref_slice %arg5[%dma_start3A_821, %add3A_820, %dma_start3A_825] : memref<4x2048x768xf32, #tpu.memory_space<hbm>> -> memref<1x8x768xf32, #tpu.memory_space<hbm>>
    %dma_start3A_827 = tpu.memref_squeeze %dma_start3A_826 : memref<1x8x768xf32, #tpu.memory_space<hbm>> -> memref<8x768xf32, #tpu.memory_space<hbm>>
    %dma_start3A_828 = arith.constant 0 : i32
    %dma_start3A_829 = tpu.memref_slice %arg5[%dma_start3A_821, %add3A_820, %dma_start3A_828] : memref<4x2048x768xf32, #tpu.memory_space<hbm>> -> memref<1x8x768xf32, #tpu.memory_space<hbm>>
    %dma_start3A_830 = tpu.memref_squeeze %dma_start3A_829 : memref<1x8x768xf32, #tpu.memory_space<hbm>> -> memref<8x768xf32, #tpu.memory_space<hbm>>
    %dma_start3A_831 = arith.constant 0 : i32
    %dma_start3A_832 = arith.constant 0 : i32
    %dma_start3A_833 = tpu.memref_slice %arg9[%dma_start3A_831, %dma_start3A_832] : memref<32x768xf32, #tpu.memory_space<vmem>> -> memref<8x768xf32, #tpu.memory_space<vmem>>
    tpu.enqueue_dma source(%dma_start3A_833 : memref<8x768xf32, #tpu.memory_space<vmem>>) target(%dma_start3A_830 : memref<8x768xf32, #tpu.memory_space<hbm>>) target_semaphore(%arg17 : memref<!tpu.dma_semaphore, #tpu.memory_space<semaphore_mem>>)
    %add3A_834 = arith.constant 40 : i32
    %add3A_835 = arith.addi %mul3A_2, %add3A_834 : i32
    %dma_start3A_836 = arith.constant 1 : i32
    %dma_start3A_837 = arith.constant 8 : i32
    %dma_start3A_838 = arith.constant 0 : i32
    %dma_start3A_839 = tpu.memref_slice %arg9[%dma_start3A_837, %dma_start3A_838] : memref<32x768xf32, #tpu.memory_space<vmem>> -> memref<8x768xf32, #tpu.memory_space<vmem>>
    %dma_start3A_840 = arith.constant 0 : i32
    %dma_start3A_841 = tpu.memref_slice %arg5[%dma_start3A_836, %add3A_835, %dma_start3A_840] : memref<4x2048x768xf32, #tpu.memory_space<hbm>> -> memref<1x8x768xf32, #tpu.memory_space<hbm>>
    %dma_start3A_842 = tpu.memref_squeeze %dma_start3A_841 : memref<1x8x768xf32, #tpu.memory_space<hbm>> -> memref<8x768xf32, #tpu.memory_space<hbm>>
    %dma_start3A_843 = arith.constant 0 : i32
    %dma_start3A_844 = tpu.memref_slice %arg5[%dma_start3A_836, %add3A_835, %dma_start3A_843] : memref<4x2048x768xf32, #tpu.memory_space<hbm>> -> memref<1x8x768xf32, #tpu.memory_space<hbm>>
    %dma_start3A_845 = tpu.memref_squeeze %dma_start3A_844 : memref<1x8x768xf32, #tpu.memory_space<hbm>> -> memref<8x768xf32, #tpu.memory_space<hbm>>
    %dma_start3A_846 = arith.constant 8 : i32
    %dma_start3A_847 = arith.constant 0 : i32
    %dma_start3A_848 = tpu.memref_slice %arg9[%dma_start3A_846, %dma_start3A_847] : memref<32x768xf32, #tpu.memory_space<vmem>> -> memref<8x768xf32, #tpu.memory_space<vmem>>
    tpu.enqueue_dma source(%dma_start3A_848 : memref<8x768xf32, #tpu.memory_space<vmem>>) target(%dma_start3A_845 : memref<8x768xf32, #tpu.memory_space<hbm>>) target_semaphore(%arg17 : memref<!tpu.dma_semaphore, #tpu.memory_space<semaphore_mem>>)
    %add3A_849 = arith.constant 40 : i32
    %add3A_850 = arith.addi %mul3A_2, %add3A_849 : i32
    %dma_start3A_851 = arith.constant 2 : i32
    %dma_start3A_852 = arith.constant 16 : i32
    %dma_start3A_853 = arith.constant 0 : i32
    %dma_start3A_854 = tpu.memref_slice %arg9[%dma_start3A_852, %dma_start3A_853] : memref<32x768xf32, #tpu.memory_space<vmem>> -> memref<8x768xf32, #tpu.memory_space<vmem>>
    %dma_start3A_855 = arith.constant 0 : i32
    %dma_start3A_856 = tpu.memref_slice %arg5[%dma_start3A_851, %add3A_850, %dma_start3A_855] : memref<4x2048x768xf32, #tpu.memory_space<hbm>> -> memref<1x8x768xf32, #tpu.memory_space<hbm>>
    %dma_start3A_857 = tpu.memref_squeeze %dma_start3A_856 : memref<1x8x768xf32, #tpu.memory_space<hbm>> -> memref<8x768xf32, #tpu.memory_space<hbm>>
    %dma_start3A_858 = arith.constant 0 : i32
    %dma_start3A_859 = tpu.memref_slice %arg5[%dma_start3A_851, %add3A_850, %dma_start3A_858] : memref<4x2048x768xf32, #tpu.memory_space<hbm>> -> memref<1x8x768xf32, #tpu.memory_space<hbm>>
    %dma_start3A_860 = tpu.memref_squeeze %dma_start3A_859 : memref<1x8x768xf32, #tpu.memory_space<hbm>> -> memref<8x768xf32, #tpu.memory_space<hbm>>
    %dma_start3A_861 = arith.constant 16 : i32
    %dma_start3A_862 = arith.constant 0 : i32
    %dma_start3A_863 = tpu.memref_slice %arg9[%dma_start3A_861, %dma_start3A_862] : memref<32x768xf32, #tpu.memory_space<vmem>> -> memref<8x768xf32, #tpu.memory_space<vmem>>
    tpu.enqueue_dma source(%dma_start3A_863 : memref<8x768xf32, #tpu.memory_space<vmem>>) target(%dma_start3A_860 : memref<8x768xf32, #tpu.memory_space<hbm>>) target_semaphore(%arg17 : memref<!tpu.dma_semaphore, #tpu.memory_space<semaphore_mem>>)
    %add3A_864 = arith.constant 40 : i32
    %add3A_865 = arith.addi %mul3A_2, %add3A_864 : i32
    %dma_start3A_866 = arith.constant 3 : i32
    %dma_start3A_867 = arith.constant 24 : i32
    %dma_start3A_868 = arith.constant 0 : i32
    %dma_start3A_869 = tpu.memref_slice %arg9[%dma_start3A_867, %dma_start3A_868] : memref<32x768xf32, #tpu.memory_space<vmem>> -> memref<8x768xf32, #tpu.memory_space<vmem>>
    %dma_start3A_870 = arith.constant 0 : i32
    %dma_start3A_871 = tpu.memref_slice %arg5[%dma_start3A_866, %add3A_865, %dma_start3A_870] : memref<4x2048x768xf32, #tpu.memory_space<hbm>> -> memref<1x8x768xf32, #tpu.memory_space<hbm>>
    %dma_start3A_872 = tpu.memref_squeeze %dma_start3A_871 : memref<1x8x768xf32, #tpu.memory_space<hbm>> -> memref<8x768xf32, #tpu.memory_space<hbm>>
    %dma_start3A_873 = arith.constant 0 : i32
    %dma_start3A_874 = tpu.memref_slice %arg5[%dma_start3A_866, %add3A_865, %dma_start3A_873] : memref<4x2048x768xf32, #tpu.memory_space<hbm>> -> memref<1x8x768xf32, #tpu.memory_space<hbm>>
    %dma_start3A_875 = tpu.memref_squeeze %dma_start3A_874 : memref<1x8x768xf32, #tpu.memory_space<hbm>> -> memref<8x768xf32, #tpu.memory_space<hbm>>
    %dma_start3A_876 = arith.constant 24 : i32
    %dma_start3A_877 = arith.constant 0 : i32
    %dma_start3A_878 = tpu.memref_slice %arg9[%dma_start3A_876, %dma_start3A_877] : memref<32x768xf32, #tpu.memory_space<vmem>> -> memref<8x768xf32, #tpu.memory_space<vmem>>
    tpu.enqueue_dma source(%dma_start3A_878 : memref<8x768xf32, #tpu.memory_space<vmem>>) target(%dma_start3A_875 : memref<8x768xf32, #tpu.memory_space<hbm>>) target_semaphore(%arg17 : memref<!tpu.dma_semaphore, #tpu.memory_space<semaphore_mem>>)
    %add3A_879 = arith.constant 56 : i32
    %add3A_880 = arith.addi %mul3A_2, %add3A_879 : i32
    %dma_start3A_881 = arith.constant 1 : i32
    %dma_start3A_882 = arith.constant 0 : i32
    %dma_start3A_883 = arith.constant 0 : i32
    %dma_start3A_884 = tpu.memref_slice %arg7[%dma_start3A_881, %dma_start3A_882, %dma_start3A_883] : memref<2x8x768xf32, #tpu.memory_space<vmem>> -> memref<1x8x768xf32, #tpu.memory_space<vmem>>
    %dma_start3A_885 = tpu.memref_squeeze %dma_start3A_884 : memref<1x8x768xf32, #tpu.memory_space<vmem>> -> memref<8x768xf32, #tpu.memory_space<vmem>>
    %dma_start3A_886 = arith.constant 0 : i32
    %dma_start3A_887 = tpu.memref_slice %arg4[%add3A_880, %dma_start3A_886] : memref<2048x768xf32, #tpu.memory_space<hbm>> -> memref<8x768xf32, #tpu.memory_space<hbm>>
    %dma_start3A_888 = arith.constant 0 : i32
    %dma_start3A_889 = arith.constant 0 : i32
    %dma_start3A_890 = tpu.memref_slice %arg7[%dma_start3A_881, %dma_start3A_888, %dma_start3A_889] : memref<2x8x768xf32, #tpu.memory_space<vmem>> -> memref<1x8x768xf32, #tpu.memory_space<vmem>>
    %dma_start3A_891 = tpu.memref_squeeze %dma_start3A_890 : memref<1x8x768xf32, #tpu.memory_space<vmem>> -> memref<8x768xf32, #tpu.memory_space<vmem>>
    %dma_start3A_892 = arith.constant 0 : i32
    %dma_start3A_893 = tpu.memref_slice %arg4[%add3A_880, %dma_start3A_892] : memref<2048x768xf32, #tpu.memory_space<hbm>> -> memref<8x768xf32, #tpu.memory_space<hbm>>
    tpu.enqueue_dma source(%dma_start3A_893 : memref<8x768xf32, #tpu.memory_space<hbm>>) target(%dma_start3A_891 : memref<8x768xf32, #tpu.memory_space<vmem>>) target_semaphore(%arg21 : memref<!tpu.dma_semaphore, #tpu.memory_space<semaphore_mem>>)
    %dma_wait3A_894 = arith.constant 6 : i32
    %dma_wait3A_895 = arith.constant 0 : i32
    %dma_wait3A_896 = tpu.memref_slice %arg6[%dma_wait3A_894, %dma_wait3A_895] : memref<8x32xi32, #tpu.memory_space<vmem>> -> memref<1x32xi32, #tpu.memory_space<vmem>>
    %dma_wait3A_897 = tpu.memref_squeeze %dma_wait3A_896 : memref<1x32xi32, #tpu.memory_space<vmem>> -> memref<32xi32, #tpu.memory_space<vmem>>
    %dma_wait3A_898 = arith.constant 0 : i32
    %dma_wait3A_899 = arith.constant 0 : i32
    %dma_wait3A_900 = tpu.memref_slice %arg3[%dma_wait3A_898, %dma_wait3A_899] : memref<100000x768xf32, #tpu.memory_space<hbm>> -> memref<100000x768xf32, #tpu.memory_space<hbm>>
    tpu.wait_indirect_dma semaphore(%arg14 : memref<!tpu.dma_semaphore, #tpu.memory_space<semaphore_mem>>) src(%dma_wait3A_900 : memref<100000x768xf32, #tpu.memory_space<hbm>>) dst(%arg10 : memref<32x768xf32, #tpu.memory_space<vmem>>)
    %dma_wait3A_901 = arith.constant 0 : i32
    %dma_wait3A_902 = arith.constant 0 : i32
    %dma_wait3A_903 = arith.constant 0 : i32
    %dma_wait3A_904 = tpu.memref_slice %arg7[%dma_wait3A_901, %dma_wait3A_902, %dma_wait3A_903] : memref<2x8x768xf32, #tpu.memory_space<vmem>> -> memref<1x8x768xf32, #tpu.memory_space<vmem>>
    %dma_wait3A_905 = tpu.memref_squeeze %dma_wait3A_904 : memref<1x8x768xf32, #tpu.memory_space<vmem>> -> memref<8x768xf32, #tpu.memory_space<vmem>>
    %dma_wait3A_906 = arith.constant 0 : i32
    %dma_wait3A_907 = tpu.memref_slice %arg4[%add3A_721, %dma_wait3A_906] : memref<2048x768xf32, #tpu.memory_space<hbm>> -> memref<8x768xf32, #tpu.memory_space<hbm>>
    %dma_wait3A_908 = arith.constant 0 : i32
    %dma_wait3A_909 = arith.constant 0 : i32
    %dma_wait3A_910 = tpu.memref_slice %arg7[%dma_wait3A_901, %dma_wait3A_908, %dma_wait3A_909] : memref<2x8x768xf32, #tpu.memory_space<vmem>> -> memref<1x8x768xf32, #tpu.memory_space<vmem>>
    %dma_wait3A_911 = tpu.memref_squeeze %dma_wait3A_910 : memref<1x8x768xf32, #tpu.memory_space<vmem>> -> memref<8x768xf32, #tpu.memory_space<vmem>>
    %dma_wait3A_912 = arith.constant 0 : i32
    %dma_wait3A_913 = tpu.memref_slice %arg4[%add3A_721, %dma_wait3A_912] : memref<2048x768xf32, #tpu.memory_space<hbm>> -> memref<8x768xf32, #tpu.memory_space<hbm>>
    tpu.wait_dma2 semaphore(%arg20 : memref<!tpu.dma_semaphore, #tpu.memory_space<semaphore_mem>>) src(%dma_wait3A_913 : memref<8x768xf32, #tpu.memory_space<hbm>>) dst(%dma_wait3A_911 : memref<8x768xf32, #tpu.memory_space<vmem>>)
    %scan3A_914 = arith.constant 0 : i32
    %scan3A_915 = arith.constant 8 : i32
    %scan3A_916 = arith.addi %scan3A_914, %scan3A_915 : i32
    %scan3A_917 = arith.constant 1 : i32
    scf.for %scan3A_1272 = %scan3A_914 to %scan3A_916 step %scan3A_917  : i32 {
      %scan3A_1273 = arith.constant 0 : i32
      %scan3A_1274 = arith.constant 12 : i32
      %scan3A_1275 = arith.addi %scan3A_1273, %scan3A_1274 : i32
      %scan3A_1276 = arith.constant 1 : i32
      scf.for %scan3A_1278 = %scan3A_1273 to %scan3A_1275 step %scan3A_1276  : i32 {
        %mul3A_1279 = arith.constant 64 : i32
        %mul3A_1280 = arith.muli %scan3A_1278, %mul3A_1279 : i32
        %add3A_1281 = arith.constant 0 : i32
        %add3A_1282 = arith.addi %mul3A_1280, %add3A_1281 : i32
        %get3A = arith.constant 0 : i32
        %get3A_1283 = arith.index_cast %get3A : i32 to index
        %get3A_1284 = arith.index_cast %scan3A_1272 : i32 to index
        %get3A_1285 = arith.index_cast %add3A_1282 : i32 to index
        %get3A_1286 = tpu.vector_load %arg7[%get3A_1283, %get3A_1284, %get3A_1285] {strides = array<i32>} : memref<2x8x768xf32, #tpu.memory_space<vmem>>, vector<1x1x16xf32>,
        %get3A_1287 = vector.shape_cast %get3A_1286 : vector<1x1x16xf32> to vector<16xf32>
        %add3A_1288 = arith.constant 16 : i32
        %add3A_1289 = arith.addi %mul3A_1280, %add3A_1288 : i32
        %get3A_1290 = arith.constant 0 : i32
        %get3A_1291 = arith.index_cast %get3A_1290 : i32 to index
        %get3A_1292 = arith.index_cast %scan3A_1272 : i32 to index
        %get3A_1293 = arith.index_cast %add3A_1289 : i32 to index
        %get3A_1294 = tpu.vector_load %arg7[%get3A_1291, %get3A_1292, %get3A_1293] {strides = array<i32>} : memref<2x8x768xf32, #tpu.memory_space<vmem>>, vector<1x1x16xf32>,
        %get3A_1295 = vector.shape_cast %get3A_1294 : vector<1x1x16xf32> to vector<16xf32>
        %add3A_1296 = arith.constant 32 : i32
        %add3A_1297 = arith.addi %mul3A_1280, %add3A_1296 : i32
        %get3A_1298 = arith.constant 0 : i32
        %get3A_1299 = arith.index_cast %get3A_1298 : i32 to index
        %get3A_1300 = arith.index_cast %scan3A_1272 : i32 to index
        %get3A_1301 = arith.index_cast %add3A_1297 : i32 to index
        %get3A_1302 = tpu.vector_load %arg7[%get3A_1299, %get3A_1300, %get3A_1301] {strides = array<i32>} : memref<2x8x768xf32, #tpu.memory_space<vmem>>, vector<1x1x16xf32>,
        %get3A_1303 = vector.shape_cast %get3A_1302 : vector<1x1x16xf32> to vector<16xf32>
        %add3A_1304 = arith.constant 48 : i32
        %add3A_1305 = arith.addi %mul3A_1280, %add3A_1304 : i32
        %get3A_1306 = arith.constant 0 : i32
        %get3A_1307 = arith.index_cast %get3A_1306 : i32 to index
        %get3A_1308 = arith.index_cast %scan3A_1272 : i32 to index
        %get3A_1309 = arith.index_cast %add3A_1305 : i32 to index
        %get3A_1310 = tpu.vector_load %arg7[%get3A_1307, %get3A_1308, %get3A_1309] {strides = array<i32>} : memref<2x8x768xf32, #tpu.memory_space<vmem>>, vector<1x1x16xf32>,
        %get3A_1311 = vector.shape_cast %get3A_1310 : vector<1x1x16xf32> to vector<16xf32>
        %add3A_1312 = arith.constant 0 : i32
        %add3A_1313 = arith.addi %add3A_1312, %scan3A_1272 : i32
        %add3A_1314 = arith.constant 0 : i32
        %add3A_1315 = arith.addi %mul3A_1280, %add3A_1314 : i32
        %swap3A = arith.index_cast %add3A_1313 : i32 to index
        %swap3A_1316 = arith.index_cast %add3A_1315 : i32 to index
        %swap3A_1317 = tpu.vector_load %arg10[%swap3A, %swap3A_1316] {strides = array<i32>} : memref<32x768xf32, #tpu.memory_space<vmem>>, vector<1x16xf32>,
        %swap3A_1318 = vector.shape_cast %swap3A_1317 : vector<1x16xf32> to vector<16xf32>
        %swap3A_1319 = vector.shape_cast %get3A_1287 : vector<16xf32> to vector<1x16xf32>
        tpu.vector_store %arg10[%swap3A, %swap3A_1316], %swap3A_1319 {add = true, strides = array<i32>} : memref<32x768xf32, #tpu.memory_space<vmem>>, vector<1x16xf32>,
        %add3A_1320 = arith.constant 16 : i32
        %add3A_1321 = arith.addi %mul3A_1280, %add3A_1320 : i32
        %swap3A_1322 = arith.index_cast %add3A_1313 : i32 to index
        %swap3A_1323 = arith.index_cast %add3A_1321 : i32 to index
        %swap3A_1324 = tpu.vector_load %arg10[%swap3A_1322, %swap3A_1323] {strides = array<i32>} : memref<32x768xf32, #tpu.memory_space<vmem>>, vector<1x16xf32>,
        %swap3A_1325 = vector.shape_cast %swap3A_1324 : vector<1x16xf32> to vector<16xf32>
        %swap3A_1326 = vector.shape_cast %get3A_1295 : vector<16xf32> to vector<1x16xf32>
        tpu.vector_store %arg10[%swap3A_1322, %swap3A_1323], %swap3A_1326 {add = true, strides = array<i32>} : memref<32x768xf32, #tpu.memory_space<vmem>>, vector<1x16xf32>,
        %add3A_1327 = arith.constant 32 : i32
        %add3A_1328 = arith.addi %mul3A_1280, %add3A_1327 : i32
        %swap3A_1329 = arith.index_cast %add3A_1313 : i32 to index
        %swap3A_1330 = arith.index_cast %add3A_1328 : i32 to index
        %swap3A_1331 = tpu.vector_load %arg10[%swap3A_1329, %swap3A_1330] {strides = array<i32>} : memref<32x768xf32, #tpu.memory_space<vmem>>, vector<1x16xf32>,
        %swap3A_1332 = vector.shape_cast %swap3A_1331 : vector<1x16xf32> to vector<16xf32>
        %swap3A_1333 = vector.shape_cast %get3A_1303 : vector<16xf32> to vector<1x16xf32>
        tpu.vector_store %arg10[%swap3A_1329, %swap3A_1330], %swap3A_1333 {add = true, strides = array<i32>} : memref<32x768xf32, #tpu.memory_space<vmem>>, vector<1x16xf32>,
        %add3A_1334 = arith.constant 48 : i32
        %add3A_1335 = arith.addi %mul3A_1280, %add3A_1334 : i32
        %swap3A_1336 = arith.index_cast %add3A_1313 : i32 to index
        %swap3A_1337 = arith.index_cast %add3A_1335 : i32 to index
        %swap3A_1338 = tpu.vector_load %arg10[%swap3A_1336, %swap3A_1337] {strides = array<i32>} : memref<32x768xf32, #tpu.memory_space<vmem>>, vector<1x16xf32>,
        %swap3A_1339 = vector.shape_cast %swap3A_1338 : vector<1x16xf32> to vector<16xf32>
        %swap3A_1340 = vector.shape_cast %get3A_1311 : vector<16xf32> to vector<1x16xf32>
        tpu.vector_store %arg10[%swap3A_1336, %swap3A_1337], %swap3A_1340 {add = true, strides = array<i32>} : memref<32x768xf32, #tpu.memory_space<vmem>>, vector<1x16xf32>,
        %add3A_1341 = arith.constant 8 : i32
        %add3A_1342 = arith.addi %add3A_1341, %scan3A_1272 : i32
        %add3A_1343 = arith.constant 0 : i32
        %add3A_1344 = arith.addi %mul3A_1280, %add3A_1343 : i32
        %swap3A_1345 = arith.index_cast %add3A_1342 : i32 to index
        %swap3A_1346 = arith.index_cast %add3A_1344 : i32 to index
        %swap3A_1347 = tpu.vector_load %arg10[%swap3A_1345, %swap3A_1346] {strides = array<i32>} : memref<32x768xf32, #tpu.memory_space<vmem>>, vector<1x16xf32>,
        %swap3A_1348 = vector.shape_cast %swap3A_1347 : vector<1x16xf32> to vector<16xf32>
        %swap3A_1349 = vector.shape_cast %get3A_1287 : vector<16xf32> to vector<1x16xf32>
        tpu.vector_store %arg10[%swap3A_1345, %swap3A_1346], %swap3A_1349 {add = true, strides = array<i32>} : memref<32x768xf32, #tpu.memory_space<vmem>>, vector<1x16xf32>,
        %add3A_1350 = arith.constant 16 : i32
        %add3A_1351 = arith.addi %mul3A_1280, %add3A_1350 : i32
        %swap3A_1352 = arith.index_cast %add3A_1342 : i32 to index
        %swap3A_1353 = arith.index_cast %add3A_1351 : i32 to index
        %swap3A_1354 = tpu.vector_load %arg10[%swap3A_1352, %swap3A_1353] {strides = array<i32>} : memref<32x768xf32, #tpu.memory_space<vmem>>, vector<1x16xf32>,
        %swap3A_1355 = vector.shape_cast %swap3A_1354 : vector<1x16xf32> to vector<16xf32>
        %swap3A_1356 = vector.shape_cast %get3A_1295 : vector<16xf32> to vector<1x16xf32>
        tpu.vector_store %arg10[%swap3A_1352, %swap3A_1353], %swap3A_1356 {add = true, strides = array<i32>} : memref<32x768xf32, #tpu.memory_space<vmem>>, vector<1x16xf32>,
        %add3A_1357 = arith.constant 32 : i32
        %add3A_1358 = arith.addi %mul3A_1280, %add3A_1357 : i32
        %swap3A_1359 = arith.index_cast %add3A_1342 : i32 to index
        %swap3A_1360 = arith.index_cast %add3A_1358 : i32 to index
        %swap3A_1361 = tpu.vector_load %arg10[%swap3A_1359, %swap3A_1360] {strides = array<i32>} : memref<32x768xf32, #tpu.memory_space<vmem>>, vector<1x16xf32>,
        %swap3A_1362 = vector.shape_cast %swap3A_1361 : vector<1x16xf32> to vector<16xf32>
        %swap3A_1363 = vector.shape_cast %get3A_1303 : vector<16xf32> to vector<1x16xf32>
        tpu.vector_store %arg10[%swap3A_1359, %swap3A_1360], %swap3A_1363 {add = true, strides = array<i32>} : memref<32x768xf32, #tpu.memory_space<vmem>>, vector<1x16xf32>,
        %add3A_1364 = arith.constant 48 : i32
        %add3A_1365 = arith.addi %mul3A_1280, %add3A_1364 : i32
        %swap3A_1366 = arith.index_cast %add3A_1342 : i32 to index
        %swap3A_1367 = arith.index_cast %add3A_1365 : i32 to index
        %swap3A_1368 = tpu.vector_load %arg10[%swap3A_1366, %swap3A_1367] {strides = array<i32>} : memref<32x768xf32, #tpu.memory_space<vmem>>, vector<1x16xf32>,
        %swap3A_1369 = vector.shape_cast %swap3A_1368 : vector<1x16xf32> to vector<16xf32>
        %swap3A_1370 = vector.shape_cast %get3A_1311 : vector<16xf32> to vector<1x16xf32>
        tpu.vector_store %arg10[%swap3A_1366, %swap3A_1367], %swap3A_1370 {add = true, strides = array<i32>} : memref<32x768xf32, #tpu.memory_space<vmem>>, vector<1x16xf32>,
        %add3A_1371 = arith.constant 16 : i32
        %add3A_1372 = arith.addi %add3A_1371, %scan3A_1272 : i32
        %add3A_1373 = arith.constant 0 : i32
        %add3A_1374 = arith.addi %mul3A_1280, %add3A_1373 : i32
        %swap3A_1375 = arith.index_cast %add3A_1372 : i32 to index
        %swap3A_1376 = arith.index_cast %add3A_1374 : i32 to index
        %swap3A_1377 = tpu.vector_load %arg10[%swap3A_1375, %swap3A_1376] {strides = array<i32>} : memref<32x768xf32, #tpu.memory_space<vmem>>, vector<1x16xf32>,
        %swap3A_1378 = vector.shape_cast %swap3A_1377 : vector<1x16xf32> to vector<16xf32>
        %swap3A_1379 = vector.shape_cast %get3A_1287 : vector<16xf32> to vector<1x16xf32>
        tpu.vector_store %arg10[%swap3A_1375, %swap3A_1376], %swap3A_1379 {add = true, strides = array<i32>} : memref<32x768xf32, #tpu.memory_space<vmem>>, vector<1x16xf32>,
        %add3A_1380 = arith.constant 16 : i32
        %add3A_1381 = arith.addi %mul3A_1280, %add3A_1380 : i32
        %swap3A_1382 = arith.index_cast %add3A_1372 : i32 to index
        %swap3A_1383 = arith.index_cast %add3A_1381 : i32 to index
        %swap3A_1384 = tpu.vector_load %arg10[%swap3A_1382, %swap3A_1383] {strides = array<i32>} : memref<32x768xf32, #tpu.memory_space<vmem>>, vector<1x16xf32>,
        %swap3A_1385 = vector.shape_cast %swap3A_1384 : vector<1x16xf32> to vector<16xf32>
        %swap3A_1386 = vector.shape_cast %get3A_1295 : vector<16xf32> to vector<1x16xf32>
        tpu.vector_store %arg10[%swap3A_1382, %swap3A_1383], %swap3A_1386 {add = true, strides = array<i32>} : memref<32x768xf32, #tpu.memory_space<vmem>>, vector<1x16xf32>,
        %add3A_1387 = arith.constant 32 : i32
        %add3A_1388 = arith.addi %mul3A_1280, %add3A_1387 : i32
        %swap3A_1389 = arith.index_cast %add3A_1372 : i32 to index
        %swap3A_1390 = arith.index_cast %add3A_1388 : i32 to index
        %swap3A_1391 = tpu.vector_load %arg10[%swap3A_1389, %swap3A_1390] {strides = array<i32>} : memref<32x768xf32, #tpu.memory_space<vmem>>, vector<1x16xf32>,
        %swap3A_1392 = vector.shape_cast %swap3A_1391 : vector<1x16xf32> to vector<16xf32>
        %swap3A_1393 = vector.shape_cast %get3A_1303 : vector<16xf32> to vector<1x16xf32>
        tpu.vector_store %arg10[%swap3A_1389, %swap3A_1390], %swap3A_1393 {add = true, strides = array<i32>} : memref<32x768xf32, #tpu.memory_space<vmem>>, vector<1x16xf32>,
        %add3A_1394 = arith.constant 48 : i32
        %add3A_1395 = arith.addi %mul3A_1280, %add3A_1394 : i32
        %swap3A_1396 = arith.index_cast %add3A_1372 : i32 to index
        %swap3A_1397 = arith.index_cast %add3A_1395 : i32 to index
        %swap3A_1398 = tpu.vector_load %arg10[%swap3A_1396, %swap3A_1397] {strides = array<i32>} : memref<32x768xf32, #tpu.memory_space<vmem>>, vector<1x16xf32>,
        %swap3A_1399 = vector.shape_cast %swap3A_1398 : vector<1x16xf32> to vector<16xf32>
        %swap3A_1400 = vector.shape_cast %get3A_1311 : vector<16xf32> to vector<1x16xf32>
        tpu.vector_store %arg10[%swap3A_1396, %swap3A_1397], %swap3A_1400 {add = true, strides = array<i32>} : memref<32x768xf32, #tpu.memory_space<vmem>>, vector<1x16xf32>,
        %add3A_1401 = arith.constant 24 : i32
        %add3A_1402 = arith.addi %add3A_1401, %scan3A_1272 : i32
        %add3A_1403 = arith.constant 0 : i32
        %add3A_1404 = arith.addi %mul3A_1280, %add3A_1403 : i32
        %swap3A_1405 = arith.index_cast %add3A_1402 : i32 to index
        %swap3A_1406 = arith.index_cast %add3A_1404 : i32 to index
        %swap3A_1407 = tpu.vector_load %arg10[%swap3A_1405, %swap3A_1406] {strides = array<i32>} : memref<32x768xf32, #tpu.memory_space<vmem>>, vector<1x16xf32>,
        %swap3A_1408 = vector.shape_cast %swap3A_1407 : vector<1x16xf32> to vector<16xf32>
        %swap3A_1409 = vector.shape_cast %get3A_1287 : vector<16xf32> to vector<1x16xf32>
        tpu.vector_store %arg10[%swap3A_1405, %swap3A_1406], %swap3A_1409 {add = true, strides = array<i32>} : memref<32x768xf32, #tpu.memory_space<vmem>>, vector<1x16xf32>,
        %add3A_1410 = arith.constant 16 : i32
        %add3A_1411 = arith.addi %mul3A_1280, %add3A_1410 : i32
        %swap3A_1412 = arith.index_cast %add3A_1402 : i32 to index
        %swap3A_1413 = arith.index_cast %add3A_1411 : i32 to index
        %swap3A_1414 = tpu.vector_load %arg10[%swap3A_1412, %swap3A_1413] {strides = array<i32>} : memref<32x768xf32, #tpu.memory_space<vmem>>, vector<1x16xf32>,
        %swap3A_1415 = vector.shape_cast %swap3A_1414 : vector<1x16xf32> to vector<16xf32>
        %swap3A_1416 = vector.shape_cast %get3A_1295 : vector<16xf32> to vector<1x16xf32>
        tpu.vector_store %arg10[%swap3A_1412, %swap3A_1413], %swap3A_1416 {add = true, strides = array<i32>} : memref<32x768xf32, #tpu.memory_space<vmem>>, vector<1x16xf32>,
        %add3A_1417 = arith.constant 32 : i32
        %add3A_1418 = arith.addi %mul3A_1280, %add3A_1417 : i32
        %swap3A_1419 = arith.index_cast %add3A_1402 : i32 to index
        %swap3A_1420 = arith.index_cast %add3A_1418 : i32 to index
        %swap3A_1421 = tpu.vector_load %arg10[%swap3A_1419, %swap3A_1420] {strides = array<i32>} : memref<32x768xf32, #tpu.memory_space<vmem>>, vector<1x16xf32>,
        %swap3A_1422 = vector.shape_cast %swap3A_1421 : vector<1x16xf32> to vector<16xf32>
        %swap3A_1423 = vector.shape_cast %get3A_1303 : vector<16xf32> to vector<1x16xf32>
        tpu.vector_store %arg10[%swap3A_1419, %swap3A_1420], %swap3A_1423 {add = true, strides = array<i32>} : memref<32x768xf32, #tpu.memory_space<vmem>>, vector<1x16xf32>,
        %add3A_1424 = arith.constant 48 : i32
        %add3A_1425 = arith.addi %mul3A_1280, %add3A_1424 : i32
        %swap3A_1426 = arith.index_cast %add3A_1402 : i32 to index
        %swap3A_1427 = arith.index_cast %add3A_1425 : i32 to index
        %swap3A_1428 = tpu.vector_load %arg10[%swap3A_1426, %swap3A_1427] {strides = array<i32>} : memref<32x768xf32, #tpu.memory_space<vmem>>, vector<1x16xf32>,
        %swap3A_1429 = vector.shape_cast %swap3A_1428 : vector<1x16xf32> to vector<16xf32>
        %swap3A_1430 = vector.shape_cast %get3A_1311 : vector<16xf32> to vector<1x16xf32>
        tpu.vector_store %arg10[%swap3A_1426, %swap3A_1427], %swap3A_1430 {add = true, strides = array<i32>} : memref<32x768xf32, #tpu.memory_space<vmem>>, vector<1x16xf32>,
      }
      %scan3A_1277 = arith.constant 12 : i32
    }
    %scan3A_918 = arith.constant 8 : i32
    %add3A_919 = arith.constant 48 : i32
    %add3A_920 = arith.addi %mul3A_2, %add3A_919 : i32
    %dma_start3A_921 = arith.constant 0 : i32
    %dma_start3A_922 = arith.constant 0 : i32
    %dma_start3A_923 = arith.constant 0 : i32
    %dma_start3A_924 = tpu.memref_slice %arg10[%dma_start3A_922, %dma_start3A_923] : memref<32x768xf32, #tpu.memory_space<vmem>> -> memref<8x768xf32, #tpu.memory_space<vmem>>
    %dma_start3A_925 = arith.constant 0 : i32
    %dma_start3A_926 = tpu.memref_slice %arg5[%dma_start3A_921, %add3A_920, %dma_start3A_925] : memref<4x2048x768xf32, #tpu.memory_space<hbm>> -> memref<1x8x768xf32, #tpu.memory_space<hbm>>
    %dma_start3A_927 = tpu.memref_squeeze %dma_start3A_926 : memref<1x8x768xf32, #tpu.memory_space<hbm>> -> memref<8x768xf32, #tpu.memory_space<hbm>>
    %dma_start3A_928 = arith.constant 0 : i32
    %dma_start3A_929 = tpu.memref_slice %arg5[%dma_start3A_921, %add3A_920, %dma_start3A_928] : memref<4x2048x768xf32, #tpu.memory_space<hbm>> -> memref<1x8x768xf32, #tpu.memory_space<hbm>>
    %dma_start3A_930 = tpu.memref_squeeze %dma_start3A_929 : memref<1x8x768xf32, #tpu.memory_space<hbm>> -> memref<8x768xf32, #tpu.memory_space<hbm>>
    %dma_start3A_931 = arith.constant 0 : i32
    %dma_start3A_932 = arith.constant 0 : i32
    %dma_start3A_933 = tpu.memref_slice %arg10[%dma_start3A_931, %dma_start3A_932] : memref<32x768xf32, #tpu.memory_space<vmem>> -> memref<8x768xf32, #tpu.memory_space<vmem>>
    tpu.enqueue_dma source(%dma_start3A_933 : memref<8x768xf32, #tpu.memory_space<vmem>>) target(%dma_start3A_930 : memref<8x768xf32, #tpu.memory_space<hbm>>) target_semaphore(%arg18 : memref<!tpu.dma_semaphore, #tpu.memory_space<semaphore_mem>>)
    %add3A_934 = arith.constant 48 : i32
    %add3A_935 = arith.addi %mul3A_2, %add3A_934 : i32
    %dma_start3A_936 = arith.constant 1 : i32
    %dma_start3A_937 = arith.constant 8 : i32
    %dma_start3A_938 = arith.constant 0 : i32
    %dma_start3A_939 = tpu.memref_slice %arg10[%dma_start3A_937, %dma_start3A_938] : memref<32x768xf32, #tpu.memory_space<vmem>> -> memref<8x768xf32, #tpu.memory_space<vmem>>
    %dma_start3A_940 = arith.constant 0 : i32
    %dma_start3A_941 = tpu.memref_slice %arg5[%dma_start3A_936, %add3A_935, %dma_start3A_940] : memref<4x2048x768xf32, #tpu.memory_space<hbm>> -> memref<1x8x768xf32, #tpu.memory_space<hbm>>
    %dma_start3A_942 = tpu.memref_squeeze %dma_start3A_941 : memref<1x8x768xf32, #tpu.memory_space<hbm>> -> memref<8x768xf32, #tpu.memory_space<hbm>>
    %dma_start3A_943 = arith.constant 0 : i32
    %dma_start3A_944 = tpu.memref_slice %arg5[%dma_start3A_936, %add3A_935, %dma_start3A_943] : memref<4x2048x768xf32, #tpu.memory_space<hbm>> -> memref<1x8x768xf32, #tpu.memory_space<hbm>>
    %dma_start3A_945 = tpu.memref_squeeze %dma_start3A_944 : memref<1x8x768xf32, #tpu.memory_space<hbm>> -> memref<8x768xf32, #tpu.memory_space<hbm>>
    %dma_start3A_946 = arith.constant 8 : i32
    %dma_start3A_947 = arith.constant 0 : i32
    %dma_start3A_948 = tpu.memref_slice %arg10[%dma_start3A_946, %dma_start3A_947] : memref<32x768xf32, #tpu.memory_space<vmem>> -> memref<8x768xf32, #tpu.memory_space<vmem>>
    tpu.enqueue_dma source(%dma_start3A_948 : memref<8x768xf32, #tpu.memory_space<vmem>>) target(%dma_start3A_945 : memref<8x768xf32, #tpu.memory_space<hbm>>) target_semaphore(%arg18 : memref<!tpu.dma_semaphore, #tpu.memory_space<semaphore_mem>>)
    %add3A_949 = arith.constant 48 : i32
    %add3A_950 = arith.addi %mul3A_2, %add3A_949 : i32
    %dma_start3A_951 = arith.constant 2 : i32
    %dma_start3A_952 = arith.constant 16 : i32
    %dma_start3A_953 = arith.constant 0 : i32
    %dma_start3A_954 = tpu.memref_slice %arg10[%dma_start3A_952, %dma_start3A_953] : memref<32x768xf32, #tpu.memory_space<vmem>> -> memref<8x768xf32, #tpu.memory_space<vmem>>
    %dma_start3A_955 = arith.constant 0 : i32
    %dma_start3A_956 = tpu.memref_slice %arg5[%dma_start3A_951, %add3A_950, %dma_start3A_955] : memref<4x2048x768xf32, #tpu.memory_space<hbm>> -> memref<1x8x768xf32, #tpu.memory_space<hbm>>
    %dma_start3A_957 = tpu.memref_squeeze %dma_start3A_956 : memref<1x8x768xf32, #tpu.memory_space<hbm>> -> memref<8x768xf32, #tpu.memory_space<hbm>>
    %dma_start3A_958 = arith.constant 0 : i32
    %dma_start3A_959 = tpu.memref_slice %arg5[%dma_start3A_951, %add3A_950, %dma_start3A_958] : memref<4x2048x768xf32, #tpu.memory_space<hbm>> -> memref<1x8x768xf32, #tpu.memory_space<hbm>>
    %dma_start3A_960 = tpu.memref_squeeze %dma_start3A_959 : memref<1x8x768xf32, #tpu.memory_space<hbm>> -> memref<8x768xf32, #tpu.memory_space<hbm>>
    %dma_start3A_961 = arith.constant 16 : i32
    %dma_start3A_962 = arith.constant 0 : i32
    %dma_start3A_963 = tpu.memref_slice %arg10[%dma_start3A_961, %dma_start3A_962] : memref<32x768xf32, #tpu.memory_space<vmem>> -> memref<8x768xf32, #tpu.memory_space<vmem>>
    tpu.enqueue_dma source(%dma_start3A_963 : memref<8x768xf32, #tpu.memory_space<vmem>>) target(%dma_start3A_960 : memref<8x768xf32, #tpu.memory_space<hbm>>) target_semaphore(%arg18 : memref<!tpu.dma_semaphore, #tpu.memory_space<semaphore_mem>>)
    %add3A_964 = arith.constant 48 : i32
    %add3A_965 = arith.addi %mul3A_2, %add3A_964 : i32
    %dma_start3A_966 = arith.constant 3 : i32
    %dma_start3A_967 = arith.constant 24 : i32
    %dma_start3A_968 = arith.constant 0 : i32
    %dma_start3A_969 = tpu.memref_slice %arg10[%dma_start3A_967, %dma_start3A_968] : memref<32x768xf32, #tpu.memory_space<vmem>> -> memref<8x768xf32, #tpu.memory_space<vmem>>
    %dma_start3A_970 = arith.constant 0 : i32
    %dma_start3A_971 = tpu.memref_slice %arg5[%dma_start3A_966, %add3A_965, %dma_start3A_970] : memref<4x2048x768xf32, #tpu.memory_space<hbm>> -> memref<1x8x768xf32, #tpu.memory_space<hbm>>
    %dma_start3A_972 = tpu.memref_squeeze %dma_start3A_971 : memref<1x8x768xf32, #tpu.memory_space<hbm>> -> memref<8x768xf32, #tpu.memory_space<hbm>>
    %dma_start3A_973 = arith.constant 0 : i32
    %dma_start3A_974 = tpu.memref_slice %arg5[%dma_start3A_966, %add3A_965, %dma_start3A_973] : memref<4x2048x768xf32, #tpu.memory_space<hbm>> -> memref<1x8x768xf32, #tpu.memory_space<hbm>>
    %dma_start3A_975 = tpu.memref_squeeze %dma_start3A_974 : memref<1x8x768xf32, #tpu.memory_space<hbm>> -> memref<8x768xf32, #tpu.memory_space<hbm>>
    %dma_start3A_976 = arith.constant 24 : i32
    %dma_start3A_977 = arith.constant 0 : i32
    %dma_start3A_978 = tpu.memref_slice %arg10[%dma_start3A_976, %dma_start3A_977] : memref<32x768xf32, #tpu.memory_space<vmem>> -> memref<8x768xf32, #tpu.memory_space<vmem>>
    tpu.enqueue_dma source(%dma_start3A_978 : memref<8x768xf32, #tpu.memory_space<vmem>>) target(%dma_start3A_975 : memref<8x768xf32, #tpu.memory_space<hbm>>) target_semaphore(%arg18 : memref<!tpu.dma_semaphore, #tpu.memory_space<semaphore_mem>>)
    %dma_wait3A_979 = arith.constant 7 : i32
    %dma_wait3A_980 = arith.constant 0 : i32
    %dma_wait3A_981 = tpu.memref_slice %arg6[%dma_wait3A_979, %dma_wait3A_980] : memref<8x32xi32, #tpu.memory_space<vmem>> -> memref<1x32xi32, #tpu.memory_space<vmem>>
    %dma_wait3A_982 = tpu.memref_squeeze %dma_wait3A_981 : memref<1x32xi32, #tpu.memory_space<vmem>> -> memref<32xi32, #tpu.memory_space<vmem>>
    %dma_wait3A_983 = arith.constant 0 : i32
    %dma_wait3A_984 = arith.constant 0 : i32
    %dma_wait3A_985 = tpu.memref_slice %arg3[%dma_wait3A_983, %dma_wait3A_984] : memref<100000x768xf32, #tpu.memory_space<hbm>> -> memref<100000x768xf32, #tpu.memory_space<hbm>>
    tpu.wait_indirect_dma semaphore(%arg15 : memref<!tpu.dma_semaphore, #tpu.memory_space<semaphore_mem>>) src(%dma_wait3A_985 : memref<100000x768xf32, #tpu.memory_space<hbm>>) dst(%arg11 : memref<32x768xf32, #tpu.memory_space<vmem>>)
    %dma_wait3A_986 = arith.constant 1 : i32
    %dma_wait3A_987 = arith.constant 0 : i32
    %dma_wait3A_988 = arith.constant 0 : i32
    %dma_wait3A_989 = tpu.memref_slice %arg7[%dma_wait3A_986, %dma_wait3A_987, %dma_wait3A_988] : memref<2x8x768xf32, #tpu.memory_space<vmem>> -> memref<1x8x768xf32, #tpu.memory_space<vmem>>
    %dma_wait3A_990 = tpu.memref_squeeze %dma_wait3A_989 : memref<1x8x768xf32, #tpu.memory_space<vmem>> -> memref<8x768xf32, #tpu.memory_space<vmem>>
    %dma_wait3A_991 = arith.constant 0 : i32
    %dma_wait3A_992 = tpu.memref_slice %arg4[%add3A_880, %dma_wait3A_991] : memref<2048x768xf32, #tpu.memory_space<hbm>> -> memref<8x768xf32, #tpu.memory_space<hbm>>
    %dma_wait3A_993 = arith.constant 0 : i32
    %dma_wait3A_994 = arith.constant 0 : i32
    %dma_wait3A_995 = tpu.memref_slice %arg7[%dma_wait3A_986, %dma_wait3A_993, %dma_wait3A_994] : memref<2x8x768xf32, #tpu.memory_space<vmem>> -> memref<1x8x768xf32, #tpu.memory_space<vmem>>
    %dma_wait3A_996 = tpu.memref_squeeze %dma_wait3A_995 : memref<1x8x768xf32, #tpu.memory_space<vmem>> -> memref<8x768xf32, #tpu.memory_space<vmem>>
    %dma_wait3A_997 = arith.constant 0 : i32
    %dma_wait3A_998 = tpu.memref_slice %arg4[%add3A_880, %dma_wait3A_997] : memref<2048x768xf32, #tpu.memory_space<hbm>> -> memref<8x768xf32, #tpu.memory_space<hbm>>
    tpu.wait_dma2 semaphore(%arg21 : memref<!tpu.dma_semaphore, #tpu.memory_space<semaphore_mem>>) src(%dma_wait3A_998 : memref<8x768xf32, #tpu.memory_space<hbm>>) dst(%dma_wait3A_996 : memref<8x768xf32, #tpu.memory_space<vmem>>)
    %scan3A_999 = arith.constant 0 : i32
    %scan3A_1000 = arith.constant 8 : i32
    %scan3A_1001 = arith.addi %scan3A_999, %scan3A_1000 : i32
    %scan3A_1002 = arith.constant 1 : i32
    scf.for %scan3A_1272 = %scan3A_999 to %scan3A_1001 step %scan3A_1002  : i32 {
      %scan3A_1273 = arith.constant 0 : i32
      %scan3A_1274 = arith.constant 12 : i32
      %scan3A_1275 = arith.addi %scan3A_1273, %scan3A_1274 : i32
      %scan3A_1276 = arith.constant 1 : i32
      scf.for %scan3A_1278 = %scan3A_1273 to %scan3A_1275 step %scan3A_1276  : i32 {
        %mul3A_1279 = arith.constant 64 : i32
        %mul3A_1280 = arith.muli %scan3A_1278, %mul3A_1279 : i32
        %add3A_1281 = arith.constant 0 : i32
        %add3A_1282 = arith.addi %mul3A_1280, %add3A_1281 : i32
        %get3A = arith.constant 1 : i32
        %get3A_1283 = arith.index_cast %get3A : i32 to index
        %get3A_1284 = arith.index_cast %scan3A_1272 : i32 to index
        %get3A_1285 = arith.index_cast %add3A_1282 : i32 to index
        %get3A_1286 = tpu.vector_load %arg7[%get3A_1283, %get3A_1284, %get3A_1285] {strides = array<i32>} : memref<2x8x768xf32, #tpu.memory_space<vmem>>, vector<1x1x16xf32>,
        %get3A_1287 = vector.shape_cast %get3A_1286 : vector<1x1x16xf32> to vector<16xf32>
        %add3A_1288 = arith.constant 16 : i32
        %add3A_1289 = arith.addi %mul3A_1280, %add3A_1288 : i32
        %get3A_1290 = arith.constant 1 : i32
        %get3A_1291 = arith.index_cast %get3A_1290 : i32 to index
        %get3A_1292 = arith.index_cast %scan3A_1272 : i32 to index
        %get3A_1293 = arith.index_cast %add3A_1289 : i32 to index
        %get3A_1294 = tpu.vector_load %arg7[%get3A_1291, %get3A_1292, %get3A_1293] {strides = array<i32>} : memref<2x8x768xf32, #tpu.memory_space<vmem>>, vector<1x1x16xf32>,
        %get3A_1295 = vector.shape_cast %get3A_1294 : vector<1x1x16xf32> to vector<16xf32>
        %add3A_1296 = arith.constant 32 : i32
        %add3A_1297 = arith.addi %mul3A_1280, %add3A_1296 : i32
        %get3A_1298 = arith.constant 1 : i32
        %get3A_1299 = arith.index_cast %get3A_1298 : i32 to index
        %get3A_1300 = arith.index_cast %scan3A_1272 : i32 to index
        %get3A_1301 = arith.index_cast %add3A_1297 : i32 to index
        %get3A_1302 = tpu.vector_load %arg7[%get3A_1299, %get3A_1300, %get3A_1301] {strides = array<i32>} : memref<2x8x768xf32, #tpu.memory_space<vmem>>, vector<1x1x16xf32>,
        %get3A_1303 = vector.shape_cast %get3A_1302 : vector<1x1x16xf32> to vector<16xf32>
        %add3A_1304 = arith.constant 48 : i32
        %add3A_1305 = arith.addi %mul3A_1280, %add3A_1304 : i32
        %get3A_1306 = arith.constant 1 : i32
        %get3A_1307 = arith.index_cast %get3A_1306 : i32 to index
        %get3A_1308 = arith.index_cast %scan3A_1272 : i32 to index
        %get3A_1309 = arith.index_cast %add3A_1305 : i32 to index
        %get3A_1310 = tpu.vector_load %arg7[%get3A_1307, %get3A_1308, %get3A_1309] {strides = array<i32>} : memref<2x8x768xf32, #tpu.memory_space<vmem>>, vector<1x1x16xf32>,
        %get3A_1311 = vector.shape_cast %get3A_1310 : vector<1x1x16xf32> to vector<16xf32>
        %add3A_1312 = arith.constant 0 : i32
        %add3A_1313 = arith.addi %add3A_1312, %scan3A_1272 : i32
        %add3A_1314 = arith.constant 0 : i32
        %add3A_1315 = arith.addi %mul3A_1280, %add3A_1314 : i32
        %swap3A = arith.index_cast %add3A_1313 : i32 to index
        %swap3A_1316 = arith.index_cast %add3A_1315 : i32 to index
        %swap3A_1317 = tpu.vector_load %arg11[%swap3A, %swap3A_1316] {strides = array<i32>} : memref<32x768xf32, #tpu.memory_space<vmem>>, vector<1x16xf32>,
        %swap3A_1318 = vector.shape_cast %swap3A_1317 : vector<1x16xf32> to vector<16xf32>
        %swap3A_1319 = vector.shape_cast %get3A_1287 : vector<16xf32> to vector<1x16xf32>
        tpu.vector_store %arg11[%swap3A, %swap3A_1316], %swap3A_1319 {add = true, strides = array<i32>} : memref<32x768xf32, #tpu.memory_space<vmem>>, vector<1x16xf32>,
        %add3A_1320 = arith.constant 16 : i32
        %add3A_1321 = arith.addi %mul3A_1280, %add3A_1320 : i32
        %swap3A_1322 = arith.index_cast %add3A_1313 : i32 to index
        %swap3A_1323 = arith.index_cast %add3A_1321 : i32 to index
        %swap3A_1324 = tpu.vector_load %arg11[%swap3A_1322, %swap3A_1323] {strides = array<i32>} : memref<32x768xf32, #tpu.memory_space<vmem>>, vector<1x16xf32>,
        %swap3A_1325 = vector.shape_cast %swap3A_1324 : vector<1x16xf32> to vector<16xf32>
        %swap3A_1326 = vector.shape_cast %get3A_1295 : vector<16xf32> to vector<1x16xf32>
        tpu.vector_store %arg11[%swap3A_1322, %swap3A_1323], %swap3A_1326 {add = true, strides = array<i32>} : memref<32x768xf32, #tpu.memory_space<vmem>>, vector<1x16xf32>,
        %add3A_1327 = arith.constant 32 : i32
        %add3A_1328 = arith.addi %mul3A_1280, %add3A_1327 : i32
        %swap3A_1329 = arith.index_cast %add3A_1313 : i32 to index
        %swap3A_1330 = arith.index_cast %add3A_1328 : i32 to index
        %swap3A_1331 = tpu.vector_load %arg11[%swap3A_1329, %swap3A_1330] {strides = array<i32>} : memref<32x768xf32, #tpu.memory_space<vmem>>, vector<1x16xf32>,
        %swap3A_1332 = vector.shape_cast %swap3A_1331 : vector<1x16xf32> to vector<16xf32>
        %swap3A_1333 = vector.shape_cast %get3A_1303 : vector<16xf32> to vector<1x16xf32>
        tpu.vector_store %arg11[%swap3A_1329, %swap3A_1330], %swap3A_1333 {add = true, strides = array<i32>} : memref<32x768xf32, #tpu.memory_space<vmem>>, vector<1x16xf32>,
        %add3A_1334 = arith.constant 48 : i32
        %add3A_1335 = arith.addi %mul3A_1280, %add3A_1334 : i32
        %swap3A_1336 = arith.index_cast %add3A_1313 : i32 to index
        %swap3A_1337 = arith.index_cast %add3A_1335 : i32 to index
        %swap3A_1338 = tpu.vector_load %arg11[%swap3A_1336, %swap3A_1337] {strides = array<i32>} : memref<32x768xf32, #tpu.memory_space<vmem>>, vector<1x16xf32>,
        %swap3A_1339 = vector.shape_cast %swap3A_1338 : vector<1x16xf32> to vector<16xf32>
        %swap3A_1340 = vector.shape_cast %get3A_1311 : vector<16xf32> to vector<1x16xf32>
        tpu.vector_store %arg11[%swap3A_1336, %swap3A_1337], %swap3A_1340 {add = true, strides = array<i32>} : memref<32x768xf32, #tpu.memory_space<vmem>>, vector<1x16xf32>,
        %add3A_1341 = arith.constant 8 : i32
        %add3A_1342 = arith.addi %add3A_1341, %scan3A_1272 : i32
        %add3A_1343 = arith.constant 0 : i32
        %add3A_1344 = arith.addi %mul3A_1280, %add3A_1343 : i32
        %swap3A_1345 = arith.index_cast %add3A_1342 : i32 to index
        %swap3A_1346 = arith.index_cast %add3A_1344 : i32 to index
        %swap3A_1347 = tpu.vector_load %arg11[%swap3A_1345, %swap3A_1346] {strides = array<i32>} : memref<32x768xf32, #tpu.memory_space<vmem>>, vector<1x16xf32>,
        %swap3A_1348 = vector.shape_cast %swap3A_1347 : vector<1x16xf32> to vector<16xf32>
        %swap3A_1349 = vector.shape_cast %get3A_1287 : vector<16xf32> to vector<1x16xf32>
        tpu.vector_store %arg11[%swap3A_1345, %swap3A_1346], %swap3A_1349 {add = true, strides = array<i32>} : memref<32x768xf32, #tpu.memory_space<vmem>>, vector<1x16xf32>,
        %add3A_1350 = arith.constant 16 : i32
        %add3A_1351 = arith.addi %mul3A_1280, %add3A_1350 : i32
        %swap3A_1352 = arith.index_cast %add3A_1342 : i32 to index
        %swap3A_1353 = arith.index_cast %add3A_1351 : i32 to index
        %swap3A_1354 = tpu.vector_load %arg11[%swap3A_1352, %swap3A_1353] {strides = array<i32>} : memref<32x768xf32, #tpu.memory_space<vmem>>, vector<1x16xf32>,
        %swap3A_1355 = vector.shape_cast %swap3A_1354 : vector<1x16xf32> to vector<16xf32>
        %swap3A_1356 = vector.shape_cast %get3A_1295 : vector<16xf32> to vector<1x16xf32>
        tpu.vector_store %arg11[%swap3A_1352, %swap3A_1353], %swap3A_1356 {add = true, strides = array<i32>} : memref<32x768xf32, #tpu.memory_space<vmem>>, vector<1x16xf32>,
        %add3A_1357 = arith.constant 32 : i32
        %add3A_1358 = arith.addi %mul3A_1280, %add3A_1357 : i32
        %swap3A_1359 = arith.index_cast %add3A_1342 : i32 to index
        %swap3A_1360 = arith.index_cast %add3A_1358 : i32 to index
        %swap3A_1361 = tpu.vector_load %arg11[%swap3A_1359, %swap3A_1360] {strides = array<i32>} : memref<32x768xf32, #tpu.memory_space<vmem>>, vector<1x16xf32>,
        %swap3A_1362 = vector.shape_cast %swap3A_1361 : vector<1x16xf32> to vector<16xf32>
        %swap3A_1363 = vector.shape_cast %get3A_1303 : vector<16xf32> to vector<1x16xf32>
        tpu.vector_store %arg11[%swap3A_1359, %swap3A_1360], %swap3A_1363 {add = true, strides = array<i32>} : memref<32x768xf32, #tpu.memory_space<vmem>>, vector<1x16xf32>,
        %add3A_1364 = arith.constant 48 : i32
        %add3A_1365 = arith.addi %mul3A_1280, %add3A_1364 : i32
        %swap3A_1366 = arith.index_cast %add3A_1342 : i32 to index
        %swap3A_1367 = arith.index_cast %add3A_1365 : i32 to index
        %swap3A_1368 = tpu.vector_load %arg11[%swap3A_1366, %swap3A_1367] {strides = array<i32>} : memref<32x768xf32, #tpu.memory_space<vmem>>, vector<1x16xf32>,
        %swap3A_1369 = vector.shape_cast %swap3A_1368 : vector<1x16xf32> to vector<16xf32>
        %swap3A_1370 = vector.shape_cast %get3A_1311 : vector<16xf32> to vector<1x16xf32>
        tpu.vector_store %arg11[%swap3A_1366, %swap3A_1367], %swap3A_1370 {add = true, strides = array<i32>} : memref<32x768xf32, #tpu.memory_space<vmem>>, vector<1x16xf32>,
        %add3A_1371 = arith.constant 16 : i32
        %add3A_1372 = arith.addi %add3A_1371, %scan3A_1272 : i32
        %add3A_1373 = arith.constant 0 : i32
        %add3A_1374 = arith.addi %mul3A_1280, %add3A_1373 : i32
        %swap3A_1375 = arith.index_cast %add3A_1372 : i32 to index
        %swap3A_1376 = arith.index_cast %add3A_1374 : i32 to index
        %swap3A_1377 = tpu.vector_load %arg11[%swap3A_1375, %swap3A_1376] {strides = array<i32>} : memref<32x768xf32, #tpu.memory_space<vmem>>, vector<1x16xf32>,
        %swap3A_1378 = vector.shape_cast %swap3A_1377 : vector<1x16xf32> to vector<16xf32>
        %swap3A_1379 = vector.shape_cast %get3A_1287 : vector<16xf32> to vector<1x16xf32>
        tpu.vector_store %arg11[%swap3A_1375, %swap3A_1376], %swap3A_1379 {add = true, strides = array<i32>} : memref<32x768xf32, #tpu.memory_space<vmem>>, vector<1x16xf32>,
        %add3A_1380 = arith.constant 16 : i32
        %add3A_1381 = arith.addi %mul3A_1280, %add3A_1380 : i32
        %swap3A_1382 = arith.index_cast %add3A_1372 : i32 to index
        %swap3A_1383 = arith.index_cast %add3A_1381 : i32 to index
        %swap3A_1384 = tpu.vector_load %arg11[%swap3A_1382, %swap3A_1383] {strides = array<i32>} : memref<32x768xf32, #tpu.memory_space<vmem>>, vector<1x16xf32>,
        %swap3A_1385 = vector.shape_cast %swap3A_1384 : vector<1x16xf32> to vector<16xf32>
        %swap3A_1386 = vector.shape_cast %get3A_1295 : vector<16xf32> to vector<1x16xf32>
        tpu.vector_store %arg11[%swap3A_1382, %swap3A_1383], %swap3A_1386 {add = true, strides = array<i32>} : memref<32x768xf32, #tpu.memory_space<vmem>>, vector<1x16xf32>,
        %add3A_1387 = arith.constant 32 : i32
        %add3A_1388 = arith.addi %mul3A_1280, %add3A_1387 : i32
        %swap3A_1389 = arith.index_cast %add3A_1372 : i32 to index
        %swap3A_1390 = arith.index_cast %add3A_1388 : i32 to index
        %swap3A_1391 = tpu.vector_load %arg11[%swap3A_1389, %swap3A_1390] {strides = array<i32>} : memref<32x768xf32, #tpu.memory_space<vmem>>, vector<1x16xf32>,
        %swap3A_1392 = vector.shape_cast %swap3A_1391 : vector<1x16xf32> to vector<16xf32>
        %swap3A_1393 = vector.shape_cast %get3A_1303 : vector<16xf32> to vector<1x16xf32>
        tpu.vector_store %arg11[%swap3A_1389, %swap3A_1390], %swap3A_1393 {add = true, strides = array<i32>} : memref<32x768xf32, #tpu.memory_space<vmem>>, vector<1x16xf32>,
        %add3A_1394 = arith.constant 48 : i32
        %add3A_1395 = arith.addi %mul3A_1280, %add3A_1394 : i32
        %swap3A_1396 = arith.index_cast %add3A_1372 : i32 to index
        %swap3A_1397 = arith.index_cast %add3A_1395 : i32 to index
        %swap3A_1398 = tpu.vector_load %arg11[%swap3A_1396, %swap3A_1397] {strides = array<i32>} : memref<32x768xf32, #tpu.memory_space<vmem>>, vector<1x16xf32>,
        %swap3A_1399 = vector.shape_cast %swap3A_1398 : vector<1x16xf32> to vector<16xf32>
        %swap3A_1400 = vector.shape_cast %get3A_1311 : vector<16xf32> to vector<1x16xf32>
        tpu.vector_store %arg11[%swap3A_1396, %swap3A_1397], %swap3A_1400 {add = true, strides = array<i32>} : memref<32x768xf32, #tpu.memory_space<vmem>>, vector<1x16xf32>,
        %add3A_1401 = arith.constant 24 : i32
        %add3A_1402 = arith.addi %add3A_1401, %scan3A_1272 : i32
        %add3A_1403 = arith.constant 0 : i32
        %add3A_1404 = arith.addi %mul3A_1280, %add3A_1403 : i32
        %swap3A_1405 = arith.index_cast %add3A_1402 : i32 to index
        %swap3A_1406 = arith.index_cast %add3A_1404 : i32 to index
        %swap3A_1407 = tpu.vector_load %arg11[%swap3A_1405, %swap3A_1406] {strides = array<i32>} : memref<32x768xf32, #tpu.memory_space<vmem>>, vector<1x16xf32>,
        %swap3A_1408 = vector.shape_cast %swap3A_1407 : vector<1x16xf32> to vector<16xf32>
        %swap3A_1409 = vector.shape_cast %get3A_1287 : vector<16xf32> to vector<1x16xf32>
        tpu.vector_store %arg11[%swap3A_1405, %swap3A_1406], %swap3A_1409 {add = true, strides = array<i32>} : memref<32x768xf32, #tpu.memory_space<vmem>>, vector<1x16xf32>,
        %add3A_1410 = arith.constant 16 : i32
        %add3A_1411 = arith.addi %mul3A_1280, %add3A_1410 : i32
        %swap3A_1412 = arith.index_cast %add3A_1402 : i32 to index
        %swap3A_1413 = arith.index_cast %add3A_1411 : i32 to index
        %swap3A_1414 = tpu.vector_load %arg11[%swap3A_1412, %swap3A_1413] {strides = array<i32>} : memref<32x768xf32, #tpu.memory_space<vmem>>, vector<1x16xf32>,
        %swap3A_1415 = vector.shape_cast %swap3A_1414 : vector<1x16xf32> to vector<16xf32>
        %swap3A_1416 = vector.shape_cast %get3A_1295 : vector<16xf32> to vector<1x16xf32>
        tpu.vector_store %arg11[%swap3A_1412, %swap3A_1413], %swap3A_1416 {add = true, strides = array<i32>} : memref<32x768xf32, #tpu.memory_space<vmem>>, vector<1x16xf32>,
        %add3A_1417 = arith.constant 32 : i32
        %add3A_1418 = arith.addi %mul3A_1280, %add3A_1417 : i32
        %swap3A_1419 = arith.index_cast %add3A_1402 : i32 to index
        %swap3A_1420 = arith.index_cast %add3A_1418 : i32 to index
        %swap3A_1421 = tpu.vector_load %arg11[%swap3A_1419, %swap3A_1420] {strides = array<i32>} : memref<32x768xf32, #tpu.memory_space<vmem>>, vector<1x16xf32>,
        %swap3A_1422 = vector.shape_cast %swap3A_1421 : vector<1x16xf32> to vector<16xf32>
        %swap3A_1423 = vector.shape_cast %get3A_1303 : vector<16xf32> to vector<1x16xf32>
        tpu.vector_store %arg11[%swap3A_1419, %swap3A_1420], %swap3A_1423 {add = true, strides = array<i32>} : memref<32x768xf32, #tpu.memory_space<vmem>>, vector<1x16xf32>,
        %add3A_1424 = arith.constant 48 : i32
        %add3A_1425 = arith.addi %mul3A_1280, %add3A_1424 : i32
        %swap3A_1426 = arith.index_cast %add3A_1402 : i32 to index
        %swap3A_1427 = arith.index_cast %add3A_1425 : i32 to index
        %swap3A_1428 = tpu.vector_load %arg11[%swap3A_1426, %swap3A_1427] {strides = array<i32>} : memref<32x768xf32, #tpu.memory_space<vmem>>, vector<1x16xf32>,
        %swap3A_1429 = vector.shape_cast %swap3A_1428 : vector<1x16xf32> to vector<16xf32>
        %swap3A_1430 = vector.shape_cast %get3A_1311 : vector<16xf32> to vector<1x16xf32>
        tpu.vector_store %arg11[%swap3A_1426, %swap3A_1427], %swap3A_1430 {add = true, strides = array<i32>} : memref<32x768xf32, #tpu.memory_space<vmem>>, vector<1x16xf32>,
      }
      %scan3A_1277 = arith.constant 12 : i32
    }
    %scan3A_1003 = arith.constant 8 : i32
    %add3A_1004 = arith.constant 56 : i32
    %add3A_1005 = arith.addi %mul3A_2, %add3A_1004 : i32
    %dma_start3A_1006 = arith.constant 0 : i32
    %dma_start3A_1007 = arith.constant 0 : i32
    %dma_start3A_1008 = arith.constant 0 : i32
    %dma_start3A_1009 = tpu.memref_slice %arg11[%dma_start3A_1007, %dma_start3A_1008] : memref<32x768xf32, #tpu.memory_space<vmem>> -> memref<8x768xf32, #tpu.memory_space<vmem>>
    %dma_start3A_1010 = arith.constant 0 : i32
    %dma_start3A_1011 = tpu.memref_slice %arg5[%dma_start3A_1006, %add3A_1005, %dma_start3A_1010] : memref<4x2048x768xf32, #tpu.memory_space<hbm>> -> memref<1x8x768xf32, #tpu.memory_space<hbm>>
    %dma_start3A_1012 = tpu.memref_squeeze %dma_start3A_1011 : memref<1x8x768xf32, #tpu.memory_space<hbm>> -> memref<8x768xf32, #tpu.memory_space<hbm>>
    %dma_start3A_1013 = arith.constant 0 : i32
    %dma_start3A_1014 = tpu.memref_slice %arg5[%dma_start3A_1006, %add3A_1005, %dma_start3A_1013] : memref<4x2048x768xf32, #tpu.memory_space<hbm>> -> memref<1x8x768xf32, #tpu.memory_space<hbm>>
    %dma_start3A_1015 = tpu.memref_squeeze %dma_start3A_1014 : memref<1x8x768xf32, #tpu.memory_space<hbm>> -> memref<8x768xf32, #tpu.memory_space<hbm>>
    %dma_start3A_1016 = arith.constant 0 : i32
    %dma_start3A_1017 = arith.constant 0 : i32
    %dma_start3A_1018 = tpu.memref_slice %arg11[%dma_start3A_1016, %dma_start3A_1017] : memref<32x768xf32, #tpu.memory_space<vmem>> -> memref<8x768xf32, #tpu.memory_space<vmem>>
    tpu.enqueue_dma source(%dma_start3A_1018 : memref<8x768xf32, #tpu.memory_space<vmem>>) target(%dma_start3A_1015 : memref<8x768xf32, #tpu.memory_space<hbm>>) target_semaphore(%arg19 : memref<!tpu.dma_semaphore, #tpu.memory_space<semaphore_mem>>)
    %add3A_1019 = arith.constant 56 : i32
    %add3A_1020 = arith.addi %mul3A_2, %add3A_1019 : i32
    %dma_start3A_1021 = arith.constant 1 : i32
    %dma_start3A_1022 = arith.constant 8 : i32
    %dma_start3A_1023 = arith.constant 0 : i32
    %dma_start3A_1024 = tpu.memref_slice %arg11[%dma_start3A_1022, %dma_start3A_1023] : memref<32x768xf32, #tpu.memory_space<vmem>> -> memref<8x768xf32, #tpu.memory_space<vmem>>
    %dma_start3A_1025 = arith.constant 0 : i32
    %dma_start3A_1026 = tpu.memref_slice %arg5[%dma_start3A_1021, %add3A_1020, %dma_start3A_1025] : memref<4x2048x768xf32, #tpu.memory_space<hbm>> -> memref<1x8x768xf32, #tpu.memory_space<hbm>>
    %dma_start3A_1027 = tpu.memref_squeeze %dma_start3A_1026 : memref<1x8x768xf32, #tpu.memory_space<hbm>> -> memref<8x768xf32, #tpu.memory_space<hbm>>
    %dma_start3A_1028 = arith.constant 0 : i32
    %dma_start3A_1029 = tpu.memref_slice %arg5[%dma_start3A_1021, %add3A_1020, %dma_start3A_1028] : memref<4x2048x768xf32, #tpu.memory_space<hbm>> -> memref<1x8x768xf32, #tpu.memory_space<hbm>>
    %dma_start3A_1030 = tpu.memref_squeeze %dma_start3A_1029 : memref<1x8x768xf32, #tpu.memory_space<hbm>> -> memref<8x768xf32, #tpu.memory_space<hbm>>
    %dma_start3A_1031 = arith.constant 8 : i32
    %dma_start3A_1032 = arith.constant 0 : i32
    %dma_start3A_1033 = tpu.memref_slice %arg11[%dma_start3A_1031, %dma_start3A_1032] : memref<32x768xf32, #tpu.memory_space<vmem>> -> memref<8x768xf32, #tpu.memory_space<vmem>>
    tpu.enqueue_dma source(%dma_start3A_1033 : memref<8x768xf32, #tpu.memory_space<vmem>>) target(%dma_start3A_1030 : memref<8x768xf32, #tpu.memory_space<hbm>>) target_semaphore(%arg19 : memref<!tpu.dma_semaphore, #tpu.memory_space<semaphore_mem>>)
    %add3A_1034 = arith.constant 56 : i32
    %add3A_1035 = arith.addi %mul3A_2, %add3A_1034 : i32
    %dma_start3A_1036 = arith.constant 2 : i32
    %dma_start3A_1037 = arith.constant 16 : i32
    %dma_start3A_1038 = arith.constant 0 : i32
    %dma_start3A_1039 = tpu.memref_slice %arg11[%dma_start3A_1037, %dma_start3A_1038] : memref<32x768xf32, #tpu.memory_space<vmem>> -> memref<8x768xf32, #tpu.memory_space<vmem>>
    %dma_start3A_1040 = arith.constant 0 : i32
    %dma_start3A_1041 = tpu.memref_slice %arg5[%dma_start3A_1036, %add3A_1035, %dma_start3A_1040] : memref<4x2048x768xf32, #tpu.memory_space<hbm>> -> memref<1x8x768xf32, #tpu.memory_space<hbm>>
    %dma_start3A_1042 = tpu.memref_squeeze %dma_start3A_1041 : memref<1x8x768xf32, #tpu.memory_space<hbm>> -> memref<8x768xf32, #tpu.memory_space<hbm>>
    %dma_start3A_1043 = arith.constant 0 : i32
    %dma_start3A_1044 = tpu.memref_slice %arg5[%dma_start3A_1036, %add3A_1035, %dma_start3A_1043] : memref<4x2048x768xf32, #tpu.memory_space<hbm>> -> memref<1x8x768xf32, #tpu.memory_space<hbm>>
    %dma_start3A_1045 = tpu.memref_squeeze %dma_start3A_1044 : memref<1x8x768xf32, #tpu.memory_space<hbm>> -> memref<8x768xf32, #tpu.memory_space<hbm>>
    %dma_start3A_1046 = arith.constant 16 : i32
    %dma_start3A_1047 = arith.constant 0 : i32
    %dma_start3A_1048 = tpu.memref_slice %arg11[%dma_start3A_1046, %dma_start3A_1047] : memref<32x768xf32, #tpu.memory_space<vmem>> -> memref<8x768xf32, #tpu.memory_space<vmem>>
    tpu.enqueue_dma source(%dma_start3A_1048 : memref<8x768xf32, #tpu.memory_space<vmem>>) target(%dma_start3A_1045 : memref<8x768xf32, #tpu.memory_space<hbm>>) target_semaphore(%arg19 : memref<!tpu.dma_semaphore, #tpu.memory_space<semaphore_mem>>)
    %add3A_1049 = arith.constant 56 : i32
    %add3A_1050 = arith.addi %mul3A_2, %add3A_1049 : i32
    %dma_start3A_1051 = arith.constant 3 : i32
    %dma_start3A_1052 = arith.constant 24 : i32
    %dma_start3A_1053 = arith.constant 0 : i32
    %dma_start3A_1054 = tpu.memref_slice %arg11[%dma_start3A_1052, %dma_start3A_1053] : memref<32x768xf32, #tpu.memory_space<vmem>> -> memref<8x768xf32, #tpu.memory_space<vmem>>
    %dma_start3A_1055 = arith.constant 0 : i32
    %dma_start3A_1056 = tpu.memref_slice %arg5[%dma_start3A_1051, %add3A_1050, %dma_start3A_1055] : memref<4x2048x768xf32, #tpu.memory_space<hbm>> -> memref<1x8x768xf32, #tpu.memory_space<hbm>>
    %dma_start3A_1057 = tpu.memref_squeeze %dma_start3A_1056 : memref<1x8x768xf32, #tpu.memory_space<hbm>> -> memref<8x768xf32, #tpu.memory_space<hbm>>
    %dma_start3A_1058 = arith.constant 0 : i32
    %dma_start3A_1059 = tpu.memref_slice %arg5[%dma_start3A_1051, %add3A_1050, %dma_start3A_1058] : memref<4x2048x768xf32, #tpu.memory_space<hbm>> -> memref<1x8x768xf32, #tpu.memory_space<hbm>>
    %dma_start3A_1060 = tpu.memref_squeeze %dma_start3A_1059 : memref<1x8x768xf32, #tpu.memory_space<hbm>> -> memref<8x768xf32, #tpu.memory_space<hbm>>
    %dma_start3A_1061 = arith.constant 24 : i32
    %dma_start3A_1062 = arith.constant 0 : i32
    %dma_start3A_1063 = tpu.memref_slice %arg11[%dma_start3A_1061, %dma_start3A_1062] : memref<32x768xf32, #tpu.memory_space<vmem>> -> memref<8x768xf32, #tpu.memory_space<vmem>>
    tpu.enqueue_dma source(%dma_start3A_1063 : memref<8x768xf32, #tpu.memory_space<vmem>>) target(%dma_start3A_1060 : memref<8x768xf32, #tpu.memory_space<hbm>>) target_semaphore(%arg19 : memref<!tpu.dma_semaphore, #tpu.memory_space<semaphore_mem>>)
    %dma_wait3A_1064 = arith.constant 0 : i32
    %dma_wait3A_1065 = arith.constant 0 : i32
    %dma_wait3A_1066 = arith.constant 0 : i32
    %dma_wait3A_1067 = tpu.memref_slice %arg8[%dma_wait3A_1065, %dma_wait3A_1066] : memref<32x768xf32, #tpu.memory_space<vmem>> -> memref<8x768xf32, #tpu.memory_space<vmem>>
    %dma_wait3A_1068 = arith.constant 0 : i32
    %dma_wait3A_1069 = tpu.memref_slice %arg5[%dma_wait3A_1064, %add3A_661, %dma_wait3A_1068] : memref<4x2048x768xf32, #tpu.memory_space<hbm>> -> memref<1x8x768xf32, #tpu.memory_space<hbm>>
    %dma_wait3A_1070 = tpu.memref_squeeze %dma_wait3A_1069 : memref<1x8x768xf32, #tpu.memory_space<hbm>> -> memref<8x768xf32, #tpu.memory_space<hbm>>
    %dma_wait3A_1071 = arith.constant 0 : i32
    %dma_wait3A_1072 = tpu.memref_slice %arg5[%dma_wait3A_1064, %add3A_661, %dma_wait3A_1071] : memref<4x2048x768xf32, #tpu.memory_space<hbm>> -> memref<1x8x768xf32, #tpu.memory_space<hbm>>
    %dma_wait3A_1073 = tpu.memref_squeeze %dma_wait3A_1072 : memref<1x8x768xf32, #tpu.memory_space<hbm>> -> memref<8x768xf32, #tpu.memory_space<hbm>>
    %dma_wait3A_1074 = arith.constant 0 : i32
    %dma_wait3A_1075 = arith.constant 0 : i32
    %dma_wait3A_1076 = tpu.memref_slice %arg8[%dma_wait3A_1074, %dma_wait3A_1075] : memref<32x768xf32, #tpu.memory_space<vmem>> -> memref<8x768xf32, #tpu.memory_space<vmem>>
    tpu.wait_dma2 semaphore(%arg16 : memref<!tpu.dma_semaphore, #tpu.memory_space<semaphore_mem>>) src(%dma_wait3A_1076 : memref<8x768xf32, #tpu.memory_space<vmem>>) dst(%dma_wait3A_1073 : memref<8x768xf32, #tpu.memory_space<hbm>>)
    %dma_wait3A_1077 = arith.constant 1 : i32
    %dma_wait3A_1078 = arith.constant 8 : i32
    %dma_wait3A_1079 = arith.constant 0 : i32
    %dma_wait3A_1080 = tpu.memref_slice %arg8[%dma_wait3A_1078, %dma_wait3A_1079] : memref<32x768xf32, #tpu.memory_space<vmem>> -> memref<8x768xf32, #tpu.memory_space<vmem>>
    %dma_wait3A_1081 = arith.constant 0 : i32
    %dma_wait3A_1082 = tpu.memref_slice %arg5[%dma_wait3A_1077, %add3A_676, %dma_wait3A_1081] : memref<4x2048x768xf32, #tpu.memory_space<hbm>> -> memref<1x8x768xf32, #tpu.memory_space<hbm>>
    %dma_wait3A_1083 = tpu.memref_squeeze %dma_wait3A_1082 : memref<1x8x768xf32, #tpu.memory_space<hbm>> -> memref<8x768xf32, #tpu.memory_space<hbm>>
    %dma_wait3A_1084 = arith.constant 0 : i32
    %dma_wait3A_1085 = tpu.memref_slice %arg5[%dma_wait3A_1077, %add3A_676, %dma_wait3A_1084] : memref<4x2048x768xf32, #tpu.memory_space<hbm>> -> memref<1x8x768xf32, #tpu.memory_space<hbm>>
    %dma_wait3A_1086 = tpu.memref_squeeze %dma_wait3A_1085 : memref<1x8x768xf32, #tpu.memory_space<hbm>> -> memref<8x768xf32, #tpu.memory_space<hbm>>
    %dma_wait3A_1087 = arith.constant 8 : i32
    %dma_wait3A_1088 = arith.constant 0 : i32
    %dma_wait3A_1089 = tpu.memref_slice %arg8[%dma_wait3A_1087, %dma_wait3A_1088] : memref<32x768xf32, #tpu.memory_space<vmem>> -> memref<8x768xf32, #tpu.memory_space<vmem>>
    tpu.wait_dma2 semaphore(%arg16 : memref<!tpu.dma_semaphore, #tpu.memory_space<semaphore_mem>>) src(%dma_wait3A_1089 : memref<8x768xf32, #tpu.memory_space<vmem>>) dst(%dma_wait3A_1086 : memref<8x768xf32, #tpu.memory_space<hbm>>)
    %dma_wait3A_1090 = arith.constant 2 : i32
    %dma_wait3A_1091 = arith.constant 16 : i32
    %dma_wait3A_1092 = arith.constant 0 : i32
    %dma_wait3A_1093 = tpu.memref_slice %arg8[%dma_wait3A_1091, %dma_wait3A_1092] : memref<32x768xf32, #tpu.memory_space<vmem>> -> memref<8x768xf32, #tpu.memory_space<vmem>>
    %dma_wait3A_1094 = arith.constant 0 : i32
    %dma_wait3A_1095 = tpu.memref_slice %arg5[%dma_wait3A_1090, %add3A_691, %dma_wait3A_1094] : memref<4x2048x768xf32, #tpu.memory_space<hbm>> -> memref<1x8x768xf32, #tpu.memory_space<hbm>>
    %dma_wait3A_1096 = tpu.memref_squeeze %dma_wait3A_1095 : memref<1x8x768xf32, #tpu.memory_space<hbm>> -> memref<8x768xf32, #tpu.memory_space<hbm>>
    %dma_wait3A_1097 = arith.constant 0 : i32
    %dma_wait3A_1098 = tpu.memref_slice %arg5[%dma_wait3A_1090, %add3A_691, %dma_wait3A_1097] : memref<4x2048x768xf32, #tpu.memory_space<hbm>> -> memref<1x8x768xf32, #tpu.memory_space<hbm>>
    %dma_wait3A_1099 = tpu.memref_squeeze %dma_wait3A_1098 : memref<1x8x768xf32, #tpu.memory_space<hbm>> -> memref<8x768xf32, #tpu.memory_space<hbm>>
    %dma_wait3A_1100 = arith.constant 16 : i32
    %dma_wait3A_1101 = arith.constant 0 : i32
    %dma_wait3A_1102 = tpu.memref_slice %arg8[%dma_wait3A_1100, %dma_wait3A_1101] : memref<32x768xf32, #tpu.memory_space<vmem>> -> memref<8x768xf32, #tpu.memory_space<vmem>>
    tpu.wait_dma2 semaphore(%arg16 : memref<!tpu.dma_semaphore, #tpu.memory_space<semaphore_mem>>) src(%dma_wait3A_1102 : memref<8x768xf32, #tpu.memory_space<vmem>>) dst(%dma_wait3A_1099 : memref<8x768xf32, #tpu.memory_space<hbm>>)
    %dma_wait3A_1103 = arith.constant 3 : i32
    %dma_wait3A_1104 = arith.constant 24 : i32
    %dma_wait3A_1105 = arith.constant 0 : i32
    %dma_wait3A_1106 = tpu.memref_slice %arg8[%dma_wait3A_1104, %dma_wait3A_1105] : memref<32x768xf32, #tpu.memory_space<vmem>> -> memref<8x768xf32, #tpu.memory_space<vmem>>
    %dma_wait3A_1107 = arith.constant 0 : i32
    %dma_wait3A_1108 = tpu.memref_slice %arg5[%dma_wait3A_1103, %add3A_706, %dma_wait3A_1107] : memref<4x2048x768xf32, #tpu.memory_space<hbm>> -> memref<1x8x768xf32, #tpu.memory_space<hbm>>
    %dma_wait3A_1109 = tpu.memref_squeeze %dma_wait3A_1108 : memref<1x8x768xf32, #tpu.memory_space<hbm>> -> memref<8x768xf32, #tpu.memory_space<hbm>>
    %dma_wait3A_1110 = arith.constant 0 : i32
    %dma_wait3A_1111 = tpu.memref_slice %arg5[%dma_wait3A_1103, %add3A_706, %dma_wait3A_1110] : memref<4x2048x768xf32, #tpu.memory_space<hbm>> -> memref<1x8x768xf32, #tpu.memory_space<hbm>>
    %dma_wait3A_1112 = tpu.memref_squeeze %dma_wait3A_1111 : memref<1x8x768xf32, #tpu.memory_space<hbm>> -> memref<8x768xf32, #tpu.memory_space<hbm>>
    %dma_wait3A_1113 = arith.constant 24 : i32
    %dma_wait3A_1114 = arith.constant 0 : i32
    %dma_wait3A_1115 = tpu.memref_slice %arg8[%dma_wait3A_1113, %dma_wait3A_1114] : memref<32x768xf32, #tpu.memory_space<vmem>> -> memref<8x768xf32, #tpu.memory_space<vmem>>
    tpu.wait_dma2 semaphore(%arg16 : memref<!tpu.dma_semaphore, #tpu.memory_space<semaphore_mem>>) src(%dma_wait3A_1115 : memref<8x768xf32, #tpu.memory_space<vmem>>) dst(%dma_wait3A_1112 : memref<8x768xf32, #tpu.memory_space<hbm>>)
    %dma_wait3A_1116 = arith.constant 0 : i32
    %dma_wait3A_1117 = arith.constant 0 : i32
    %dma_wait3A_1118 = arith.constant 0 : i32
    %dma_wait3A_1119 = tpu.memref_slice %arg9[%dma_wait3A_1117, %dma_wait3A_1118] : memref<32x768xf32, #tpu.memory_space<vmem>> -> memref<8x768xf32, #tpu.memory_space<vmem>>
    %dma_wait3A_1120 = arith.constant 0 : i32
    %dma_wait3A_1121 = tpu.memref_slice %arg5[%dma_wait3A_1116, %add3A_820, %dma_wait3A_1120] : memref<4x2048x768xf32, #tpu.memory_space<hbm>> -> memref<1x8x768xf32, #tpu.memory_space<hbm>>
    %dma_wait3A_1122 = tpu.memref_squeeze %dma_wait3A_1121 : memref<1x8x768xf32, #tpu.memory_space<hbm>> -> memref<8x768xf32, #tpu.memory_space<hbm>>
    %dma_wait3A_1123 = arith.constant 0 : i32
    %dma_wait3A_1124 = tpu.memref_slice %arg5[%dma_wait3A_1116, %add3A_820, %dma_wait3A_1123] : memref<4x2048x768xf32, #tpu.memory_space<hbm>> -> memref<1x8x768xf32, #tpu.memory_space<hbm>>
    %dma_wait3A_1125 = tpu.memref_squeeze %dma_wait3A_1124 : memref<1x8x768xf32, #tpu.memory_space<hbm>> -> memref<8x768xf32, #tpu.memory_space<hbm>>
    %dma_wait3A_1126 = arith.constant 0 : i32
    %dma_wait3A_1127 = arith.constant 0 : i32
    %dma_wait3A_1128 = tpu.memref_slice %arg9[%dma_wait3A_1126, %dma_wait3A_1127] : memref<32x768xf32, #tpu.memory_space<vmem>> -> memref<8x768xf32, #tpu.memory_space<vmem>>
    tpu.wait_dma2 semaphore(%arg17 : memref<!tpu.dma_semaphore, #tpu.memory_space<semaphore_mem>>) src(%dma_wait3A_1128 : memref<8x768xf32, #tpu.memory_space<vmem>>) dst(%dma_wait3A_1125 : memref<8x768xf32, #tpu.memory_space<hbm>>)
    %dma_wait3A_1129 = arith.constant 1 : i32
    %dma_wait3A_1130 = arith.constant 8 : i32
    %dma_wait3A_1131 = arith.constant 0 : i32
    %dma_wait3A_1132 = tpu.memref_slice %arg9[%dma_wait3A_1130, %dma_wait3A_1131] : memref<32x768xf32, #tpu.memory_space<vmem>> -> memref<8x768xf32, #tpu.memory_space<vmem>>
    %dma_wait3A_1133 = arith.constant 0 : i32
    %dma_wait3A_1134 = tpu.memref_slice %arg5[%dma_wait3A_1129, %add3A_835, %dma_wait3A_1133] : memref<4x2048x768xf32, #tpu.memory_space<hbm>> -> memref<1x8x768xf32, #tpu.memory_space<hbm>>
    %dma_wait3A_1135 = tpu.memref_squeeze %dma_wait3A_1134 : memref<1x8x768xf32, #tpu.memory_space<hbm>> -> memref<8x768xf32, #tpu.memory_space<hbm>>
    %dma_wait3A_1136 = arith.constant 0 : i32
    %dma_wait3A_1137 = tpu.memref_slice %arg5[%dma_wait3A_1129, %add3A_835, %dma_wait3A_1136] : memref<4x2048x768xf32, #tpu.memory_space<hbm>> -> memref<1x8x768xf32, #tpu.memory_space<hbm>>
    %dma_wait3A_1138 = tpu.memref_squeeze %dma_wait3A_1137 : memref<1x8x768xf32, #tpu.memory_space<hbm>> -> memref<8x768xf32, #tpu.memory_space<hbm>>
    %dma_wait3A_1139 = arith.constant 8 : i32
    %dma_wait3A_1140 = arith.constant 0 : i32
    %dma_wait3A_1141 = tpu.memref_slice %arg9[%dma_wait3A_1139, %dma_wait3A_1140] : memref<32x768xf32, #tpu.memory_space<vmem>> -> memref<8x768xf32, #tpu.memory_space<vmem>>
    tpu.wait_dma2 semaphore(%arg17 : memref<!tpu.dma_semaphore, #tpu.memory_space<semaphore_mem>>) src(%dma_wait3A_1141 : memref<8x768xf32, #tpu.memory_space<vmem>>) dst(%dma_wait3A_1138 : memref<8x768xf32, #tpu.memory_space<hbm>>)
    %dma_wait3A_1142 = arith.constant 2 : i32
    %dma_wait3A_1143 = arith.constant 16 : i32
    %dma_wait3A_1144 = arith.constant 0 : i32
    %dma_wait3A_1145 = tpu.memref_slice %arg9[%dma_wait3A_1143, %dma_wait3A_1144] : memref<32x768xf32, #tpu.memory_space<vmem>> -> memref<8x768xf32, #tpu.memory_space<vmem>>
    %dma_wait3A_1146 = arith.constant 0 : i32
    %dma_wait3A_1147 = tpu.memref_slice %arg5[%dma_wait3A_1142, %add3A_850, %dma_wait3A_1146] : memref<4x2048x768xf32, #tpu.memory_space<hbm>> -> memref<1x8x768xf32, #tpu.memory_space<hbm>>
    %dma_wait3A_1148 = tpu.memref_squeeze %dma_wait3A_1147 : memref<1x8x768xf32, #tpu.memory_space<hbm>> -> memref<8x768xf32, #tpu.memory_space<hbm>>
    %dma_wait3A_1149 = arith.constant 0 : i32
    %dma_wait3A_1150 = tpu.memref_slice %arg5[%dma_wait3A_1142, %add3A_850, %dma_wait3A_1149] : memref<4x2048x768xf32, #tpu.memory_space<hbm>> -> memref<1x8x768xf32, #tpu.memory_space<hbm>>
    %dma_wait3A_1151 = tpu.memref_squeeze %dma_wait3A_1150 : memref<1x8x768xf32, #tpu.memory_space<hbm>> -> memref<8x768xf32, #tpu.memory_space<hbm>>
    %dma_wait3A_1152 = arith.constant 16 : i32
    %dma_wait3A_1153 = arith.constant 0 : i32
    %dma_wait3A_1154 = tpu.memref_slice %arg9[%dma_wait3A_1152, %dma_wait3A_1153] : memref<32x768xf32, #tpu.memory_space<vmem>> -> memref<8x768xf32, #tpu.memory_space<vmem>>
    tpu.wait_dma2 semaphore(%arg17 : memref<!tpu.dma_semaphore, #tpu.memory_space<semaphore_mem>>) src(%dma_wait3A_1154 : memref<8x768xf32, #tpu.memory_space<vmem>>) dst(%dma_wait3A_1151 : memref<8x768xf32, #tpu.memory_space<hbm>>)
    %dma_wait3A_1155 = arith.constant 3 : i32
    %dma_wait3A_1156 = arith.constant 24 : i32
    %dma_wait3A_1157 = arith.constant 0 : i32
    %dma_wait3A_1158 = tpu.memref_slice %arg9[%dma_wait3A_1156, %dma_wait3A_1157] : memref<32x768xf32, #tpu.memory_space<vmem>> -> memref<8x768xf32, #tpu.memory_space<vmem>>
    %dma_wait3A_1159 = arith.constant 0 : i32
    %dma_wait3A_1160 = tpu.memref_slice %arg5[%dma_wait3A_1155, %add3A_865, %dma_wait3A_1159] : memref<4x2048x768xf32, #tpu.memory_space<hbm>> -> memref<1x8x768xf32, #tpu.memory_space<hbm>>
    %dma_wait3A_1161 = tpu.memref_squeeze %dma_wait3A_1160 : memref<1x8x768xf32, #tpu.memory_space<hbm>> -> memref<8x768xf32, #tpu.memory_space<hbm>>
    %dma_wait3A_1162 = arith.constant 0 : i32
    %dma_wait3A_1163 = tpu.memref_slice %arg5[%dma_wait3A_1155, %add3A_865, %dma_wait3A_1162] : memref<4x2048x768xf32, #tpu.memory_space<hbm>> -> memref<1x8x768xf32, #tpu.memory_space<hbm>>
    %dma_wait3A_1164 = tpu.memref_squeeze %dma_wait3A_1163 : memref<1x8x768xf32, #tpu.memory_space<hbm>> -> memref<8x768xf32, #tpu.memory_space<hbm>>
    %dma_wait3A_1165 = arith.constant 24 : i32
    %dma_wait3A_1166 = arith.constant 0 : i32
    %dma_wait3A_1167 = tpu.memref_slice %arg9[%dma_wait3A_1165, %dma_wait3A_1166] : memref<32x768xf32, #tpu.memory_space<vmem>> -> memref<8x768xf32, #tpu.memory_space<vmem>>
    tpu.wait_dma2 semaphore(%arg17 : memref<!tpu.dma_semaphore, #tpu.memory_space<semaphore_mem>>) src(%dma_wait3A_1167 : memref<8x768xf32, #tpu.memory_space<vmem>>) dst(%dma_wait3A_1164 : memref<8x768xf32, #tpu.memory_space<hbm>>)
    %dma_wait3A_1168 = arith.constant 0 : i32
    %dma_wait3A_1169 = arith.constant 0 : i32
    %dma_wait3A_1170 = arith.constant 0 : i32
    %dma_wait3A_1171 = tpu.memref_slice %arg10[%dma_wait3A_1169, %dma_wait3A_1170] : memref<32x768xf32, #tpu.memory_space<vmem>> -> memref<8x768xf32, #tpu.memory_space<vmem>>
    %dma_wait3A_1172 = arith.constant 0 : i32
    %dma_wait3A_1173 = tpu.memref_slice %arg5[%dma_wait3A_1168, %add3A_920, %dma_wait3A_1172] : memref<4x2048x768xf32, #tpu.memory_space<hbm>> -> memref<1x8x768xf32, #tpu.memory_space<hbm>>
    %dma_wait3A_1174 = tpu.memref_squeeze %dma_wait3A_1173 : memref<1x8x768xf32, #tpu.memory_space<hbm>> -> memref<8x768xf32, #tpu.memory_space<hbm>>
    %dma_wait3A_1175 = arith.constant 0 : i32
    %dma_wait3A_1176 = tpu.memref_slice %arg5[%dma_wait3A_1168, %add3A_920, %dma_wait3A_1175] : memref<4x2048x768xf32, #tpu.memory_space<hbm>> -> memref<1x8x768xf32, #tpu.memory_space<hbm>>
    %dma_wait3A_1177 = tpu.memref_squeeze %dma_wait3A_1176 : memref<1x8x768xf32, #tpu.memory_space<hbm>> -> memref<8x768xf32, #tpu.memory_space<hbm>>
    %dma_wait3A_1178 = arith.constant 0 : i32
    %dma_wait3A_1179 = arith.constant 0 : i32
    %dma_wait3A_1180 = tpu.memref_slice %arg10[%dma_wait3A_1178, %dma_wait3A_1179] : memref<32x768xf32, #tpu.memory_space<vmem>> -> memref<8x768xf32, #tpu.memory_space<vmem>>
    tpu.wait_dma2 semaphore(%arg18 : memref<!tpu.dma_semaphore, #tpu.memory_space<semaphore_mem>>) src(%dma_wait3A_1180 : memref<8x768xf32, #tpu.memory_space<vmem>>) dst(%dma_wait3A_1177 : memref<8x768xf32, #tpu.memory_space<hbm>>)
    %dma_wait3A_1181 = arith.constant 1 : i32
    %dma_wait3A_1182 = arith.constant 8 : i32
    %dma_wait3A_1183 = arith.constant 0 : i32
    %dma_wait3A_1184 = tpu.memref_slice %arg10[%dma_wait3A_1182, %dma_wait3A_1183] : memref<32x768xf32, #tpu.memory_space<vmem>> -> memref<8x768xf32, #tpu.memory_space<vmem>>
    %dma_wait3A_1185 = arith.constant 0 : i32
    %dma_wait3A_1186 = tpu.memref_slice %arg5[%dma_wait3A_1181, %add3A_935, %dma_wait3A_1185] : memref<4x2048x768xf32, #tpu.memory_space<hbm>> -> memref<1x8x768xf32, #tpu.memory_space<hbm>>
    %dma_wait3A_1187 = tpu.memref_squeeze %dma_wait3A_1186 : memref<1x8x768xf32, #tpu.memory_space<hbm>> -> memref<8x768xf32, #tpu.memory_space<hbm>>
    %dma_wait3A_1188 = arith.constant 0 : i32
    %dma_wait3A_1189 = tpu.memref_slice %arg5[%dma_wait3A_1181, %add3A_935, %dma_wait3A_1188] : memref<4x2048x768xf32, #tpu.memory_space<hbm>> -> memref<1x8x768xf32, #tpu.memory_space<hbm>>
    %dma_wait3A_1190 = tpu.memref_squeeze %dma_wait3A_1189 : memref<1x8x768xf32, #tpu.memory_space<hbm>> -> memref<8x768xf32, #tpu.memory_space<hbm>>
    %dma_wait3A_1191 = arith.constant 8 : i32
    %dma_wait3A_1192 = arith.constant 0 : i32
    %dma_wait3A_1193 = tpu.memref_slice %arg10[%dma_wait3A_1191, %dma_wait3A_1192] : memref<32x768xf32, #tpu.memory_space<vmem>> -> memref<8x768xf32, #tpu.memory_space<vmem>>
    tpu.wait_dma2 semaphore(%arg18 : memref<!tpu.dma_semaphore, #tpu.memory_space<semaphore_mem>>) src(%dma_wait3A_1193 : memref<8x768xf32, #tpu.memory_space<vmem>>) dst(%dma_wait3A_1190 : memref<8x768xf32, #tpu.memory_space<hbm>>)
    %dma_wait3A_1194 = arith.constant 2 : i32
    %dma_wait3A_1195 = arith.constant 16 : i32
    %dma_wait3A_1196 = arith.constant 0 : i32
    %dma_wait3A_1197 = tpu.memref_slice %arg10[%dma_wait3A_1195, %dma_wait3A_1196] : memref<32x768xf32, #tpu.memory_space<vmem>> -> memref<8x768xf32, #tpu.memory_space<vmem>>
    %dma_wait3A_1198 = arith.constant 0 : i32
    %dma_wait3A_1199 = tpu.memref_slice %arg5[%dma_wait3A_1194, %add3A_950, %dma_wait3A_1198] : memref<4x2048x768xf32, #tpu.memory_space<hbm>> -> memref<1x8x768xf32, #tpu.memory_space<hbm>>
    %dma_wait3A_1200 = tpu.memref_squeeze %dma_wait3A_1199 : memref<1x8x768xf32, #tpu.memory_space<hbm>> -> memref<8x768xf32, #tpu.memory_space<hbm>>
    %dma_wait3A_1201 = arith.constant 0 : i32
    %dma_wait3A_1202 = tpu.memref_slice %arg5[%dma_wait3A_1194, %add3A_950, %dma_wait3A_1201] : memref<4x2048x768xf32, #tpu.memory_space<hbm>> -> memref<1x8x768xf32, #tpu.memory_space<hbm>>
    %dma_wait3A_1203 = tpu.memref_squeeze %dma_wait3A_1202 : memref<1x8x768xf32, #tpu.memory_space<hbm>> -> memref<8x768xf32, #tpu.memory_space<hbm>>
    %dma_wait3A_1204 = arith.constant 16 : i32
    %dma_wait3A_1205 = arith.constant 0 : i32
    %dma_wait3A_1206 = tpu.memref_slice %arg10[%dma_wait3A_1204, %dma_wait3A_1205] : memref<32x768xf32, #tpu.memory_space<vmem>> -> memref<8x768xf32, #tpu.memory_space<vmem>>
    tpu.wait_dma2 semaphore(%arg18 : memref<!tpu.dma_semaphore, #tpu.memory_space<semaphore_mem>>) src(%dma_wait3A_1206 : memref<8x768xf32, #tpu.memory_space<vmem>>) dst(%dma_wait3A_1203 : memref<8x768xf32, #tpu.memory_space<hbm>>)
    %dma_wait3A_1207 = arith.constant 3 : i32
    %dma_wait3A_1208 = arith.constant 24 : i32
    %dma_wait3A_1209 = arith.constant 0 : i32
    %dma_wait3A_1210 = tpu.memref_slice %arg10[%dma_wait3A_1208, %dma_wait3A_1209] : memref<32x768xf32, #tpu.memory_space<vmem>> -> memref<8x768xf32, #tpu.memory_space<vmem>>
    %dma_wait3A_1211 = arith.constant 0 : i32
    %dma_wait3A_1212 = tpu.memref_slice %arg5[%dma_wait3A_1207, %add3A_965, %dma_wait3A_1211] : memref<4x2048x768xf32, #tpu.memory_space<hbm>> -> memref<1x8x768xf32, #tpu.memory_space<hbm>>
    %dma_wait3A_1213 = tpu.memref_squeeze %dma_wait3A_1212 : memref<1x8x768xf32, #tpu.memory_space<hbm>> -> memref<8x768xf32, #tpu.memory_space<hbm>>
    %dma_wait3A_1214 = arith.constant 0 : i32
    %dma_wait3A_1215 = tpu.memref_slice %arg5[%dma_wait3A_1207, %add3A_965, %dma_wait3A_1214] : memref<4x2048x768xf32, #tpu.memory_space<hbm>> -> memref<1x8x768xf32, #tpu.memory_space<hbm>>
    %dma_wait3A_1216 = tpu.memref_squeeze %dma_wait3A_1215 : memref<1x8x768xf32, #tpu.memory_space<hbm>> -> memref<8x768xf32, #tpu.memory_space<hbm>>
    %dma_wait3A_1217 = arith.constant 24 : i32
    %dma_wait3A_1218 = arith.constant 0 : i32
    %dma_wait3A_1219 = tpu.memref_slice %arg10[%dma_wait3A_1217, %dma_wait3A_1218] : memref<32x768xf32, #tpu.memory_space<vmem>> -> memref<8x768xf32, #tpu.memory_space<vmem>>
    tpu.wait_dma2 semaphore(%arg18 : memref<!tpu.dma_semaphore, #tpu.memory_space<semaphore_mem>>) src(%dma_wait3A_1219 : memref<8x768xf32, #tpu.memory_space<vmem>>) dst(%dma_wait3A_1216 : memref<8x768xf32, #tpu.memory_space<hbm>>)
    %dma_wait3A_1220 = arith.constant 0 : i32
    %dma_wait3A_1221 = arith.constant 0 : i32
    %dma_wait3A_1222 = arith.constant 0 : i32
    %dma_wait3A_1223 = tpu.memref_slice %arg11[%dma_wait3A_1221, %dma_wait3A_1222] : memref<32x768xf32, #tpu.memory_space<vmem>> -> memref<8x768xf32, #tpu.memory_space<vmem>>
    %dma_wait3A_1224 = arith.constant 0 : i32
    %dma_wait3A_1225 = tpu.memref_slice %arg5[%dma_wait3A_1220, %add3A_1005, %dma_wait3A_1224] : memref<4x2048x768xf32, #tpu.memory_space<hbm>> -> memref<1x8x768xf32, #tpu.memory_space<hbm>>
    %dma_wait3A_1226 = tpu.memref_squeeze %dma_wait3A_1225 : memref<1x8x768xf32, #tpu.memory_space<hbm>> -> memref<8x768xf32, #tpu.memory_space<hbm>>
    %dma_wait3A_1227 = arith.constant 0 : i32
    %dma_wait3A_1228 = tpu.memref_slice %arg5[%dma_wait3A_1220, %add3A_1005, %dma_wait3A_1227] : memref<4x2048x768xf32, #tpu.memory_space<hbm>> -> memref<1x8x768xf32, #tpu.memory_space<hbm>>
    %dma_wait3A_1229 = tpu.memref_squeeze %dma_wait3A_1228 : memref<1x8x768xf32, #tpu.memory_space<hbm>> -> memref<8x768xf32, #tpu.memory_space<hbm>>
    %dma_wait3A_1230 = arith.constant 0 : i32
    %dma_wait3A_1231 = arith.constant 0 : i32
    %dma_wait3A_1232 = tpu.memref_slice %arg11[%dma_wait3A_1230, %dma_wait3A_1231] : memref<32x768xf32, #tpu.memory_space<vmem>> -> memref<8x768xf32, #tpu.memory_space<vmem>>
    tpu.wait_dma2 semaphore(%arg19 : memref<!tpu.dma_semaphore, #tpu.memory_space<semaphore_mem>>) src(%dma_wait3A_1232 : memref<8x768xf32, #tpu.memory_space<vmem>>) dst(%dma_wait3A_1229 : memref<8x768xf32, #tpu.memory_space<hbm>>)
    %dma_wait3A_1233 = arith.constant 1 : i32
    %dma_wait3A_1234 = arith.constant 8 : i32
    %dma_wait3A_1235 = arith.constant 0 : i32
    %dma_wait3A_1236 = tpu.memref_slice %arg11[%dma_wait3A_1234, %dma_wait3A_1235] : memref<32x768xf32, #tpu.memory_space<vmem>> -> memref<8x768xf32, #tpu.memory_space<vmem>>
    %dma_wait3A_1237 = arith.constant 0 : i32
    %dma_wait3A_1238 = tpu.memref_slice %arg5[%dma_wait3A_1233, %add3A_1020, %dma_wait3A_1237] : memref<4x2048x768xf32, #tpu.memory_space<hbm>> -> memref<1x8x768xf32, #tpu.memory_space<hbm>>
    %dma_wait3A_1239 = tpu.memref_squeeze %dma_wait3A_1238 : memref<1x8x768xf32, #tpu.memory_space<hbm>> -> memref<8x768xf32, #tpu.memory_space<hbm>>
    %dma_wait3A_1240 = arith.constant 0 : i32
    %dma_wait3A_1241 = tpu.memref_slice %arg5[%dma_wait3A_1233, %add3A_1020, %dma_wait3A_1240] : memref<4x2048x768xf32, #tpu.memory_space<hbm>> -> memref<1x8x768xf32, #tpu.memory_space<hbm>>
    %dma_wait3A_1242 = tpu.memref_squeeze %dma_wait3A_1241 : memref<1x8x768xf32, #tpu.memory_space<hbm>> -> memref<8x768xf32, #tpu.memory_space<hbm>>
    %dma_wait3A_1243 = arith.constant 8 : i32
    %dma_wait3A_1244 = arith.constant 0 : i32
    %dma_wait3A_1245 = tpu.memref_slice %arg11[%dma_wait3A_1243, %dma_wait3A_1244] : memref<32x768xf32, #tpu.memory_space<vmem>> -> memref<8x768xf32, #tpu.memory_space<vmem>>
    tpu.wait_dma2 semaphore(%arg19 : memref<!tpu.dma_semaphore, #tpu.memory_space<semaphore_mem>>) src(%dma_wait3A_1245 : memref<8x768xf32, #tpu.memory_space<vmem>>) dst(%dma_wait3A_1242 : memref<8x768xf32, #tpu.memory_space<hbm>>)
    %dma_wait3A_1246 = arith.constant 2 : i32
    %dma_wait3A_1247 = arith.constant 16 : i32
    %dma_wait3A_1248 = arith.constant 0 : i32
    %dma_wait3A_1249 = tpu.memref_slice %arg11[%dma_wait3A_1247, %dma_wait3A_1248] : memref<32x768xf32, #tpu.memory_space<vmem>> -> memref<8x768xf32, #tpu.memory_space<vmem>>
    %dma_wait3A_1250 = arith.constant 0 : i32
    %dma_wait3A_1251 = tpu.memref_slice %arg5[%dma_wait3A_1246, %add3A_1035, %dma_wait3A_1250] : memref<4x2048x768xf32, #tpu.memory_space<hbm>> -> memref<1x8x768xf32, #tpu.memory_space<hbm>>
    %dma_wait3A_1252 = tpu.memref_squeeze %dma_wait3A_1251 : memref<1x8x768xf32, #tpu.memory_space<hbm>> -> memref<8x768xf32, #tpu.memory_space<hbm>>
    %dma_wait3A_1253 = arith.constant 0 : i32
    %dma_wait3A_1254 = tpu.memref_slice %arg5[%dma_wait3A_1246, %add3A_1035, %dma_wait3A_1253] : memref<4x2048x768xf32, #tpu.memory_space<hbm>> -> memref<1x8x768xf32, #tpu.memory_space<hbm>>
    %dma_wait3A_1255 = tpu.memref_squeeze %dma_wait3A_1254 : memref<1x8x768xf32, #tpu.memory_space<hbm>> -> memref<8x768xf32, #tpu.memory_space<hbm>>
    %dma_wait3A_1256 = arith.constant 16 : i32
    %dma_wait3A_1257 = arith.constant 0 : i32
    %dma_wait3A_1258 = tpu.memref_slice %arg11[%dma_wait3A_1256, %dma_wait3A_1257] : memref<32x768xf32, #tpu.memory_space<vmem>> -> memref<8x768xf32, #tpu.memory_space<vmem>>
    tpu.wait_dma2 semaphore(%arg19 : memref<!tpu.dma_semaphore, #tpu.memory_space<semaphore_mem>>) src(%dma_wait3A_1258 : memref<8x768xf32, #tpu.memory_space<vmem>>) dst(%dma_wait3A_1255 : memref<8x768xf32, #tpu.memory_space<hbm>>)
    %dma_wait3A_1259 = arith.constant 3 : i32
    %dma_wait3A_1260 = arith.constant 24 : i32
    %dma_wait3A_1261 = arith.constant 0 : i32
    %dma_wait3A_1262 = tpu.memref_slice %arg11[%dma_wait3A_1260, %dma_wait3A_1261] : memref<32x768xf32, #tpu.memory_space<vmem>> -> memref<8x768xf32, #tpu.memory_space<vmem>>
    %dma_wait3A_1263 = arith.constant 0 : i32
    %dma_wait3A_1264 = tpu.memref_slice %arg5[%dma_wait3A_1259, %add3A_1050, %dma_wait3A_1263] : memref<4x2048x768xf32, #tpu.memory_space<hbm>> -> memref<1x8x768xf32, #tpu.memory_space<hbm>>
    %dma_wait3A_1265 = tpu.memref_squeeze %dma_wait3A_1264 : memref<1x8x768xf32, #tpu.memory_space<hbm>> -> memref<8x768xf32, #tpu.memory_space<hbm>>
    %dma_wait3A_1266 = arith.constant 0 : i32
    %dma_wait3A_1267 = tpu.memref_slice %arg5[%dma_wait3A_1259, %add3A_1050, %dma_wait3A_1266] : memref<4x2048x768xf32, #tpu.memory_space<hbm>> -> memref<1x8x768xf32, #tpu.memory_space<hbm>>
    %dma_wait3A_1268 = tpu.memref_squeeze %dma_wait3A_1267 : memref<1x8x768xf32, #tpu.memory_space<hbm>> -> memref<8x768xf32, #tpu.memory_space<hbm>>
    %dma_wait3A_1269 = arith.constant 24 : i32
    %dma_wait3A_1270 = arith.constant 0 : i32
    %dma_wait3A_1271 = tpu.memref_slice %arg11[%dma_wait3A_1269, %dma_wait3A_1270] : memref<32x768xf32, #tpu.memory_space<vmem>> -> memref<8x768xf32, #tpu.memory_space<vmem>>
    tpu.wait_dma2 semaphore(%arg19 : memref<!tpu.dma_semaphore, #tpu.memory_space<semaphore_mem>>) src(%dma_wait3A_1271 : memref<8x768xf32, #tpu.memory_space<vmem>>) dst(%dma_wait3A_1268 : memref<8x768xf32, #tpu.memory_space<hbm>>)
    return
  }
}

</mosaic_0001>

<sc_bundles>
// kernel: _embed.3.cloned.1.call-start
scs
__scs_entry_jumppad:
0x0: {  	(pc) =	sbr.rel $0x88, $3  }
0x1: {  	(tag) =	ssettag $0x0;
	lr =	simm.s32 $0x1  }
0x2: {  	[smem:$0x3F9E] =	sst lr;
	_ =	strace $0xD0000000  }
0x3: {  	_ = 	snop  }
0x4: {  	_ = 	snop  }
0x5: {  	_ = 	snop  }
0x6: {  	_ = 	snop  }
0x7: {  	_ = 	snop  }
__scs_overlays_trampoline_lowered:
0x8: {  	[smem:$0x3FAD] =	sst s0  }
0x9: {  	[smem:$0x3FAE] =	sst s1  }
0xa: {  	[smem:$0x3FAF] =	sst s2  }
0xb: {  	[smem:$0x3FB0] =	sst s3  }
0xc: {  	[smem:$0x3FB1] =	sst s4  }
0xd: {  	[smem:$0x3FB2] =	sst s5  }
0xe: {  	[smem:$0x3FB3] =	sst s6  }
0xf: {  	[smem:$0x3FB4] =	sst s7  }
0x10: {  	[smem:$0x3FB5] =	sst s8  }
0x11: {  	[smem:$0x3FB6] =	sst s9;
	s0 =	simm.s32 @!p0 $0x0  }
0x12: {  	s1 =	sld [smem:$0x3F9C];
	s0 =	simm.s32 @p0 $0x1  }
0x13: {  	[smem:$0x3FB7] =	sst s0;
	s0 =	simm.s32 @!p1 $0x0  }
0x14: {  	s2 =	sld [smem:$0x3F9B];
	s0 =	simm.s32 @p1 $0x1  }
0x15: {  	[smem:$0x3FB8] =	sst s0;
	s0 =	simm.s32 @!p2 $0x0  }
0x16: {  	s3 =	sld [smem:$0x3FDB];
	s0 =	simm.s32 @p2 $0x1  }
0x17: {  	s4 =	simm.s32 $0x1BF5;
	[smem:$0x3FBA] =	sst s0  }
0x18: {  	s0 =	sld [smem:$0x3F9D];
	_ =	swait.ge [sflag:s4], $0x0  }
0x19: {  	s7 =	sld [smem:$0x3F9E]  }
0x1a: {  	s8 =	sadd.s32 $0xFFFFE003, lr  }
0x1b: {  	s9 =	sadd.s32 $0xFFFFFEF7, lr;
	s5 =	simm.s32 $0xFFFFFFFF;
	p2 =	slt.u32 s8, $0xFFFFF086  }
0x1c: {  	p1 =	slt.u32 s9, $0xF7A;
	s5 =	simm.s32 @!p2 $0x0  }
0x1d: {  	s5 =	simm.s32 @p1 $0x1;
	p0 =	seq.s32 s7, s2  }
0x1e: {  	s7 =	smul.u32 @!p0 $0xF7A, s2;
	p2 =	seq.s32 @!p0 s5, $0x0  }
0x1f: {  	s9 =	smul.u32 $0xF7A, s1;
	s8 =	simm.s32 @!p0 $0x1BF5;
	p2 =	por !p2, p0  }
0x20: {  	[sflag:s8] =	ssyncset.s32 @!p0 $0xFFFFF086;
	s6 =	sadd.s32 @!p0 s3, s7;
	s7 =	simm.s32 @!p0 $0x108  }
0x21: {  	s3 =	sadd.s32 s3, s9;
	s6 =	sadd.s32 @!p0 $0x88, s6;
	s7 =	simm.s32 @p2 $0x1082  }
0x22: {  	[simem:s7], [sflag:s8] =	dma.local @!p0 [hbm:s6], $0xF7A  }
0x23: {  	s9 =	sor.u32 $0xD0000000, s2;
	s6 =	simm.s32 $0x108;
	_ =	swait.ge @!p0 [sflag:s8], $0x0  }
0x24: {  	s3 =	sadd.s32 $0x88, s3;
	s6 =	simm.s32 @!p1 $0x1082;
	[sflag:s4] =	ssyncset.s32 $0xFFFFF086  }
0x25: {  	[simem:s6], [sflag:s4] =	dma.local [hbm:s3], $0xF7A  }
0x26: {  	[smem:$0x3F9E] =	sst s1;
	(tag) =	ssettag s2;
	_ =	strace s9  }
0x27: {  	s1 =	sld [smem:$0x3FAE]  }
0x28: {  	s2 =	sld [smem:$0x3FAF]  }
0x29: {  	s4 =	sld [smem:$0x3FB1]  }
0x2a: {  	p0 =	seq.s32 s5, $0x0;
	s5 =	sld [smem:$0x3FB2]  }
0x2b: {  	s6 =	sld [smem:$0x3FB3]  }
0x2c: {  	s7 =	sld [smem:$0x3FB4]  }
0x2d: {  	s3 =	simm.s32 $0x108;
	s8 =	sld [smem:$0x3FB5]  }
0x2e: {  	s3 =	simm.s32 @!p0 $0x1082;
	s9 =	sld [smem:$0x3FB6]  }
0x2f: {  	lr =	sadd.s32 s0, s3;
	s0 =	sld [smem:$0x3FAD]  }
0x30: {  	s3 =	sld [smem:$0x3FB0]  }
0x31: {  	[smem:$0x3FB9] =	sst s10  }
0x32: {  	s10 =	sld [smem:$0x3FB7];
	_ =	sdelay $0x3  }
0x33: {  	p0 =	seq.s32 s10, $0x1;
	s10 =	sld [smem:$0x3FB9];
	_ =	sdelay $0x3  }
0x34: {  	[smem:$0x3FB9] =	sst s10  }
0x35: {  	s10 =	sld [smem:$0x3FB8];
	_ =	sdelay $0x3  }
0x36: {  	p1 =	seq.s32 s10, $0x1;
	s10 =	sld [smem:$0x3FB9];
	_ =	sdelay $0x3  }
0x37: {  	[smem:$0x3FB9] =	sst s10  }
0x38: {  	s10 =	sld [smem:$0x3FBA]  }
0x39: {  	_ = 	snop;
	(pc) =	sbr.ind lr, $3  }
0x3a: {  	_ = 	snop  }
0x3b: {  	_ = 	snop  }
0x3c: {  	p2 =	seq.s32 s10, $0x1;
	s10 =	sld [smem:$0x3FB9]  }
0x3d: {  	_ =	shalt  }
0x3e: {  	_ =	shalt  }
0x3f: {  	_ =	shalt  }
0x40: {  	_ =	shalt  }
0x41: {  	_ =	shalt  }
0x42: {  	_ =	shalt  }
0x43: {  	_ =	shalt  }
0x44: {  	_ =	shalt  }
0x45: {  	_ =	shalt  }
0x46: {  	_ =	shalt  }
0x47: {  	_ =	shalt  }
0x48: {  	_ =	shalt  }
0x49: {  	_ =	shalt  }
0x4a: {  	_ =	shalt  }
0x4b: {  	_ =	shalt  }
0x4c: {  	_ =	shalt  }
0x4d: {  	_ =	shalt  }
0x4e: {  	_ =	shalt  }
0x4f: {  	_ =	shalt  }
0x50: {  	_ =	shalt  }
0x51: {  	_ =	shalt  }
0x52: {  	_ =	shalt  }
0x53: {  	_ =	shalt  }
0x54: {  	_ =	shalt  }
0x55: {  	_ =	shalt  }
0x56: {  	_ =	shalt  }
0x57: {  	_ =	shalt  }
0x58: {  	_ =	shalt  }
0x59: {  	_ =	shalt  }
0x5a: {  	_ =	shalt  }
0x5b: {  	_ =	shalt  }
0x5c: {  	_ =	shalt  }
0x5d: {  	_ =	shalt  }
0x5e: {  	_ =	shalt  }
0x5f: {  	_ =	shalt  }
0x60: {  	_ =	shalt  }
0x61: {  	_ =	shalt  }
0x62: {  	_ =	shalt  }
0x63: {  	_ =	shalt  }
0x64: {  	_ =	shalt  }
0x65: {  	_ =	shalt  }
0x66: {  	_ =	shalt  }
0x67: {  	_ =	shalt  }
0x68: {  	_ =	shalt  }
0x69: {  	_ =	shalt  }
0x6a: {  	_ =	shalt  }
0x6b: {  	_ =	shalt  }
0x6c: {  	_ =	shalt  }
0x6d: {  	_ =	shalt  }
0x6e: {  	_ =	shalt  }
0x6f: {  	_ =	shalt  }
0x70: {  	_ =	shalt  }
0x71: {  	_ =	shalt  }
0x72: {  	_ =	shalt  }
0x73: {  	_ =	shalt  }
0x74: {  	_ =	shalt  }
0x75: {  	_ =	shalt  }
0x76: {  	_ =	shalt  }
0x77: {  	_ =	shalt  }
0x78: {  	_ =	shalt  }
0x79: {  	_ =	shalt  }
0x7a: {  	_ =	shalt  }
0x7b: {  	_ =	shalt  }
0x7c: {  	_ =	shalt  }
0x7d: {  	_ =	shalt  }
0x7e: {  	_ =	shalt  }
0x7f: {  	_ =	shalt  }
0x80: {  	_ =	shalt  }
0x81: {  	_ =	shalt  }
0x82: {  	_ =	shalt  }
0x83: {  	_ =	shalt  }
0x84: {  	_ =	shalt  }
0x85: {  	_ =	shalt  }
0x86: {  	_ =	shalt  }
0x87: {  	_ =	shalt  }
.Lfunc_end0:
.L_simem_size_0:
called_computation_lowered:
.L_overlay_start_0:
0x88: {  	s2 =	sld [smem:$0x3FD9]  }
0x89: {  	s3 =	sld [smem:$0x3FFE];
	_ =	sdelay $0x1  }
0x8a: {  	s1 =	srdreg.scid  }
0x8b: {  	s0 =	sand.u32 $0x1, s1  }
0x8c: {  	s18 =	sshll.u32 s0, $0xA;
	s2 =	sadd.s32 s3, s2  }
0x8d: {  	s2 =	sadd.s32 s2, s18  }
0x8e: {  	[smem:$0x3FC5] =	sst s2  }
0x8f: {  	_ = 	snop  }
0x90: {  	s2 =	sld [smem:$0x3FC9]  }
0x91: {  	s19 =	sld [smem:$0x3FC8]  }
0x92: {  	s4 =	sld [smem:$0x3FC7]  }
0x93: {  	s5 =	sld [smem:$0x3FD0];
	(tm) =	ssettm $0x1  }
0x94: {  	s6 =	sld [smem:$0x3FFB];
	_ =	sdelay $0x3  }
0x95: {  	_ =	strace s6  }
0x96: {  	s6 =	sld [smem:$0x3FFC];
	_ =	sdelay $0x3  }
0x97: {  	_ =	strace s6  }
0x98: {  	s6 =	sld [smem:$0x3FFD];
	_ =	sdelay $0x3  }
0x99: {  	_ =	strace s6  }
0x9a: {  	_ =	strace $0x8FFFFFFF  }
0x9b: {  	s20 =	sld [smem:$0x3FDB];
	_ =	sdelay $0x1  }
0x9c: {  	s7 =	simm.s32 $_scs_section_size  }
0x9d: {  	s8 =	simm.s32 $_size__tile_overlayer_lowered;
	s9 =	simm.s32 $_tile_overlayer_lowered  }
0x9e: {  	s23 =	simm.s32 $0x1BFF;
	s22 =	sshll.u32 s9, $0x1;
	s6 =	sadd.s32 s7, s20  }
0x9f: {  	s10 =	simm.s32 $0x0;
	s21 =	sshll.u32 s8, $0x1;
	s8 =	sadd.s32 s22, s6  }
0xa0: {  	[timem:s10], [sflag:s23] =	dma.local [hbm:s8], s21  }
0xa1: {  	_ =	swait.ge [sflag:s23], s21  }
0xa2: {  	s7 =	ssub.s32 $0x0, s21;
	[sflag:s23] =	ssyncset.done $0x0  }
0xa3: {  	[sflag:s23] =	ssyncadd.s32 s7;
	_ =	sdelay $0x1  }
0xa4: {  	s24 =	simm.s32 $0x1B8B  }
0xa5: {  	_ =	swait.ge [sflag:s24], $0x1  }
0xa6: {  	[sflag:s24] =	ssyncset.done $0x0  }
0xa7: {  	s25 =	simm.s32 $0x1B8E;
	[sflag:s24] =	ssyncadd.s32 $0xFFFFFFFF  }
0xa8: {  	s26 =	simm.s32 $execute0_lowered;
	[smem:$0x3FD2] =	sst s25  }
0xa9: {  	s7 =	sshll.u32 s26, $0x1;
	_ =	strace $0x80000046;
	[dreg:$0x1] =	wrdreg $0xFFFFFFFF  }
0xaa: {  	s28 =	simm.s32 $_size_execute0_lowered;
	s6 =	sadd.s32 s6, s7;
	[dreg:$0x0] =	wrdreg $0x0  }
0xab: {  	s7 =	sshll.u32 s28, $0x1;
	[dreg:$0x2] =	wrdreg s6  }
0xac: {  	[dreg:$0x3] =	wrdreg s7  }
0xad: {  	[dreg:$0x4] =	wrdreg $0xC0  }
0xae: {  	_ =	task [dreg:s10], $0x5FFFF  }
0xaf: {  	[dreg:$0x1] =	wrdreg $0xFFFFFFFF  }
0xb0: {  	[dreg:$0x0] =	wrdreg $0x60  }
0xb1: {  	[dreg:$0x2] =	wrdreg s2  }
0xb2: {  	[dreg:$0x3] =	wrdreg s19  }
0xb3: {  	[dreg:$0x4] =	wrdreg s4  }
0xb4: {  	[dreg:$0x5] =	wrdreg s5  }
0xb5: {  	[dreg:$0x6] =	wrdreg $0x9  }
0xb6: {  	_ =	task.clear_ibuf [dreg:s10], $0x7FFFF;
	_ =	strace $0x90000046  }
0xb7: {  	s29 =	simm.s32 $0x9;
	_ =	strace $0x80000048  }
0xb8: {  	_ =	swait.ge [sflag:s29], $0x1  }
0xb9: {  	[sflag:s29] =	ssyncadd.s32 $0xFFFFFFFF  }
0xba: {  	_ =	strace $0x90000048  }
0xbb: {  	_ =	sfence  }
0xbc: {  	s30 =	sld [smem:$0x0];
	_ =	sdelay $0x2  }
0xbd: {  	s31 =	sshll.u32 s1, $0xD;
	s1 =	sshrl.u32 s1, $0x2  }
0xbe: {  	s3 =	sand.u32 $0x4000, s31;
	s1 =	sadd.s32 s1, s30  }
0xbf: {  	s0 =	sor.u32 s3, s0;
	s1 =	sshll.u32 s1, $0x11  }
0xc0: {  	s0 =	sor.u32 s1, s0  }
0xc1: {  	s0 =	sadd.s32 $0x8F2B, s0  }
0xc2: {  	[sflag:s0] =	ssyncadd.remote.s32 $0x1  }
0xc3: {  	_ =	sfence.sel $0xFFFF  }
0xc4: {  	[dreg:$0x0] =	wrdreg $0xFFFFFFFF;
	(pc) =	sbr.abs _section_cstart, $3  }
0xc5: {  	[dreg:$0x1] =	wrdreg $0xFFFFFFFF  }
0xc6: {  	_ =	task.clear_ibuf [dreg:s10], $0x2FFFF;
	_ =	strace $0x9FFFFFFF  }
0xc7: {  	(tm) =	ssettm $0x7FFFFFFF  }
tec
execute0_lowered:
.L_overlay_start_1:
0x0: {  	(tag) =	ssettag $0x1  }
0x1: {  	s0 =	rddreg [dreg:$0x0]  }
0x2: {  	s1 =	rddreg [dreg:$0x1]  }
0x3: {  	s2 =	rddreg [dreg:$0x2];
	s3 =	srdreg.scid  }
0x4: {  	s6 =	stileid.u32;
	s4 =	rddreg [dreg:$0x3]  }
0x5: {  	s5 =	sand.u32 $0x1, s3;
	s6 =	sshll.u32 s6, $0x1;
	s3 =	simm.s32 $0x0  }
0x6: {  	s6 =	sor.u32 s5, s6;
	[smem:$0x7FF] =	sst s3;
	s5 =	ssub.s32 $0x2, s5  }
0x7: {  	s7 =	smul.u32 $0xC000, s6;
	s8 =	sshrl.u32 s5, $0x1;
	s6 =	sshll.u32 s6, $0x7  }
0x8: {  	_ =	strace $0x80000047;
	s5 =	ssub.s32 s5, s8;
	s0 =	sadd.s32 s0, s6  }
0x9: {  	s9 =	sshrl.u32 s7, $0x3;
	[dreg:$0xd] =	wrdreg s0;
	s5 =	smax.u32 s5, $0x1  }
0xa: {  	s17 =	sadd.s32 s2, s9;
	[smem:$0x7E7] =	sst s5  }
0xb: {  	s16 =	sor.u32 $0x300, s9;
	s11 =	sadd.s32 s4, s9;
	[dreg:$0xe] =	wrdreg s17  }
0xc: {  	s18 =	sadd.s32 s2, s16;
	[dreg:$0x10] =	wrdreg s11  }
0xd: {  	s19 =	sor.u32 $0x600, s9;
	s10 =	sadd.s32 $0x30000, s11;
	[dreg:$0xf] =	wrdreg s18  }
0xe: {  	s20 =	sadd.s32 s2, s19;
	[dreg:$0x11] =	wrdreg s10  }
0xf: {  	s21 =	sadd.s32 $0x900, s9;
	s0 =	sadd.s32 s4, s16;
	[dreg:$0x12] =	wrdreg s20  }
0x10: {  	s22 =	sadd.s32 s2, s21;
	[dreg:$0x13] =	wrdreg s0  }
0x11: {  	s23 =	sadd.s32 $0xC00, s9;
	s6 =	sadd.s32 s4, s19;
	[dreg:$0x14] =	wrdreg s22  }
0x12: {  	s25 =	sadd.s32 $0xF00, s9;
	s24 =	sadd.s32 s2, s23;
	[dreg:$0x15] =	wrdreg s6  }
0x13: {  	s28 =	sadd.s32 $0x1200, s9;
	s26 =	sadd.s32 s2, s25;
	[dreg:$0x16] =	wrdreg s24  }
0x14: {  	s30 =	sadd.s32 $0x1500, s9;
	s29 =	sadd.s32 s2, s28;
	[dreg:$0x18] =	wrdreg s26  }
0x15: {  	s2 =	sadd.s32 s2, s30;
	[dreg:$0x1a] =	wrdreg s29  }
0x16: {  	s31 =	sadd.s32 s4, s28;
	[dreg:$0x1c] =	wrdreg s2  }
0x17: {  	s9 =	sadd.s32 $0x30300, s11;
	[dreg:$0x1d] =	wrdreg s31  }
0x18: {  	s12 =	sadd.s32 $0x90300, s11;
	[smem:$0x7E9] =	sst s9  }
0x19: {  	s13 =	sadd.s32 $0x30600, s11;
	[smem:$0x7EB] =	sst s12  }
0x1a: {  	s14 =	sadd.s32 $0x60600, s11;
	[smem:$0x7EC] =	sst s13  }
0x1b: {  	s15 =	sadd.s32 $0x90600, s11;
	[smem:$0x7ED] =	sst s14  }
0x1c: {  	s16 =	sadd.s32 $0x30900, s11;
	[smem:$0x7EE] =	sst s15  }
0x1d: {  	s17 =	sadd.s32 $0x60900, s11;
	[smem:$0x7EF] =	sst s16  }
0x1e: {  	s19 =	sadd.s32 $0x30C00, s11;
	[smem:$0x7F0] =	sst s17  }
0x1f: {  	s28 =	sadd.s32 $0x91200, s11;
	[smem:$0x7F2] =	sst s19  }
0x20: {  	s10 =	sadd.s32 s4, s21;
	[smem:$0x7FA] =	sst s28  }
0x21: {  	s0 =	sadd.s32 s4, s23;
	[dreg:$0x17] =	wrdreg s10  }
0x22: {  	s6 =	sadd.s32 s4, s25;
	[dreg:$0x19] =	wrdreg s0  }
0x23: {  	s18 =	sadd.s32 $0x90900, s11;
	[dreg:$0x1b] =	wrdreg s6  }
0x24: {  	s20 =	sadd.s32 $0x60C00, s11;
	[smem:$0x7F1] =	sst s18  }
0x25: {  	s21 =	sadd.s32 $0x90C00, s11;
	[smem:$0x7F3] =	sst s20  }
0x26: {  	s22 =	sadd.s32 $0x30F00, s11;
	[smem:$0x7F4] =	sst s21  }
0x27: {  	s23 =	sadd.s32 $0x60F00, s11;
	[smem:$0x7F5] =	sst s22  }
0x28: {  	s24 =	sadd.s32 $0x90F00, s11;
	[smem:$0x7F6] =	sst s23  }
0x29: {  	s25 =	sadd.s32 $0x31200, s11;
	[smem:$0x7F7] =	sst s24  }
0x2a: {  	s26 =	sadd.s32 $0x61200, s11;
	[smem:$0x7F8] =	sst s25  }
0x2b: {  	s29 =	sadd.s32 $0x31500, s11;
	[smem:$0x7F9] =	sst s26  }
0x2c: {  	s31 =	sadd.s32 $0x91500, s11;
	[smem:$0x7FB] =	sst s29  }
0x2d: {  	s0 =	sadd.s32 s4, s30;
	[smem:$0x7FD] =	sst s31  }
0x2e: {  	s4 =	sadd.s32 $0x60000, s11;
	[dreg:$0x1e] =	wrdreg s0  }
0x2f: {  	s8 =	sadd.s32 $0x200, s1;
	s6 =	sadd.s32 $0x90000, s11;
	[dreg:$0x1f] =	wrdreg s4  }
0x30: {  	v2 =	vlaneseq.u32;
	s7 =	sadd.s32 $0x100, s1;
	s10 =	sadd.s32 $0x60300, s11;
	[smem:$0x7E8] =	sst s6  }
0x31: {  	vm0 =	vmmov $0xffff;
	v1 =	vshrl.u32 v2, $0x3;
	s9 =	simm.s32 $0x3400;
	s30 =	sadd.s32 $0x61500, s11;
	[smem:$0x7EA] =	sst s10  }
0x32: {  	v0 =	vand.u32 $0x7, v2;
	v2 =	vor.u32 $0x8, v2;
	v1 =	vmul.u32 $0x8, v1;
	s23 =	simm.s32 $0x3C00;
	[smem:$0x7FC] =	sst s30;
	s4 =	simm.s32 $0x0  }
.LBB2_1:
0x33: {  	[smem:$0x7E6] =	sst s4  }
0x34: {  	s0 =	rddreg [dreg:$0xd];
	s14 =	simm.s32 $0xB  }
0x35: {  	[tilespmem:s3], [sflag:$0xB] =	stream.linear.gather [hbm4b:s0+s3], $0x400, $0x38;
	[tilespmem:$0x1B400] =	vst v63  }
0x36: {  	_ =	swait.ge [sflag:s14], $0x400  }
0x37: {  	[sflag:s14] =	ssyncset.done $0x0  }
0x38: {  	s2 =	simm.s32 $0x400;
	s15 =	rddreg [dreg:$0xe];
	[sflag:s14] =	ssyncadd.s32 $0xFFFFFC00  }
0x39: {  	[tilespmem:s2], [sflag:$0x9] =	stream.linear.gather [hbm4b:s15+s3], $0x1800, $0x38;
	[tilespmem:$0x1B400] =	vst v63  }
0x3a: {  	s17 =	simm.s32 $0x1C00;
	s16 =	rddreg [dreg:$0xf]  }
0x3b: {  	[tilespmem:s17], [sflag:$0xA] =	stream.linear.gather [hbm4b:s16+s3], $0x1800, $0x38;
	[tilespmem:$0x1B400] =	vst v63  }
0x3c: {  	v3 =	vld [tilespmem:$0x0];
	_ =	sdelay $0x4  }
0x3d: {  	v4 =	vshrl.u32 v3, $0x3  }
0x3e: {  	v4 =	vmul.u32 $0x30, v4  }
0x3f: {  	v3 =	vand.u32 $0x7, v3  }
0x40: {  	v3 =	vor.u32 v3, v4  }
0x41: {  	v4 =	vperm.xlane v3, v0;
	_ =	sdelay $0x1  }
0x42: {  	v4 =	vadd.s32 v1, v4;
	_ =	sdelay $0x3  }
0x43: {  	v3 =	vperm.xlane v3, v2  }
0x44: {  	[tilespmem:s9], [sflag:$0x1] =	stream.indirect_vreg.gather [hbm4b:s1+s3], $0x80, v4, vm0, $0xb8;
	[tilespmem:$0x1B400] =	vst v63  }
0x45: {  	v3 =	vadd.s32 v1, v3  }
0x46: {  	[tilespmem:s23], [sflag:$0x1] =	stream.indirect_vreg.gather [hbm4b:s7+s3], $0x80, v4, vm0, $0xb8;
	[tilespmem:$0x1B400] =	vst v63  }
0x47: {  	s18 =	simm.s32 $0x4400  }
0x48: {  	[tilespmem:s18], [sflag:$0x1] =	stream.indirect_vreg.gather [hbm4b:s8+s3], $0x80, v4, vm0, $0xb8;
	[tilespmem:$0x1B400] =	vst v63  }
0x49: {  	s19 =	simm.s32 $0x4C00  }
0x4a: {  	[tilespmem:s19], [sflag:$0x1] =	stream.indirect_vreg.gather [hbm4b:s1+s3], $0x80, v3, vm0, $0xb8;
	[tilespmem:$0x1B400] =	vst v63  }
0x4b: {  	s20 =	simm.s32 $0x5400  }
0x4c: {  	[tilespmem:s20], [sflag:$0x1] =	stream.indirect_vreg.gather [hbm4b:s7+s3], $0x80, v3, vm0, $0xb8;
	[tilespmem:$0x1B400] =	vst v63  }
0x4d: {  	s21 =	simm.s32 $0x5C00  }
0x4e: {  	[tilespmem:s21], [sflag:$0x1] =	stream.indirect_vreg.gather [hbm4b:s8+s3], $0x80, v3, vm0, $0xb8;
	[tilespmem:$0x1B400] =	vst v63  }
0x4f: {  	v3 =	vld [tilespmem:$0x10];
	_ =	sdelay $0x4  }
0x50: {  	v59 =	vshrl.u32 v3, $0x3  }
0x51: {  	v4 =	vmul.u32 $0x30, v59  }
0x52: {  	v3 =	vand.u32 $0x7, v3  }
0x53: {  	v3 =	vor.u32 v3, v4  }
0x54: {  	v4 =	vperm.xlane v3, v0;
	_ =	sdelay $0x1  }
0x55: {  	v4 =	vadd.s32 v1, v4;
	_ =	sdelay $0x3  }
0x56: {  	s22 =	simm.s32 $0x6400;
	v3 =	vperm.xlane v3, v2  }
0x57: {  	[tilespmem:s22], [sflag:$0x1] =	stream.indirect_vreg.gather [hbm4b:s1+s3], $0x80, v4, vm0, $0xb8;
	[tilespmem:$0x1B400] =	vst v63  }
0x58: {  	s24 =	simm.s32 $0x6C00;
	v3 =	vadd.s32 v1, v3  }
0x59: {  	[tilespmem:s24], [sflag:$0x1] =	stream.indirect_vreg.gather [hbm4b:s7+s3], $0x80, v4, vm0, $0xb8;
	[tilespmem:$0x1B400] =	vst v63  }
0x5a: {  	s25 =	simm.s32 $0x7400  }
0x5b: {  	[tilespmem:s25], [sflag:$0x1] =	stream.indirect_vreg.gather [hbm4b:s8+s3], $0x80, v4, vm0, $0xb8;
	[tilespmem:$0x1B400] =	vst v63  }
0x5c: {  	s26 =	simm.s32 $0x7C00  }
0x5d: {  	[tilespmem:s26], [sflag:$0x1] =	stream.indirect_vreg.gather [hbm4b:s1+s3], $0x80, v3, vm0, $0xb8;
	[tilespmem:$0x1B400] =	vst v63  }
0x5e: {  	s28 =	simm.s32 $0x8400  }
0x5f: {  	[tilespmem:s28], [sflag:$0x1] =	stream.indirect_vreg.gather [hbm4b:s7+s3], $0x80, v3, vm0, $0xb8;
	[tilespmem:$0x1B400] =	vst v63  }
0x60: {  	s29 =	simm.s32 $0x8C00  }
0x61: {  	[tilespmem:s29], [sflag:$0x1] =	stream.indirect_vreg.gather [hbm4b:s8+s3], $0x80, v3, vm0, $0xb8;
	[tilespmem:$0x1B400] =	vst v63  }
0x62: {  	v3 =	vld [tilespmem:$0x80];
	_ =	sdelay $0x4  }
0x63: {  	v60 =	vshrl.u32 v3, $0x3  }
0x64: {  	v4 =	vmul.u32 $0x30, v60  }
0x65: {  	v3 =	vand.u32 $0x7, v3  }
0x66: {  	v3 =	vor.u32 v3, v4  }
0x67: {  	v4 =	vperm.xlane v3, v0;
	_ =	sdelay $0x1  }
0x68: {  	v4 =	vadd.s32 v1, v4;
	_ =	sdelay $0x3  }
0x69: {  	s30 =	simm.s32 $0x9400;
	v3 =	vperm.xlane v3, v2  }
0x6a: {  	[tilespmem:s30], [sflag:$0x2] =	stream.indirect_vreg.gather [hbm4b:s1+s3], $0x80, v4, vm0, $0xb8;
	[tilespmem:$0x1B400] =	vst v63  }
0x6b: {  	s31 =	simm.s32 $0x9C00;
	v3 =	vadd.s32 v1, v3  }
0x6c: {  	[tilespmem:s31], [sflag:$0x2] =	stream.indirect_vreg.gather [hbm4b:s7+s3], $0x80, v4, vm0, $0xb8;
	[tilespmem:$0x1B400] =	vst v63  }
0x6d: {  	s2 =	simm.s32 $0xA400  }
0x6e: {  	[tilespmem:s2], [sflag:$0x2] =	stream.indirect_vreg.gather [hbm4b:s8+s3], $0x80, v4, vm0, $0xb8;
	[tilespmem:$0x1B400] =	vst v63  }
0x6f: {  	s4 =	simm.s32 $0xAC00  }
0x70: {  	[tilespmem:s4], [sflag:$0x2] =	stream.indirect_vreg.gather [hbm4b:s1+s3], $0x80, v3, vm0, $0xb8;
	[tilespmem:$0x1B400] =	vst v63  }
0x71: {  	s5 =	simm.s32 $0xB400  }
0x72: {  	[tilespmem:s5], [sflag:$0x2] =	stream.indirect_vreg.gather [hbm4b:s7+s3], $0x80, v3, vm0, $0xb8;
	[tilespmem:$0x1B400] =	vst v63  }
0x73: {  	s6 =	simm.s32 $0xBC00  }
0x74: {  	[tilespmem:s6], [sflag:$0x2] =	stream.indirect_vreg.gather [hbm4b:s8+s3], $0x80, v3, vm0, $0xb8;
	[tilespmem:$0x1B400] =	vst v63  }
0x75: {  	v3 =	vld [tilespmem:$0x90];
	_ =	sdelay $0x4  }
0x76: {  	v61 =	vshrl.u32 v3, $0x3  }
0x77: {  	v4 =	vmul.u32 $0x30, v61  }
0x78: {  	v3 =	vand.u32 $0x7, v3  }
0x79: {  	v3 =	vor.u32 v3, v4  }
0x7a: {  	v4 =	vperm.xlane v3, v0;
	_ =	sdelay $0x1  }
0x7b: {  	v4 =	vadd.s32 v1, v4;
	_ =	sdelay $0x3  }
0x7c: {  	s10 =	simm.s32 $0xC400;
	v3 =	vperm.xlane v3, v2  }
0x7d: {  	[tilespmem:s10], [sflag:$0x2] =	stream.indirect_vreg.gather [hbm4b:s1+s3], $0x80, v4, vm0, $0xb8;
	[tilespmem:$0x1B400] =	vst v63  }
0x7e: {  	s11 =	simm.s32 $0xCC00;
	v3 =	vadd.s32 v1, v3  }
0x7f: {  	[tilespmem:s11], [sflag:$0x2] =	stream.indirect_vreg.gather [hbm4b:s7+s3], $0x80, v4, vm0, $0xb8;
	[tilespmem:$0x1B400] =	vst v63  }
0x80: {  	s12 =	simm.s32 $0xD400  }
0x81: {  	[tilespmem:s12], [sflag:$0x2] =	stream.indirect_vreg.gather [hbm4b:s8+s3], $0x80, v4, vm0, $0xb8;
	[tilespmem:$0x1B400] =	vst v63  }
0x82: {  	s13 =	simm.s32 $0xDC00  }
0x83: {  	[tilespmem:s13], [sflag:$0x2] =	stream.indirect_vreg.gather [hbm4b:s1+s3], $0x80, v3, vm0, $0xb8;
	[tilespmem:$0x1B400] =	vst v63  }
0x84: {  	s14 =	simm.s32 $0xE400  }
0x85: {  	[tilespmem:s14], [sflag:$0x2] =	stream.indirect_vreg.gather [hbm4b:s7+s3], $0x80, v3, vm0, $0xb8;
	[tilespmem:$0x1B400] =	vst v63  }
0x86: {  	s15 =	simm.s32 $0xEC00  }
0x87: {  	[tilespmem:s15], [sflag:$0x2] =	stream.indirect_vreg.gather [hbm4b:s8+s3], $0x80, v3, vm0, $0xb8;
	[tilespmem:$0x1B400] =	vst v63  }
0x88: {  	v3 =	vld [tilespmem:$0x100];
	_ =	sdelay $0x4  }
0x89: {  	v62 =	vshrl.u32 v3, $0x3  }
0x8a: {  	v4 =	vmul.u32 $0x30, v62  }
0x8b: {  	v3 =	vand.u32 $0x7, v3  }
0x8c: {  	v3 =	vor.u32 v3, v4  }
0x8d: {  	v4 =	vperm.xlane v3, v0;
	_ =	sdelay $0x1  }
0x8e: {  	v4 =	vadd.s32 v1, v4;
	_ =	sdelay $0x3  }
0x8f: {  	s16 =	simm.s32 $0xF400;
	v3 =	vperm.xlane v3, v2  }
0x90: {  	[tilespmem:s16], [sflag:$0x3] =	stream.indirect_vreg.gather [hbm4b:s1+s3], $0x80, v4, vm0, $0xb8;
	[tilespmem:$0x1B400] =	vst v63  }
0x91: {  	s17 =	simm.s32 $0xFC00;
	v3 =	vadd.s32 v1, v3  }
0x92: {  	[tilespmem:s17], [sflag:$0x3] =	stream.indirect_vreg.gather [hbm4b:s7+s3], $0x80, v4, vm0, $0xb8;
	[tilespmem:$0x1B400] =	vst v63  }
0x93: {  	s18 =	simm.s32 $0x10400  }
0x94: {  	[tilespmem:s18], [sflag:$0x3] =	stream.indirect_vreg.gather [hbm4b:s8+s3], $0x80, v4, vm0, $0xb8;
	[tilespmem:$0x1B400] =	vst v63  }
0x95: {  	s19 =	simm.s32 $0x10C00  }
0x96: {  	[tilespmem:s19], [sflag:$0x3] =	stream.indirect_vreg.gather [hbm4b:s1+s3], $0x80, v3, vm0, $0xb8;
	[tilespmem:$0x1B400] =	vst v63  }
0x97: {  	s20 =	simm.s32 $0x11400  }
0x98: {  	[tilespmem:s20], [sflag:$0x3] =	stream.indirect_vreg.gather [hbm4b:s7+s3], $0x80, v3, vm0, $0xb8;
	[tilespmem:$0x1B400] =	vst v63  }
0x99: {  	s21 =	simm.s32 $0x11C00  }
0x9a: {  	[tilespmem:s21], [sflag:$0x3] =	stream.indirect_vreg.gather [hbm4b:s8+s3], $0x80, v3, vm0, $0xb8;
	[tilespmem:$0x1B400] =	vst v63  }
0x9b: {  	v3 =	vld [tilespmem:$0x110];
	_ =	sdelay $0x4  }
0x9c: {  	v63 =	vshrl.u32 v3, $0x3  }
0x9d: {  	v4 =	vmul.u32 $0x30, v63  }
0x9e: {  	v3 =	vand.u32 $0x7, v3  }
0x9f: {  	v3 =	vor.u32 v3, v4  }
0xa0: {  	v4 =	vperm.xlane v3, v0;
	_ =	sdelay $0x1  }
0xa1: {  	v4 =	vadd.s32 v1, v4;
	_ =	sdelay $0x3  }
0xa2: {  	s22 =	simm.s32 $0x12400;
	v3 =	vperm.xlane v3, v2  }
0xa3: {  	[tilespmem:s22], [sflag:$0x3] =	stream.indirect_vreg.gather [hbm4b:s1+s3], $0x80, v4, vm0, $0xb8;
	[tilespmem:$0x1B400] =	vst v63  }
0xa4: {  	s24 =	simm.s32 $0x12C00;
	v3 =	vadd.s32 v1, v3  }
0xa5: {  	[tilespmem:s24], [sflag:$0x3] =	stream.indirect_vreg.gather [hbm4b:s7+s3], $0x80, v4, vm0, $0xb8;
	[tilespmem:$0x1B400] =	vst v63  }
0xa6: {  	s25 =	simm.s32 $0x13400  }
0xa7: {  	[tilespmem:s25], [sflag:$0x3] =	stream.indirect_vreg.gather [hbm4b:s8+s3], $0x80, v4, vm0, $0xb8;
	[tilespmem:$0x1B400] =	vst v63  }
0xa8: {  	s26 =	simm.s32 $0x13C00  }
0xa9: {  	[tilespmem:s26], [sflag:$0x3] =	stream.indirect_vreg.gather [hbm4b:s1+s3], $0x80, v3, vm0, $0xb8;
	[tilespmem:$0x1B400] =	vst v63  }
0xaa: {  	s28 =	simm.s32 $0x14400  }
0xab: {  	[tilespmem:s28], [sflag:$0x3] =	stream.indirect_vreg.gather [hbm4b:s7+s3], $0x80, v3, vm0, $0xb8;
	[tilespmem:$0x1B400] =	vst v63  }
0xac: {  	s29 =	simm.s32 $0x14C00;
	s30 =	simm.s32 $0x1  }
0xad: {  	[tilespmem:s29], [sflag:$0x3] =	stream.indirect_vreg.gather [hbm4b:s8+s3], $0x80, v3, vm0, $0xb8;
	[tilespmem:$0x1B400] =	vst v63  }
0xae: {  	_ =	swait.ge [sflag:s30], $0x6000  }
0xaf: {  	[sflag:s30] =	ssyncset.done $0x0  }
0xb0: {  	s31 =	simm.s32 $0x9;
	[sflag:s30] =	ssyncadd.s32 $0xFFFFA000  }
0xb1: {  	_ =	swait.ge [sflag:s31], $0x1800  }
0xb2: {  	[sflag:s31] =	ssyncset.done $0x0  }
0xb3: {  	s25 =	simm.s32 $0x0;
	[sflag:s31] =	ssyncadd.s32 $0xFFFFE800  }
.LBB2_2:
0xb4: {  	s5 =	simm.s32 $0x0  }
0xb5: {  	s28 =	sshll.u32 s25, $0x7;
	s6 =	sand.u32 $0x1C00, s5  }
0xb6: {  	s10 =	sand.u32 $0x40, s5;
	s11 =	sor.u32 s28, s6  }
0xb7: {  	s17 =	sor.u32 $0x10, s10;
	s12 =	sor.u32 s10, s11  }
0xb8: {  	s19 =	sor.u32 $0x20, s10;
	s26 =	sor.u32 s17, s11;
	v6 =	vld [tilespmem:s12+$0x400]  }
0xb9: {  	s13 =	sor.u32 $0x30, s10;
	s29 =	sor.u32 s19, s11;
	v5 =	vld [tilespmem:s26+$0x400]  }
0xba: {  	s5 =	sor.u32 s13, s11;
	v3 =	vld [tilespmem:s29+$0x400]  }
0xbb: {  	v4 =	vld [tilespmem:s5+$0x400];
	_ =	sdelay $0x1  }
0xbc: {  	[tilespmem:s12+$0x3400] =	vst.add.f32.msk $0xffff, v6  }
0xbd: {  	s30 =	sadd.s32 $0x4C00, s28;
	[tilespmem:s26+$0x3400] =	vst.add.f32.msk $0xffff, v5  }
0xbe: {  	s14 =	sadd.s32 s6, s30;
	[tilespmem:s29+$0x3400] =	vst.add.f32.msk $0xffff, v3  }
0xbf: {  	s15 =	sadd.s32 s10, s14;
	[tilespmem:s5+$0x3400] =	vst.add.f32.msk $0xffff, v4  }
0xc0: {  	s16 =	sadd.s32 s17, s14;
	[tilespmem:s15+$0x0] =	vst.add.f32.msk $0xffff, v6  }
0xc1: {  	s18 =	sadd.s32 s19, s14;
	s29 =	sadd.s32 $0x6400, s28;
	[tilespmem:s16+$0x0] =	vst.add.f32.msk $0xffff, v5  }
0xc2: {  	s20 =	sadd.s32 s13, s14;
	s21 =	sadd.s32 s6, s29;
	[tilespmem:s18+$0x0] =	vst.add.f32.msk $0xffff, v3  }
0xc3: {  	s22 =	sadd.s32 s10, s21;
	[tilespmem:s20+$0x0] =	vst.add.f32.msk $0xffff, v4  }
0xc4: {  	s31 =	sadd.s32 s17, s21;
	[tilespmem:s22+$0x0] =	vst.add.f32.msk $0xffff, v6  }
0xc5: {  	s5 =	sadd.s32 $0x7C00, s28;
	s24 =	sadd.s32 s19, s21;
	[tilespmem:s31+$0x0] =	vst.add.f32.msk $0xffff, v5  }
0xc6: {  	s12 =	sadd.s32 s13, s21;
	s16 =	sadd.s32 s6, s5;
	[tilespmem:s24+$0x0] =	vst.add.f32.msk $0xffff, v3  }
0xc7: {  	s26 =	simm.s32 $0x40;
	s10 =	sadd.s32 s10, s16;
	s6 =	sadd.s32 s17, s16;
	[tilespmem:s12+$0x0] =	vst.add.f32.msk $0xffff, v4  }
0xc8: {  	s31 =	sadd.s32 s19, s16;
	s12 =	sadd.s32 s13, s16;
	[tilespmem:s10+$0x0] =	vst.add.f32.msk $0xffff, v6;
	s10 =	simm.s32 $0x200  }
.LBB2_3:
0xc9: {  	s13 =	sand.u32 $0x1C00, s10  }
0xca: {  	p0 =	sne.s32 s26, $0x2C0;
	[tilespmem:s6+$0x0] =	vst.add.f32.msk $0xffff, v5;
	s6 =	smov.u32 s26;
	s26 =	sadd.s32 $0x40, s26  }
0xcb: {  	s6 =	sand.u32 $0x40, s6;
	s16 =	sor.u32 s28, s13;
	s17 =	sadd.s32 s13, s30;
	[tilespmem:s31+$0x0] =	vst.add.f32.msk $0xffff, v3  }
0xcc: {  	s19 =	sor.u32 s6, s16;
	s31 =	sor.u32 $0x10, s6;
	s0 =	sor.u32 $0x20, s6;
	[tilespmem:s12+$0x0] =	vst.add.f32.msk $0xffff, v4  }
0xcd: {  	s14 =	sor.u32 $0x30, s6;
	s21 =	sadd.s32 s6, s17;
	v6 =	vld [tilespmem:s19+$0x400];
	s12 =	sor.u32 s31, s16  }
0xce: {  	s18 =	sor.u32 s0, s16;
	s15 =	sadd.s32 s31, s17;
	s22 =	sadd.s32 s0, s17;
	v5 =	vld [tilespmem:s12+$0x400]  }
0xcf: {  	s4 =	sadd.s32 s13, s29;
	s16 =	sor.u32 s14, s16;
	s17 =	sadd.s32 s14, s17;
	v3 =	vld [tilespmem:s18+$0x400]  }
0xd0: {  	s11 =	sadd.s32 s6, s4;
	s24 =	sadd.s32 s31, s4;
	s20 =	sadd.s32 s0, s4;
	v4 =	vld [tilespmem:s16+$0x400]  }
0xd1: {  	s13 =	sadd.s32 s13, s5;
	s4 =	sadd.s32 s14, s4  }
0xd2: {  	[tilespmem:s19+$0x3400] =	vst.add.f32.msk $0xffff, v6;
	s19 =	sadd.s32 s6, s13;
	s6 =	sadd.s32 s31, s13;
	s31 =	sadd.s32 s0, s13  }
0xd3: {  	[tilespmem:s12+$0x3400] =	vst.add.f32.msk $0xffff, v5;
	s12 =	sadd.s32 s14, s13  }
0xd4: {  	[tilespmem:s18+$0x3400] =	vst.add.f32.msk $0xffff, v3  }
0xd5: {  	[tilespmem:s16+$0x3400] =	vst.add.f32.msk $0xffff, v4  }
0xd6: {  	[tilespmem:s21+$0x0] =	vst.add.f32.msk $0xffff, v6  }
0xd7: {  	[tilespmem:s15+$0x0] =	vst.add.f32.msk $0xffff, v5  }
0xd8: {  	[tilespmem:s22+$0x0] =	vst.add.f32.msk $0xffff, v3  }
0xd9: {  	[tilespmem:s17+$0x0] =	vst.add.f32.msk $0xffff, v4  }
.Ltmp0:
0xda: {  	[tilespmem:s11+$0x0] =	vst.add.f32.msk $0xffff, v6;
	(pc) =	sbr.rel @p0 .LBB2_3-.Ltmp0, $4  }
0xdb: {  	[tilespmem:s24+$0x0] =	vst.add.f32.msk $0xffff, v5  }
0xdc: {  	[tilespmem:s20+$0x0] =	vst.add.f32.msk $0xffff, v3  }
0xdd: {  	[tilespmem:s4+$0x0] =	vst.add.f32.msk $0xffff, v4  }
0xde: {  	s10 =	sadd.s32 $0x200, s10;
	[tilespmem:s19+$0x0] =	vst.add.f32.msk $0xffff, v6  }
0xdf: {  	s25 =	sadd.s32 $0x1, s25  }
0xe0: {  	p0 =	sne.s32 s25, $0x8  }
.Ltmp1:
0xe1: {  	_ = 	snop;
	(pc) =	sbr.rel @p0 .LBB2_2-.Ltmp1, $4  }
0xe2: {  	_ = 	snop  }
0xe3: {  	[tilespmem:s6+$0x0] =	vst.add.f32.msk $0xffff, v5  }
0xe4: {  	[tilespmem:s31+$0x0] =	vst.add.f32.msk $0xffff, v3  }
0xe5: {  	[tilespmem:s12+$0x0] =	vst.add.f32.msk $0xffff, v4  }
0xe6: {  	s0 =	rddreg [dreg:$0x10]  }
0xe7: {  	s25 =	simm.s32 $0x0;
	s4 =	rddreg [dreg:$0x11]  }
0xe8: {  	[hbm4b:s0+s25] =	stream.linear.scatter [tilespmem:s9], [sflag:$0x5], $0x1800, $0x38;
	[tilespmem:$0x1B400] =	vst v63  }
0xe9: {  	s2 =	simm.s32 $0x4C00;
	s5 =	rddreg [dreg:$0x1f]  }
0xea: {  	[hbm4b:s4+s25] =	stream.linear.scatter [tilespmem:s2], [sflag:$0x5], $0x1800, $0x38;
	[tilespmem:$0x1B400] =	vst v63  }
0xeb: {  	s6 =	simm.s32 $0x6400;
	s10 =	sld [smem:$0x7E8]  }
0xec: {  	[hbm4b:s5+s25] =	stream.linear.scatter [tilespmem:s6], [sflag:$0x5], $0x1800, $0x38;
	[tilespmem:$0x1B400] =	vst v63  }
0xed: {  	s11 =	simm.s32 $0x7C00  }
0xee: {  	[hbm4b:s10+s25] =	stream.linear.scatter [tilespmem:s11], [sflag:$0x5], $0x1800, $0x38;
	[tilespmem:$0x1B400] =	vst v63  }
0xef: {  	s12 =	rddreg [dreg:$0x12];
	s13 =	simm.s32 $0x400  }
0xf0: {  	[tilespmem:s13], [sflag:$0x9] =	stream.linear.gather [hbm4b:s12+s25], $0x1800, $0x38;
	[tilespmem:$0x1B400] =	vst v63  }
0xf1: {  	v3 =	vld [tilespmem:$0x180];
	_ =	sdelay $0x4  }
0xf2: {  	v4 =	vshrl.u32 v3, $0x3  }
0xf3: {  	v4 =	vmul.u32 $0x30, v4  }
0xf4: {  	v3 =	vand.u32 $0x7, v3  }
0xf5: {  	v3 =	vor.u32 v3, v4  }
0xf6: {  	v4 =	vperm.xlane v3, v0;
	_ =	sdelay $0x1  }
0xf7: {  	v4 =	vadd.s32 v1, v4;
	_ =	sdelay $0x3  }
0xf8: {  	s14 =	simm.s32 $0x15400;
	v3 =	vperm.xlane v3, v2  }
0xf9: {  	[tilespmem:s14], [sflag:$0x4] =	stream.indirect_vreg.gather [hbm4b:s1+s25], $0x80, v4, vm0, $0xb8;
	[tilespmem:$0x1B400] =	vst v63  }
0xfa: {  	s15 =	simm.s32 $0x15C00;
	v3 =	vadd.s32 v1, v3  }
0xfb: {  	[tilespmem:s15], [sflag:$0x4] =	stream.indirect_vreg.gather [hbm4b:s7+s25], $0x80, v4, vm0, $0xb8;
	[tilespmem:$0x1B400] =	vst v63  }
0xfc: {  	s16 =	simm.s32 $0x16400  }
0xfd: {  	[tilespmem:s16], [sflag:$0x4] =	stream.indirect_vreg.gather [hbm4b:s8+s25], $0x80, v4, vm0, $0xb8;
	[tilespmem:$0x1B400] =	vst v63  }
0xfe: {  	s17 =	simm.s32 $0x16C00  }
0xff: {  	[tilespmem:s17], [sflag:$0x4] =	stream.indirect_vreg.gather [hbm4b:s1+s25], $0x80, v3, vm0, $0xb8;
	[tilespmem:$0x1B400] =	vst v63  }
0x100: {  	s18 =	simm.s32 $0x17400  }
0x101: {  	[tilespmem:s18], [sflag:$0x4] =	stream.indirect_vreg.gather [hbm4b:s7+s25], $0x80, v3, vm0, $0xb8;
	[tilespmem:$0x1B400] =	vst v63  }
0x102: {  	s19 =	simm.s32 $0x17C00  }
0x103: {  	[tilespmem:s19], [sflag:$0x4] =	stream.indirect_vreg.gather [hbm4b:s8+s25], $0x80, v3, vm0, $0xb8;
	[tilespmem:$0x1B400] =	vst v63  }
0x104: {  	v3 =	vld [tilespmem:$0x190];
	_ =	sdelay $0x4  }
0x105: {  	v63 =	vshrl.u32 v3, $0x3  }
0x106: {  	v4 =	vmul.u32 $0x30, v63  }
0x107: {  	v3 =	vand.u32 $0x7, v3  }
0x108: {  	v3 =	vor.u32 v3, v4  }
0x109: {  	v4 =	vperm.xlane v3, v0;
	_ =	sdelay $0x1  }
0x10a: {  	v4 =	vadd.s32 v1, v4;
	_ =	sdelay $0x3  }
0x10b: {  	s20 =	simm.s32 $0x18400;
	v3 =	vperm.xlane v3, v2  }
0x10c: {  	[tilespmem:s20], [sflag:$0x4] =	stream.indirect_vreg.gather [hbm4b:s1+s25], $0x80, v4, vm0, $0xb8;
	[tilespmem:$0x1B400] =	vst v63  }
0x10d: {  	s21 =	simm.s32 $0x18C00;
	v3 =	vadd.s32 v1, v3  }
0x10e: {  	[tilespmem:s21], [sflag:$0x4] =	stream.indirect_vreg.gather [hbm4b:s7+s25], $0x80, v4, vm0, $0xb8;
	[tilespmem:$0x1B400] =	vst v63  }
0x10f: {  	s22 =	simm.s32 $0x19400  }
0x110: {  	[tilespmem:s22], [sflag:$0x4] =	stream.indirect_vreg.gather [hbm4b:s8+s25], $0x80, v4, vm0, $0xb8;
	[tilespmem:$0x1B400] =	vst v63  }
0x111: {  	s24 =	simm.s32 $0x19C00  }
0x112: {  	[tilespmem:s24], [sflag:$0x4] =	stream.indirect_vreg.gather [hbm4b:s1+s25], $0x80, v3, vm0, $0xb8;
	[tilespmem:$0x1B400] =	vst v63  }
0x113: {  	s26 =	simm.s32 $0x1A400  }
0x114: {  	[tilespmem:s26], [sflag:$0x4] =	stream.indirect_vreg.gather [hbm4b:s7+s25], $0x80, v3, vm0, $0xb8;
	[tilespmem:$0x1B400] =	vst v63  }
0x115: {  	s29 =	simm.s32 $0x1AC00;
	s30 =	simm.s32 $0x2  }
0x116: {  	[tilespmem:s29], [sflag:$0x4] =	stream.indirect_vreg.gather [hbm4b:s8+s25], $0x80, v3, vm0, $0xb8;
	[tilespmem:$0x1B400] =	vst v63  }
0x117: {  	_ =	swait.ge [sflag:s30], $0x6000  }
0x118: {  	[sflag:s30] =	ssyncset.done $0x0  }
0x119: {  	s31 =	simm.s32 $0xA;
	[sflag:s30] =	ssyncadd.s32 $0xFFFFA000  }
0x11a: {  	_ =	swait.ge [sflag:s31], $0x1800  }
0x11b: {  	[sflag:s31] =	ssyncset.done $0x0  }
0x11c: {  	s28 =	simm.s32 $0x0;
	[sflag:s31] =	ssyncadd.s32 $0xFFFFE800  }
.LBB2_6:
0x11d: {  	s0 =	sshll.u32 s28, $0x7  }
0x11e: {  	s4 =	sadd.s32 $0x1C00, s0  }
0x11f: {  	[dreg:$0x5] =	wrdreg s4  }
0x120: {  	s6 =	sand.u32 $0x1C00, s25;
	s4 =	rddreg [dreg:$0x5]  }
0x121: {  	s10 =	sand.u32 $0x40, s25;
	s4 =	sadd.s32 s6, s4  }
0x122: {  	s11 =	sor.u32 $0x10, s10;
	s22 =	sadd.s32 s10, s4  }
0x123: {  	s5 =	sadd.s32 $0x9400, s0;
	s13 =	sor.u32 $0x20, s10;
	s24 =	sadd.s32 s11, s4;
	v3 =	vld [tilespmem:s22+$0x0]  }
0x124: {  	s14 =	sor.u32 $0x30, s10;
	[dreg:$0x6] =	wrdreg s5;
	s26 =	sadd.s32 s13, s4;
	v4 =	vld [tilespmem:s24+$0x0]  }
0x125: {  	s12 =	rddreg [dreg:$0x6];
	s4 =	sadd.s32 s14, s4;
	v6 =	vld [tilespmem:s26+$0x0]  }
0x126: {  	s2 =	sadd.s32 s6, s12;
	v5 =	vld [tilespmem:s4+$0x0]  }
0x127: {  	s15 =	sadd.s32 s10, s2  }
0x128: {  	s12 =	sadd.s32 s11, s2;
	[tilespmem:s15+$0x0] =	vst.add.f32.msk $0xffff, v3  }
0x129: {  	s30 =	sadd.s32 $0xAC00, s0;
	s16 =	sadd.s32 s13, s2;
	[tilespmem:s12+$0x0] =	vst.add.f32.msk $0xffff, v4  }
0x12a: {  	s17 =	sadd.s32 s6, s30;
	s5 =	sadd.s32 s14, s2;
	[tilespmem:s16+$0x0] =	vst.add.f32.msk $0xffff, v6  }
0x12b: {  	s18 =	sadd.s32 s10, s17;
	[tilespmem:s5+$0x0] =	vst.add.f32.msk $0xffff, v5  }
0x12c: {  	s19 =	sadd.s32 s11, s17;
	[tilespmem:s18+$0x0] =	vst.add.f32.msk $0xffff, v3  }
0x12d: {  	s29 =	sadd.s32 $0xC400, s0;
	s20 =	sadd.s32 s13, s17;
	[tilespmem:s19+$0x0] =	vst.add.f32.msk $0xffff, v4  }
0x12e: {  	s26 =	sadd.s32 $0xDC00, s0;
	s15 =	sadd.s32 s6, s29;
	s12 =	sadd.s32 s14, s17;
	[tilespmem:s20+$0x0] =	vst.add.f32.msk $0xffff, v6  }
0x12f: {  	s24 =	sadd.s32 s6, s26;
	s21 =	sadd.s32 s10, s15;
	[tilespmem:s12+$0x0] =	vst.add.f32.msk $0xffff, v5  }
0x130: {  	s31 =	sadd.s32 s11, s24;
	s6 =	sadd.s32 s13, s24;
	s22 =	sadd.s32 s11, s15;
	[tilespmem:s21+$0x0] =	vst.add.f32.msk $0xffff, v3  }
0x131: {  	s17 =	sadd.s32 s14, s15;
	s16 =	sadd.s32 s13, s15;
	s5 =	simm.s32 $0x40;
	[tilespmem:s22+$0x0] =	vst.add.f32.msk $0xffff, v4  }
0x132: {  	s19 =	sadd.s32 s10, s24;
	s10 =	simm.s32 $0x0;
	s12 =	sadd.s32 s14, s24;
	[tilespmem:s16+$0x0] =	vst.add.f32.msk $0xffff, v6  }
.LBB2_7:
0x133: {  	[tilespmem:s17+$0x0] =	vst.add.f32.msk $0xffff, v5  }
0x134: {  	s10 =	sadd.s32 $0x200, s10;
	[tilespmem:s19+$0x0] =	vst.add.f32.msk $0xffff, v3  }
0x135: {  	s0 =	rddreg [dreg:$0x5];
	s4 =	smov.u32 s5;
	s11 =	sand.u32 $0x1C00, s10;
	[tilespmem:s31+$0x0] =	vst.add.f32.msk $0xffff, v4  }
0x136: {  	s4 =	sand.u32 $0x40, s4;
	s0 =	sadd.s32 s11, s0;
	[tilespmem:s6+$0x0] =	vst.add.f32.msk $0xffff, v6  }
0x137: {  	s14 =	sor.u32 $0x10, s4;
	s20 =	sadd.s32 s4, s0;
	[tilespmem:s12+$0x0] =	vst.add.f32.msk $0xffff, v5  }
0x138: {  	s15 =	sor.u32 $0x30, s4;
	s21 =	sadd.s32 s14, s0;
	s12 =	sor.u32 $0x20, s4;
	v3 =	vld [tilespmem:s20+$0x0]  }
0x139: {  	s16 =	sadd.s32 s15, s0;
	v4 =	vld [tilespmem:s21+$0x0];
	s0 =	sadd.s32 s12, s0  }
0x13a: {  	s13 =	rddreg [dreg:$0x6];
	v6 =	vld [tilespmem:s0+$0x0]  }
0x13b: {  	s22 =	sadd.s32 s11, s13;
	v5 =	vld [tilespmem:s16+$0x0]  }
0x13c: {  	s2 =	sadd.s32 s4, s22  }
0x13d: {  	s17 =	sadd.s32 s14, s22;
	[tilespmem:s2+$0x0] =	vst.add.f32.msk $0xffff, v3  }
0x13e: {  	s18 =	sadd.s32 s12, s22;
	[tilespmem:s17+$0x0] =	vst.add.f32.msk $0xffff, v4  }
0x13f: {  	s24 =	sadd.s32 s11, s30;
	s16 =	sadd.s32 s15, s22;
	[tilespmem:s18+$0x0] =	vst.add.f32.msk $0xffff, v6  }
0x140: {  	s20 =	sadd.s32 s4, s24;
	[tilespmem:s16+$0x0] =	vst.add.f32.msk $0xffff, v5  }
0x141: {  	s21 =	sadd.s32 s14, s24;
	[tilespmem:s20+$0x0] =	vst.add.f32.msk $0xffff, v3  }
0x142: {  	p0 =	sne.s32 s5, $0x2C0;
	s22 =	sadd.s32 s12, s24;
	[tilespmem:s21+$0x0] =	vst.add.f32.msk $0xffff, v4  }
.Ltmp2:
0x143: {  	s19 =	sadd.s32 s11, s29;
	s13 =	sadd.s32 s15, s24;
	[tilespmem:s22+$0x0] =	vst.add.f32.msk $0xffff, v6;
	(pc) =	sbr.rel @p0 .LBB2_7-.Ltmp2, $4  }
0x144: {  	s0 =	sadd.s32 s4, s19;
	[tilespmem:s13+$0x0] =	vst.add.f32.msk $0xffff, v5  }
0x145: {  	s5 =	sadd.s32 $0x40, s5;
	s11 =	sadd.s32 s11, s26;
	s24 =	sadd.s32 s14, s19;
	[tilespmem:s0+$0x0] =	vst.add.f32.msk $0xffff, v3  }
0x146: {  	s31 =	sadd.s32 s14, s11;
	s6 =	sadd.s32 s12, s11;
	s2 =	sadd.s32 s12, s19;
	[tilespmem:s24+$0x0] =	vst.add.f32.msk $0xffff, v4  }
0x147: {  	s12 =	sadd.s32 s15, s11;
	s17 =	sadd.s32 s15, s19;
	s19 =	sadd.s32 s4, s11;
	[tilespmem:s2+$0x0] =	vst.add.f32.msk $0xffff, v6  }
0x148: {  	s28 =	sadd.s32 $0x1, s28  }
0x149: {  	p0 =	sne.s32 s28, $0x8  }
.Ltmp3:
0x14a: {  	[tilespmem:s17+$0x0] =	vst.add.f32.msk $0xffff, v5;
	(pc) =	sbr.rel @p0 .LBB2_6-.Ltmp3, $4  }
0x14b: {  	[tilespmem:s19+$0x0] =	vst.add.f32.msk $0xffff, v3  }
0x14c: {  	[tilespmem:s31+$0x0] =	vst.add.f32.msk $0xffff, v4  }
0x14d: {  	[tilespmem:s6+$0x0] =	vst.add.f32.msk $0xffff, v6  }
0x14e: {  	[tilespmem:s12+$0x0] =	vst.add.f32.msk $0xffff, v5  }
0x14f: {  	s0 =	rddreg [dreg:$0x13]  }
0x150: {  	s25 =	simm.s32 $0x0;
	s2 =	simm.s32 $0x9400;
	s5 =	sld [smem:$0x7E9]  }
0x151: {  	[hbm4b:s0+s25] =	stream.linear.scatter [tilespmem:s2], [sflag:$0x6], $0x1800, $0x38;
	[tilespmem:$0x1B400] =	vst v63  }
0x152: {  	s6 =	simm.s32 $0xAC00;
	s10 =	sld [smem:$0x7EA]  }
0x153: {  	[hbm4b:s5+s25] =	stream.linear.scatter [tilespmem:s6], [sflag:$0x6], $0x1800, $0x38;
	[tilespmem:$0x1B400] =	vst v63  }
0x154: {  	s11 =	simm.s32 $0xC400;
	s12 =	sld [smem:$0x7EB]  }
0x155: {  	[hbm4b:s10+s25] =	stream.linear.scatter [tilespmem:s11], [sflag:$0x6], $0x1800, $0x38;
	[tilespmem:$0x1B400] =	vst v63  }
0x156: {  	s13 =	simm.s32 $0xDC00  }
0x157: {  	[hbm4b:s12+s25] =	stream.linear.scatter [tilespmem:s13], [sflag:$0x6], $0x1800, $0x38;
	[tilespmem:$0x1B400] =	vst v63  }
0x158: {  	s14 =	rddreg [dreg:$0x14];
	s15 =	simm.s32 $0x1C00;
	s16 =	simm.s32 $0x5  }
0x159: {  	[tilespmem:s15], [sflag:$0xA] =	stream.linear.gather [hbm4b:s14+s25], $0x1800, $0x38;
	[tilespmem:$0x1B400] =	vst v63  }
0x15a: {  	_ =	swait.ge [sflag:s16], $0x1800  }
0x15b: {  	[sflag:s16] =	ssyncset.done $0x0  }
0x15c: {  	[sflag:s16] =	ssyncadd.s32 $0xFFFFE800  }
0x15d: {  	_ =	swait.ge [sflag:s16], $0x1800  }
0x15e: {  	[sflag:s16] =	ssyncset.done $0x0  }
0x15f: {  	[sflag:s16] =	ssyncadd.s32 $0xFFFFE800  }
0x160: {  	_ =	swait.ge [sflag:s16], $0x1800  }
0x161: {  	[sflag:s16] =	ssyncset.done $0x0  }
0x162: {  	[sflag:s16] =	ssyncadd.s32 $0xFFFFE800  }
0x163: {  	_ =	swait.ge [sflag:s16], $0x1800  }
0x164: {  	[sflag:s16] =	ssyncset.done $0x0  }
0x165: {  	[sflag:s16] =	ssyncadd.s32 $0xFFFFE800  }
0x166: {  	v3 =	vld [tilespmem:$0x200];
	_ =	sdelay $0x4  }
0x167: {  	v4 =	vshrl.u32 v3, $0x3  }
0x168: {  	v4 =	vmul.u32 $0x30, v4  }
0x169: {  	v3 =	vand.u32 $0x7, v3  }
0x16a: {  	v3 =	vor.u32 v3, v4  }
0x16b: {  	v4 =	vperm.xlane v3, v0;
	_ =	sdelay $0x1  }
0x16c: {  	v4 =	vadd.s32 v1, v4;
	_ =	sdelay $0x3  }
0x16d: {  	v3 =	vperm.xlane v3, v2  }
0x16e: {  	[tilespmem:s9], [sflag:$0x1] =	stream.indirect_vreg.gather [hbm4b:s1+s25], $0x80, v4, vm0, $0xb8;
	[tilespmem:$0x1B400] =	vst v63  }
0x16f: {  	v3 =	vadd.s32 v1, v3  }
0x170: {  	[tilespmem:s23], [sflag:$0x1] =	stream.indirect_vreg.gather [hbm4b:s7+s25], $0x80, v4, vm0, $0xb8;
	[tilespmem:$0x1B400] =	vst v63  }
0x171: {  	s17 =	simm.s32 $0x4400  }
0x172: {  	[tilespmem:s17], [sflag:$0x1] =	stream.indirect_vreg.gather [hbm4b:s8+s25], $0x80, v4, vm0, $0xb8;
	[tilespmem:$0x1B400] =	vst v63  }
0x173: {  	s18 =	simm.s32 $0x4C00  }
0x174: {  	[tilespmem:s18], [sflag:$0x1] =	stream.indirect_vreg.gather [hbm4b:s1+s25], $0x80, v3, vm0, $0xb8;
	[tilespmem:$0x1B400] =	vst v63  }
0x175: {  	s19 =	simm.s32 $0x5400  }
0x176: {  	[tilespmem:s19], [sflag:$0x1] =	stream.indirect_vreg.gather [hbm4b:s7+s25], $0x80, v3, vm0, $0xb8;
	[tilespmem:$0x1B400] =	vst v63  }
0x177: {  	s20 =	simm.s32 $0x5C00  }
0x178: {  	[tilespmem:s20], [sflag:$0x1] =	stream.indirect_vreg.gather [hbm4b:s8+s25], $0x80, v3, vm0, $0xb8;
	[tilespmem:$0x1B400] =	vst v63  }
0x179: {  	v3 =	vld [tilespmem:$0x210];
	_ =	sdelay $0x4  }
0x17a: {  	v63 =	vshrl.u32 v3, $0x3  }
0x17b: {  	v4 =	vmul.u32 $0x30, v63  }
0x17c: {  	v3 =	vand.u32 $0x7, v3  }
0x17d: {  	v3 =	vor.u32 v3, v4  }
0x17e: {  	v4 =	vperm.xlane v3, v0;
	_ =	sdelay $0x1  }
0x17f: {  	v4 =	vadd.s32 v1, v4;
	_ =	sdelay $0x3  }
0x180: {  	s21 =	simm.s32 $0x6400;
	v3 =	vperm.xlane v3, v2  }
0x181: {  	[tilespmem:s21], [sflag:$0x1] =	stream.indirect_vreg.gather [hbm4b:s1+s25], $0x80, v4, vm0, $0xb8;
	[tilespmem:$0x1B400] =	vst v63  }
0x182: {  	s22 =	simm.s32 $0x6C00;
	v3 =	vadd.s32 v1, v3  }
0x183: {  	[tilespmem:s22], [sflag:$0x1] =	stream.indirect_vreg.gather [hbm4b:s7+s25], $0x80, v4, vm0, $0xb8;
	[tilespmem:$0x1B400] =	vst v63  }
0x184: {  	s23 =	simm.s32 $0x7400  }
0x185: {  	[tilespmem:s23], [sflag:$0x1] =	stream.indirect_vreg.gather [hbm4b:s8+s25], $0x80, v4, vm0, $0xb8;
	[tilespmem:$0x1B400] =	vst v63  }
0x186: {  	s24 =	simm.s32 $0x7C00  }
0x187: {  	[tilespmem:s24], [sflag:$0x1] =	stream.indirect_vreg.gather [hbm4b:s1+s25], $0x80, v3, vm0, $0xb8;
	[tilespmem:$0x1B400] =	vst v63  }
0x188: {  	s26 =	simm.s32 $0x8400  }
0x189: {  	[tilespmem:s26], [sflag:$0x1] =	stream.indirect_vreg.gather [hbm4b:s7+s25], $0x80, v3, vm0, $0xb8;
	[tilespmem:$0x1B400] =	vst v63  }
0x18a: {  	s29 =	simm.s32 $0x8C00;
	s30 =	simm.s32 $0x3  }
0x18b: {  	[tilespmem:s29], [sflag:$0x1] =	stream.indirect_vreg.gather [hbm4b:s8+s25], $0x80, v3, vm0, $0xb8;
	[tilespmem:$0x1B400] =	vst v63  }
0x18c: {  	_ =	swait.ge [sflag:s30], $0x6000  }
0x18d: {  	[sflag:s30] =	ssyncset.done $0x0  }
0x18e: {  	s31 =	simm.s32 $0x9;
	[sflag:s30] =	ssyncadd.s32 $0xFFFFA000  }
0x18f: {  	_ =	swait.ge [sflag:s31], $0x1800  }
0x190: {  	[sflag:s31] =	ssyncset.done $0x0  }
0x191: {  	s28 =	simm.s32 $0x0;
	[sflag:s31] =	ssyncadd.s32 $0xFFFFE800  }
.LBB2_10:
0x192: {  	s30 =	sshll.u32 s28, $0x7;
	s0 =	sand.u32 $0x1C00, s25  }
0x193: {  	s2 =	sand.u32 $0x40, s25;
	s4 =	sor.u32 s30, s0  }
0x194: {  	s6 =	sor.u32 $0x10, s2;
	s5 =	sor.u32 s2, s4  }
0x195: {  	s11 =	sor.u32 $0x20, s2;
	s10 =	sor.u32 s6, s4;
	v6 =	vld [tilespmem:s5+$0x400]  }
0x196: {  	s12 =	sor.u32 $0x30, s2;
	s13 =	sor.u32 s11, s4;
	v5 =	vld [tilespmem:s10+$0x400]  }
0x197: {  	s4 =	sor.u32 s12, s4;
	v3 =	vld [tilespmem:s13+$0x400]  }
0x198: {  	v4 =	vld [tilespmem:s4+$0x400];
	_ =	sdelay $0x1  }
0x199: {  	[tilespmem:s5+$0xF400] =	vst.add.f32.msk $0xffff, v6  }
0x19a: {  	s29 =	sadd.s32 $0x10C00, s30;
	[tilespmem:s10+$0xF400] =	vst.add.f32.msk $0xffff, v5  }
0x19b: {  	s15 =	sadd.s32 s0, s29;
	[tilespmem:s13+$0xF400] =	vst.add.f32.msk $0xffff, v3  }
0x19c: {  	s16 =	sadd.s32 s2, s15;
	[tilespmem:s4+$0xF400] =	vst.add.f32.msk $0xffff, v4  }
0x19d: {  	s17 =	sadd.s32 s6, s15;
	[tilespmem:s16+$0x0] =	vst.add.f32.msk $0xffff, v6  }
0x19e: {  	s26 =	sadd.s32 $0x12400, s30;
	s18 =	sadd.s32 s11, s15;
	[tilespmem:s17+$0x0] =	vst.add.f32.msk $0xffff, v5  }
0x19f: {  	s20 =	sadd.s32 s0, s26;
	s19 =	sadd.s32 s12, s15;
	[tilespmem:s18+$0x0] =	vst.add.f32.msk $0xffff, v3  }
0x1a0: {  	s21 =	sadd.s32 s2, s20;
	[tilespmem:s19+$0x0] =	vst.add.f32.msk $0xffff, v4  }
0x1a1: {  	s22 =	sadd.s32 s6, s20;
	[tilespmem:s21+$0x0] =	vst.add.f32.msk $0xffff, v6  }
0x1a2: {  	s23 =	sadd.s32 s11, s20;
	s5 =	sadd.s32 $0x13C00, s30;
	[tilespmem:s22+$0x0] =	vst.add.f32.msk $0xffff, v5  }
0x1a3: {  	s24 =	sadd.s32 s12, s20;
	s0 =	sadd.s32 s0, s5;
	[tilespmem:s23+$0x0] =	vst.add.f32.msk $0xffff, v3  }
0x1a4: {  	s10 =	simm.s32 $0x40;
	s2 =	sadd.s32 s2, s0;
	s31 =	sadd.s32 s12, s0;
	[tilespmem:s24+$0x0] =	vst.add.f32.msk $0xffff, v4  }
0x1a5: {  	s12 =	simm.s32 $0x200;
	s17 =	sadd.s32 s6, s0;
	s6 =	sadd.s32 s11, s0;
	[tilespmem:s2+$0x0] =	vst.add.f32.msk $0xffff, v6  }
.LBB2_11:
0x1a6: {  	s0 =	sand.u32 $0x1C00, s12  }
0x1a7: {  	p0 =	sne.s32 s10, $0x2C0;
	[tilespmem:s17+$0x0] =	vst.add.f32.msk $0xffff, v5;
	s2 =	smov.u32 s10;
	s10 =	sadd.s32 $0x40, s10  }
0x1a8: {  	s2 =	sand.u32 $0x40, s2;
	s4 =	sor.u32 s30, s0;
	s11 =	sadd.s32 s0, s29;
	[tilespmem:s6+$0x0] =	vst.add.f32.msk $0xffff, v3  }
0x1a9: {  	s6 =	sor.u32 s2, s4;
	s13 =	sor.u32 $0x10, s2;
	s14 =	sor.u32 $0x20, s2;
	[tilespmem:s31+$0x0] =	vst.add.f32.msk $0xffff, v4  }
0x1aa: {  	s16 =	sor.u32 $0x30, s2;
	s18 =	sadd.s32 s2, s11;
	v6 =	vld [tilespmem:s6+$0x400];
	s15 =	sor.u32 s13, s4  }
0x1ab: {  	s19 =	sor.u32 s14, s4;
	s20 =	sadd.s32 s13, s11;
	s21 =	sadd.s32 s14, s11;
	v5 =	vld [tilespmem:s15+$0x400]  }
0x1ac: {  	s17 =	sadd.s32 s0, s26;
	s4 =	sor.u32 s16, s4;
	s11 =	sadd.s32 s16, s11;
	v3 =	vld [tilespmem:s19+$0x400]  }
0x1ad: {  	s22 =	sadd.s32 s2, s17;
	s24 =	sadd.s32 s13, s17;
	s9 =	sadd.s32 s14, s17;
	v4 =	vld [tilespmem:s4+$0x400]  }
0x1ae: {  	s0 =	sadd.s32 s0, s5;
	s23 =	sadd.s32 s16, s17  }
0x1af: {  	s2 =	sadd.s32 s2, s0;
	s17 =	sadd.s32 s13, s0;
	[tilespmem:s6+$0xF400] =	vst.add.f32.msk $0xffff, v6;
	s6 =	sadd.s32 s14, s0  }
0x1b0: {  	s31 =	sadd.s32 s16, s0;
	[tilespmem:s15+$0xF400] =	vst.add.f32.msk $0xffff, v5  }
0x1b1: {  	[tilespmem:s19+$0xF400] =	vst.add.f32.msk $0xffff, v3  }
0x1b2: {  	[tilespmem:s4+$0xF400] =	vst.add.f32.msk $0xffff, v4  }
0x1b3: {  	[tilespmem:s18+$0x0] =	vst.add.f32.msk $0xffff, v6  }
0x1b4: {  	[tilespmem:s20+$0x0] =	vst.add.f32.msk $0xffff, v5  }
0x1b5: {  	[tilespmem:s21+$0x0] =	vst.add.f32.msk $0xffff, v3  }
0x1b6: {  	[tilespmem:s11+$0x0] =	vst.add.f32.msk $0xffff, v4  }
.Ltmp4:
0x1b7: {  	[tilespmem:s22+$0x0] =	vst.add.f32.msk $0xffff, v6;
	(pc) =	sbr.rel @p0 .LBB2_11-.Ltmp4, $4  }
0x1b8: {  	[tilespmem:s24+$0x0] =	vst.add.f32.msk $0xffff, v5  }
0x1b9: {  	[tilespmem:s9+$0x0] =	vst.add.f32.msk $0xffff, v3  }
0x1ba: {  	[tilespmem:s23+$0x0] =	vst.add.f32.msk $0xffff, v4  }
0x1bb: {  	s12 =	sadd.s32 $0x200, s12;
	[tilespmem:s2+$0x0] =	vst.add.f32.msk $0xffff, v6  }
0x1bc: {  	s28 =	sadd.s32 $0x1, s28  }
0x1bd: {  	p0 =	sne.s32 s28, $0x8  }
.Ltmp5:
0x1be: {  	_ = 	snop;
	(pc) =	sbr.rel @p0 .LBB2_10-.Ltmp5, $4  }
0x1bf: {  	_ = 	snop  }
0x1c0: {  	[tilespmem:s17+$0x0] =	vst.add.f32.msk $0xffff, v5  }
0x1c1: {  	[tilespmem:s6+$0x0] =	vst.add.f32.msk $0xffff, v3  }
0x1c2: {  	[tilespmem:s31+$0x0] =	vst.add.f32.msk $0xffff, v4  }
0x1c3: {  	s0 =	rddreg [dreg:$0x15]  }
0x1c4: {  	s25 =	simm.s32 $0x0;
	s2 =	simm.s32 $0xF400;
	s4 =	sld [smem:$0x7EC]  }
0x1c5: {  	[hbm4b:s0+s25] =	stream.linear.scatter [tilespmem:s2], [sflag:$0x7], $0x1800, $0x38;
	[tilespmem:$0x1B400] =	vst v63  }
0x1c6: {  	s5 =	simm.s32 $0x10C00;
	s6 =	sld [smem:$0x7ED]  }
0x1c7: {  	[hbm4b:s4+s25] =	stream.linear.scatter [tilespmem:s5], [sflag:$0x7], $0x1800, $0x38;
	[tilespmem:$0x1B400] =	vst v63  }
0x1c8: {  	s9 =	simm.s32 $0x12400;
	s10 =	sld [smem:$0x7EE]  }
0x1c9: {  	[hbm4b:s6+s25] =	stream.linear.scatter [tilespmem:s9], [sflag:$0x7], $0x1800, $0x38;
	[tilespmem:$0x1B400] =	vst v63  }
0x1ca: {  	s11 =	simm.s32 $0x13C00  }
0x1cb: {  	[hbm4b:s10+s25] =	stream.linear.scatter [tilespmem:s11], [sflag:$0x7], $0x1800, $0x38;
	[tilespmem:$0x1B400] =	vst v63  }
0x1cc: {  	s12 =	rddreg [dreg:$0x16];
	s13 =	simm.s32 $0x400;
	s14 =	simm.s32 $0x6  }
0x1cd: {  	[tilespmem:s13], [sflag:$0x9] =	stream.linear.gather [hbm4b:s12+s25], $0x1800, $0x38;
	[tilespmem:$0x1B400] =	vst v63  }
0x1ce: {  	_ =	swait.ge [sflag:s14], $0x1800  }
0x1cf: {  	[sflag:s14] =	ssyncset.done $0x0  }
0x1d0: {  	[sflag:s14] =	ssyncadd.s32 $0xFFFFE800  }
0x1d1: {  	_ =	swait.ge [sflag:s14], $0x1800  }
0x1d2: {  	[sflag:s14] =	ssyncset.done $0x0  }
0x1d3: {  	[sflag:s14] =	ssyncadd.s32 $0xFFFFE800  }
0x1d4: {  	_ =	swait.ge [sflag:s14], $0x1800  }
0x1d5: {  	[sflag:s14] =	ssyncset.done $0x0  }
0x1d6: {  	[sflag:s14] =	ssyncadd.s32 $0xFFFFE800  }
0x1d7: {  	_ =	swait.ge [sflag:s14], $0x1800  }
0x1d8: {  	[sflag:s14] =	ssyncset.done $0x0  }
0x1d9: {  	[sflag:s14] =	ssyncadd.s32 $0xFFFFE800  }
0x1da: {  	v3 =	vld [tilespmem:$0x280];
	_ =	sdelay $0x4  }
0x1db: {  	v4 =	vshrl.u32 v3, $0x3  }
0x1dc: {  	v4 =	vmul.u32 $0x30, v4  }
0x1dd: {  	v3 =	vand.u32 $0x7, v3  }
0x1de: {  	v3 =	vor.u32 v3, v4  }
0x1df: {  	v4 =	vperm.xlane v3, v0;
	_ =	sdelay $0x1  }
0x1e0: {  	v4 =	vadd.s32 v1, v4;
	_ =	sdelay $0x3  }
0x1e1: {  	s15 =	simm.s32 $0x9400;
	v3 =	vperm.xlane v3, v2  }
0x1e2: {  	[tilespmem:s15], [sflag:$0x2] =	stream.indirect_vreg.gather [hbm4b:s1+s25], $0x80, v4, vm0, $0xb8;
	[tilespmem:$0x1B400] =	vst v63  }
0x1e3: {  	s16 =	simm.s32 $0x9C00;
	v3 =	vadd.s32 v1, v3  }
0x1e4: {  	[tilespmem:s16], [sflag:$0x2] =	stream.indirect_vreg.gather [hbm4b:s7+s25], $0x80, v4, vm0, $0xb8;
	[tilespmem:$0x1B400] =	vst v63  }
0x1e5: {  	s17 =	simm.s32 $0xA400  }
0x1e6: {  	[tilespmem:s17], [sflag:$0x2] =	stream.indirect_vreg.gather [hbm4b:s8+s25], $0x80, v4, vm0, $0xb8;
	[tilespmem:$0x1B400] =	vst v63  }
0x1e7: {  	s18 =	simm.s32 $0xAC00  }
0x1e8: {  	[tilespmem:s18], [sflag:$0x2] =	stream.indirect_vreg.gather [hbm4b:s1+s25], $0x80, v3, vm0, $0xb8;
	[tilespmem:$0x1B400] =	vst v63  }
0x1e9: {  	s19 =	simm.s32 $0xB400  }
0x1ea: {  	[tilespmem:s19], [sflag:$0x2] =	stream.indirect_vreg.gather [hbm4b:s7+s25], $0x80, v3, vm0, $0xb8;
	[tilespmem:$0x1B400] =	vst v63  }
0x1eb: {  	s20 =	simm.s32 $0xBC00  }
0x1ec: {  	[tilespmem:s20], [sflag:$0x2] =	stream.indirect_vreg.gather [hbm4b:s8+s25], $0x80, v3, vm0, $0xb8;
	[tilespmem:$0x1B400] =	vst v63  }
0x1ed: {  	v3 =	vld [tilespmem:$0x290];
	_ =	sdelay $0x4  }
0x1ee: {  	v63 =	vshrl.u32 v3, $0x3  }
0x1ef: {  	v4 =	vmul.u32 $0x30, v63  }
0x1f0: {  	v3 =	vand.u32 $0x7, v3  }
0x1f1: {  	v3 =	vor.u32 v3, v4  }
0x1f2: {  	v4 =	vperm.xlane v3, v0;
	_ =	sdelay $0x1  }
0x1f3: {  	v4 =	vadd.s32 v1, v4;
	_ =	sdelay $0x3  }
0x1f4: {  	s21 =	simm.s32 $0xC400;
	v3 =	vperm.xlane v3, v2  }
0x1f5: {  	[tilespmem:s21], [sflag:$0x2] =	stream.indirect_vreg.gather [hbm4b:s1+s25], $0x80, v4, vm0, $0xb8;
	[tilespmem:$0x1B400] =	vst v63  }
0x1f6: {  	s22 =	simm.s32 $0xCC00;
	v3 =	vadd.s32 v1, v3  }
0x1f7: {  	[tilespmem:s22], [sflag:$0x2] =	stream.indirect_vreg.gather [hbm4b:s7+s25], $0x80, v4, vm0, $0xb8;
	[tilespmem:$0x1B400] =	vst v63  }
0x1f8: {  	s23 =	simm.s32 $0xD400  }
0x1f9: {  	[tilespmem:s23], [sflag:$0x2] =	stream.indirect_vreg.gather [hbm4b:s8+s25], $0x80, v4, vm0, $0xb8;
	[tilespmem:$0x1B400] =	vst v63  }
0x1fa: {  	s24 =	simm.s32 $0xDC00  }
0x1fb: {  	[tilespmem:s24], [sflag:$0x2] =	stream.indirect_vreg.gather [hbm4b:s1+s25], $0x80, v3, vm0, $0xb8;
	[tilespmem:$0x1B400] =	vst v63  }
0x1fc: {  	s26 =	simm.s32 $0xE400  }
0x1fd: {  	[tilespmem:s26], [sflag:$0x2] =	stream.indirect_vreg.gather [hbm4b:s7+s25], $0x80, v3, vm0, $0xb8;
	[tilespmem:$0x1B400] =	vst v63  }
0x1fe: {  	s29 =	simm.s32 $0xEC00;
	s30 =	simm.s32 $0x4  }
0x1ff: {  	[tilespmem:s29], [sflag:$0x2] =	stream.indirect_vreg.gather [hbm4b:s8+s25], $0x80, v3, vm0, $0xb8;
	[tilespmem:$0x1B400] =	vst v63  }
0x200: {  	_ =	swait.ge [sflag:s30], $0x6000  }
0x201: {  	[sflag:s30] =	ssyncset.done $0x0  }
0x202: {  	s31 =	simm.s32 $0xA;
	[sflag:s30] =	ssyncadd.s32 $0xFFFFA000  }
0x203: {  	_ =	swait.ge [sflag:s31], $0x1800  }
0x204: {  	[sflag:s31] =	ssyncset.done $0x0  }
0x205: {  	s28 =	simm.s32 $0x0;
	[sflag:s31] =	ssyncadd.s32 $0xFFFFE800  }
.LBB2_14:
0x206: {  	s0 =	sshll.u32 s28, $0x7  }
0x207: {  	s2 =	sadd.s32 $0x1C00, s0  }
0x208: {  	[dreg:$0x7] =	wrdreg s2  }
0x209: {  	s4 =	sand.u32 $0x1C00, s25;
	s2 =	rddreg [dreg:$0x7]  }
0x20a: {  	s6 =	sand.u32 $0x40, s25;
	s2 =	sadd.s32 s4, s2  }
0x20b: {  	s9 =	sor.u32 $0x10, s6;
	s12 =	sadd.s32 s6, s2  }
0x20c: {  	s5 =	sadd.s32 $0x15400, s0;
	s11 =	sor.u32 $0x20, s6;
	s13 =	sadd.s32 s9, s2;
	v3 =	vld [tilespmem:s12+$0x0]  }
0x20d: {  	[dreg:$0x8] =	wrdreg s5;
	s14 =	sadd.s32 s11, s2;
	s12 =	sor.u32 $0x30, s6;
	v4 =	vld [tilespmem:s13+$0x0]  }
0x20e: {  	s10 =	rddreg [dreg:$0x8];
	v6 =	vld [tilespmem:s14+$0x0];
	s2 =	sadd.s32 s12, s2  }
0x20f: {  	s15 =	sadd.s32 s4, s10;
	v5 =	vld [tilespmem:s2+$0x0]  }
0x210: {  	s16 =	sadd.s32 s6, s15  }
0x211: {  	s10 =	sadd.s32 s9, s15;
	[tilespmem:s16+$0x0] =	vst.add.f32.msk $0xffff, v3  }
0x212: {  	s30 =	sadd.s32 $0x16C00, s0;
	s17 =	sadd.s32 s11, s15;
	[tilespmem:s10+$0x0] =	vst.add.f32.msk $0xffff, v4  }
0x213: {  	s18 =	sadd.s32 s4, s30;
	s5 =	sadd.s32 s12, s15;
	[tilespmem:s17+$0x0] =	vst.add.f32.msk $0xffff, v6  }
0x214: {  	s19 =	sadd.s32 s6, s18;
	[tilespmem:s5+$0x0] =	vst.add.f32.msk $0xffff, v5  }
0x215: {  	s20 =	sadd.s32 s9, s18;
	[tilespmem:s19+$0x0] =	vst.add.f32.msk $0xffff, v3  }
0x216: {  	s29 =	sadd.s32 $0x18400, s0;
	s21 =	sadd.s32 s11, s18;
	[tilespmem:s20+$0x0] =	vst.add.f32.msk $0xffff, v4  }
0x217: {  	s26 =	sadd.s32 $0x19C00, s0;
	s13 =	sadd.s32 s4, s29;
	s10 =	sadd.s32 s12, s18;
	[tilespmem:s21+$0x0] =	vst.add.f32.msk $0xffff, v6  }
0x218: {  	s4 =	sadd.s32 s4, s26;
	s22 =	sadd.s32 s6, s13;
	[tilespmem:s10+$0x0] =	vst.add.f32.msk $0xffff, v5  }
0x219: {  	s23 =	sadd.s32 s9, s13;
	s24 =	sadd.s32 s11, s13;
	s31 =	sadd.s32 s9, s4;
	[tilespmem:s22+$0x0] =	vst.add.f32.msk $0xffff, v3  }
0x21a: {  	s17 =	sadd.s32 s12, s13;
	s12 =	sadd.s32 s12, s4;
	s5 =	simm.s32 $0x40;
	[tilespmem:s23+$0x0] =	vst.add.f32.msk $0xffff, v4  }
0x21b: {  	s19 =	sadd.s32 s6, s4;
	s6 =	sadd.s32 s11, s4;
	s10 =	simm.s32 $0x0;
	[tilespmem:s24+$0x0] =	vst.add.f32.msk $0xffff, v6  }
.LBB2_15:
0x21c: {  	[tilespmem:s17+$0x0] =	vst.add.f32.msk $0xffff, v5  }
0x21d: {  	s10 =	sadd.s32 $0x200, s10;
	[tilespmem:s19+$0x0] =	vst.add.f32.msk $0xffff, v3  }
0x21e: {  	s0 =	rddreg [dreg:$0x7];
	s2 =	smov.u32 s5;
	s4 =	sand.u32 $0x1C00, s10;
	[tilespmem:s31+$0x0] =	vst.add.f32.msk $0xffff, v4  }
0x21f: {  	s2 =	sand.u32 $0x40, s2;
	s0 =	sadd.s32 s4, s0;
	[tilespmem:s6+$0x0] =	vst.add.f32.msk $0xffff, v6  }
0x220: {  	s11 =	sor.u32 $0x10, s2;
	s21 =	sadd.s32 s2, s0;
	[tilespmem:s12+$0x0] =	vst.add.f32.msk $0xffff, v5  }
0x221: {  	s13 =	sor.u32 $0x30, s2;
	s22 =	sadd.s32 s11, s0;
	s12 =	sor.u32 $0x20, s2;
	v3 =	vld [tilespmem:s21+$0x0]  }
0x222: {  	s14 =	sadd.s32 s13, s0;
	v4 =	vld [tilespmem:s22+$0x0];
	s0 =	sadd.s32 s12, s0  }
0x223: {  	s9 =	rddreg [dreg:$0x8];
	v6 =	vld [tilespmem:s0+$0x0]  }
0x224: {  	s23 =	sadd.s32 s4, s9;
	v5 =	vld [tilespmem:s14+$0x0]  }
0x225: {  	s17 =	sadd.s32 s2, s23  }
0x226: {  	s15 =	sadd.s32 s11, s23;
	[tilespmem:s17+$0x0] =	vst.add.f32.msk $0xffff, v3  }
0x227: {  	s16 =	sadd.s32 s12, s23;
	[tilespmem:s15+$0x0] =	vst.add.f32.msk $0xffff, v4  }
0x228: {  	s24 =	sadd.s32 s4, s30;
	s14 =	sadd.s32 s13, s23;
	[tilespmem:s16+$0x0] =	vst.add.f32.msk $0xffff, v6  }
0x229: {  	s18 =	sadd.s32 s2, s24;
	[tilespmem:s14+$0x0] =	vst.add.f32.msk $0xffff, v5  }
0x22a: {  	s20 =	sadd.s32 s11, s24;
	[tilespmem:s18+$0x0] =	vst.add.f32.msk $0xffff, v3  }
0x22b: {  	p0 =	sne.s32 s5, $0x2C0;
	s21 =	sadd.s32 s12, s24;
	[tilespmem:s20+$0x0] =	vst.add.f32.msk $0xffff, v4  }
.Ltmp6:
0x22c: {  	s19 =	sadd.s32 s4, s29;
	s9 =	sadd.s32 s13, s24;
	[tilespmem:s21+$0x0] =	vst.add.f32.msk $0xffff, v6;
	(pc) =	sbr.rel @p0 .LBB2_15-.Ltmp6, $4  }
0x22d: {  	s24 =	sadd.s32 s2, s19;
	[tilespmem:s9+$0x0] =	vst.add.f32.msk $0xffff, v5  }
0x22e: {  	s5 =	sadd.s32 $0x40, s5;
	s4 =	sadd.s32 s4, s26;
	s22 =	sadd.s32 s11, s19;
	[tilespmem:s24+$0x0] =	vst.add.f32.msk $0xffff, v3  }
0x22f: {  	s31 =	sadd.s32 s11, s4;
	s23 =	sadd.s32 s12, s19;
	s6 =	sadd.s32 s12, s4;
	[tilespmem:s22+$0x0] =	vst.add.f32.msk $0xffff, v4  }
0x230: {  	s12 =	sadd.s32 s13, s4;
	s17 =	sadd.s32 s13, s19;
	s19 =	sadd.s32 s2, s4;
	[tilespmem:s23+$0x0] =	vst.add.f32.msk $0xffff, v6  }
0x231: {  	s28 =	sadd.s32 $0x1, s28  }
0x232: {  	p0 =	sne.s32 s28, $0x8  }
.Ltmp7:
0x233: {  	[tilespmem:s17+$0x0] =	vst.add.f32.msk $0xffff, v5;
	(pc) =	sbr.rel @p0 .LBB2_14-.Ltmp7, $4  }
0x234: {  	[tilespmem:s19+$0x0] =	vst.add.f32.msk $0xffff, v3  }
0x235: {  	[tilespmem:s31+$0x0] =	vst.add.f32.msk $0xffff, v4  }
0x236: {  	[tilespmem:s6+$0x0] =	vst.add.f32.msk $0xffff, v6  }
0x237: {  	[tilespmem:s12+$0x0] =	vst.add.f32.msk $0xffff, v5  }
0x238: {  	s0 =	rddreg [dreg:$0x17]  }
0x239: {  	s25 =	simm.s32 $0x0;
	s2 =	simm.s32 $0x15400;
	s4 =	sld [smem:$0x7EF]  }
0x23a: {  	[hbm4b:s0+s25] =	stream.linear.scatter [tilespmem:s2], [sflag:$0x8], $0x1800, $0x38;
	[tilespmem:$0x1B400] =	vst v63  }
0x23b: {  	s5 =	simm.s32 $0x16C00;
	s6 =	sld [smem:$0x7F0]  }
0x23c: {  	[hbm4b:s4+s25] =	stream.linear.scatter [tilespmem:s5], [sflag:$0x8], $0x1800, $0x38;
	[tilespmem:$0x1B400] =	vst v63  }
0x23d: {  	s9 =	simm.s32 $0x18400;
	s10 =	sld [smem:$0x7F1]  }
0x23e: {  	[hbm4b:s6+s25] =	stream.linear.scatter [tilespmem:s9], [sflag:$0x8], $0x1800, $0x38;
	[tilespmem:$0x1B400] =	vst v63  }
0x23f: {  	s11 =	simm.s32 $0x19C00  }
0x240: {  	[hbm4b:s10+s25] =	stream.linear.scatter [tilespmem:s11], [sflag:$0x8], $0x1800, $0x38;
	[tilespmem:$0x1B400] =	vst v63  }
0x241: {  	s12 =	rddreg [dreg:$0x18];
	s13 =	simm.s32 $0x1C00;
	s14 =	simm.s32 $0x7  }
0x242: {  	[tilespmem:s13], [sflag:$0xA] =	stream.linear.gather [hbm4b:s12+s25], $0x1800, $0x38;
	[tilespmem:$0x1B400] =	vst v63  }
0x243: {  	_ =	swait.ge [sflag:s14], $0x1800  }
0x244: {  	[sflag:s14] =	ssyncset.done $0x0  }
0x245: {  	[sflag:s14] =	ssyncadd.s32 $0xFFFFE800  }
0x246: {  	_ =	swait.ge [sflag:s14], $0x1800  }
0x247: {  	[sflag:s14] =	ssyncset.done $0x0  }
0x248: {  	[sflag:s14] =	ssyncadd.s32 $0xFFFFE800  }
0x249: {  	_ =	swait.ge [sflag:s14], $0x1800  }
0x24a: {  	[sflag:s14] =	ssyncset.done $0x0  }
0x24b: {  	[sflag:s14] =	ssyncadd.s32 $0xFFFFE800  }
0x24c: {  	_ =	swait.ge [sflag:s14], $0x1800  }
0x24d: {  	[sflag:s14] =	ssyncset.done $0x0  }
0x24e: {  	[sflag:s14] =	ssyncadd.s32 $0xFFFFE800  }
0x24f: {  	v3 =	vld [tilespmem:$0x300];
	_ =	sdelay $0x4  }
0x250: {  	v4 =	vshrl.u32 v3, $0x3  }
0x251: {  	v4 =	vmul.u32 $0x30, v4  }
0x252: {  	v3 =	vand.u32 $0x7, v3  }
0x253: {  	v3 =	vor.u32 v3, v4  }
0x254: {  	v4 =	vperm.xlane v3, v0;
	_ =	sdelay $0x1  }
0x255: {  	v4 =	vadd.s32 v1, v4;
	_ =	sdelay $0x3  }
0x256: {  	s15 =	simm.s32 $0xF400;
	v3 =	vperm.xlane v3, v2  }
0x257: {  	[tilespmem:s15], [sflag:$0x3] =	stream.indirect_vreg.gather [hbm4b:s1+s25], $0x80, v4, vm0, $0xb8;
	[tilespmem:$0x1B400] =	vst v63  }
0x258: {  	s16 =	simm.s32 $0xFC00;
	v3 =	vadd.s32 v1, v3  }
0x259: {  	[tilespmem:s16], [sflag:$0x3] =	stream.indirect_vreg.gather [hbm4b:s7+s25], $0x80, v4, vm0, $0xb8;
	[tilespmem:$0x1B400] =	vst v63  }
0x25a: {  	s17 =	simm.s32 $0x10400  }
0x25b: {  	[tilespmem:s17], [sflag:$0x3] =	stream.indirect_vreg.gather [hbm4b:s8+s25], $0x80, v4, vm0, $0xb8;
	[tilespmem:$0x1B400] =	vst v63  }
0x25c: {  	s18 =	simm.s32 $0x10C00  }
0x25d: {  	[tilespmem:s18], [sflag:$0x3] =	stream.indirect_vreg.gather [hbm4b:s1+s25], $0x80, v3, vm0, $0xb8;
	[tilespmem:$0x1B400] =	vst v63  }
0x25e: {  	s19 =	simm.s32 $0x11400  }
0x25f: {  	[tilespmem:s19], [sflag:$0x3] =	stream.indirect_vreg.gather [hbm4b:s7+s25], $0x80, v3, vm0, $0xb8;
	[tilespmem:$0x1B400] =	vst v63  }
0x260: {  	s20 =	simm.s32 $0x11C00  }
0x261: {  	[tilespmem:s20], [sflag:$0x3] =	stream.indirect_vreg.gather [hbm4b:s8+s25], $0x80, v3, vm0, $0xb8;
	[tilespmem:$0x1B400] =	vst v63  }
0x262: {  	v3 =	vld [tilespmem:$0x310];
	_ =	sdelay $0x4  }
0x263: {  	v63 =	vshrl.u32 v3, $0x3  }
0x264: {  	v4 =	vmul.u32 $0x30, v63  }
0x265: {  	v3 =	vand.u32 $0x7, v3  }
0x266: {  	v3 =	vor.u32 v3, v4  }
0x267: {  	v4 =	vperm.xlane v3, v0;
	_ =	sdelay $0x1  }
0x268: {  	v4 =	vadd.s32 v1, v4;
	_ =	sdelay $0x3  }
0x269: {  	s21 =	simm.s32 $0x12400;
	v3 =	vperm.xlane v3, v2  }
0x26a: {  	[tilespmem:s21], [sflag:$0x3] =	stream.indirect_vreg.gather [hbm4b:s1+s25], $0x80, v4, vm0, $0xb8;
	[tilespmem:$0x1B400] =	vst v63  }
0x26b: {  	s22 =	simm.s32 $0x12C00;
	v3 =	vadd.s32 v1, v3  }
0x26c: {  	[tilespmem:s22], [sflag:$0x3] =	stream.indirect_vreg.gather [hbm4b:s7+s25], $0x80, v4, vm0, $0xb8;
	[tilespmem:$0x1B400] =	vst v63  }
0x26d: {  	s23 =	simm.s32 $0x13400  }
0x26e: {  	[tilespmem:s23], [sflag:$0x3] =	stream.indirect_vreg.gather [hbm4b:s8+s25], $0x80, v4, vm0, $0xb8;
	[tilespmem:$0x1B400] =	vst v63  }
0x26f: {  	s24 =	simm.s32 $0x13C00  }
0x270: {  	[tilespmem:s24], [sflag:$0x3] =	stream.indirect_vreg.gather [hbm4b:s1+s25], $0x80, v3, vm0, $0xb8;
	[tilespmem:$0x1B400] =	vst v63  }
0x271: {  	s26 =	simm.s32 $0x14400  }
0x272: {  	[tilespmem:s26], [sflag:$0x3] =	stream.indirect_vreg.gather [hbm4b:s7+s25], $0x80, v3, vm0, $0xb8;
	[tilespmem:$0x1B400] =	vst v63  }
0x273: {  	s29 =	simm.s32 $0x14C00;
	s30 =	simm.s32 $0x1  }
0x274: {  	[tilespmem:s29], [sflag:$0x3] =	stream.indirect_vreg.gather [hbm4b:s8+s25], $0x80, v3, vm0, $0xb8;
	[tilespmem:$0x1B400] =	vst v63  }
0x275: {  	_ =	swait.ge [sflag:s30], $0x6000  }
0x276: {  	[sflag:s30] =	ssyncset.done $0x0  }
0x277: {  	s31 =	simm.s32 $0x9;
	[sflag:s30] =	ssyncadd.s32 $0xFFFFA000  }
0x278: {  	_ =	swait.ge [sflag:s31], $0x1800  }
0x279: {  	[sflag:s31] =	ssyncset.done $0x0  }
0x27a: {  	s28 =	simm.s32 $0x0;
	[sflag:s31] =	ssyncadd.s32 $0xFFFFE800  }
.LBB2_18:
0x27b: {  	s30 =	sshll.u32 s28, $0x7;
	s0 =	sand.u32 $0x1C00, s25  }
0x27c: {  	s2 =	sand.u32 $0x40, s25;
	s4 =	sor.u32 s30, s0  }
0x27d: {  	s6 =	sor.u32 $0x10, s2;
	s5 =	sor.u32 s2, s4  }
0x27e: {  	s9 =	sor.u32 $0x20, s2;
	s10 =	sor.u32 s6, s4;
	v6 =	vld [tilespmem:s5+$0x400]  }
0x27f: {  	s11 =	sor.u32 $0x30, s2;
	s12 =	sor.u32 s9, s4;
	v5 =	vld [tilespmem:s10+$0x400]  }
0x280: {  	s4 =	sor.u32 s11, s4;
	v3 =	vld [tilespmem:s12+$0x400]  }
0x281: {  	v4 =	vld [tilespmem:s4+$0x400];
	_ =	sdelay $0x1  }
0x282: {  	[tilespmem:s5+$0x3400] =	vst.add.f32.msk $0xffff, v6  }
0x283: {  	s29 =	sadd.s32 $0x4C00, s30;
	[tilespmem:s10+$0x3400] =	vst.add.f32.msk $0xffff, v5  }
0x284: {  	s15 =	sadd.s32 s0, s29;
	[tilespmem:s12+$0x3400] =	vst.add.f32.msk $0xffff, v3  }
0x285: {  	s16 =	sadd.s32 s2, s15;
	[tilespmem:s4+$0x3400] =	vst.add.f32.msk $0xffff, v4  }
0x286: {  	s17 =	sadd.s32 s6, s15;
	[tilespmem:s16+$0x0] =	vst.add.f32.msk $0xffff, v6  }
0x287: {  	s26 =	sadd.s32 $0x6400, s30;
	s18 =	sadd.s32 s9, s15;
	[tilespmem:s17+$0x0] =	vst.add.f32.msk $0xffff, v5  }
0x288: {  	s20 =	sadd.s32 s0, s26;
	s19 =	sadd.s32 s11, s15;
	[tilespmem:s18+$0x0] =	vst.add.f32.msk $0xffff, v3  }
0x289: {  	s21 =	sadd.s32 s2, s20;
	[tilespmem:s19+$0x0] =	vst.add.f32.msk $0xffff, v4  }
0x28a: {  	s22 =	sadd.s32 s6, s20;
	[tilespmem:s21+$0x0] =	vst.add.f32.msk $0xffff, v6  }
0x28b: {  	s23 =	sadd.s32 s9, s20;
	s5 =	sadd.s32 $0x7C00, s30;
	[tilespmem:s22+$0x0] =	vst.add.f32.msk $0xffff, v5  }
0x28c: {  	s24 =	sadd.s32 s11, s20;
	s0 =	sadd.s32 s0, s5;
	[tilespmem:s23+$0x0] =	vst.add.f32.msk $0xffff, v3  }
0x28d: {  	s10 =	simm.s32 $0x40;
	s2 =	sadd.s32 s2, s0;
	s31 =	sadd.s32 s11, s0;
	[tilespmem:s24+$0x0] =	vst.add.f32.msk $0xffff, v4  }
0x28e: {  	s12 =	simm.s32 $0x200;
	s17 =	sadd.s32 s6, s0;
	s6 =	sadd.s32 s9, s0;
	[tilespmem:s2+$0x0] =	vst.add.f32.msk $0xffff, v6  }
.LBB2_19:
0x28f: {  	s0 =	sand.u32 $0x1C00, s12  }
0x290: {  	p0 =	sne.s32 s10, $0x2C0;
	[tilespmem:s17+$0x0] =	vst.add.f32.msk $0xffff, v5;
	s2 =	smov.u32 s10;
	s10 =	sadd.s32 $0x40, s10  }
0x291: {  	s2 =	sand.u32 $0x40, s2;
	s4 =	sor.u32 s30, s0;
	s9 =	sadd.s32 s0, s29;
	[tilespmem:s6+$0x0] =	vst.add.f32.msk $0xffff, v3  }
0x292: {  	s6 =	sor.u32 s2, s4;
	s11 =	sor.u32 $0x10, s2;
	s13 =	sor.u32 $0x20, s2;
	[tilespmem:s31+$0x0] =	vst.add.f32.msk $0xffff, v4  }
0x293: {  	s15 =	sor.u32 $0x30, s2;
	s16 =	sadd.s32 s2, s9;
	v6 =	vld [tilespmem:s6+$0x400];
	s14 =	sor.u32 s11, s4  }
0x294: {  	s18 =	sor.u32 s13, s4;
	s19 =	sadd.s32 s11, s9;
	s20 =	sadd.s32 s13, s9;
	v5 =	vld [tilespmem:s14+$0x400]  }
0x295: {  	s17 =	sadd.s32 s0, s26;
	s4 =	sor.u32 s15, s4;
	s9 =	sadd.s32 s15, s9;
	v3 =	vld [tilespmem:s18+$0x400]  }
0x296: {  	s21 =	sadd.s32 s2, s17;
	s22 =	sadd.s32 s11, s17;
	s23 =	sadd.s32 s13, s17;
	v4 =	vld [tilespmem:s4+$0x400]  }
0x297: {  	s0 =	sadd.s32 s0, s5;
	s24 =	sadd.s32 s15, s17  }
0x298: {  	s2 =	sadd.s32 s2, s0;
	s17 =	sadd.s32 s11, s0;
	[tilespmem:s6+$0x3400] =	vst.add.f32.msk $0xffff, v6;
	s6 =	sadd.s32 s13, s0  }
0x299: {  	s31 =	sadd.s32 s15, s0;
	[tilespmem:s14+$0x3400] =	vst.add.f32.msk $0xffff, v5  }
0x29a: {  	[tilespmem:s18+$0x3400] =	vst.add.f32.msk $0xffff, v3  }
0x29b: {  	[tilespmem:s4+$0x3400] =	vst.add.f32.msk $0xffff, v4  }
0x29c: {  	[tilespmem:s16+$0x0] =	vst.add.f32.msk $0xffff, v6  }
0x29d: {  	[tilespmem:s19+$0x0] =	vst.add.f32.msk $0xffff, v5  }
0x29e: {  	[tilespmem:s20+$0x0] =	vst.add.f32.msk $0xffff, v3  }
0x29f: {  	[tilespmem:s9+$0x0] =	vst.add.f32.msk $0xffff, v4  }
.Ltmp8:
0x2a0: {  	[tilespmem:s21+$0x0] =	vst.add.f32.msk $0xffff, v6;
	(pc) =	sbr.rel @p0 .LBB2_19-.Ltmp8, $4  }
0x2a1: {  	[tilespmem:s22+$0x0] =	vst.add.f32.msk $0xffff, v5  }
0x2a2: {  	[tilespmem:s23+$0x0] =	vst.add.f32.msk $0xffff, v3  }
0x2a3: {  	[tilespmem:s24+$0x0] =	vst.add.f32.msk $0xffff, v4  }
0x2a4: {  	s12 =	sadd.s32 $0x200, s12;
	[tilespmem:s2+$0x0] =	vst.add.f32.msk $0xffff, v6  }
0x2a5: {  	s28 =	sadd.s32 $0x1, s28  }
0x2a6: {  	p0 =	sne.s32 s28, $0x8  }
.Ltmp9:
0x2a7: {  	_ = 	snop;
	(pc) =	sbr.rel @p0 .LBB2_18-.Ltmp9, $4  }
0x2a8: {  	_ = 	snop  }
0x2a9: {  	[tilespmem:s17+$0x0] =	vst.add.f32.msk $0xffff, v5  }
0x2aa: {  	[tilespmem:s6+$0x0] =	vst.add.f32.msk $0xffff, v3  }
0x2ab: {  	[tilespmem:s31+$0x0] =	vst.add.f32.msk $0xffff, v4  }
0x2ac: {  	s0 =	rddreg [dreg:$0x19]  }
0x2ad: {  	s25 =	simm.s32 $0x0;
	s2 =	simm.s32 $0x3400;
	s4 =	sld [smem:$0x7F2]  }
0x2ae: {  	[hbm4b:s0+s25] =	stream.linear.scatter [tilespmem:s2], [sflag:$0x5], $0x1800, $0x38;
	[tilespmem:$0x1B400] =	vst v63  }
0x2af: {  	s5 =	simm.s32 $0x4C00;
	s6 =	sld [smem:$0x7F3]  }
0x2b0: {  	[hbm4b:s4+s25] =	stream.linear.scatter [tilespmem:s5], [sflag:$0x5], $0x1800, $0x38;
	[tilespmem:$0x1B400] =	vst v63  }
0x2b1: {  	s9 =	simm.s32 $0x6400;
	s10 =	sld [smem:$0x7F4]  }
0x2b2: {  	[hbm4b:s6+s25] =	stream.linear.scatter [tilespmem:s9], [sflag:$0x5], $0x1800, $0x38;
	[tilespmem:$0x1B400] =	vst v63  }
0x2b3: {  	s11 =	simm.s32 $0x7C00  }
0x2b4: {  	[hbm4b:s10+s25] =	stream.linear.scatter [tilespmem:s11], [sflag:$0x5], $0x1800, $0x38;
	[tilespmem:$0x1B400] =	vst v63  }
0x2b5: {  	s12 =	rddreg [dreg:$0x1a];
	s13 =	simm.s32 $0x400;
	s14 =	simm.s32 $0x8  }
0x2b6: {  	[tilespmem:s13], [sflag:$0x9] =	stream.linear.gather [hbm4b:s12+s25], $0x1800, $0x38;
	[tilespmem:$0x1B400] =	vst v63  }
0x2b7: {  	_ =	swait.ge [sflag:s14], $0x1800  }
0x2b8: {  	[sflag:s14] =	ssyncset.done $0x0  }
0x2b9: {  	[sflag:s14] =	ssyncadd.s32 $0xFFFFE800  }
0x2ba: {  	_ =	swait.ge [sflag:s14], $0x1800  }
0x2bb: {  	[sflag:s14] =	ssyncset.done $0x0  }
0x2bc: {  	[sflag:s14] =	ssyncadd.s32 $0xFFFFE800  }
0x2bd: {  	_ =	swait.ge [sflag:s14], $0x1800  }
0x2be: {  	[sflag:s14] =	ssyncset.done $0x0  }
0x2bf: {  	[sflag:s14] =	ssyncadd.s32 $0xFFFFE800  }
0x2c0: {  	_ =	swait.ge [sflag:s14], $0x1800  }
0x2c1: {  	[sflag:s14] =	ssyncset.done $0x0  }
0x2c2: {  	[sflag:s14] =	ssyncadd.s32 $0xFFFFE800  }
0x2c3: {  	v3 =	vld [tilespmem:$0x380];
	_ =	sdelay $0x4  }
0x2c4: {  	v4 =	vshrl.u32 v3, $0x3  }
0x2c5: {  	v4 =	vmul.u32 $0x30, v4  }
0x2c6: {  	v3 =	vand.u32 $0x7, v3  }
0x2c7: {  	v3 =	vor.u32 v3, v4  }
0x2c8: {  	v4 =	vperm.xlane v3, v0;
	_ =	sdelay $0x1  }
0x2c9: {  	v4 =	vadd.s32 v1, v4;
	_ =	sdelay $0x3  }
0x2ca: {  	s15 =	simm.s32 $0x15400;
	v3 =	vperm.xlane v3, v2  }
0x2cb: {  	[tilespmem:s15], [sflag:$0x4] =	stream.indirect_vreg.gather [hbm4b:s1+s25], $0x80, v4, vm0, $0xb8;
	[tilespmem:$0x1B400] =	vst v63  }
0x2cc: {  	s16 =	simm.s32 $0x15C00;
	v3 =	vadd.s32 v1, v3  }
0x2cd: {  	[tilespmem:s16], [sflag:$0x4] =	stream.indirect_vreg.gather [hbm4b:s7+s25], $0x80, v4, vm0, $0xb8;
	[tilespmem:$0x1B400] =	vst v63  }
0x2ce: {  	s17 =	simm.s32 $0x16400  }
0x2cf: {  	[tilespmem:s17], [sflag:$0x4] =	stream.indirect_vreg.gather [hbm4b:s8+s25], $0x80, v4, vm0, $0xb8;
	[tilespmem:$0x1B400] =	vst v63  }
0x2d0: {  	s18 =	simm.s32 $0x16C00  }
0x2d1: {  	[tilespmem:s18], [sflag:$0x4] =	stream.indirect_vreg.gather [hbm4b:s1+s25], $0x80, v3, vm0, $0xb8;
	[tilespmem:$0x1B400] =	vst v63  }
0x2d2: {  	s19 =	simm.s32 $0x17400  }
0x2d3: {  	[tilespmem:s19], [sflag:$0x4] =	stream.indirect_vreg.gather [hbm4b:s7+s25], $0x80, v3, vm0, $0xb8;
	[tilespmem:$0x1B400] =	vst v63  }
0x2d4: {  	s20 =	simm.s32 $0x17C00  }
0x2d5: {  	[tilespmem:s20], [sflag:$0x4] =	stream.indirect_vreg.gather [hbm4b:s8+s25], $0x80, v3, vm0, $0xb8;
	[tilespmem:$0x1B400] =	vst v63  }
0x2d6: {  	v3 =	vld [tilespmem:$0x390];
	_ =	sdelay $0x4  }
0x2d7: {  	v63 =	vshrl.u32 v3, $0x3  }
0x2d8: {  	v4 =	vmul.u32 $0x30, v63  }
0x2d9: {  	v3 =	vand.u32 $0x7, v3  }
0x2da: {  	v3 =	vor.u32 v3, v4  }
0x2db: {  	v4 =	vperm.xlane v3, v0;
	_ =	sdelay $0x1  }
0x2dc: {  	v4 =	vadd.s32 v1, v4;
	_ =	sdelay $0x3  }
0x2dd: {  	s21 =	simm.s32 $0x18400;
	v3 =	vperm.xlane v3, v2  }
0x2de: {  	[tilespmem:s21], [sflag:$0x4] =	stream.indirect_vreg.gather [hbm4b:s1+s25], $0x80, v4, vm0, $0xb8;
	[tilespmem:$0x1B400] =	vst v63  }
0x2df: {  	s22 =	simm.s32 $0x18C00;
	v3 =	vadd.s32 v1, v3  }
0x2e0: {  	[tilespmem:s22], [sflag:$0x4] =	stream.indirect_vreg.gather [hbm4b:s7+s25], $0x80, v4, vm0, $0xb8;
	[tilespmem:$0x1B400] =	vst v63  }
0x2e1: {  	s23 =	simm.s32 $0x19400  }
0x2e2: {  	[tilespmem:s23], [sflag:$0x4] =	stream.indirect_vreg.gather [hbm4b:s8+s25], $0x80, v4, vm0, $0xb8;
	[tilespmem:$0x1B400] =	vst v63  }
0x2e3: {  	s24 =	simm.s32 $0x19C00  }
0x2e4: {  	[tilespmem:s24], [sflag:$0x4] =	stream.indirect_vreg.gather [hbm4b:s1+s25], $0x80, v3, vm0, $0xb8;
	[tilespmem:$0x1B400] =	vst v63  }
0x2e5: {  	s26 =	simm.s32 $0x1A400  }
0x2e6: {  	[tilespmem:s26], [sflag:$0x4] =	stream.indirect_vreg.gather [hbm4b:s7+s25], $0x80, v3, vm0, $0xb8;
	[tilespmem:$0x1B400] =	vst v63  }
0x2e7: {  	s29 =	simm.s32 $0x1AC00;
	s30 =	simm.s32 $0x2  }
0x2e8: {  	[tilespmem:s29], [sflag:$0x4] =	stream.indirect_vreg.gather [hbm4b:s8+s25], $0x80, v3, vm0, $0xb8;
	[tilespmem:$0x1B400] =	vst v63  }
0x2e9: {  	_ =	swait.ge [sflag:s30], $0x6000  }
0x2ea: {  	[sflag:s30] =	ssyncset.done $0x0  }
0x2eb: {  	s31 =	simm.s32 $0xA;
	[sflag:s30] =	ssyncadd.s32 $0xFFFFA000  }
0x2ec: {  	_ =	swait.ge [sflag:s31], $0x1800  }
0x2ed: {  	[sflag:s31] =	ssyncset.done $0x0  }
0x2ee: {  	s28 =	simm.s32 $0x0;
	[sflag:s31] =	ssyncadd.s32 $0xFFFFE800  }
.LBB2_22:
0x2ef: {  	s0 =	sshll.u32 s28, $0x7  }
0x2f0: {  	s2 =	sadd.s32 $0x1C00, s0  }
0x2f1: {  	[dreg:$0x9] =	wrdreg s2  }
0x2f2: {  	s4 =	sand.u32 $0x1C00, s25;
	s2 =	rddreg [dreg:$0x9]  }
0x2f3: {  	s6 =	sand.u32 $0x40, s25;
	s2 =	sadd.s32 s4, s2  }
0x2f4: {  	s9 =	sor.u32 $0x10, s6;
	s12 =	sadd.s32 s6, s2  }
0x2f5: {  	s5 =	sadd.s32 $0x9400, s0;
	s11 =	sor.u32 $0x20, s6;
	s13 =	sadd.s32 s9, s2;
	v3 =	vld [tilespmem:s12+$0x0]  }
0x2f6: {  	[dreg:$0xa] =	wrdreg s5;
	s14 =	sadd.s32 s11, s2;
	s12 =	sor.u32 $0x30, s6;
	v4 =	vld [tilespmem:s13+$0x0]  }
0x2f7: {  	s10 =	rddreg [dreg:$0xa];
	v6 =	vld [tilespmem:s14+$0x0];
	s2 =	sadd.s32 s12, s2  }
0x2f8: {  	s15 =	sadd.s32 s4, s10;
	v5 =	vld [tilespmem:s2+$0x0]  }
0x2f9: {  	s16 =	sadd.s32 s6, s15  }
0x2fa: {  	s10 =	sadd.s32 s9, s15;
	[tilespmem:s16+$0x0] =	vst.add.f32.msk $0xffff, v3  }
0x2fb: {  	s30 =	sadd.s32 $0xAC00, s0;
	s17 =	sadd.s32 s11, s15;
	[tilespmem:s10+$0x0] =	vst.add.f32.msk $0xffff, v4  }
0x2fc: {  	s18 =	sadd.s32 s4, s30;
	s5 =	sadd.s32 s12, s15;
	[tilespmem:s17+$0x0] =	vst.add.f32.msk $0xffff, v6  }
0x2fd: {  	s19 =	sadd.s32 s6, s18;
	[tilespmem:s5+$0x0] =	vst.add.f32.msk $0xffff, v5  }
0x2fe: {  	s20 =	sadd.s32 s9, s18;
	[tilespmem:s19+$0x0] =	vst.add.f32.msk $0xffff, v3  }
0x2ff: {  	s29 =	sadd.s32 $0xC400, s0;
	s21 =	sadd.s32 s11, s18;
	[tilespmem:s20+$0x0] =	vst.add.f32.msk $0xffff, v4  }
0x300: {  	s26 =	sadd.s32 $0xDC00, s0;
	s13 =	sadd.s32 s4, s29;
	s10 =	sadd.s32 s12, s18;
	[tilespmem:s21+$0x0] =	vst.add.f32.msk $0xffff, v6  }
0x301: {  	s4 =	sadd.s32 s4, s26;
	s22 =	sadd.s32 s6, s13;
	[tilespmem:s10+$0x0] =	vst.add.f32.msk $0xffff, v5  }
0x302: {  	s23 =	sadd.s32 s9, s13;
	s24 =	sadd.s32 s11, s13;
	s31 =	sadd.s32 s9, s4;
	[tilespmem:s22+$0x0] =	vst.add.f32.msk $0xffff, v3  }
0x303: {  	s17 =	sadd.s32 s12, s13;
	s12 =	sadd.s32 s12, s4;
	s5 =	simm.s32 $0x40;
	[tilespmem:s23+$0x0] =	vst.add.f32.msk $0xffff, v4  }
0x304: {  	s19 =	sadd.s32 s6, s4;
	s6 =	sadd.s32 s11, s4;
	s10 =	simm.s32 $0x0;
	[tilespmem:s24+$0x0] =	vst.add.f32.msk $0xffff, v6  }
.LBB2_23:
0x305: {  	[tilespmem:s17+$0x0] =	vst.add.f32.msk $0xffff, v5  }
0x306: {  	s10 =	sadd.s32 $0x200, s10;
	[tilespmem:s19+$0x0] =	vst.add.f32.msk $0xffff, v3  }
0x307: {  	s0 =	rddreg [dreg:$0x9];
	s2 =	smov.u32 s5;
	s4 =	sand.u32 $0x1C00, s10;
	[tilespmem:s31+$0x0] =	vst.add.f32.msk $0xffff, v4  }
0x308: {  	s2 =	sand.u32 $0x40, s2;
	s0 =	sadd.s32 s4, s0;
	[tilespmem:s6+$0x0] =	vst.add.f32.msk $0xffff, v6  }
0x309: {  	s11 =	sor.u32 $0x10, s2;
	s21 =	sadd.s32 s2, s0;
	[tilespmem:s12+$0x0] =	vst.add.f32.msk $0xffff, v5  }
0x30a: {  	s13 =	sor.u32 $0x30, s2;
	s22 =	sadd.s32 s11, s0;
	s12 =	sor.u32 $0x20, s2;
	v3 =	vld [tilespmem:s21+$0x0]  }
0x30b: {  	s14 =	sadd.s32 s13, s0;
	v4 =	vld [tilespmem:s22+$0x0];
	s0 =	sadd.s32 s12, s0  }
0x30c: {  	s9 =	rddreg [dreg:$0xa];
	v6 =	vld [tilespmem:s0+$0x0]  }
0x30d: {  	s23 =	sadd.s32 s4, s9;
	v5 =	vld [tilespmem:s14+$0x0]  }
0x30e: {  	s17 =	sadd.s32 s2, s23  }
0x30f: {  	s15 =	sadd.s32 s11, s23;
	[tilespmem:s17+$0x0] =	vst.add.f32.msk $0xffff, v3  }
0x310: {  	s16 =	sadd.s32 s12, s23;
	[tilespmem:s15+$0x0] =	vst.add.f32.msk $0xffff, v4  }
0x311: {  	s24 =	sadd.s32 s4, s30;
	s14 =	sadd.s32 s13, s23;
	[tilespmem:s16+$0x0] =	vst.add.f32.msk $0xffff, v6  }
0x312: {  	s18 =	sadd.s32 s2, s24;
	[tilespmem:s14+$0x0] =	vst.add.f32.msk $0xffff, v5  }
0x313: {  	s20 =	sadd.s32 s11, s24;
	[tilespmem:s18+$0x0] =	vst.add.f32.msk $0xffff, v3  }
0x314: {  	p0 =	sne.s32 s5, $0x2C0;
	s21 =	sadd.s32 s12, s24;
	[tilespmem:s20+$0x0] =	vst.add.f32.msk $0xffff, v4  }
.Ltmp10:
0x315: {  	s19 =	sadd.s32 s4, s29;
	s9 =	sadd.s32 s13, s24;
	[tilespmem:s21+$0x0] =	vst.add.f32.msk $0xffff, v6;
	(pc) =	sbr.rel @p0 .LBB2_23-.Ltmp10, $4  }
0x316: {  	s24 =	sadd.s32 s2, s19;
	[tilespmem:s9+$0x0] =	vst.add.f32.msk $0xffff, v5  }
0x317: {  	s5 =	sadd.s32 $0x40, s5;
	s4 =	sadd.s32 s4, s26;
	s22 =	sadd.s32 s11, s19;
	[tilespmem:s24+$0x0] =	vst.add.f32.msk $0xffff, v3  }
0x318: {  	s31 =	sadd.s32 s11, s4;
	s23 =	sadd.s32 s12, s19;
	s6 =	sadd.s32 s12, s4;
	[tilespmem:s22+$0x0] =	vst.add.f32.msk $0xffff, v4  }
0x319: {  	s12 =	sadd.s32 s13, s4;
	s17 =	sadd.s32 s13, s19;
	s19 =	sadd.s32 s2, s4;
	[tilespmem:s23+$0x0] =	vst.add.f32.msk $0xffff, v6  }
0x31a: {  	s28 =	sadd.s32 $0x1, s28  }
0x31b: {  	p0 =	sne.s32 s28, $0x8  }
.Ltmp11:
0x31c: {  	[tilespmem:s17+$0x0] =	vst.add.f32.msk $0xffff, v5;
	(pc) =	sbr.rel @p0 .LBB2_22-.Ltmp11, $4  }
0x31d: {  	[tilespmem:s19+$0x0] =	vst.add.f32.msk $0xffff, v3  }
0x31e: {  	[tilespmem:s31+$0x0] =	vst.add.f32.msk $0xffff, v4  }
0x31f: {  	[tilespmem:s6+$0x0] =	vst.add.f32.msk $0xffff, v6  }
0x320: {  	[tilespmem:s12+$0x0] =	vst.add.f32.msk $0xffff, v5  }
0x321: {  	s0 =	rddreg [dreg:$0x1b]  }
0x322: {  	s25 =	simm.s32 $0x0;
	s2 =	simm.s32 $0x9400;
	s19 =	sld [smem:$0x7F5]  }
0x323: {  	[hbm4b:s0+s25] =	stream.linear.scatter [tilespmem:s2], [sflag:$0x6], $0x1800, $0x38;
	[tilespmem:$0x1B400] =	vst v63  }
0x324: {  	s20 =	simm.s32 $0xAC00;
	s21 =	sld [smem:$0x7F6]  }
0x325: {  	[hbm4b:s19+s25] =	stream.linear.scatter [tilespmem:s20], [sflag:$0x6], $0x1800, $0x38;
	[tilespmem:$0x1B400] =	vst v63  }
0x326: {  	s22 =	simm.s32 $0xC400;
	s23 =	sld [smem:$0x7F7]  }
0x327: {  	[hbm4b:s21+s25] =	stream.linear.scatter [tilespmem:s22], [sflag:$0x6], $0x1800, $0x38;
	[tilespmem:$0x1B400] =	vst v63  }
0x328: {  	s24 =	simm.s32 $0xDC00  }
0x329: {  	[hbm4b:s23+s25] =	stream.linear.scatter [tilespmem:s24], [sflag:$0x6], $0x1800, $0x38;
	[tilespmem:$0x1B400] =	vst v63  }
0x32a: {  	s26 =	rddreg [dreg:$0x1c];
	s29 =	simm.s32 $0x1C00;
	s30 =	simm.s32 $0x3  }
0x32b: {  	[tilespmem:s29], [sflag:$0xA] =	stream.linear.gather [hbm4b:s26+s25], $0x1800, $0x38;
	[tilespmem:$0x1B400] =	vst v63  }
0x32c: {  	_ =	swait.ge [sflag:s30], $0x6000  }
0x32d: {  	[sflag:s30] =	ssyncset.done $0x0  }
0x32e: {  	s31 =	simm.s32 $0x9;
	[sflag:s30] =	ssyncadd.s32 $0xFFFFA000  }
0x32f: {  	_ =	swait.ge [sflag:s31], $0x1800  }
0x330: {  	[sflag:s31] =	ssyncset.done $0x0  }
0x331: {  	s28 =	simm.s32 $0x0;
	[sflag:s31] =	ssyncadd.s32 $0xFFFFE800  }
.LBB2_26:
0x332: {  	s30 =	sshll.u32 s28, $0x7;
	s0 =	sand.u32 $0x1C00, s25  }
0x333: {  	s2 =	sand.u32 $0x40, s25;
	s4 =	sor.u32 s30, s0  }
0x334: {  	s6 =	sor.u32 $0x10, s2;
	s5 =	sor.u32 s2, s4  }
0x335: {  	s9 =	sor.u32 $0x20, s2;
	s10 =	sor.u32 s6, s4;
	v6 =	vld [tilespmem:s5+$0x400]  }
0x336: {  	s11 =	sor.u32 $0x30, s2;
	s12 =	sor.u32 s9, s4;
	v5 =	vld [tilespmem:s10+$0x400]  }
0x337: {  	s4 =	sor.u32 s11, s4;
	v3 =	vld [tilespmem:s12+$0x400]  }
0x338: {  	v4 =	vld [tilespmem:s4+$0x400];
	_ =	sdelay $0x1  }
0x339: {  	[tilespmem:s5+$0xF400] =	vst.add.f32.msk $0xffff, v6  }
0x33a: {  	s29 =	sadd.s32 $0x10C00, s30;
	[tilespmem:s10+$0xF400] =	vst.add.f32.msk $0xffff, v5  }
0x33b: {  	s15 =	sadd.s32 s0, s29;
	[tilespmem:s12+$0xF400] =	vst.add.f32.msk $0xffff, v3  }
0x33c: {  	s16 =	sadd.s32 s2, s15;
	[tilespmem:s4+$0xF400] =	vst.add.f32.msk $0xffff, v4  }
0x33d: {  	s17 =	sadd.s32 s6, s15;
	[tilespmem:s16+$0x0] =	vst.add.f32.msk $0xffff, v6  }
0x33e: {  	s26 =	sadd.s32 $0x12400, s30;
	s18 =	sadd.s32 s9, s15;
	[tilespmem:s17+$0x0] =	vst.add.f32.msk $0xffff, v5  }
0x33f: {  	s20 =	sadd.s32 s0, s26;
	s19 =	sadd.s32 s11, s15;
	[tilespmem:s18+$0x0] =	vst.add.f32.msk $0xffff, v3  }
0x340: {  	s21 =	sadd.s32 s2, s20;
	[tilespmem:s19+$0x0] =	vst.add.f32.msk $0xffff, v4  }
0x341: {  	s22 =	sadd.s32 s6, s20;
	[tilespmem:s21+$0x0] =	vst.add.f32.msk $0xffff, v6  }
0x342: {  	s23 =	sadd.s32 s9, s20;
	s5 =	sadd.s32 $0x13C00, s30;
	[tilespmem:s22+$0x0] =	vst.add.f32.msk $0xffff, v5  }
0x343: {  	s24 =	sadd.s32 s11, s20;
	s0 =	sadd.s32 s0, s5;
	[tilespmem:s23+$0x0] =	vst.add.f32.msk $0xffff, v3  }
0x344: {  	s10 =	simm.s32 $0x40;
	s2 =	sadd.s32 s2, s0;
	s31 =	sadd.s32 s11, s0;
	[tilespmem:s24+$0x0] =	vst.add.f32.msk $0xffff, v4  }
0x345: {  	s12 =	simm.s32 $0x200;
	s17 =	sadd.s32 s6, s0;
	s6 =	sadd.s32 s9, s0;
	[tilespmem:s2+$0x0] =	vst.add.f32.msk $0xffff, v6  }
.LBB2_27:
0x346: {  	s0 =	sand.u32 $0x1C00, s12  }
0x347: {  	p0 =	sne.s32 s10, $0x2C0;
	[tilespmem:s17+$0x0] =	vst.add.f32.msk $0xffff, v5;
	s2 =	smov.u32 s10;
	s10 =	sadd.s32 $0x40, s10  }
0x348: {  	s2 =	sand.u32 $0x40, s2;
	s4 =	sor.u32 s30, s0;
	s9 =	sadd.s32 s0, s29;
	[tilespmem:s6+$0x0] =	vst.add.f32.msk $0xffff, v3  }
0x349: {  	s6 =	sor.u32 s2, s4;
	s11 =	sor.u32 $0x10, s2;
	s13 =	sor.u32 $0x20, s2;
	[tilespmem:s31+$0x0] =	vst.add.f32.msk $0xffff, v4  }
0x34a: {  	s15 =	sor.u32 $0x30, s2;
	s16 =	sadd.s32 s2, s9;
	v6 =	vld [tilespmem:s6+$0x400];
	s14 =	sor.u32 s11, s4  }
0x34b: {  	s18 =	sor.u32 s13, s4;
	s19 =	sadd.s32 s11, s9;
	s20 =	sadd.s32 s13, s9;
	v5 =	vld [tilespmem:s14+$0x400]  }
0x34c: {  	s17 =	sadd.s32 s0, s26;
	s4 =	sor.u32 s15, s4;
	s9 =	sadd.s32 s15, s9;
	v3 =	vld [tilespmem:s18+$0x400]  }
0x34d: {  	s21 =	sadd.s32 s2, s17;
	s22 =	sadd.s32 s11, s17;
	s23 =	sadd.s32 s13, s17;
	v4 =	vld [tilespmem:s4+$0x400]  }
0x34e: {  	s0 =	sadd.s32 s0, s5;
	s24 =	sadd.s32 s15, s17  }
0x34f: {  	s2 =	sadd.s32 s2, s0;
	s17 =	sadd.s32 s11, s0;
	[tilespmem:s6+$0xF400] =	vst.add.f32.msk $0xffff, v6;
	s6 =	sadd.s32 s13, s0  }
0x350: {  	s31 =	sadd.s32 s15, s0;
	[tilespmem:s14+$0xF400] =	vst.add.f32.msk $0xffff, v5  }
0x351: {  	[tilespmem:s18+$0xF400] =	vst.add.f32.msk $0xffff, v3  }
0x352: {  	[tilespmem:s4+$0xF400] =	vst.add.f32.msk $0xffff, v4  }
0x353: {  	[tilespmem:s16+$0x0] =	vst.add.f32.msk $0xffff, v6  }
0x354: {  	[tilespmem:s19+$0x0] =	vst.add.f32.msk $0xffff, v5  }
0x355: {  	[tilespmem:s20+$0x0] =	vst.add.f32.msk $0xffff, v3  }
0x356: {  	[tilespmem:s9+$0x0] =	vst.add.f32.msk $0xffff, v4  }
.Ltmp12:
0x357: {  	[tilespmem:s21+$0x0] =	vst.add.f32.msk $0xffff, v6;
	(pc) =	sbr.rel @p0 .LBB2_27-.Ltmp12, $4  }
0x358: {  	[tilespmem:s22+$0x0] =	vst.add.f32.msk $0xffff, v5  }
0x359: {  	[tilespmem:s23+$0x0] =	vst.add.f32.msk $0xffff, v3  }
0x35a: {  	[tilespmem:s24+$0x0] =	vst.add.f32.msk $0xffff, v4  }
0x35b: {  	s12 =	sadd.s32 $0x200, s12;
	[tilespmem:s2+$0x0] =	vst.add.f32.msk $0xffff, v6  }
0x35c: {  	s28 =	sadd.s32 $0x1, s28  }
0x35d: {  	p0 =	sne.s32 s28, $0x8  }
.Ltmp13:
0x35e: {  	_ = 	snop;
	(pc) =	sbr.rel @p0 .LBB2_26-.Ltmp13, $4  }
0x35f: {  	_ = 	snop  }
0x360: {  	[tilespmem:s17+$0x0] =	vst.add.f32.msk $0xffff, v5  }
0x361: {  	[tilespmem:s6+$0x0] =	vst.add.f32.msk $0xffff, v3  }
0x362: {  	[tilespmem:s31+$0x0] =	vst.add.f32.msk $0xffff, v4  }
0x363: {  	s0 =	rddreg [dreg:$0x1d]  }
0x364: {  	s25 =	simm.s32 $0x0;
	s2 =	simm.s32 $0xF400;
	s21 =	sld [smem:$0x7F8]  }
0x365: {  	[hbm4b:s0+s25] =	stream.linear.scatter [tilespmem:s2], [sflag:$0x7], $0x1800, $0x38;
	[tilespmem:$0x1B400] =	vst v63  }
0x366: {  	s22 =	simm.s32 $0x10C00;
	s23 =	sld [smem:$0x7F9]  }
0x367: {  	[hbm4b:s21+s25] =	stream.linear.scatter [tilespmem:s22], [sflag:$0x7], $0x1800, $0x38;
	[tilespmem:$0x1B400] =	vst v63  }
0x368: {  	s24 =	simm.s32 $0x12400;
	s26 =	sld [smem:$0x7FA]  }
0x369: {  	[hbm4b:s23+s25] =	stream.linear.scatter [tilespmem:s24], [sflag:$0x7], $0x1800, $0x38;
	[tilespmem:$0x1B400] =	vst v63  }
0x36a: {  	s29 =	simm.s32 $0x13C00;
	s30 =	simm.s32 $0x4  }
0x36b: {  	[hbm4b:s26+s25] =	stream.linear.scatter [tilespmem:s29], [sflag:$0x7], $0x1800, $0x38;
	[tilespmem:$0x1B400] =	vst v63  }
0x36c: {  	_ =	swait.ge [sflag:s30], $0x6000  }
0x36d: {  	[sflag:s30] =	ssyncset.done $0x0  }
0x36e: {  	s31 =	simm.s32 $0xA;
	[sflag:s30] =	ssyncadd.s32 $0xFFFFA000  }
0x36f: {  	_ =	swait.ge [sflag:s31], $0x1800  }
0x370: {  	[sflag:s31] =	ssyncset.done $0x0  }
0x371: {  	s28 =	simm.s32 $0x0;
	[sflag:s31] =	ssyncadd.s32 $0xFFFFE800  }
.LBB2_30:
0x372: {  	s0 =	sshll.u32 s28, $0x7  }
0x373: {  	s2 =	sadd.s32 $0x1C00, s0  }
0x374: {  	[dreg:$0xb] =	wrdreg s2  }
0x375: {  	s4 =	sand.u32 $0x1C00, s25;
	s2 =	rddreg [dreg:$0xb]  }
0x376: {  	s6 =	sand.u32 $0x40, s25;
	s2 =	sadd.s32 s4, s2  }
0x377: {  	s9 =	sor.u32 $0x10, s6;
	s12 =	sadd.s32 s6, s2  }
0x378: {  	s5 =	sadd.s32 $0x15400, s0;
	s11 =	sor.u32 $0x20, s6;
	s13 =	sadd.s32 s9, s2;
	v3 =	vld [tilespmem:s12+$0x0]  }
0x379: {  	[dreg:$0xc] =	wrdreg s5;
	s14 =	sadd.s32 s11, s2;
	s12 =	sor.u32 $0x30, s6;
	v4 =	vld [tilespmem:s13+$0x0]  }
0x37a: {  	s10 =	rddreg [dreg:$0xc];
	v6 =	vld [tilespmem:s14+$0x0];
	s2 =	sadd.s32 s12, s2  }
0x37b: {  	s15 =	sadd.s32 s4, s10;
	v5 =	vld [tilespmem:s2+$0x0]  }
0x37c: {  	s16 =	sadd.s32 s6, s15  }
0x37d: {  	s10 =	sadd.s32 s9, s15;
	[tilespmem:s16+$0x0] =	vst.add.f32.msk $0xffff, v3  }
0x37e: {  	s30 =	sadd.s32 $0x16C00, s0;
	s17 =	sadd.s32 s11, s15;
	[tilespmem:s10+$0x0] =	vst.add.f32.msk $0xffff, v4  }
0x37f: {  	s18 =	sadd.s32 s4, s30;
	s5 =	sadd.s32 s12, s15;
	[tilespmem:s17+$0x0] =	vst.add.f32.msk $0xffff, v6  }
0x380: {  	s19 =	sadd.s32 s6, s18;
	[tilespmem:s5+$0x0] =	vst.add.f32.msk $0xffff, v5  }
0x381: {  	s20 =	sadd.s32 s9, s18;
	[tilespmem:s19+$0x0] =	vst.add.f32.msk $0xffff, v3  }
0x382: {  	s29 =	sadd.s32 $0x18400, s0;
	s21 =	sadd.s32 s11, s18;
	[tilespmem:s20+$0x0] =	vst.add.f32.msk $0xffff, v4  }
0x383: {  	s26 =	sadd.s32 $0x19C00, s0;
	s13 =	sadd.s32 s4, s29;
	s10 =	sadd.s32 s12, s18;
	[tilespmem:s21+$0x0] =	vst.add.f32.msk $0xffff, v6  }
0x384: {  	s4 =	sadd.s32 s4, s26;
	s22 =	sadd.s32 s6, s13;
	[tilespmem:s10+$0x0] =	vst.add.f32.msk $0xffff, v5  }
0x385: {  	s23 =	sadd.s32 s9, s13;
	s24 =	sadd.s32 s11, s13;
	s31 =	sadd.s32 s9, s4;
	[tilespmem:s22+$0x0] =	vst.add.f32.msk $0xffff, v3  }
0x386: {  	s17 =	sadd.s32 s12, s13;
	s12 =	sadd.s32 s12, s4;
	s5 =	simm.s32 $0x40;
	[tilespmem:s23+$0x0] =	vst.add.f32.msk $0xffff, v4  }
0x387: {  	s19 =	sadd.s32 s6, s4;
	s6 =	sadd.s32 s11, s4;
	s10 =	simm.s32 $0x0;
	[tilespmem:s24+$0x0] =	vst.add.f32.msk $0xffff, v6  }
.LBB2_31:
0x388: {  	[tilespmem:s17+$0x0] =	vst.add.f32.msk $0xffff, v5  }
0x389: {  	s10 =	sadd.s32 $0x200, s10;
	[tilespmem:s19+$0x0] =	vst.add.f32.msk $0xffff, v3  }
0x38a: {  	s0 =	rddreg [dreg:$0xb];
	s2 =	smov.u32 s5;
	s4 =	sand.u32 $0x1C00, s10;
	[tilespmem:s31+$0x0] =	vst.add.f32.msk $0xffff, v4  }
0x38b: {  	s2 =	sand.u32 $0x40, s2;
	s0 =	sadd.s32 s4, s0;
	[tilespmem:s6+$0x0] =	vst.add.f32.msk $0xffff, v6  }
0x38c: {  	s11 =	sor.u32 $0x10, s2;
	s21 =	sadd.s32 s2, s0;
	[tilespmem:s12+$0x0] =	vst.add.f32.msk $0xffff, v5  }
0x38d: {  	s13 =	sor.u32 $0x30, s2;
	s22 =	sadd.s32 s11, s0;
	s12 =	sor.u32 $0x20, s2;
	v3 =	vld [tilespmem:s21+$0x0]  }
0x38e: {  	s14 =	sadd.s32 s13, s0;
	v4 =	vld [tilespmem:s22+$0x0];
	s0 =	sadd.s32 s12, s0  }
0x38f: {  	s9 =	rddreg [dreg:$0xc];
	v6 =	vld [tilespmem:s0+$0x0]  }
0x390: {  	s23 =	sadd.s32 s4, s9;
	v5 =	vld [tilespmem:s14+$0x0]  }
0x391: {  	s17 =	sadd.s32 s2, s23  }
0x392: {  	s15 =	sadd.s32 s11, s23;
	[tilespmem:s17+$0x0] =	vst.add.f32.msk $0xffff, v3  }
0x393: {  	s16 =	sadd.s32 s12, s23;
	[tilespmem:s15+$0x0] =	vst.add.f32.msk $0xffff, v4  }
0x394: {  	s24 =	sadd.s32 s4, s30;
	s14 =	sadd.s32 s13, s23;
	[tilespmem:s16+$0x0] =	vst.add.f32.msk $0xffff, v6  }
0x395: {  	s18 =	sadd.s32 s2, s24;
	[tilespmem:s14+$0x0] =	vst.add.f32.msk $0xffff, v5  }
0x396: {  	s20 =	sadd.s32 s11, s24;
	[tilespmem:s18+$0x0] =	vst.add.f32.msk $0xffff, v3  }
0x397: {  	p0 =	sne.s32 s5, $0x2C0;
	s21 =	sadd.s32 s12, s24;
	[tilespmem:s20+$0x0] =	vst.add.f32.msk $0xffff, v4  }
.Ltmp14:
0x398: {  	s19 =	sadd.s32 s4, s29;
	s9 =	sadd.s32 s13, s24;
	[tilespmem:s21+$0x0] =	vst.add.f32.msk $0xffff, v6;
	(pc) =	sbr.rel @p0 .LBB2_31-.Ltmp14, $4  }
0x399: {  	s24 =	sadd.s32 s2, s19;
	[tilespmem:s9+$0x0] =	vst.add.f32.msk $0xffff, v5  }
0x39a: {  	s5 =	sadd.s32 $0x40, s5;
	s4 =	sadd.s32 s4, s26;
	s22 =	sadd.s32 s11, s19;
	[tilespmem:s24+$0x0] =	vst.add.f32.msk $0xffff, v3  }
0x39b: {  	s31 =	sadd.s32 s11, s4;
	s23 =	sadd.s32 s12, s19;
	s6 =	sadd.s32 s12, s4;
	[tilespmem:s22+$0x0] =	vst.add.f32.msk $0xffff, v4  }
0x39c: {  	s12 =	sadd.s32 s13, s4;
	s17 =	sadd.s32 s13, s19;
	s19 =	sadd.s32 s2, s4;
	[tilespmem:s23+$0x0] =	vst.add.f32.msk $0xffff, v6  }
0x39d: {  	s28 =	sadd.s32 $0x1, s28  }
0x39e: {  	p0 =	sne.s32 s28, $0x8  }
.Ltmp15:
0x39f: {  	[tilespmem:s17+$0x0] =	vst.add.f32.msk $0xffff, v5;
	(pc) =	sbr.rel @p0 .LBB2_30-.Ltmp15, $4  }
0x3a0: {  	[tilespmem:s19+$0x0] =	vst.add.f32.msk $0xffff, v3  }
0x3a1: {  	[tilespmem:s31+$0x0] =	vst.add.f32.msk $0xffff, v4  }
0x3a2: {  	[tilespmem:s6+$0x0] =	vst.add.f32.msk $0xffff, v6  }
0x3a3: {  	[tilespmem:s12+$0x0] =	vst.add.f32.msk $0xffff, v5  }
0x3a4: {  	s0 =	rddreg [dreg:$0x1e]  }
0x3a5: {  	s2 =	simm.s32 $0x15400;
	s20 =	sld [smem:$0x7FB]  }
0x3a6: {  	[hbm4b:s0+s3] =	stream.linear.scatter [tilespmem:s2], [sflag:$0x8], $0x1800, $0x38;
	[tilespmem:$0x1B400] =	vst v63  }
0x3a7: {  	s21 =	simm.s32 $0x16C00;
	s22 =	sld [smem:$0x7FC]  }
0x3a8: {  	[hbm4b:s20+s3] =	stream.linear.scatter [tilespmem:s21], [sflag:$0x8], $0x1800, $0x38;
	[tilespmem:$0x1B400] =	vst v63  }
0x3a9: {  	s23 =	simm.s32 $0x18400;
	s24 =	sld [smem:$0x7FD]  }
0x3aa: {  	[hbm4b:s22+s3] =	stream.linear.scatter [tilespmem:s23], [sflag:$0x8], $0x1800, $0x38;
	[tilespmem:$0x1B400] =	vst v63  }
0x3ab: {  	s25 =	simm.s32 $0x19C00;
	s26 =	simm.s32 $0x5  }
0x3ac: {  	[hbm4b:s24+s3] =	stream.linear.scatter [tilespmem:s25], [sflag:$0x8], $0x1800, $0x38;
	[tilespmem:$0x1B400] =	vst v63  }
0x3ad: {  	_ =	swait.ge [sflag:s26], $0x1800  }
0x3ae: {  	[sflag:s26] =	ssyncset.done $0x0  }
0x3af: {  	[sflag:s26] =	ssyncadd.s32 $0xFFFFE800  }
0x3b0: {  	_ =	swait.ge [sflag:s26], $0x1800  }
0x3b1: {  	[sflag:s26] =	ssyncset.done $0x0  }
0x3b2: {  	[sflag:s26] =	ssyncadd.s32 $0xFFFFE800  }
0x3b3: {  	_ =	swait.ge [sflag:s26], $0x1800  }
0x3b4: {  	[sflag:s26] =	ssyncset.done $0x0  }
0x3b5: {  	[sflag:s26] =	ssyncadd.s32 $0xFFFFE800  }
0x3b6: {  	_ =	swait.ge [sflag:s26], $0x1800  }
0x3b7: {  	[sflag:s26] =	ssyncset.done $0x0  }
0x3b8: {  	s28 =	simm.s32 $0x6;
	[sflag:s26] =	ssyncadd.s32 $0xFFFFE800  }
0x3b9: {  	_ =	swait.ge [sflag:s28], $0x1800  }
0x3ba: {  	[sflag:s28] =	ssyncset.done $0x0  }
0x3bb: {  	[sflag:s28] =	ssyncadd.s32 $0xFFFFE800  }
0x3bc: {  	_ =	swait.ge [sflag:s28], $0x1800  }
0x3bd: {  	[sflag:s28] =	ssyncset.done $0x0  }
0x3be: {  	[sflag:s28] =	ssyncadd.s32 $0xFFFFE800  }
0x3bf: {  	_ =	swait.ge [sflag:s28], $0x1800  }
0x3c0: {  	[sflag:s28] =	ssyncset.done $0x0  }
0x3c1: {  	[sflag:s28] =	ssyncadd.s32 $0xFFFFE800  }
0x3c2: {  	_ =	swait.ge [sflag:s28], $0x1800  }
0x3c3: {  	[sflag:s28] =	ssyncset.done $0x0  }
0x3c4: {  	s29 =	simm.s32 $0x7;
	[sflag:s28] =	ssyncadd.s32 $0xFFFFE800  }
0x3c5: {  	_ =	swait.ge [sflag:s29], $0x1800  }
0x3c6: {  	[sflag:s29] =	ssyncset.done $0x0  }
0x3c7: {  	[sflag:s29] =	ssyncadd.s32 $0xFFFFE800  }
0x3c8: {  	_ =	swait.ge [sflag:s29], $0x1800  }
0x3c9: {  	[sflag:s29] =	ssyncset.done $0x0  }
0x3ca: {  	[sflag:s29] =	ssyncadd.s32 $0xFFFFE800  }
0x3cb: {  	_ =	swait.ge [sflag:s29], $0x1800  }
0x3cc: {  	[sflag:s29] =	ssyncset.done $0x0  }
0x3cd: {  	[sflag:s29] =	ssyncadd.s32 $0xFFFFE800  }
0x3ce: {  	_ =	swait.ge [sflag:s29], $0x1800  }
0x3cf: {  	[sflag:s29] =	ssyncset.done $0x0  }
0x3d0: {  	s30 =	simm.s32 $0x8;
	[sflag:s29] =	ssyncadd.s32 $0xFFFFE800  }
0x3d1: {  	_ =	swait.ge [sflag:s30], $0x1800  }
0x3d2: {  	[sflag:s30] =	ssyncset.done $0x0  }
0x3d3: {  	[sflag:s30] =	ssyncadd.s32 $0xFFFFE800  }
0x3d4: {  	_ =	swait.ge [sflag:s30], $0x1800  }
0x3d5: {  	[sflag:s30] =	ssyncset.done $0x0  }
0x3d6: {  	[sflag:s30] =	ssyncadd.s32 $0xFFFFE800  }
0x3d7: {  	_ =	swait.ge [sflag:s30], $0x1800  }
0x3d8: {  	[sflag:s30] =	ssyncset.done $0x0  }
0x3d9: {  	[sflag:s30] =	ssyncadd.s32 $0xFFFFE800  }
0x3da: {  	_ =	swait.ge [sflag:s30], $0x1800  }
0x3db: {  	s4 =	sld [smem:$0x7E6]  }
0x3dc: {  	s31 =	sld [smem:$0x7E7];
	_ =	sdelay $0x1  }
0x3dd: {  	s4 =	sadd.s32 $0x1, s4  }
0x3de: {  	p0 =	sne.s32 s4, s31  }
.Ltmp16:
0x3df: {  	_ = 	snop;
	(pc) =	sbr.rel @p0 .LBB2_1-.Ltmp16, $3  }
0x3e0: {  	_ =	sdelay $0x1  }
0x3e1: {  	[sflag:s30] =	ssyncset.done $0x0  }
0x3e2: {  	s9 =	simm.s32 $0x3400;
	s23 =	simm.s32 $0x3C00;
	[sflag:s30] =	ssyncadd.s32 $0xFFFFE800  }
0x3e3: {  	_ =	sfence.sel $0x180000  }
0x3e4: {  	[bflag:$0x0] =	sbarrier.arrive $0xFFFF  }
0x3e5: {  	_ =	strace $0x90000047  }
0x3e6: {  	s0 =	stileid.u32;
	[bflag:$0x2] =	sbarrier.arrive $0xFFFF  }
0x3e7: {  	p0 =	sne.s32 s0, $0x0;
	s0 =	rddreg [dreg:$0x4]  }
0x3e8: {  	s0 =	sadd.s32 @!p0 $0x100000, s0  }
0x3e9: {  	[sflag:s0] =	ssyncadd.tile.s32 @!p0 $0x1;
	_ =	shalt  }
.Lfunc_end2:
_tile_overlayer_lowered:
.L_overlay_start_2:
0x3ea: {  	(tag) =	ssettag $0x2  }
0x3eb: {  	s0 =	rddreg [dreg:$0x0];
	s2 =	stileid.u32  }
0x3ec: {  	s1 =	rddreg [dreg:$0x1];
	p0 =	sne.s32 s2, $0x0  }
0x3ed: {  	s3 =	rddreg [dreg:$0x2];
	[bflag:$0x3] =	sbarrier.arrive $0xFFFF;
	s2 =	simm.s32 @!p0 $0x1C0B  }
0x3ee: {  	[timem:s3], [sflag:s2] =	dma.local @!p0 [hbm:s0], s1  }
0x3ef: {  	s0 =	simm.s32 @!p0 $0xB  }
0x3f0: {  	_ =	swait.ge @!p0 [sflag:s0], s1  }
0x3f1: {  	s1 =	ssub.s32 @!p0 $0x0, s1;
	[sflag:s0] =	ssyncset.done @!p0 $0x0  }
0x3f2: {  	[sflag:s0] =	ssyncadd.s32 @!p0 s1  }
0x3f3: {  	[bflag:$0x3] =	sbarrier.arrive $0xFFFF  }
0x3f4: {  	_ =	shalt  }

</sc_bundles>
